<compile_context>
chip_gen: v7x
topology: tpu7x:2x2x1
jax: 0.10.2.dev20260603
libtpu: 0.0.44.dev20260713+nightly
codegen_flags: <defaults>
</compile_context>

<pallas_src>
import jax
import jax.numpy as jnp
from jax import lax
from jax.experimental import pallas as pl
from jax.experimental.pallas import tpu as pltpu
from jax.experimental.pallas import tpu_sc as plsc

_NUM_FIELDS = 26
_VOCAB = 100000
_EMBED_DIM = 16
_BATCH = 16384

_NC = 2
_NS = 16
_NW = _NC * _NS

_LANES = 16

_VBLK = 128
_NBLK = (_VOCAB + _VBLK - 1) // _VBLK
_NBLK_PAD = 800
_VSTRIDE = _NBLK_PAD * _VBLK
_KMAX = _NBLK_PAD // _NW
_TASKS = _NUM_FIELDS * _KMAX
_NBUF = 8
_NGRP = (_TASKS + _NBUF - 1) // _NBUF
_OBUF = _VBLK * _EMBED_DIM

_ROWS_PER_WORKER = _BATCH // _NW
_CHUNK_ROWS = 64
_CHUNK = _CHUNK_ROWS * _NUM_FIELDS
_NCHUNKS = _ROWS_PER_WORKER // _CHUNK_ROWS


def _detile_body(tt_hbm, flat_hbm, t0, t1, t2, t3, t4, t5, t6, t7,
                 o0, o1, o2, o3, o4, o5, o6, o7, lanes_v,
                 si0, si1, si2, si3, si4, si5, si6, si7,
                 so0, so1, so2, so3, so4, so5, so6, so7):
    wid = lax.axis_index("s") * _NC + lax.axis_index("c")
    lanes_v[...] = lax.iota(jnp.int32, _LANES)
    tiles = (t0, t1, t2, t3, t4, t5, t6, t7)
    obufs = (o0, o1, o2, o3, o4, o5, o6, o7)
    sins = (si0, si1, si2, si3, si4, si5, si6, si7)
    souts = (so0, so1, so2, so3, so4, so5, so6, so7)

    def slot(n):
        i = n // _KMAX
        blk = (n % _KMAX) * _NW + wid
        return i, blk

    def issue_in(i, blk, b):
        rblk = jnp.minimum(blk, _NBLK - 1)
        pltpu.async_copy(
            tt_hbm.at[i, :, pl.ds(rblk * _VBLK, _VBLK)], tiles[b], sins[b]
        )

    def wait_in(i, b):
        pltpu.make_async_copy(
            tt_hbm.at[i, :, pl.ds(0, _VBLK)], tiles[b], sins[b]
        ).wait()

    def issue_out(i, blk, b):
        base = (i * _VSTRIDE + blk * _VBLK) * _EMBED_DIM
        pltpu.async_copy(obufs[b], flat_hbm.at[pl.ds(base, _OBUF)], souts[b])

    def wait_out(b):
        pltpu.make_async_copy(
            obufs[b], flat_hbm.at[pl.ds(0, _OBUF)], souts[b]
        ).wait()

    for b in range(_NBUF):
        i0, blk0 = slot(b)
        issue_in(i0, blk0, b)

    def group(n4, _):
        for b in range(_NBUF):
            n = n4 * _NBUF + b
            i, blk = slot(n)

            @pl.when(n < _TASKS)
            def _():
                wait_in(i, b)

                @pl.when(n >= _NBUF)
                def _():
                    wait_out(b)

                tile_b = tiles[b]
                obuf_b = obufs[b]
                lanes = lanes_v[...]

                def rows(g, _):
                    gbase = jnp.broadcast_to(g * _LANES, (_LANES,))
                    cols = []
                    vecs = []
                    for j in range(_LANES):
                        rot = (lanes + j) & (_LANES - 1)
                        col = gbase + rot
                        cols.append(col)
                        vecs.append(plsc.load_gather(tile_b, [lanes, col]))
                    for j in range(_LANES):
                        addr = (cols[j] << 4) | lanes
                        plsc.store_scatter(obuf_b, [addr], vecs[j])
                    return 0

                lax.fori_loop(0, _VBLK // _LANES, rows, 0)
                issue_out(i, blk, b)

                @pl.when(n + _NBUF < _TASKS)
                def _():
                    ni, nblk = slot(n + _NBUF)
                    issue_in(ni, nblk, b)

        return 0

    lax.fori_loop(0, _NGRP, group, 0)
    for b in range(_NBUF):
        wait_out(b)


def _gather_body(x_hbm, off_hbm, tbl_hbm, out_hbm, raw0, raw1, idx0, idx1,
                 rows0, rows1, off_v, sr0, sr1, sg0, sg1, so0, so1):
    wid = lax.axis_index("s") * _NC + lax.axis_index("c")
    pltpu.sync_copy(off_hbm, off_v)
    raws = (raw0, raw1)
    idxs = (idx0, idx1)
    rowss = (rows0, rows1)
    srs = (sr0, sr1)
    sgs = (sg0, sg1)
    sos = (so0, so1)

    def base_of(n):
        return (wid * _NCHUNKS + n) * _CHUNK

    def issue_raw(n, b):
        pltpu.async_copy(x_hbm.at[pl.ds(base_of(n), _CHUNK)], raws[b], srs[b])

    def wait_raw(b):
        pltpu.make_async_copy(
            x_hbm.at[pl.ds(0, _CHUNK)], raws[b], srs[b]
        ).wait()

    def wait_gather(b):
        pltpu.make_async_copy(
            tbl_hbm.at[pl.ds(0, _CHUNK)], rowss[b], sgs[b]
        ).wait()

    def issue_out(n, b):
        pltpu.async_copy(rowss[b], out_hbm.at[pl.ds(base_of(n), _CHUNK)],
                         sos[b])

    def wait_out(b):
        pltpu.make_async_copy(
            rowss[b], out_hbm.at[pl.ds(0, _CHUNK)], sos[b]
        ).wait()

    issue_raw(0, 0)
    issue_raw(1, 1)
    for n in range(_NCHUNKS):
        b = n % 2
        wait_raw(b)
        if n >= 2:
            wait_out(b)

        def add(j, _, b=b):
            s = pl.ds(j * _LANES, _LANES)
            idxs[b][s] = raws[b][s] + off_v[s]
            return 0

        lax.fori_loop(0, _CHUNK // _LANES, add, 0)
        pltpu.async_copy(tbl_hbm.at[idxs[b]], rowss[b], sgs[b])
        if n >= 1:
            wait_gather(1 - b)
            issue_out(n - 1, 1 - b)
        if n + 2 < _NCHUNKS:
            issue_raw(n + 2, b)
    last = _NCHUNKS - 1
    wait_gather(last % 2)
    issue_out(last, last % 2)
    wait_out(0)
    wait_out(1)


@jax.jit
def kernel(x, tables):
    mesh = plsc.VectorSubcoreMesh(core_axis_name="c", subcore_axis_name="s")

    tt = jnp.transpose(tables, (0, 2, 1))
    detile = pl.kernel(
        _detile_body,
        out_type=jax.ShapeDtypeStruct(
            (_NUM_FIELDS * _VSTRIDE * _EMBED_DIM,), jnp.float32
        ),
        mesh=mesh,
        scratch_types=(
            [pltpu.VMEM((_EMBED_DIM, _VBLK), jnp.float32)] * _NBUF
            + [pltpu.VMEM((_OBUF,), jnp.float32)] * _NBUF
            + [pltpu.VMEM((_LANES,), jnp.int32)]
            + [pltpu.SemaphoreType.DMA] * (2 * _NBUF)
        ),
        compiler_params=pltpu.CompilerParams(
            use_tc_tiling_on_sc=True,
            needs_layout_passes=False,
            disable_bounds_checks=True,
        ),
    )
    flat = detile(tt)

    x_flat = x.astype(jnp.int32).reshape(-1)
    tbl_flat = flat.reshape(_NUM_FIELDS * _VSTRIDE, _EMBED_DIM)
    offsets = jnp.tile(
        jnp.arange(_NUM_FIELDS, dtype=jnp.int32) * _VSTRIDE, _CHUNK_ROWS
    )

    gather = pl.kernel(
        _gather_body,
        out_type=jax.ShapeDtypeStruct(
            (_BATCH * _NUM_FIELDS, _EMBED_DIM), jnp.float32
        ),
        mesh=mesh,
        scratch_types=(
            [pltpu.VMEM((_CHUNK,), jnp.int32)] * 4
            + [pltpu.VMEM((_CHUNK, _EMBED_DIM), jnp.float32)] * 2
            + [pltpu.VMEM((_CHUNK,), jnp.int32)]
            + [pltpu.SemaphoreType.DMA] * 6
        ),
        compiler_params=pltpu.CompilerParams(use_tc_tiling_on_sc=False),
    )
    out = gather(x_flat, offsets, tbl_flat)
    return out.reshape(_BATCH, _NUM_FIELDS * _EMBED_DIM)

# --- scband reference (transcript-rebuilt; emitter-appended) ---
"""Pipeline reference for scband-entity-embedder-89979564851262 (READ-ONLY COPY).

The authoritative reference and input builder live on the scoring server;
editing this copy changes nothing except your own understanding.
"""

import jax, jax.numpy as jnp
import numpy as np

NUM_FIELDS = 26
VOCAB = 100000
EMBED_DIM = 16
BATCH = 16384

def setup_inputs(seed: int = 0) -> dict:
    key = jax.random.key(seed)
    k_idx, k_tab = jax.random.split(key)
    x = jax.random.randint(k_idx, (BATCH, NUM_FIELDS), 0, VOCAB, dtype=jnp.int64 if jax.config.jax_enable_x64 else jnp.int32)
    # One embedding table per categorical field, stacked since all share (card, dim)
    tables = jax.random.normal(k_tab, (NUM_FIELDS, VOCAB, EMBED_DIM), dtype=jnp.float32)
    return {"x": x, "tables": tables}

def reference(x, tables):
    # Faithful translation: per-field embedding lookup then concat along feature dim
    outs = []
    for i in range(NUM_FIELDS):
        idx = x[:, i].astype(jnp.int32)
        outs.append(jnp.take(tables[i], idx, axis=0))
    return jnp.concatenate(outs, axis=1)

if __name__ == "__main__":
    import jax
    _d = setup_inputs()
    print(jax.jit(kernel)(*tuple(_d.values())))

</pallas_src>

<mosaic_0001>
#map = affine_map<(d0, d1) -> (0, 0, 0)>
#map1 = affine_map<(d0, d1) -> (0)>
module attributes {stable_mosaic.version = 14 : i64} {
  func.func @_detile_body(%arg0: i32, %arg1: i32, %arg2: memref<26x16x100000xf32, #tpu.memory_space<hbm>>, %arg3: memref<42598400xf32, #tpu.memory_space<hbm>>, %arg4: memref<16x128xf32, #tpu.memory_space<vmem>>, %arg5: memref<16x128xf32, #tpu.memory_space<vmem>>, %arg6: memref<16x128xf32, #tpu.memory_space<vmem>>, %arg7: memref<16x128xf32, #tpu.memory_space<vmem>>, %arg8: memref<16x128xf32, #tpu.memory_space<vmem>>, %arg9: memref<16x128xf32, #tpu.memory_space<vmem>>, %arg10: memref<16x128xf32, #tpu.memory_space<vmem>>, %arg11: memref<16x128xf32, #tpu.memory_space<vmem>>, %arg12: memref<2048xf32, #tpu.memory_space<vmem>>, %arg13: memref<2048xf32, #tpu.memory_space<vmem>>, %arg14: memref<2048xf32, #tpu.memory_space<vmem>>, %arg15: memref<2048xf32, #tpu.memory_space<vmem>>, %arg16: memref<2048xf32, #tpu.memory_space<vmem>>, %arg17: memref<2048xf32, #tpu.memory_space<vmem>>, %arg18: memref<2048xf32, #tpu.memory_space<vmem>>, %arg19: memref<2048xf32, #tpu.memory_space<vmem>>, %arg20: memref<16xi32, #tpu.memory_space<vmem>>, %arg21: memref<!tpu.dma_semaphore, #tpu.memory_space<semaphore_mem>>, %arg22: memref<!tpu.dma_semaphore, #tpu.memory_space<semaphore_mem>>, %arg23: memref<!tpu.dma_semaphore, #tpu.memory_space<semaphore_mem>>, %arg24: memref<!tpu.dma_semaphore, #tpu.memory_space<semaphore_mem>>, %arg25: memref<!tpu.dma_semaphore, #tpu.memory_space<semaphore_mem>>, %arg26: memref<!tpu.dma_semaphore, #tpu.memory_space<semaphore_mem>>, %arg27: memref<!tpu.dma_semaphore, #tpu.memory_space<semaphore_mem>>, %arg28: memref<!tpu.dma_semaphore, #tpu.memory_space<semaphore_mem>>, %arg29: memref<!tpu.dma_semaphore, #tpu.memory_space<semaphore_mem>>, %arg30: memref<!tpu.dma_semaphore, #tpu.memory_space<semaphore_mem>>, %arg31: memref<!tpu.dma_semaphore, #tpu.memory_space<semaphore_mem>>, %arg32: memref<!tpu.dma_semaphore, #tpu.memory_space<semaphore_mem>>, %arg33: memref<!tpu.dma_semaphore, #tpu.memory_space<semaphore_mem>>, %arg34: memref<!tpu.dma_semaphore, #tpu.memory_space<semaphore_mem>>, %arg35: memref<!tpu.dma_semaphore, #tpu.memory_space<semaphore_mem>>, %arg36: memref<!tpu.dma_semaphore, #tpu.memory_space<semaphore_mem>>) attributes {dimension_semantics = [#tpu.dimension_semantics<core_parallel>, #tpu.dimension_semantics<subcore_parallel>], iteration_bounds = array<i64: 2, 16>, scalar_prefetch = 0 : i64, scratch_operands = 33 : i64, tpu.core_type = #tpu.core_type<sc_vector_subcore>, window_params = [{transform_indices = #map}, {transform_indices = #map1}]} {
    %mul3A = arith.constant 2 : i32
    %mul3A_0 = arith.muli %arg1, %mul3A : i32
    %add3A = arith.addi %mul3A_0, %arg0 : i32
    %iota3A = tpu.iota {dimensions = array<i32: 0>} : vector<16xi32>
    %swap3A = arith.constant 0 : index
    %swap3A_1 = tpu.vector_load %arg20[%swap3A] {strides = array<i32>} : memref<16xi32, #tpu.memory_space<vmem>>, vector<16xi32>,
    tpu.vector_store %arg20[%swap3A], %iota3A {strides = array<i32>} : memref<16xi32, #tpu.memory_space<vmem>>, vector<16xi32>,
    %add3A_2 = arith.constant 0 : i32
    %add3A_3 = arith.addi %add3A_2, %add3A : i32
    %min3A = arith.constant 781 : i32
    %min3A_4 = arith.minsi %add3A_3, %min3A : i32
    %mul3A_5 = arith.constant 128 : i32
    %mul3A_6 = arith.muli %min3A_4, %mul3A_5 : i32
    %dma_start3A = arith.constant 0 : i32
    %dma_start3A_7 = arith.constant 0 : i32
    %dma_start3A_8 = tpu.memref_slice %arg2[%dma_start3A, %dma_start3A_7, %mul3A_6] : memref<26x16x100000xf32, #tpu.memory_space<hbm>> -> memref<1x16x128xf32, #tpu.memory_space<hbm>>
    %dma_start3A_9 = tpu.memref_squeeze %dma_start3A_8 : memref<1x16x128xf32, #tpu.memory_space<hbm>> -> memref<16x128xf32, #tpu.memory_space<hbm>>
    %dma_start3A_10 = arith.constant 0 : i32
    %dma_start3A_11 = tpu.memref_slice %arg2[%dma_start3A, %dma_start3A_10, %mul3A_6] : memref<26x16x100000xf32, #tpu.memory_space<hbm>> -> memref<1x16x128xf32, #tpu.memory_space<hbm>>
    %dma_start3A_12 = tpu.memref_squeeze %dma_start3A_11 : memref<1x16x128xf32, #tpu.memory_space<hbm>> -> memref<16x128xf32, #tpu.memory_space<hbm>>
    tpu.enqueue_dma source(%dma_start3A_12 : memref<16x128xf32, #tpu.memory_space<hbm>>) target(%arg4 : memref<16x128xf32, #tpu.memory_space<vmem>>) target_semaphore(%arg21 : memref<!tpu.dma_semaphore, #tpu.memory_space<semaphore_mem>>)
    %add3A_13 = arith.constant 32 : i32
    %add3A_14 = arith.addi %add3A_13, %add3A : i32
    %min3A_15 = arith.constant 781 : i32
    %min3A_16 = arith.minsi %add3A_14, %min3A_15 : i32
    %mul3A_17 = arith.constant 128 : i32
    %mul3A_18 = arith.muli %min3A_16, %mul3A_17 : i32
    %dma_start3A_19 = arith.constant 0 : i32
    %dma_start3A_20 = arith.constant 0 : i32
    %dma_start3A_21 = tpu.memref_slice %arg2[%dma_start3A_19, %dma_start3A_20, %mul3A_18] : memref<26x16x100000xf32, #tpu.memory_space<hbm>> -> memref<1x16x128xf32, #tpu.memory_space<hbm>>
    %dma_start3A_22 = tpu.memref_squeeze %dma_start3A_21 : memref<1x16x128xf32, #tpu.memory_space<hbm>> -> memref<16x128xf32, #tpu.memory_space<hbm>>
    %dma_start3A_23 = arith.constant 0 : i32
    %dma_start3A_24 = tpu.memref_slice %arg2[%dma_start3A_19, %dma_start3A_23, %mul3A_18] : memref<26x16x100000xf32, #tpu.memory_space<hbm>> -> memref<1x16x128xf32, #tpu.memory_space<hbm>>
    %dma_start3A_25 = tpu.memref_squeeze %dma_start3A_24 : memref<1x16x128xf32, #tpu.memory_space<hbm>> -> memref<16x128xf32, #tpu.memory_space<hbm>>
    tpu.enqueue_dma source(%dma_start3A_25 : memref<16x128xf32, #tpu.memory_space<hbm>>) target(%arg5 : memref<16x128xf32, #tpu.memory_space<vmem>>) target_semaphore(%arg22 : memref<!tpu.dma_semaphore, #tpu.memory_space<semaphore_mem>>)
    %add3A_26 = arith.constant 64 : i32
    %add3A_27 = arith.addi %add3A_26, %add3A : i32
    %min3A_28 = arith.constant 781 : i32
    %min3A_29 = arith.minsi %add3A_27, %min3A_28 : i32
    %mul3A_30 = arith.constant 128 : i32
    %mul3A_31 = arith.muli %min3A_29, %mul3A_30 : i32
    %dma_start3A_32 = arith.constant 0 : i32
    %dma_start3A_33 = arith.constant 0 : i32
    %dma_start3A_34 = tpu.memref_slice %arg2[%dma_start3A_32, %dma_start3A_33, %mul3A_31] : memref<26x16x100000xf32, #tpu.memory_space<hbm>> -> memref<1x16x128xf32, #tpu.memory_space<hbm>>
    %dma_start3A_35 = tpu.memref_squeeze %dma_start3A_34 : memref<1x16x128xf32, #tpu.memory_space<hbm>> -> memref<16x128xf32, #tpu.memory_space<hbm>>
    %dma_start3A_36 = arith.constant 0 : i32
    %dma_start3A_37 = tpu.memref_slice %arg2[%dma_start3A_32, %dma_start3A_36, %mul3A_31] : memref<26x16x100000xf32, #tpu.memory_space<hbm>> -> memref<1x16x128xf32, #tpu.memory_space<hbm>>
    %dma_start3A_38 = tpu.memref_squeeze %dma_start3A_37 : memref<1x16x128xf32, #tpu.memory_space<hbm>> -> memref<16x128xf32, #tpu.memory_space<hbm>>
    tpu.enqueue_dma source(%dma_start3A_38 : memref<16x128xf32, #tpu.memory_space<hbm>>) target(%arg6 : memref<16x128xf32, #tpu.memory_space<vmem>>) target_semaphore(%arg23 : memref<!tpu.dma_semaphore, #tpu.memory_space<semaphore_mem>>)
    %add3A_39 = arith.constant 96 : i32
    %add3A_40 = arith.addi %add3A_39, %add3A : i32
    %min3A_41 = arith.constant 781 : i32
    %min3A_42 = arith.minsi %add3A_40, %min3A_41 : i32
    %mul3A_43 = arith.constant 128 : i32
    %mul3A_44 = arith.muli %min3A_42, %mul3A_43 : i32
    %dma_start3A_45 = arith.constant 0 : i32
    %dma_start3A_46 = arith.constant 0 : i32
    %dma_start3A_47 = tpu.memref_slice %arg2[%dma_start3A_45, %dma_start3A_46, %mul3A_44] : memref<26x16x100000xf32, #tpu.memory_space<hbm>> -> memref<1x16x128xf32, #tpu.memory_space<hbm>>
    %dma_start3A_48 = tpu.memref_squeeze %dma_start3A_47 : memref<1x16x128xf32, #tpu.memory_space<hbm>> -> memref<16x128xf32, #tpu.memory_space<hbm>>
    %dma_start3A_49 = arith.constant 0 : i32
    %dma_start3A_50 = tpu.memref_slice %arg2[%dma_start3A_45, %dma_start3A_49, %mul3A_44] : memref<26x16x100000xf32, #tpu.memory_space<hbm>> -> memref<1x16x128xf32, #tpu.memory_space<hbm>>
    %dma_start3A_51 = tpu.memref_squeeze %dma_start3A_50 : memref<1x16x128xf32, #tpu.memory_space<hbm>> -> memref<16x128xf32, #tpu.memory_space<hbm>>
    tpu.enqueue_dma source(%dma_start3A_51 : memref<16x128xf32, #tpu.memory_space<hbm>>) target(%arg7 : memref<16x128xf32, #tpu.memory_space<vmem>>) target_semaphore(%arg24 : memref<!tpu.dma_semaphore, #tpu.memory_space<semaphore_mem>>)
    %add3A_52 = arith.constant 128 : i32
    %add3A_53 = arith.addi %add3A_52, %add3A : i32
    %min3A_54 = arith.constant 781 : i32
    %min3A_55 = arith.minsi %add3A_53, %min3A_54 : i32
    %mul3A_56 = arith.constant 128 : i32
    %mul3A_57 = arith.muli %min3A_55, %mul3A_56 : i32
    %dma_start3A_58 = arith.constant 0 : i32
    %dma_start3A_59 = arith.constant 0 : i32
    %dma_start3A_60 = tpu.memref_slice %arg2[%dma_start3A_58, %dma_start3A_59, %mul3A_57] : memref<26x16x100000xf32, #tpu.memory_space<hbm>> -> memref<1x16x128xf32, #tpu.memory_space<hbm>>
    %dma_start3A_61 = tpu.memref_squeeze %dma_start3A_60 : memref<1x16x128xf32, #tpu.memory_space<hbm>> -> memref<16x128xf32, #tpu.memory_space<hbm>>
    %dma_start3A_62 = arith.constant 0 : i32
    %dma_start3A_63 = tpu.memref_slice %arg2[%dma_start3A_58, %dma_start3A_62, %mul3A_57] : memref<26x16x100000xf32, #tpu.memory_space<hbm>> -> memref<1x16x128xf32, #tpu.memory_space<hbm>>
    %dma_start3A_64 = tpu.memref_squeeze %dma_start3A_63 : memref<1x16x128xf32, #tpu.memory_space<hbm>> -> memref<16x128xf32, #tpu.memory_space<hbm>>
    tpu.enqueue_dma source(%dma_start3A_64 : memref<16x128xf32, #tpu.memory_space<hbm>>) target(%arg8 : memref<16x128xf32, #tpu.memory_space<vmem>>) target_semaphore(%arg25 : memref<!tpu.dma_semaphore, #tpu.memory_space<semaphore_mem>>)
    %add3A_65 = arith.constant 160 : i32
    %add3A_66 = arith.addi %add3A_65, %add3A : i32
    %min3A_67 = arith.constant 781 : i32
    %min3A_68 = arith.minsi %add3A_66, %min3A_67 : i32
    %mul3A_69 = arith.constant 128 : i32
    %mul3A_70 = arith.muli %min3A_68, %mul3A_69 : i32
    %dma_start3A_71 = arith.constant 0 : i32
    %dma_start3A_72 = arith.constant 0 : i32
    %dma_start3A_73 = tpu.memref_slice %arg2[%dma_start3A_71, %dma_start3A_72, %mul3A_70] : memref<26x16x100000xf32, #tpu.memory_space<hbm>> -> memref<1x16x128xf32, #tpu.memory_space<hbm>>
    %dma_start3A_74 = tpu.memref_squeeze %dma_start3A_73 : memref<1x16x128xf32, #tpu.memory_space<hbm>> -> memref<16x128xf32, #tpu.memory_space<hbm>>
    %dma_start3A_75 = arith.constant 0 : i32
    %dma_start3A_76 = tpu.memref_slice %arg2[%dma_start3A_71, %dma_start3A_75, %mul3A_70] : memref<26x16x100000xf32, #tpu.memory_space<hbm>> -> memref<1x16x128xf32, #tpu.memory_space<hbm>>
    %dma_start3A_77 = tpu.memref_squeeze %dma_start3A_76 : memref<1x16x128xf32, #tpu.memory_space<hbm>> -> memref<16x128xf32, #tpu.memory_space<hbm>>
    tpu.enqueue_dma source(%dma_start3A_77 : memref<16x128xf32, #tpu.memory_space<hbm>>) target(%arg9 : memref<16x128xf32, #tpu.memory_space<vmem>>) target_semaphore(%arg26 : memref<!tpu.dma_semaphore, #tpu.memory_space<semaphore_mem>>)
    %add3A_78 = arith.constant 192 : i32
    %add3A_79 = arith.addi %add3A_78, %add3A : i32
    %min3A_80 = arith.constant 781 : i32
    %min3A_81 = arith.minsi %add3A_79, %min3A_80 : i32
    %mul3A_82 = arith.constant 128 : i32
    %mul3A_83 = arith.muli %min3A_81, %mul3A_82 : i32
    %dma_start3A_84 = arith.constant 0 : i32
    %dma_start3A_85 = arith.constant 0 : i32
    %dma_start3A_86 = tpu.memref_slice %arg2[%dma_start3A_84, %dma_start3A_85, %mul3A_83] : memref<26x16x100000xf32, #tpu.memory_space<hbm>> -> memref<1x16x128xf32, #tpu.memory_space<hbm>>
    %dma_start3A_87 = tpu.memref_squeeze %dma_start3A_86 : memref<1x16x128xf32, #tpu.memory_space<hbm>> -> memref<16x128xf32, #tpu.memory_space<hbm>>
    %dma_start3A_88 = arith.constant 0 : i32
    %dma_start3A_89 = tpu.memref_slice %arg2[%dma_start3A_84, %dma_start3A_88, %mul3A_83] : memref<26x16x100000xf32, #tpu.memory_space<hbm>> -> memref<1x16x128xf32, #tpu.memory_space<hbm>>
    %dma_start3A_90 = tpu.memref_squeeze %dma_start3A_89 : memref<1x16x128xf32, #tpu.memory_space<hbm>> -> memref<16x128xf32, #tpu.memory_space<hbm>>
    tpu.enqueue_dma source(%dma_start3A_90 : memref<16x128xf32, #tpu.memory_space<hbm>>) target(%arg10 : memref<16x128xf32, #tpu.memory_space<vmem>>) target_semaphore(%arg27 : memref<!tpu.dma_semaphore, #tpu.memory_space<semaphore_mem>>)
    %add3A_91 = arith.constant 224 : i32
    %add3A_92 = arith.addi %add3A_91, %add3A : i32
    %min3A_93 = arith.constant 781 : i32
    %min3A_94 = arith.minsi %add3A_92, %min3A_93 : i32
    %mul3A_95 = arith.constant 128 : i32
    %mul3A_96 = arith.muli %min3A_94, %mul3A_95 : i32
    %dma_start3A_97 = arith.constant 0 : i32
    %dma_start3A_98 = arith.constant 0 : i32
    %dma_start3A_99 = tpu.memref_slice %arg2[%dma_start3A_97, %dma_start3A_98, %mul3A_96] : memref<26x16x100000xf32, #tpu.memory_space<hbm>> -> memref<1x16x128xf32, #tpu.memory_space<hbm>>
    %dma_start3A_100 = tpu.memref_squeeze %dma_start3A_99 : memref<1x16x128xf32, #tpu.memory_space<hbm>> -> memref<16x128xf32, #tpu.memory_space<hbm>>
    %dma_start3A_101 = arith.constant 0 : i32
    %dma_start3A_102 = tpu.memref_slice %arg2[%dma_start3A_97, %dma_start3A_101, %mul3A_96] : memref<26x16x100000xf32, #tpu.memory_space<hbm>> -> memref<1x16x128xf32, #tpu.memory_space<hbm>>
    %dma_start3A_103 = tpu.memref_squeeze %dma_start3A_102 : memref<1x16x128xf32, #tpu.memory_space<hbm>> -> memref<16x128xf32, #tpu.memory_space<hbm>>
    tpu.enqueue_dma source(%dma_start3A_103 : memref<16x128xf32, #tpu.memory_space<hbm>>) target(%arg11 : memref<16x128xf32, #tpu.memory_space<vmem>>) target_semaphore(%arg28 : memref<!tpu.dma_semaphore, #tpu.memory_space<semaphore_mem>>)
    %scan3A = arith.constant 0 : i32
    %scan3A_104 = arith.constant 0 : i32
    %scan3A_105 = arith.constant 82 : i32
    %scan3A_106 = arith.addi %scan3A_104, %scan3A_105 : i32
    %scan3A_107 = arith.constant 1 : i32
    %scan3A_108 = scf.for %scan3A_141 = %scan3A_104 to %scan3A_106 step %scan3A_107 iter_args(%scan3A_142 = %scan3A) -> (i32)  : i32 {
      %mul3A_143 = arith.constant 8 : i32
      %mul3A_144 = arith.muli %scan3A_141, %mul3A_143 : i32
      %add3A_145 = arith.constant 0 : i32
      %add3A_146 = arith.addi %mul3A_144, %add3A_145 : i32
      %jit3A = arith.constant 25 : i32
      %div3A = arith.divsi %add3A_146, %jit3A : i32
      %sign3A = arith.constant 0 : i32
      %sign3A_147 = arith.cmpi sgt, %add3A_146, %sign3A : i32
      %sign3A_148 = arith.extui %sign3A_147 : i1 to i32
      %sign3A_149 = arith.constant 0 : i32
      %sign3A_150 = arith.cmpi slt, %add3A_146, %sign3A_149 : i32
      %sign3A_151 = arith.extui %sign3A_150 : i1 to i32
      %sign3A_152 = arith.subi %sign3A_148, %sign3A_151 : i32
      %sign3A_153 = arith.constant 0 : i32
      %sign3A_154 = arith.cmpi sgt, %jit3A, %sign3A_153 : i32
      %sign3A_155 = arith.extui %sign3A_154 : i1 to i32
      %sign3A_156 = arith.constant 0 : i32
      %sign3A_157 = arith.cmpi slt, %jit3A, %sign3A_156 : i32
      %sign3A_158 = arith.extui %sign3A_157 : i1 to i32
      %sign3A_159 = arith.subi %sign3A_155, %sign3A_158 : i32
      %ne3A = arith.cmpi ne, %sign3A_152, %sign3A_159 : i32
      %rem3A = arith.remsi %add3A_146, %jit3A : i32
      %ne3A_160 = arith.constant 0 : i32
      %ne3A_161 = arith.cmpi ne, %rem3A, %ne3A_160 : i32
      %and3A = arith.andi %ne3A, %ne3A_161 : i1
      %sub3A = arith.constant 1 : i32
      %sub3A_162 = arith.subi %div3A, %sub3A : i32
      %select_n3A = arith.select %and3A, %sub3A_162, %div3A : i32
      %jit3A_163 = arith.constant 25 : i32
      %eq3A = arith.constant 0 : i32
      %eq3A_164 = arith.cmpi eq, %jit3A_163, %eq3A : i32
      %jit3A_165 = arith.constant 1 : i32
      %select_n3A_166 = arith.select %eq3A_164, %jit3A_165, %jit3A_163 : i32
      %rem3A_167 = arith.remsi %add3A_146, %select_n3A_166 : i32
      %ne3A_168 = arith.constant 0 : i32
      %ne3A_169 = arith.cmpi ne, %rem3A_167, %ne3A_168 : i32
      %lt3A = arith.constant 0 : i32
      %lt3A_170 = arith.cmpi slt, %rem3A_167, %lt3A : i32
      %lt3A_171 = arith.constant 0 : i32
      %lt3A_172 = arith.cmpi slt, %select_n3A_166, %lt3A_171 : i32
      %ne3A_173 = arith.xori %lt3A_170, %lt3A_172 : i1
      %and3A_174 = arith.andi %ne3A_173, %ne3A_169 : i1
      %add3A_175 = arith.addi %rem3A_167, %select_n3A_166 : i32
      %select_n3A_176 = arith.select %and3A_174, %add3A_175, %rem3A_167 : i32
      %mul3A_177 = arith.constant 32 : i32
      %mul3A_178 = arith.muli %select_n3A_176, %mul3A_177 : i32
      %add3A_179 = arith.addi %mul3A_178, %add3A : i32
      %lt3A_180 = arith.constant 650 : i32
      %lt3A_181 = arith.cmpi slt, %add3A_146, %lt3A_180 : i32
      %convert_element_type3A = arith.extui %lt3A_181 : i1 to i32
      %cond3A = arith.constant 0 : i32
      %cond3A_182 = arith.cmpi ne, %convert_element_type3A, %cond3A : i32
      scf.if %cond3A_182 {
        %dma_wait3A_548 = arith.constant 0 : i32
        %dma_wait3A_549 = arith.constant 0 : i32
        %dma_wait3A_550 = tpu.memref_slice %arg2[%select_n3A, %dma_wait3A_548, %dma_wait3A_549] : memref<26x16x100000xf32, #tpu.memory_space<hbm>> -> memref<1x16x128xf32, #tpu.memory_space<hbm>>
        %dma_wait3A_551 = tpu.memref_squeeze %dma_wait3A_550 : memref<1x16x128xf32, #tpu.memory_space<hbm>> -> memref<16x128xf32, #tpu.memory_space<hbm>>
        %dma_wait3A_552 = arith.constant 0 : i32
        %dma_wait3A_553 = arith.constant 0 : i32
        %dma_wait3A_554 = tpu.memref_slice %arg2[%select_n3A, %dma_wait3A_552, %dma_wait3A_553] : memref<26x16x100000xf32, #tpu.memory_space<hbm>> -> memref<1x16x128xf32, #tpu.memory_space<hbm>>
        %dma_wait3A_555 = tpu.memref_squeeze %dma_wait3A_554 : memref<1x16x128xf32, #tpu.memory_space<hbm>> -> memref<16x128xf32, #tpu.memory_space<hbm>>
        tpu.wait_dma2 semaphore(%arg21 : memref<!tpu.dma_semaphore, #tpu.memory_space<semaphore_mem>>) src(%dma_wait3A_555 : memref<16x128xf32, #tpu.memory_space<hbm>>) dst(%arg4 : memref<16x128xf32, #tpu.memory_space<vmem>>)
        %ge3A = arith.constant 8 : i32
        %ge3A_556 = arith.cmpi sge, %add3A_146, %ge3A : i32
        %convert_element_type3A_557 = arith.extui %ge3A_556 : i1 to i32
        %cond3A_558 = arith.constant 0 : i32
        %cond3A_559 = arith.cmpi ne, %convert_element_type3A_557, %cond3A_558 : i32
        scf.if %cond3A_559 {
          %dma_wait3A_584 = arith.constant 0 : i32
          %dma_wait3A_585 = tpu.memref_slice %arg3[%dma_wait3A_584] : memref<42598400xf32, #tpu.memory_space<hbm>> -> memref<2048xf32, #tpu.memory_space<hbm>>
          %dma_wait3A_586 = arith.constant 0 : i32
          %dma_wait3A_587 = tpu.memref_slice %arg3[%dma_wait3A_586] : memref<42598400xf32, #tpu.memory_space<hbm>> -> memref<2048xf32, #tpu.memory_space<hbm>>
          tpu.wait_dma2 semaphore(%arg29 : memref<!tpu.dma_semaphore, #tpu.memory_space<semaphore_mem>>) src(%arg12 : memref<2048xf32, #tpu.memory_space<vmem>>) dst(%dma_wait3A_587 : memref<2048xf32, #tpu.memory_space<hbm>>)
        } else {
        }
        %get3A = arith.constant 0 : index
        %get3A_560 = tpu.vector_load %arg20[%get3A] {strides = array<i32>} : memref<16xi32, #tpu.memory_space<vmem>>, vector<16xi32>,
        %scan3A_561 = arith.constant 0 : i32
        %scan3A_562 = arith.constant 0 : i32
        %scan3A_563 = arith.constant 8 : i32
        %scan3A_564 = arith.addi %scan3A_562, %scan3A_563 : i32
        %scan3A_565 = arith.constant 1 : i32
        %scan3A_566 = scf.for %scan3A_584 = %scan3A_562 to %scan3A_564 step %scan3A_565 iter_args(%scan3A_585 = %scan3A_561) -> (i32)  : i32 {
          %mul3A_586 = arith.constant 16 : i32
          %mul3A_587 = arith.muli %scan3A_584, %mul3A_586 : i32
          %broadcast_in_dim3A = vector.broadcast %mul3A_587 : i32 to vector<16xi32>
          %add3A_588 = arith.constant 0 : i32
          %add3A_589 = vector.broadcast %add3A_588 : i32 to vector<16xi32>
          %add3A_590 = arith.addi %get3A_560, %add3A_589 : vector<16xi32>
          %and3A_591 = arith.constant 15 : i32
          %and3A_592 = vector.broadcast %and3A_591 : i32 to vector<16xi32>
          %and3A_593 = arith.andi %add3A_590, %and3A_592 : vector<16xi32>
          %add3A_594 = arith.addi %broadcast_in_dim3A, %and3A_593 : vector<16xi32>
          %gather3A = tpu.vector_load_idx %arg4[%get3A_560, %add3A_594] : memref<16x128xf32, #tpu.memory_space<vmem>>[vector<16xi32>, vector<16xi32>], vector<16xf32>,
          %add3A_595 = arith.constant 1 : i32
          %add3A_596 = vector.broadcast %add3A_595 : i32 to vector<16xi32>
          %add3A_597 = arith.addi %get3A_560, %add3A_596 : vector<16xi32>
          %and3A_598 = arith.constant 15 : i32
          %and3A_599 = vector.broadcast %and3A_598 : i32 to vector<16xi32>
          %and3A_600 = arith.andi %add3A_597, %and3A_599 : vector<16xi32>
          %add3A_601 = arith.addi %broadcast_in_dim3A, %and3A_600 : vector<16xi32>
          %gather3A_602 = tpu.vector_load_idx %arg4[%get3A_560, %add3A_601] : memref<16x128xf32, #tpu.memory_space<vmem>>[vector<16xi32>, vector<16xi32>], vector<16xf32>,
          %add3A_603 = arith.constant 2 : i32
          %add3A_604 = vector.broadcast %add3A_603 : i32 to vector<16xi32>
          %add3A_605 = arith.addi %get3A_560, %add3A_604 : vector<16xi32>
          %and3A_606 = arith.constant 15 : i32
          %and3A_607 = vector.broadcast %and3A_606 : i32 to vector<16xi32>
          %and3A_608 = arith.andi %add3A_605, %and3A_607 : vector<16xi32>
          %add3A_609 = arith.addi %broadcast_in_dim3A, %and3A_608 : vector<16xi32>
          %gather3A_610 = tpu.vector_load_idx %arg4[%get3A_560, %add3A_609] : memref<16x128xf32, #tpu.memory_space<vmem>>[vector<16xi32>, vector<16xi32>], vector<16xf32>,
          %add3A_611 = arith.constant 3 : i32
          %add3A_612 = vector.broadcast %add3A_611 : i32 to vector<16xi32>
          %add3A_613 = arith.addi %get3A_560, %add3A_612 : vector<16xi32>
          %and3A_614 = arith.constant 15 : i32
          %and3A_615 = vector.broadcast %and3A_614 : i32 to vector<16xi32>
          %and3A_616 = arith.andi %add3A_613, %and3A_615 : vector<16xi32>
          %add3A_617 = arith.addi %broadcast_in_dim3A, %and3A_616 : vector<16xi32>
          %gather3A_618 = tpu.vector_load_idx %arg4[%get3A_560, %add3A_617] : memref<16x128xf32, #tpu.memory_space<vmem>>[vector<16xi32>, vector<16xi32>], vector<16xf32>,
          %add3A_619 = arith.constant 4 : i32
          %add3A_620 = vector.broadcast %add3A_619 : i32 to vector<16xi32>
          %add3A_621 = arith.addi %get3A_560, %add3A_620 : vector<16xi32>
          %and3A_622 = arith.constant 15 : i32
          %and3A_623 = vector.broadcast %and3A_622 : i32 to vector<16xi32>
          %and3A_624 = arith.andi %add3A_621, %and3A_623 : vector<16xi32>
          %add3A_625 = arith.addi %broadcast_in_dim3A, %and3A_624 : vector<16xi32>
          %gather3A_626 = tpu.vector_load_idx %arg4[%get3A_560, %add3A_625] : memref<16x128xf32, #tpu.memory_space<vmem>>[vector<16xi32>, vector<16xi32>], vector<16xf32>,
          %add3A_627 = arith.constant 5 : i32
          %add3A_628 = vector.broadcast %add3A_627 : i32 to vector<16xi32>
          %add3A_629 = arith.addi %get3A_560, %add3A_628 : vector<16xi32>
          %and3A_630 = arith.constant 15 : i32
          %and3A_631 = vector.broadcast %and3A_630 : i32 to vector<16xi32>
          %and3A_632 = arith.andi %add3A_629, %and3A_631 : vector<16xi32>
          %add3A_633 = arith.addi %broadcast_in_dim3A, %and3A_632 : vector<16xi32>
          %gather3A_634 = tpu.vector_load_idx %arg4[%get3A_560, %add3A_633] : memref<16x128xf32, #tpu.memory_space<vmem>>[vector<16xi32>, vector<16xi32>], vector<16xf32>,
          %add3A_635 = arith.constant 6 : i32
          %add3A_636 = vector.broadcast %add3A_635 : i32 to vector<16xi32>
          %add3A_637 = arith.addi %get3A_560, %add3A_636 : vector<16xi32>
          %and3A_638 = arith.constant 15 : i32
          %and3A_639 = vector.broadcast %and3A_638 : i32 to vector<16xi32>
          %and3A_640 = arith.andi %add3A_637, %and3A_639 : vector<16xi32>
          %add3A_641 = arith.addi %broadcast_in_dim3A, %and3A_640 : vector<16xi32>
          %gather3A_642 = tpu.vector_load_idx %arg4[%get3A_560, %add3A_641] : memref<16x128xf32, #tpu.memory_space<vmem>>[vector<16xi32>, vector<16xi32>], vector<16xf32>,
          %add3A_643 = arith.constant 7 : i32
          %add3A_644 = vector.broadcast %add3A_643 : i32 to vector<16xi32>
          %add3A_645 = arith.addi %get3A_560, %add3A_644 : vector<16xi32>
          %and3A_646 = arith.constant 15 : i32
          %and3A_647 = vector.broadcast %and3A_646 : i32 to vector<16xi32>
          %and3A_648 = arith.andi %add3A_645, %and3A_647 : vector<16xi32>
          %add3A_649 = arith.addi %broadcast_in_dim3A, %and3A_648 : vector<16xi32>
          %gather3A_650 = tpu.vector_load_idx %arg4[%get3A_560, %add3A_649] : memref<16x128xf32, #tpu.memory_space<vmem>>[vector<16xi32>, vector<16xi32>], vector<16xf32>,
          %add3A_651 = arith.constant 8 : i32
          %add3A_652 = vector.broadcast %add3A_651 : i32 to vector<16xi32>
          %add3A_653 = arith.addi %get3A_560, %add3A_652 : vector<16xi32>
          %and3A_654 = arith.constant 15 : i32
          %and3A_655 = vector.broadcast %and3A_654 : i32 to vector<16xi32>
          %and3A_656 = arith.andi %add3A_653, %and3A_655 : vector<16xi32>
          %add3A_657 = arith.addi %broadcast_in_dim3A, %and3A_656 : vector<16xi32>
          %gather3A_658 = tpu.vector_load_idx %arg4[%get3A_560, %add3A_657] : memref<16x128xf32, #tpu.memory_space<vmem>>[vector<16xi32>, vector<16xi32>], vector<16xf32>,
          %add3A_659 = arith.constant 9 : i32
          %add3A_660 = vector.broadcast %add3A_659 : i32 to vector<16xi32>
          %add3A_661 = arith.addi %get3A_560, %add3A_660 : vector<16xi32>
          %and3A_662 = arith.constant 15 : i32
          %and3A_663 = vector.broadcast %and3A_662 : i32 to vector<16xi32>
          %and3A_664 = arith.andi %add3A_661, %and3A_663 : vector<16xi32>
          %add3A_665 = arith.addi %broadcast_in_dim3A, %and3A_664 : vector<16xi32>
          %gather3A_666 = tpu.vector_load_idx %arg4[%get3A_560, %add3A_665] : memref<16x128xf32, #tpu.memory_space<vmem>>[vector<16xi32>, vector<16xi32>], vector<16xf32>,
          %add3A_667 = arith.constant 10 : i32
          %add3A_668 = vector.broadcast %add3A_667 : i32 to vector<16xi32>
          %add3A_669 = arith.addi %get3A_560, %add3A_668 : vector<16xi32>
          %and3A_670 = arith.constant 15 : i32
          %and3A_671 = vector.broadcast %and3A_670 : i32 to vector<16xi32>
          %and3A_672 = arith.andi %add3A_669, %and3A_671 : vector<16xi32>
          %add3A_673 = arith.addi %broadcast_in_dim3A, %and3A_672 : vector<16xi32>
          %gather3A_674 = tpu.vector_load_idx %arg4[%get3A_560, %add3A_673] : memref<16x128xf32, #tpu.memory_space<vmem>>[vector<16xi32>, vector<16xi32>], vector<16xf32>,
          %add3A_675 = arith.constant 11 : i32
          %add3A_676 = vector.broadcast %add3A_675 : i32 to vector<16xi32>
          %add3A_677 = arith.addi %get3A_560, %add3A_676 : vector<16xi32>
          %and3A_678 = arith.constant 15 : i32
          %and3A_679 = vector.broadcast %and3A_678 : i32 to vector<16xi32>
          %and3A_680 = arith.andi %add3A_677, %and3A_679 : vector<16xi32>
          %add3A_681 = arith.addi %broadcast_in_dim3A, %and3A_680 : vector<16xi32>
          %gather3A_682 = tpu.vector_load_idx %arg4[%get3A_560, %add3A_681] : memref<16x128xf32, #tpu.memory_space<vmem>>[vector<16xi32>, vector<16xi32>], vector<16xf32>,
          %add3A_683 = arith.constant 12 : i32
          %add3A_684 = vector.broadcast %add3A_683 : i32 to vector<16xi32>
          %add3A_685 = arith.addi %get3A_560, %add3A_684 : vector<16xi32>
          %and3A_686 = arith.constant 15 : i32
          %and3A_687 = vector.broadcast %and3A_686 : i32 to vector<16xi32>
          %and3A_688 = arith.andi %add3A_685, %and3A_687 : vector<16xi32>
          %add3A_689 = arith.addi %broadcast_in_dim3A, %and3A_688 : vector<16xi32>
          %gather3A_690 = tpu.vector_load_idx %arg4[%get3A_560, %add3A_689] : memref<16x128xf32, #tpu.memory_space<vmem>>[vector<16xi32>, vector<16xi32>], vector<16xf32>,
          %add3A_691 = arith.constant 13 : i32
          %add3A_692 = vector.broadcast %add3A_691 : i32 to vector<16xi32>
          %add3A_693 = arith.addi %get3A_560, %add3A_692 : vector<16xi32>
          %and3A_694 = arith.constant 15 : i32
          %and3A_695 = vector.broadcast %and3A_694 : i32 to vector<16xi32>
          %and3A_696 = arith.andi %add3A_693, %and3A_695 : vector<16xi32>
          %add3A_697 = arith.addi %broadcast_in_dim3A, %and3A_696 : vector<16xi32>
          %gather3A_698 = tpu.vector_load_idx %arg4[%get3A_560, %add3A_697] : memref<16x128xf32, #tpu.memory_space<vmem>>[vector<16xi32>, vector<16xi32>], vector<16xf32>,
          %add3A_699 = arith.constant 14 : i32
          %add3A_700 = vector.broadcast %add3A_699 : i32 to vector<16xi32>
          %add3A_701 = arith.addi %get3A_560, %add3A_700 : vector<16xi32>
          %and3A_702 = arith.constant 15 : i32
          %and3A_703 = vector.broadcast %and3A_702 : i32 to vector<16xi32>
          %and3A_704 = arith.andi %add3A_701, %and3A_703 : vector<16xi32>
          %add3A_705 = arith.addi %broadcast_in_dim3A, %and3A_704 : vector<16xi32>
          %gather3A_706 = tpu.vector_load_idx %arg4[%get3A_560, %add3A_705] : memref<16x128xf32, #tpu.memory_space<vmem>>[vector<16xi32>, vector<16xi32>], vector<16xf32>,
          %add3A_707 = arith.constant 15 : i32
          %add3A_708 = vector.broadcast %add3A_707 : i32 to vector<16xi32>
          %add3A_709 = arith.addi %get3A_560, %add3A_708 : vector<16xi32>
          %and3A_710 = arith.constant 15 : i32
          %and3A_711 = vector.broadcast %and3A_710 : i32 to vector<16xi32>
          %and3A_712 = arith.andi %add3A_709, %and3A_711 : vector<16xi32>
          %add3A_713 = arith.addi %broadcast_in_dim3A, %and3A_712 : vector<16xi32>
          %gather3A_714 = tpu.vector_load_idx %arg4[%get3A_560, %add3A_713] : memref<16x128xf32, #tpu.memory_space<vmem>>[vector<16xi32>, vector<16xi32>], vector<16xf32>,
          %shift_left3A = arith.constant 4 : i32
          %shift_left3A_715 = vector.broadcast %shift_left3A : i32 to vector<16xi32>
          %shift_left3A_716 = arith.shli %add3A_594, %shift_left3A_715 : vector<16xi32>
          %or3A = arith.ori %shift_left3A_716, %get3A_560 : vector<16xi32>
          tpu.vector_store_idx %arg12[%or3A], %gather3A : memref<2048xf32, #tpu.memory_space<vmem>>[vector<16xi32>], vector<16xf32>,
          %shift_left3A_717 = arith.constant 4 : i32
          %shift_left3A_718 = vector.broadcast %shift_left3A_717 : i32 to vector<16xi32>
          %shift_left3A_719 = arith.shli %add3A_601, %shift_left3A_718 : vector<16xi32>
          %or3A_720 = arith.ori %shift_left3A_719, %get3A_560 : vector<16xi32>
          tpu.vector_store_idx %arg12[%or3A_720], %gather3A_602 : memref<2048xf32, #tpu.memory_space<vmem>>[vector<16xi32>], vector<16xf32>,
          %shift_left3A_721 = arith.constant 4 : i32
          %shift_left3A_722 = vector.broadcast %shift_left3A_721 : i32 to vector<16xi32>
          %shift_left3A_723 = arith.shli %add3A_609, %shift_left3A_722 : vector<16xi32>
          %or3A_724 = arith.ori %shift_left3A_723, %get3A_560 : vector<16xi32>
          tpu.vector_store_idx %arg12[%or3A_724], %gather3A_610 : memref<2048xf32, #tpu.memory_space<vmem>>[vector<16xi32>], vector<16xf32>,
          %shift_left3A_725 = arith.constant 4 : i32
          %shift_left3A_726 = vector.broadcast %shift_left3A_725 : i32 to vector<16xi32>
          %shift_left3A_727 = arith.shli %add3A_617, %shift_left3A_726 : vector<16xi32>
          %or3A_728 = arith.ori %shift_left3A_727, %get3A_560 : vector<16xi32>
          tpu.vector_store_idx %arg12[%or3A_728], %gather3A_618 : memref<2048xf32, #tpu.memory_space<vmem>>[vector<16xi32>], vector<16xf32>,
          %shift_left3A_729 = arith.constant 4 : i32
          %shift_left3A_730 = vector.broadcast %shift_left3A_729 : i32 to vector<16xi32>
          %shift_left3A_731 = arith.shli %add3A_625, %shift_left3A_730 : vector<16xi32>
          %or3A_732 = arith.ori %shift_left3A_731, %get3A_560 : vector<16xi32>
          tpu.vector_store_idx %arg12[%or3A_732], %gather3A_626 : memref<2048xf32, #tpu.memory_space<vmem>>[vector<16xi32>], vector<16xf32>,
          %shift_left3A_733 = arith.constant 4 : i32
          %shift_left3A_734 = vector.broadcast %shift_left3A_733 : i32 to vector<16xi32>
          %shift_left3A_735 = arith.shli %add3A_633, %shift_left3A_734 : vector<16xi32>
          %or3A_736 = arith.ori %shift_left3A_735, %get3A_560 : vector<16xi32>
          tpu.vector_store_idx %arg12[%or3A_736], %gather3A_634 : memref<2048xf32, #tpu.memory_space<vmem>>[vector<16xi32>], vector<16xf32>,
          %shift_left3A_737 = arith.constant 4 : i32
          %shift_left3A_738 = vector.broadcast %shift_left3A_737 : i32 to vector<16xi32>
          %shift_left3A_739 = arith.shli %add3A_641, %shift_left3A_738 : vector<16xi32>
          %or3A_740 = arith.ori %shift_left3A_739, %get3A_560 : vector<16xi32>
          tpu.vector_store_idx %arg12[%or3A_740], %gather3A_642 : memref<2048xf32, #tpu.memory_space<vmem>>[vector<16xi32>], vector<16xf32>,
          %shift_left3A_741 = arith.constant 4 : i32
          %shift_left3A_742 = vector.broadcast %shift_left3A_741 : i32 to vector<16xi32>
          %shift_left3A_743 = arith.shli %add3A_649, %shift_left3A_742 : vector<16xi32>
          %or3A_744 = arith.ori %shift_left3A_743, %get3A_560 : vector<16xi32>
          tpu.vector_store_idx %arg12[%or3A_744], %gather3A_650 : memref<2048xf32, #tpu.memory_space<vmem>>[vector<16xi32>], vector<16xf32>,
          %shift_left3A_745 = arith.constant 4 : i32
          %shift_left3A_746 = vector.broadcast %shift_left3A_745 : i32 to vector<16xi32>
          %shift_left3A_747 = arith.shli %add3A_657, %shift_left3A_746 : vector<16xi32>
          %or3A_748 = arith.ori %shift_left3A_747, %get3A_560 : vector<16xi32>
          tpu.vector_store_idx %arg12[%or3A_748], %gather3A_658 : memref<2048xf32, #tpu.memory_space<vmem>>[vector<16xi32>], vector<16xf32>,
          %shift_left3A_749 = arith.constant 4 : i32
          %shift_left3A_750 = vector.broadcast %shift_left3A_749 : i32 to vector<16xi32>
          %shift_left3A_751 = arith.shli %add3A_665, %shift_left3A_750 : vector<16xi32>
          %or3A_752 = arith.ori %shift_left3A_751, %get3A_560 : vector<16xi32>
          tpu.vector_store_idx %arg12[%or3A_752], %gather3A_666 : memref<2048xf32, #tpu.memory_space<vmem>>[vector<16xi32>], vector<16xf32>,
          %shift_left3A_753 = arith.constant 4 : i32
          %shift_left3A_754 = vector.broadcast %shift_left3A_753 : i32 to vector<16xi32>
          %shift_left3A_755 = arith.shli %add3A_673, %shift_left3A_754 : vector<16xi32>
          %or3A_756 = arith.ori %shift_left3A_755, %get3A_560 : vector<16xi32>
          tpu.vector_store_idx %arg12[%or3A_756], %gather3A_674 : memref<2048xf32, #tpu.memory_space<vmem>>[vector<16xi32>], vector<16xf32>,
          %shift_left3A_757 = arith.constant 4 : i32
          %shift_left3A_758 = vector.broadcast %shift_left3A_757 : i32 to vector<16xi32>
          %shift_left3A_759 = arith.shli %add3A_681, %shift_left3A_758 : vector<16xi32>
          %or3A_760 = arith.ori %shift_left3A_759, %get3A_560 : vector<16xi32>
          tpu.vector_store_idx %arg12[%or3A_760], %gather3A_682 : memref<2048xf32, #tpu.memory_space<vmem>>[vector<16xi32>], vector<16xf32>,
          %shift_left3A_761 = arith.constant 4 : i32
          %shift_left3A_762 = vector.broadcast %shift_left3A_761 : i32 to vector<16xi32>
          %shift_left3A_763 = arith.shli %add3A_689, %shift_left3A_762 : vector<16xi32>
          %or3A_764 = arith.ori %shift_left3A_763, %get3A_560 : vector<16xi32>
          tpu.vector_store_idx %arg12[%or3A_764], %gather3A_690 : memref<2048xf32, #tpu.memory_space<vmem>>[vector<16xi32>], vector<16xf32>,
          %shift_left3A_765 = arith.constant 4 : i32
          %shift_left3A_766 = vector.broadcast %shift_left3A_765 : i32 to vector<16xi32>
          %shift_left3A_767 = arith.shli %add3A_697, %shift_left3A_766 : vector<16xi32>
          %or3A_768 = arith.ori %shift_left3A_767, %get3A_560 : vector<16xi32>
          tpu.vector_store_idx %arg12[%or3A_768], %gather3A_698 : memref<2048xf32, #tpu.memory_space<vmem>>[vector<16xi32>], vector<16xf32>,
          %shift_left3A_769 = arith.constant 4 : i32
          %shift_left3A_770 = vector.broadcast %shift_left3A_769 : i32 to vector<16xi32>
          %shift_left3A_771 = arith.shli %add3A_705, %shift_left3A_770 : vector<16xi32>
          %or3A_772 = arith.ori %shift_left3A_771, %get3A_560 : vector<16xi32>
          tpu.vector_store_idx %arg12[%or3A_772], %gather3A_706 : memref<2048xf32, #tpu.memory_space<vmem>>[vector<16xi32>], vector<16xf32>,
          %shift_left3A_773 = arith.constant 4 : i32
          %shift_left3A_774 = vector.broadcast %shift_left3A_773 : i32 to vector<16xi32>
          %shift_left3A_775 = arith.shli %add3A_713, %shift_left3A_774 : vector<16xi32>
          %or3A_776 = arith.ori %shift_left3A_775, %get3A_560 : vector<16xi32>
          tpu.vector_store_idx %arg12[%or3A_776], %gather3A_714 : memref<2048xf32, #tpu.memory_space<vmem>>[vector<16xi32>], vector<16xf32>,
          %scan3A_777 = arith.constant 0 : i32
          scf.yield %scan3A_777 : i32
        }
        %scan3A_567 = arith.constant 8 : i32
        %mul3A_568 = arith.constant 102400 : i32
        %mul3A_569 = arith.muli %select_n3A, %mul3A_568 : i32
        %mul3A_570 = arith.constant 128 : i32
        %mul3A_571 = arith.muli %add3A_179, %mul3A_570 : i32
        %add3A_572 = arith.addi %mul3A_569, %mul3A_571 : i32
        %mul3A_573 = arith.constant 16 : i32
        %mul3A_574 = arith.muli %add3A_572, %mul3A_573 : i32
        %dma_start3A_575 = tpu.memref_slice %arg3[%mul3A_574] : memref<42598400xf32, #tpu.memory_space<hbm>> -> memref<2048xf32, #tpu.memory_space<hbm>>
        %dma_start3A_576 = tpu.memref_slice %arg3[%mul3A_574] : memref<42598400xf32, #tpu.memory_space<hbm>> -> memref<2048xf32, #tpu.memory_space<hbm>>
        tpu.enqueue_dma source(%arg12 : memref<2048xf32, #tpu.memory_space<vmem>>) target(%dma_start3A_576 : memref<2048xf32, #tpu.memory_space<hbm>>) target_semaphore(%arg29 : memref<!tpu.dma_semaphore, #tpu.memory_space<semaphore_mem>>)
        %add3A_577 = arith.constant 8 : i32
        %add3A_578 = arith.addi %add3A_146, %add3A_577 : i32
        %lt3A_579 = arith.constant 650 : i32
        %lt3A_580 = arith.cmpi slt, %add3A_578, %lt3A_579 : i32
        %convert_element_type3A_581 = arith.extui %lt3A_580 : i1 to i32
        %cond3A_582 = arith.constant 0 : i32
        %cond3A_583 = arith.cmpi ne, %convert_element_type3A_581, %cond3A_582 : i32
        scf.if %cond3A_583 {
          %add3A_584 = arith.constant 8 : i32
          %add3A_585 = arith.addi %add3A_146, %add3A_584 : i32
          %jit3A_586 = arith.constant 25 : i32
          %div3A_587 = arith.divsi %add3A_585, %jit3A_586 : i32
          %sign3A_588 = arith.constant 0 : i32
          %sign3A_589 = arith.cmpi sgt, %add3A_585, %sign3A_588 : i32
          %sign3A_590 = arith.extui %sign3A_589 : i1 to i32
          %sign3A_591 = arith.constant 0 : i32
          %sign3A_592 = arith.cmpi slt, %add3A_585, %sign3A_591 : i32
          %sign3A_593 = arith.extui %sign3A_592 : i1 to i32
          %sign3A_594 = arith.subi %sign3A_590, %sign3A_593 : i32
          %sign3A_595 = arith.constant 0 : i32
          %sign3A_596 = arith.cmpi sgt, %jit3A_586, %sign3A_595 : i32
          %sign3A_597 = arith.extui %sign3A_596 : i1 to i32
          %sign3A_598 = arith.constant 0 : i32
          %sign3A_599 = arith.cmpi slt, %jit3A_586, %sign3A_598 : i32
          %sign3A_600 = arith.extui %sign3A_599 : i1 to i32
          %sign3A_601 = arith.subi %sign3A_597, %sign3A_600 : i32
          %ne3A_602 = arith.cmpi ne, %sign3A_594, %sign3A_601 : i32
          %rem3A_603 = arith.remsi %add3A_585, %jit3A_586 : i32
          %ne3A_604 = arith.constant 0 : i32
          %ne3A_605 = arith.cmpi ne, %rem3A_603, %ne3A_604 : i32
          %and3A_606 = arith.andi %ne3A_602, %ne3A_605 : i1
          %sub3A_607 = arith.constant 1 : i32
          %sub3A_608 = arith.subi %div3A_587, %sub3A_607 : i32
          %select_n3A_609 = arith.select %and3A_606, %sub3A_608, %div3A_587 : i32
          %jit3A_610 = arith.constant 25 : i32
          %eq3A_611 = arith.constant 0 : i32
          %eq3A_612 = arith.cmpi eq, %jit3A_610, %eq3A_611 : i32
          %jit3A_613 = arith.constant 1 : i32
          %select_n3A_614 = arith.select %eq3A_612, %jit3A_613, %jit3A_610 : i32
          %rem3A_615 = arith.remsi %add3A_585, %select_n3A_614 : i32
          %ne3A_616 = arith.constant 0 : i32
          %ne3A_617 = arith.cmpi ne, %rem3A_615, %ne3A_616 : i32
          %lt3A_618 = arith.constant 0 : i32
          %lt3A_619 = arith.cmpi slt, %rem3A_615, %lt3A_618 : i32
          %lt3A_620 = arith.constant 0 : i32
          %lt3A_621 = arith.cmpi slt, %select_n3A_614, %lt3A_620 : i32
          %ne3A_622 = arith.xori %lt3A_619, %lt3A_621 : i1
          %and3A_623 = arith.andi %ne3A_622, %ne3A_617 : i1
          %add3A_624 = arith.addi %rem3A_615, %select_n3A_614 : i32
          %select_n3A_625 = arith.select %and3A_623, %add3A_624, %rem3A_615 : i32
          %mul3A_626 = arith.constant 32 : i32
          %mul3A_627 = arith.muli %select_n3A_625, %mul3A_626 : i32
          %add3A_628 = arith.addi %mul3A_627, %add3A : i32
          %min3A_629 = arith.constant 781 : i32
          %min3A_630 = arith.minsi %add3A_628, %min3A_629 : i32
          %mul3A_631 = arith.constant 128 : i32
          %mul3A_632 = arith.muli %min3A_630, %mul3A_631 : i32
          %dma_start3A_633 = arith.constant 0 : i32
          %dma_start3A_634 = tpu.memref_slice %arg2[%select_n3A_609, %dma_start3A_633, %mul3A_632] : memref<26x16x100000xf32, #tpu.memory_space<hbm>> -> memref<1x16x128xf32, #tpu.memory_space<hbm>>
          %dma_start3A_635 = tpu.memref_squeeze %dma_start3A_634 : memref<1x16x128xf32, #tpu.memory_space<hbm>> -> memref<16x128xf32, #tpu.memory_space<hbm>>
          %dma_start3A_636 = arith.constant 0 : i32
          %dma_start3A_637 = tpu.memref_slice %arg2[%select_n3A_609, %dma_start3A_636, %mul3A_632] : memref<26x16x100000xf32, #tpu.memory_space<hbm>> -> memref<1x16x128xf32, #tpu.memory_space<hbm>>
          %dma_start3A_638 = tpu.memref_squeeze %dma_start3A_637 : memref<1x16x128xf32, #tpu.memory_space<hbm>> -> memref<16x128xf32, #tpu.memory_space<hbm>>
          tpu.enqueue_dma source(%dma_start3A_638 : memref<16x128xf32, #tpu.memory_space<hbm>>) target(%arg4 : memref<16x128xf32, #tpu.memory_space<vmem>>) target_semaphore(%arg21 : memref<!tpu.dma_semaphore, #tpu.memory_space<semaphore_mem>>)
        } else {
        }
      } else {
      }
      %mul3A_183 = arith.constant 8 : i32
      %mul3A_184 = arith.muli %scan3A_141, %mul3A_183 : i32
      %add3A_185 = arith.constant 1 : i32
      %add3A_186 = arith.addi %mul3A_184, %add3A_185 : i32
      %jit3A_187 = arith.constant 25 : i32
      %div3A_188 = arith.divsi %add3A_186, %jit3A_187 : i32
      %sign3A_189 = arith.constant 0 : i32
      %sign3A_190 = arith.cmpi sgt, %add3A_186, %sign3A_189 : i32
      %sign3A_191 = arith.extui %sign3A_190 : i1 to i32
      %sign3A_192 = arith.constant 0 : i32
      %sign3A_193 = arith.cmpi slt, %add3A_186, %sign3A_192 : i32
      %sign3A_194 = arith.extui %sign3A_193 : i1 to i32
      %sign3A_195 = arith.subi %sign3A_191, %sign3A_194 : i32
      %sign3A_196 = arith.constant 0 : i32
      %sign3A_197 = arith.cmpi sgt, %jit3A_187, %sign3A_196 : i32
      %sign3A_198 = arith.extui %sign3A_197 : i1 to i32
      %sign3A_199 = arith.constant 0 : i32
      %sign3A_200 = arith.cmpi slt, %jit3A_187, %sign3A_199 : i32
      %sign3A_201 = arith.extui %sign3A_200 : i1 to i32
      %sign3A_202 = arith.subi %sign3A_198, %sign3A_201 : i32
      %ne3A_203 = arith.cmpi ne, %sign3A_195, %sign3A_202 : i32
      %rem3A_204 = arith.remsi %add3A_186, %jit3A_187 : i32
      %ne3A_205 = arith.constant 0 : i32
      %ne3A_206 = arith.cmpi ne, %rem3A_204, %ne3A_205 : i32
      %and3A_207 = arith.andi %ne3A_203, %ne3A_206 : i1
      %sub3A_208 = arith.constant 1 : i32
      %sub3A_209 = arith.subi %div3A_188, %sub3A_208 : i32
      %select_n3A_210 = arith.select %and3A_207, %sub3A_209, %div3A_188 : i32
      %jit3A_211 = arith.constant 25 : i32
      %eq3A_212 = arith.constant 0 : i32
      %eq3A_213 = arith.cmpi eq, %jit3A_211, %eq3A_212 : i32
      %jit3A_214 = arith.constant 1 : i32
      %select_n3A_215 = arith.select %eq3A_213, %jit3A_214, %jit3A_211 : i32
      %rem3A_216 = arith.remsi %add3A_186, %select_n3A_215 : i32
      %ne3A_217 = arith.constant 0 : i32
      %ne3A_218 = arith.cmpi ne, %rem3A_216, %ne3A_217 : i32
      %lt3A_219 = arith.constant 0 : i32
      %lt3A_220 = arith.cmpi slt, %rem3A_216, %lt3A_219 : i32
      %lt3A_221 = arith.constant 0 : i32
      %lt3A_222 = arith.cmpi slt, %select_n3A_215, %lt3A_221 : i32
      %ne3A_223 = arith.xori %lt3A_220, %lt3A_222 : i1
      %and3A_224 = arith.andi %ne3A_223, %ne3A_218 : i1
      %add3A_225 = arith.addi %rem3A_216, %select_n3A_215 : i32
      %select_n3A_226 = arith.select %and3A_224, %add3A_225, %rem3A_216 : i32
      %mul3A_227 = arith.constant 32 : i32
      %mul3A_228 = arith.muli %select_n3A_226, %mul3A_227 : i32
      %add3A_229 = arith.addi %mul3A_228, %add3A : i32
      %lt3A_230 = arith.constant 650 : i32
      %lt3A_231 = arith.cmpi slt, %add3A_186, %lt3A_230 : i32
      %convert_element_type3A_232 = arith.extui %lt3A_231 : i1 to i32
      %cond3A_233 = arith.constant 0 : i32
      %cond3A_234 = arith.cmpi ne, %convert_element_type3A_232, %cond3A_233 : i32
      scf.if %cond3A_234 {
        %dma_wait3A_548 = arith.constant 0 : i32
        %dma_wait3A_549 = arith.constant 0 : i32
        %dma_wait3A_550 = tpu.memref_slice %arg2[%select_n3A_210, %dma_wait3A_548, %dma_wait3A_549] : memref<26x16x100000xf32, #tpu.memory_space<hbm>> -> memref<1x16x128xf32, #tpu.memory_space<hbm>>
        %dma_wait3A_551 = tpu.memref_squeeze %dma_wait3A_550 : memref<1x16x128xf32, #tpu.memory_space<hbm>> -> memref<16x128xf32, #tpu.memory_space<hbm>>
        %dma_wait3A_552 = arith.constant 0 : i32
        %dma_wait3A_553 = arith.constant 0 : i32
        %dma_wait3A_554 = tpu.memref_slice %arg2[%select_n3A_210, %dma_wait3A_552, %dma_wait3A_553] : memref<26x16x100000xf32, #tpu.memory_space<hbm>> -> memref<1x16x128xf32, #tpu.memory_space<hbm>>
        %dma_wait3A_555 = tpu.memref_squeeze %dma_wait3A_554 : memref<1x16x128xf32, #tpu.memory_space<hbm>> -> memref<16x128xf32, #tpu.memory_space<hbm>>
        tpu.wait_dma2 semaphore(%arg22 : memref<!tpu.dma_semaphore, #tpu.memory_space<semaphore_mem>>) src(%dma_wait3A_555 : memref<16x128xf32, #tpu.memory_space<hbm>>) dst(%arg5 : memref<16x128xf32, #tpu.memory_space<vmem>>)
        %ge3A = arith.constant 8 : i32
        %ge3A_556 = arith.cmpi sge, %add3A_186, %ge3A : i32
        %convert_element_type3A_557 = arith.extui %ge3A_556 : i1 to i32
        %cond3A_558 = arith.constant 0 : i32
        %cond3A_559 = arith.cmpi ne, %convert_element_type3A_557, %cond3A_558 : i32
        scf.if %cond3A_559 {
          %dma_wait3A_584 = arith.constant 0 : i32
          %dma_wait3A_585 = tpu.memref_slice %arg3[%dma_wait3A_584] : memref<42598400xf32, #tpu.memory_space<hbm>> -> memref<2048xf32, #tpu.memory_space<hbm>>
          %dma_wait3A_586 = arith.constant 0 : i32
          %dma_wait3A_587 = tpu.memref_slice %arg3[%dma_wait3A_586] : memref<42598400xf32, #tpu.memory_space<hbm>> -> memref<2048xf32, #tpu.memory_space<hbm>>
          tpu.wait_dma2 semaphore(%arg30 : memref<!tpu.dma_semaphore, #tpu.memory_space<semaphore_mem>>) src(%arg13 : memref<2048xf32, #tpu.memory_space<vmem>>) dst(%dma_wait3A_587 : memref<2048xf32, #tpu.memory_space<hbm>>)
        } else {
        }
        %get3A = arith.constant 0 : index
        %get3A_560 = tpu.vector_load %arg20[%get3A] {strides = array<i32>} : memref<16xi32, #tpu.memory_space<vmem>>, vector<16xi32>,
        %scan3A_561 = arith.constant 0 : i32
        %scan3A_562 = arith.constant 0 : i32
        %scan3A_563 = arith.constant 8 : i32
        %scan3A_564 = arith.addi %scan3A_562, %scan3A_563 : i32
        %scan3A_565 = arith.constant 1 : i32
        %scan3A_566 = scf.for %scan3A_584 = %scan3A_562 to %scan3A_564 step %scan3A_565 iter_args(%scan3A_585 = %scan3A_561) -> (i32)  : i32 {
          %mul3A_586 = arith.constant 16 : i32
          %mul3A_587 = arith.muli %scan3A_584, %mul3A_586 : i32
          %broadcast_in_dim3A = vector.broadcast %mul3A_587 : i32 to vector<16xi32>
          %add3A_588 = arith.constant 0 : i32
          %add3A_589 = vector.broadcast %add3A_588 : i32 to vector<16xi32>
          %add3A_590 = arith.addi %get3A_560, %add3A_589 : vector<16xi32>
          %and3A_591 = arith.constant 15 : i32
          %and3A_592 = vector.broadcast %and3A_591 : i32 to vector<16xi32>
          %and3A_593 = arith.andi %add3A_590, %and3A_592 : vector<16xi32>
          %add3A_594 = arith.addi %broadcast_in_dim3A, %and3A_593 : vector<16xi32>
          %gather3A = tpu.vector_load_idx %arg5[%get3A_560, %add3A_594] : memref<16x128xf32, #tpu.memory_space<vmem>>[vector<16xi32>, vector<16xi32>], vector<16xf32>,
          %add3A_595 = arith.constant 1 : i32
          %add3A_596 = vector.broadcast %add3A_595 : i32 to vector<16xi32>
          %add3A_597 = arith.addi %get3A_560, %add3A_596 : vector<16xi32>
          %and3A_598 = arith.constant 15 : i32
          %and3A_599 = vector.broadcast %and3A_598 : i32 to vector<16xi32>
          %and3A_600 = arith.andi %add3A_597, %and3A_599 : vector<16xi32>
          %add3A_601 = arith.addi %broadcast_in_dim3A, %and3A_600 : vector<16xi32>
          %gather3A_602 = tpu.vector_load_idx %arg5[%get3A_560, %add3A_601] : memref<16x128xf32, #tpu.memory_space<vmem>>[vector<16xi32>, vector<16xi32>], vector<16xf32>,
          %add3A_603 = arith.constant 2 : i32
          %add3A_604 = vector.broadcast %add3A_603 : i32 to vector<16xi32>
          %add3A_605 = arith.addi %get3A_560, %add3A_604 : vector<16xi32>
          %and3A_606 = arith.constant 15 : i32
          %and3A_607 = vector.broadcast %and3A_606 : i32 to vector<16xi32>
          %and3A_608 = arith.andi %add3A_605, %and3A_607 : vector<16xi32>
          %add3A_609 = arith.addi %broadcast_in_dim3A, %and3A_608 : vector<16xi32>
          %gather3A_610 = tpu.vector_load_idx %arg5[%get3A_560, %add3A_609] : memref<16x128xf32, #tpu.memory_space<vmem>>[vector<16xi32>, vector<16xi32>], vector<16xf32>,
          %add3A_611 = arith.constant 3 : i32
          %add3A_612 = vector.broadcast %add3A_611 : i32 to vector<16xi32>
          %add3A_613 = arith.addi %get3A_560, %add3A_612 : vector<16xi32>
          %and3A_614 = arith.constant 15 : i32
          %and3A_615 = vector.broadcast %and3A_614 : i32 to vector<16xi32>
          %and3A_616 = arith.andi %add3A_613, %and3A_615 : vector<16xi32>
          %add3A_617 = arith.addi %broadcast_in_dim3A, %and3A_616 : vector<16xi32>
          %gather3A_618 = tpu.vector_load_idx %arg5[%get3A_560, %add3A_617] : memref<16x128xf32, #tpu.memory_space<vmem>>[vector<16xi32>, vector<16xi32>], vector<16xf32>,
          %add3A_619 = arith.constant 4 : i32
          %add3A_620 = vector.broadcast %add3A_619 : i32 to vector<16xi32>
          %add3A_621 = arith.addi %get3A_560, %add3A_620 : vector<16xi32>
          %and3A_622 = arith.constant 15 : i32
          %and3A_623 = vector.broadcast %and3A_622 : i32 to vector<16xi32>
          %and3A_624 = arith.andi %add3A_621, %and3A_623 : vector<16xi32>
          %add3A_625 = arith.addi %broadcast_in_dim3A, %and3A_624 : vector<16xi32>
          %gather3A_626 = tpu.vector_load_idx %arg5[%get3A_560, %add3A_625] : memref<16x128xf32, #tpu.memory_space<vmem>>[vector<16xi32>, vector<16xi32>], vector<16xf32>,
          %add3A_627 = arith.constant 5 : i32
          %add3A_628 = vector.broadcast %add3A_627 : i32 to vector<16xi32>
          %add3A_629 = arith.addi %get3A_560, %add3A_628 : vector<16xi32>
          %and3A_630 = arith.constant 15 : i32
          %and3A_631 = vector.broadcast %and3A_630 : i32 to vector<16xi32>
          %and3A_632 = arith.andi %add3A_629, %and3A_631 : vector<16xi32>
          %add3A_633 = arith.addi %broadcast_in_dim3A, %and3A_632 : vector<16xi32>
          %gather3A_634 = tpu.vector_load_idx %arg5[%get3A_560, %add3A_633] : memref<16x128xf32, #tpu.memory_space<vmem>>[vector<16xi32>, vector<16xi32>], vector<16xf32>,
          %add3A_635 = arith.constant 6 : i32
          %add3A_636 = vector.broadcast %add3A_635 : i32 to vector<16xi32>
          %add3A_637 = arith.addi %get3A_560, %add3A_636 : vector<16xi32>
          %and3A_638 = arith.constant 15 : i32
          %and3A_639 = vector.broadcast %and3A_638 : i32 to vector<16xi32>
          %and3A_640 = arith.andi %add3A_637, %and3A_639 : vector<16xi32>
          %add3A_641 = arith.addi %broadcast_in_dim3A, %and3A_640 : vector<16xi32>
          %gather3A_642 = tpu.vector_load_idx %arg5[%get3A_560, %add3A_641] : memref<16x128xf32, #tpu.memory_space<vmem>>[vector<16xi32>, vector<16xi32>], vector<16xf32>,
          %add3A_643 = arith.constant 7 : i32
          %add3A_644 = vector.broadcast %add3A_643 : i32 to vector<16xi32>
          %add3A_645 = arith.addi %get3A_560, %add3A_644 : vector<16xi32>
          %and3A_646 = arith.constant 15 : i32
          %and3A_647 = vector.broadcast %and3A_646 : i32 to vector<16xi32>
          %and3A_648 = arith.andi %add3A_645, %and3A_647 : vector<16xi32>
          %add3A_649 = arith.addi %broadcast_in_dim3A, %and3A_648 : vector<16xi32>
          %gather3A_650 = tpu.vector_load_idx %arg5[%get3A_560, %add3A_649] : memref<16x128xf32, #tpu.memory_space<vmem>>[vector<16xi32>, vector<16xi32>], vector<16xf32>,
          %add3A_651 = arith.constant 8 : i32
          %add3A_652 = vector.broadcast %add3A_651 : i32 to vector<16xi32>
          %add3A_653 = arith.addi %get3A_560, %add3A_652 : vector<16xi32>
          %and3A_654 = arith.constant 15 : i32
          %and3A_655 = vector.broadcast %and3A_654 : i32 to vector<16xi32>
          %and3A_656 = arith.andi %add3A_653, %and3A_655 : vector<16xi32>
          %add3A_657 = arith.addi %broadcast_in_dim3A, %and3A_656 : vector<16xi32>
          %gather3A_658 = tpu.vector_load_idx %arg5[%get3A_560, %add3A_657] : memref<16x128xf32, #tpu.memory_space<vmem>>[vector<16xi32>, vector<16xi32>], vector<16xf32>,
          %add3A_659 = arith.constant 9 : i32
          %add3A_660 = vector.broadcast %add3A_659 : i32 to vector<16xi32>
          %add3A_661 = arith.addi %get3A_560, %add3A_660 : vector<16xi32>
          %and3A_662 = arith.constant 15 : i32
          %and3A_663 = vector.broadcast %and3A_662 : i32 to vector<16xi32>
          %and3A_664 = arith.andi %add3A_661, %and3A_663 : vector<16xi32>
          %add3A_665 = arith.addi %broadcast_in_dim3A, %and3A_664 : vector<16xi32>
          %gather3A_666 = tpu.vector_load_idx %arg5[%get3A_560, %add3A_665] : memref<16x128xf32, #tpu.memory_space<vmem>>[vector<16xi32>, vector<16xi32>], vector<16xf32>,
          %add3A_667 = arith.constant 10 : i32
          %add3A_668 = vector.broadcast %add3A_667 : i32 to vector<16xi32>
          %add3A_669 = arith.addi %get3A_560, %add3A_668 : vector<16xi32>
          %and3A_670 = arith.constant 15 : i32
          %and3A_671 = vector.broadcast %and3A_670 : i32 to vector<16xi32>
          %and3A_672 = arith.andi %add3A_669, %and3A_671 : vector<16xi32>
          %add3A_673 = arith.addi %broadcast_in_dim3A, %and3A_672 : vector<16xi32>
          %gather3A_674 = tpu.vector_load_idx %arg5[%get3A_560, %add3A_673] : memref<16x128xf32, #tpu.memory_space<vmem>>[vector<16xi32>, vector<16xi32>], vector<16xf32>,
          %add3A_675 = arith.constant 11 : i32
          %add3A_676 = vector.broadcast %add3A_675 : i32 to vector<16xi32>
          %add3A_677 = arith.addi %get3A_560, %add3A_676 : vector<16xi32>
          %and3A_678 = arith.constant 15 : i32
          %and3A_679 = vector.broadcast %and3A_678 : i32 to vector<16xi32>
          %and3A_680 = arith.andi %add3A_677, %and3A_679 : vector<16xi32>
          %add3A_681 = arith.addi %broadcast_in_dim3A, %and3A_680 : vector<16xi32>
          %gather3A_682 = tpu.vector_load_idx %arg5[%get3A_560, %add3A_681] : memref<16x128xf32, #tpu.memory_space<vmem>>[vector<16xi32>, vector<16xi32>], vector<16xf32>,
          %add3A_683 = arith.constant 12 : i32
          %add3A_684 = vector.broadcast %add3A_683 : i32 to vector<16xi32>
          %add3A_685 = arith.addi %get3A_560, %add3A_684 : vector<16xi32>
          %and3A_686 = arith.constant 15 : i32
          %and3A_687 = vector.broadcast %and3A_686 : i32 to vector<16xi32>
          %and3A_688 = arith.andi %add3A_685, %and3A_687 : vector<16xi32>
          %add3A_689 = arith.addi %broadcast_in_dim3A, %and3A_688 : vector<16xi32>
          %gather3A_690 = tpu.vector_load_idx %arg5[%get3A_560, %add3A_689] : memref<16x128xf32, #tpu.memory_space<vmem>>[vector<16xi32>, vector<16xi32>], vector<16xf32>,
          %add3A_691 = arith.constant 13 : i32
          %add3A_692 = vector.broadcast %add3A_691 : i32 to vector<16xi32>
          %add3A_693 = arith.addi %get3A_560, %add3A_692 : vector<16xi32>
          %and3A_694 = arith.constant 15 : i32
          %and3A_695 = vector.broadcast %and3A_694 : i32 to vector<16xi32>
          %and3A_696 = arith.andi %add3A_693, %and3A_695 : vector<16xi32>
          %add3A_697 = arith.addi %broadcast_in_dim3A, %and3A_696 : vector<16xi32>
          %gather3A_698 = tpu.vector_load_idx %arg5[%get3A_560, %add3A_697] : memref<16x128xf32, #tpu.memory_space<vmem>>[vector<16xi32>, vector<16xi32>], vector<16xf32>,
          %add3A_699 = arith.constant 14 : i32
          %add3A_700 = vector.broadcast %add3A_699 : i32 to vector<16xi32>
          %add3A_701 = arith.addi %get3A_560, %add3A_700 : vector<16xi32>
          %and3A_702 = arith.constant 15 : i32
          %and3A_703 = vector.broadcast %and3A_702 : i32 to vector<16xi32>
          %and3A_704 = arith.andi %add3A_701, %and3A_703 : vector<16xi32>
          %add3A_705 = arith.addi %broadcast_in_dim3A, %and3A_704 : vector<16xi32>
          %gather3A_706 = tpu.vector_load_idx %arg5[%get3A_560, %add3A_705] : memref<16x128xf32, #tpu.memory_space<vmem>>[vector<16xi32>, vector<16xi32>], vector<16xf32>,
          %add3A_707 = arith.constant 15 : i32
          %add3A_708 = vector.broadcast %add3A_707 : i32 to vector<16xi32>
          %add3A_709 = arith.addi %get3A_560, %add3A_708 : vector<16xi32>
          %and3A_710 = arith.constant 15 : i32
          %and3A_711 = vector.broadcast %and3A_710 : i32 to vector<16xi32>
          %and3A_712 = arith.andi %add3A_709, %and3A_711 : vector<16xi32>
          %add3A_713 = arith.addi %broadcast_in_dim3A, %and3A_712 : vector<16xi32>
          %gather3A_714 = tpu.vector_load_idx %arg5[%get3A_560, %add3A_713] : memref<16x128xf32, #tpu.memory_space<vmem>>[vector<16xi32>, vector<16xi32>], vector<16xf32>,
          %shift_left3A = arith.constant 4 : i32
          %shift_left3A_715 = vector.broadcast %shift_left3A : i32 to vector<16xi32>
          %shift_left3A_716 = arith.shli %add3A_594, %shift_left3A_715 : vector<16xi32>
          %or3A = arith.ori %shift_left3A_716, %get3A_560 : vector<16xi32>
          tpu.vector_store_idx %arg13[%or3A], %gather3A : memref<2048xf32, #tpu.memory_space<vmem>>[vector<16xi32>], vector<16xf32>,
          %shift_left3A_717 = arith.constant 4 : i32
          %shift_left3A_718 = vector.broadcast %shift_left3A_717 : i32 to vector<16xi32>
          %shift_left3A_719 = arith.shli %add3A_601, %shift_left3A_718 : vector<16xi32>
          %or3A_720 = arith.ori %shift_left3A_719, %get3A_560 : vector<16xi32>
          tpu.vector_store_idx %arg13[%or3A_720], %gather3A_602 : memref<2048xf32, #tpu.memory_space<vmem>>[vector<16xi32>], vector<16xf32>,
          %shift_left3A_721 = arith.constant 4 : i32
          %shift_left3A_722 = vector.broadcast %shift_left3A_721 : i32 to vector<16xi32>
          %shift_left3A_723 = arith.shli %add3A_609, %shift_left3A_722 : vector<16xi32>
          %or3A_724 = arith.ori %shift_left3A_723, %get3A_560 : vector<16xi32>
          tpu.vector_store_idx %arg13[%or3A_724], %gather3A_610 : memref<2048xf32, #tpu.memory_space<vmem>>[vector<16xi32>], vector<16xf32>,
          %shift_left3A_725 = arith.constant 4 : i32
          %shift_left3A_726 = vector.broadcast %shift_left3A_725 : i32 to vector<16xi32>
          %shift_left3A_727 = arith.shli %add3A_617, %shift_left3A_726 : vector<16xi32>
          %or3A_728 = arith.ori %shift_left3A_727, %get3A_560 : vector<16xi32>
          tpu.vector_store_idx %arg13[%or3A_728], %gather3A_618 : memref<2048xf32, #tpu.memory_space<vmem>>[vector<16xi32>], vector<16xf32>,
          %shift_left3A_729 = arith.constant 4 : i32
          %shift_left3A_730 = vector.broadcast %shift_left3A_729 : i32 to vector<16xi32>
          %shift_left3A_731 = arith.shli %add3A_625, %shift_left3A_730 : vector<16xi32>
          %or3A_732 = arith.ori %shift_left3A_731, %get3A_560 : vector<16xi32>
          tpu.vector_store_idx %arg13[%or3A_732], %gather3A_626 : memref<2048xf32, #tpu.memory_space<vmem>>[vector<16xi32>], vector<16xf32>,
          %shift_left3A_733 = arith.constant 4 : i32
          %shift_left3A_734 = vector.broadcast %shift_left3A_733 : i32 to vector<16xi32>
          %shift_left3A_735 = arith.shli %add3A_633, %shift_left3A_734 : vector<16xi32>
          %or3A_736 = arith.ori %shift_left3A_735, %get3A_560 : vector<16xi32>
          tpu.vector_store_idx %arg13[%or3A_736], %gather3A_634 : memref<2048xf32, #tpu.memory_space<vmem>>[vector<16xi32>], vector<16xf32>,
          %shift_left3A_737 = arith.constant 4 : i32
          %shift_left3A_738 = vector.broadcast %shift_left3A_737 : i32 to vector<16xi32>
          %shift_left3A_739 = arith.shli %add3A_641, %shift_left3A_738 : vector<16xi32>
          %or3A_740 = arith.ori %shift_left3A_739, %get3A_560 : vector<16xi32>
          tpu.vector_store_idx %arg13[%or3A_740], %gather3A_642 : memref<2048xf32, #tpu.memory_space<vmem>>[vector<16xi32>], vector<16xf32>,
          %shift_left3A_741 = arith.constant 4 : i32
          %shift_left3A_742 = vector.broadcast %shift_left3A_741 : i32 to vector<16xi32>
          %shift_left3A_743 = arith.shli %add3A_649, %shift_left3A_742 : vector<16xi32>
          %or3A_744 = arith.ori %shift_left3A_743, %get3A_560 : vector<16xi32>
          tpu.vector_store_idx %arg13[%or3A_744], %gather3A_650 : memref<2048xf32, #tpu.memory_space<vmem>>[vector<16xi32>], vector<16xf32>,
          %shift_left3A_745 = arith.constant 4 : i32
          %shift_left3A_746 = vector.broadcast %shift_left3A_745 : i32 to vector<16xi32>
          %shift_left3A_747 = arith.shli %add3A_657, %shift_left3A_746 : vector<16xi32>
          %or3A_748 = arith.ori %shift_left3A_747, %get3A_560 : vector<16xi32>
          tpu.vector_store_idx %arg13[%or3A_748], %gather3A_658 : memref<2048xf32, #tpu.memory_space<vmem>>[vector<16xi32>], vector<16xf32>,
          %shift_left3A_749 = arith.constant 4 : i32
          %shift_left3A_750 = vector.broadcast %shift_left3A_749 : i32 to vector<16xi32>
          %shift_left3A_751 = arith.shli %add3A_665, %shift_left3A_750 : vector<16xi32>
          %or3A_752 = arith.ori %shift_left3A_751, %get3A_560 : vector<16xi32>
          tpu.vector_store_idx %arg13[%or3A_752], %gather3A_666 : memref<2048xf32, #tpu.memory_space<vmem>>[vector<16xi32>], vector<16xf32>,
          %shift_left3A_753 = arith.constant 4 : i32
          %shift_left3A_754 = vector.broadcast %shift_left3A_753 : i32 to vector<16xi32>
          %shift_left3A_755 = arith.shli %add3A_673, %shift_left3A_754 : vector<16xi32>
          %or3A_756 = arith.ori %shift_left3A_755, %get3A_560 : vector<16xi32>
          tpu.vector_store_idx %arg13[%or3A_756], %gather3A_674 : memref<2048xf32, #tpu.memory_space<vmem>>[vector<16xi32>], vector<16xf32>,
          %shift_left3A_757 = arith.constant 4 : i32
          %shift_left3A_758 = vector.broadcast %shift_left3A_757 : i32 to vector<16xi32>
          %shift_left3A_759 = arith.shli %add3A_681, %shift_left3A_758 : vector<16xi32>
          %or3A_760 = arith.ori %shift_left3A_759, %get3A_560 : vector<16xi32>
          tpu.vector_store_idx %arg13[%or3A_760], %gather3A_682 : memref<2048xf32, #tpu.memory_space<vmem>>[vector<16xi32>], vector<16xf32>,
          %shift_left3A_761 = arith.constant 4 : i32
          %shift_left3A_762 = vector.broadcast %shift_left3A_761 : i32 to vector<16xi32>
          %shift_left3A_763 = arith.shli %add3A_689, %shift_left3A_762 : vector<16xi32>
          %or3A_764 = arith.ori %shift_left3A_763, %get3A_560 : vector<16xi32>
          tpu.vector_store_idx %arg13[%or3A_764], %gather3A_690 : memref<2048xf32, #tpu.memory_space<vmem>>[vector<16xi32>], vector<16xf32>,
          %shift_left3A_765 = arith.constant 4 : i32
          %shift_left3A_766 = vector.broadcast %shift_left3A_765 : i32 to vector<16xi32>
          %shift_left3A_767 = arith.shli %add3A_697, %shift_left3A_766 : vector<16xi32>
          %or3A_768 = arith.ori %shift_left3A_767, %get3A_560 : vector<16xi32>
          tpu.vector_store_idx %arg13[%or3A_768], %gather3A_698 : memref<2048xf32, #tpu.memory_space<vmem>>[vector<16xi32>], vector<16xf32>,
          %shift_left3A_769 = arith.constant 4 : i32
          %shift_left3A_770 = vector.broadcast %shift_left3A_769 : i32 to vector<16xi32>
          %shift_left3A_771 = arith.shli %add3A_705, %shift_left3A_770 : vector<16xi32>
          %or3A_772 = arith.ori %shift_left3A_771, %get3A_560 : vector<16xi32>
          tpu.vector_store_idx %arg13[%or3A_772], %gather3A_706 : memref<2048xf32, #tpu.memory_space<vmem>>[vector<16xi32>], vector<16xf32>,
          %shift_left3A_773 = arith.constant 4 : i32
          %shift_left3A_774 = vector.broadcast %shift_left3A_773 : i32 to vector<16xi32>
          %shift_left3A_775 = arith.shli %add3A_713, %shift_left3A_774 : vector<16xi32>
          %or3A_776 = arith.ori %shift_left3A_775, %get3A_560 : vector<16xi32>
          tpu.vector_store_idx %arg13[%or3A_776], %gather3A_714 : memref<2048xf32, #tpu.memory_space<vmem>>[vector<16xi32>], vector<16xf32>,
          %scan3A_777 = arith.constant 0 : i32
          scf.yield %scan3A_777 : i32
        }
        %scan3A_567 = arith.constant 8 : i32
        %mul3A_568 = arith.constant 102400 : i32
        %mul3A_569 = arith.muli %select_n3A_210, %mul3A_568 : i32
        %mul3A_570 = arith.constant 128 : i32
        %mul3A_571 = arith.muli %add3A_229, %mul3A_570 : i32
        %add3A_572 = arith.addi %mul3A_569, %mul3A_571 : i32
        %mul3A_573 = arith.constant 16 : i32
        %mul3A_574 = arith.muli %add3A_572, %mul3A_573 : i32
        %dma_start3A_575 = tpu.memref_slice %arg3[%mul3A_574] : memref<42598400xf32, #tpu.memory_space<hbm>> -> memref<2048xf32, #tpu.memory_space<hbm>>
        %dma_start3A_576 = tpu.memref_slice %arg3[%mul3A_574] : memref<42598400xf32, #tpu.memory_space<hbm>> -> memref<2048xf32, #tpu.memory_space<hbm>>
        tpu.enqueue_dma source(%arg13 : memref<2048xf32, #tpu.memory_space<vmem>>) target(%dma_start3A_576 : memref<2048xf32, #tpu.memory_space<hbm>>) target_semaphore(%arg30 : memref<!tpu.dma_semaphore, #tpu.memory_space<semaphore_mem>>)
        %add3A_577 = arith.constant 8 : i32
        %add3A_578 = arith.addi %add3A_186, %add3A_577 : i32
        %lt3A_579 = arith.constant 650 : i32
        %lt3A_580 = arith.cmpi slt, %add3A_578, %lt3A_579 : i32
        %convert_element_type3A_581 = arith.extui %lt3A_580 : i1 to i32
        %cond3A_582 = arith.constant 0 : i32
        %cond3A_583 = arith.cmpi ne, %convert_element_type3A_581, %cond3A_582 : i32
        scf.if %cond3A_583 {
          %add3A_584 = arith.constant 8 : i32
          %add3A_585 = arith.addi %add3A_186, %add3A_584 : i32
          %jit3A_586 = arith.constant 25 : i32
          %div3A_587 = arith.divsi %add3A_585, %jit3A_586 : i32
          %sign3A_588 = arith.constant 0 : i32
          %sign3A_589 = arith.cmpi sgt, %add3A_585, %sign3A_588 : i32
          %sign3A_590 = arith.extui %sign3A_589 : i1 to i32
          %sign3A_591 = arith.constant 0 : i32
          %sign3A_592 = arith.cmpi slt, %add3A_585, %sign3A_591 : i32
          %sign3A_593 = arith.extui %sign3A_592 : i1 to i32
          %sign3A_594 = arith.subi %sign3A_590, %sign3A_593 : i32
          %sign3A_595 = arith.constant 0 : i32
          %sign3A_596 = arith.cmpi sgt, %jit3A_586, %sign3A_595 : i32
          %sign3A_597 = arith.extui %sign3A_596 : i1 to i32
          %sign3A_598 = arith.constant 0 : i32
          %sign3A_599 = arith.cmpi slt, %jit3A_586, %sign3A_598 : i32
          %sign3A_600 = arith.extui %sign3A_599 : i1 to i32
          %sign3A_601 = arith.subi %sign3A_597, %sign3A_600 : i32
          %ne3A_602 = arith.cmpi ne, %sign3A_594, %sign3A_601 : i32
          %rem3A_603 = arith.remsi %add3A_585, %jit3A_586 : i32
          %ne3A_604 = arith.constant 0 : i32
          %ne3A_605 = arith.cmpi ne, %rem3A_603, %ne3A_604 : i32
          %and3A_606 = arith.andi %ne3A_602, %ne3A_605 : i1
          %sub3A_607 = arith.constant 1 : i32
          %sub3A_608 = arith.subi %div3A_587, %sub3A_607 : i32
          %select_n3A_609 = arith.select %and3A_606, %sub3A_608, %div3A_587 : i32
          %jit3A_610 = arith.constant 25 : i32
          %eq3A_611 = arith.constant 0 : i32
          %eq3A_612 = arith.cmpi eq, %jit3A_610, %eq3A_611 : i32
          %jit3A_613 = arith.constant 1 : i32
          %select_n3A_614 = arith.select %eq3A_612, %jit3A_613, %jit3A_610 : i32
          %rem3A_615 = arith.remsi %add3A_585, %select_n3A_614 : i32
          %ne3A_616 = arith.constant 0 : i32
          %ne3A_617 = arith.cmpi ne, %rem3A_615, %ne3A_616 : i32
          %lt3A_618 = arith.constant 0 : i32
          %lt3A_619 = arith.cmpi slt, %rem3A_615, %lt3A_618 : i32
          %lt3A_620 = arith.constant 0 : i32
          %lt3A_621 = arith.cmpi slt, %select_n3A_614, %lt3A_620 : i32
          %ne3A_622 = arith.xori %lt3A_619, %lt3A_621 : i1
          %and3A_623 = arith.andi %ne3A_622, %ne3A_617 : i1
          %add3A_624 = arith.addi %rem3A_615, %select_n3A_614 : i32
          %select_n3A_625 = arith.select %and3A_623, %add3A_624, %rem3A_615 : i32
          %mul3A_626 = arith.constant 32 : i32
          %mul3A_627 = arith.muli %select_n3A_625, %mul3A_626 : i32
          %add3A_628 = arith.addi %mul3A_627, %add3A : i32
          %min3A_629 = arith.constant 781 : i32
          %min3A_630 = arith.minsi %add3A_628, %min3A_629 : i32
          %mul3A_631 = arith.constant 128 : i32
          %mul3A_632 = arith.muli %min3A_630, %mul3A_631 : i32
          %dma_start3A_633 = arith.constant 0 : i32
          %dma_start3A_634 = tpu.memref_slice %arg2[%select_n3A_609, %dma_start3A_633, %mul3A_632] : memref<26x16x100000xf32, #tpu.memory_space<hbm>> -> memref<1x16x128xf32, #tpu.memory_space<hbm>>
          %dma_start3A_635 = tpu.memref_squeeze %dma_start3A_634 : memref<1x16x128xf32, #tpu.memory_space<hbm>> -> memref<16x128xf32, #tpu.memory_space<hbm>>
          %dma_start3A_636 = arith.constant 0 : i32
          %dma_start3A_637 = tpu.memref_slice %arg2[%select_n3A_609, %dma_start3A_636, %mul3A_632] : memref<26x16x100000xf32, #tpu.memory_space<hbm>> -> memref<1x16x128xf32, #tpu.memory_space<hbm>>
          %dma_start3A_638 = tpu.memref_squeeze %dma_start3A_637 : memref<1x16x128xf32, #tpu.memory_space<hbm>> -> memref<16x128xf32, #tpu.memory_space<hbm>>
          tpu.enqueue_dma source(%dma_start3A_638 : memref<16x128xf32, #tpu.memory_space<hbm>>) target(%arg5 : memref<16x128xf32, #tpu.memory_space<vmem>>) target_semaphore(%arg22 : memref<!tpu.dma_semaphore, #tpu.memory_space<semaphore_mem>>)
        } else {
        }
      } else {
      }
      %mul3A_235 = arith.constant 8 : i32
      %mul3A_236 = arith.muli %scan3A_141, %mul3A_235 : i32
      %add3A_237 = arith.constant 2 : i32
      %add3A_238 = arith.addi %mul3A_236, %add3A_237 : i32
      %jit3A_239 = arith.constant 25 : i32
      %div3A_240 = arith.divsi %add3A_238, %jit3A_239 : i32
      %sign3A_241 = arith.constant 0 : i32
      %sign3A_242 = arith.cmpi sgt, %add3A_238, %sign3A_241 : i32
      %sign3A_243 = arith.extui %sign3A_242 : i1 to i32
      %sign3A_244 = arith.constant 0 : i32
      %sign3A_245 = arith.cmpi slt, %add3A_238, %sign3A_244 : i32
      %sign3A_246 = arith.extui %sign3A_245 : i1 to i32
      %sign3A_247 = arith.subi %sign3A_243, %sign3A_246 : i32
      %sign3A_248 = arith.constant 0 : i32
      %sign3A_249 = arith.cmpi sgt, %jit3A_239, %sign3A_248 : i32
      %sign3A_250 = arith.extui %sign3A_249 : i1 to i32
      %sign3A_251 = arith.constant 0 : i32
      %sign3A_252 = arith.cmpi slt, %jit3A_239, %sign3A_251 : i32
      %sign3A_253 = arith.extui %sign3A_252 : i1 to i32
      %sign3A_254 = arith.subi %sign3A_250, %sign3A_253 : i32
      %ne3A_255 = arith.cmpi ne, %sign3A_247, %sign3A_254 : i32
      %rem3A_256 = arith.remsi %add3A_238, %jit3A_239 : i32
      %ne3A_257 = arith.constant 0 : i32
      %ne3A_258 = arith.cmpi ne, %rem3A_256, %ne3A_257 : i32
      %and3A_259 = arith.andi %ne3A_255, %ne3A_258 : i1
      %sub3A_260 = arith.constant 1 : i32
      %sub3A_261 = arith.subi %div3A_240, %sub3A_260 : i32
      %select_n3A_262 = arith.select %and3A_259, %sub3A_261, %div3A_240 : i32
      %jit3A_263 = arith.constant 25 : i32
      %eq3A_264 = arith.constant 0 : i32
      %eq3A_265 = arith.cmpi eq, %jit3A_263, %eq3A_264 : i32
      %jit3A_266 = arith.constant 1 : i32
      %select_n3A_267 = arith.select %eq3A_265, %jit3A_266, %jit3A_263 : i32
      %rem3A_268 = arith.remsi %add3A_238, %select_n3A_267 : i32
      %ne3A_269 = arith.constant 0 : i32
      %ne3A_270 = arith.cmpi ne, %rem3A_268, %ne3A_269 : i32
      %lt3A_271 = arith.constant 0 : i32
      %lt3A_272 = arith.cmpi slt, %rem3A_268, %lt3A_271 : i32
      %lt3A_273 = arith.constant 0 : i32
      %lt3A_274 = arith.cmpi slt, %select_n3A_267, %lt3A_273 : i32
      %ne3A_275 = arith.xori %lt3A_272, %lt3A_274 : i1
      %and3A_276 = arith.andi %ne3A_275, %ne3A_270 : i1
      %add3A_277 = arith.addi %rem3A_268, %select_n3A_267 : i32
      %select_n3A_278 = arith.select %and3A_276, %add3A_277, %rem3A_268 : i32
      %mul3A_279 = arith.constant 32 : i32
      %mul3A_280 = arith.muli %select_n3A_278, %mul3A_279 : i32
      %add3A_281 = arith.addi %mul3A_280, %add3A : i32
      %lt3A_282 = arith.constant 650 : i32
      %lt3A_283 = arith.cmpi slt, %add3A_238, %lt3A_282 : i32
      %convert_element_type3A_284 = arith.extui %lt3A_283 : i1 to i32
      %cond3A_285 = arith.constant 0 : i32
      %cond3A_286 = arith.cmpi ne, %convert_element_type3A_284, %cond3A_285 : i32
      scf.if %cond3A_286 {
        %dma_wait3A_548 = arith.constant 0 : i32
        %dma_wait3A_549 = arith.constant 0 : i32
        %dma_wait3A_550 = tpu.memref_slice %arg2[%select_n3A_262, %dma_wait3A_548, %dma_wait3A_549] : memref<26x16x100000xf32, #tpu.memory_space<hbm>> -> memref<1x16x128xf32, #tpu.memory_space<hbm>>
        %dma_wait3A_551 = tpu.memref_squeeze %dma_wait3A_550 : memref<1x16x128xf32, #tpu.memory_space<hbm>> -> memref<16x128xf32, #tpu.memory_space<hbm>>
        %dma_wait3A_552 = arith.constant 0 : i32
        %dma_wait3A_553 = arith.constant 0 : i32
        %dma_wait3A_554 = tpu.memref_slice %arg2[%select_n3A_262, %dma_wait3A_552, %dma_wait3A_553] : memref<26x16x100000xf32, #tpu.memory_space<hbm>> -> memref<1x16x128xf32, #tpu.memory_space<hbm>>
        %dma_wait3A_555 = tpu.memref_squeeze %dma_wait3A_554 : memref<1x16x128xf32, #tpu.memory_space<hbm>> -> memref<16x128xf32, #tpu.memory_space<hbm>>
        tpu.wait_dma2 semaphore(%arg23 : memref<!tpu.dma_semaphore, #tpu.memory_space<semaphore_mem>>) src(%dma_wait3A_555 : memref<16x128xf32, #tpu.memory_space<hbm>>) dst(%arg6 : memref<16x128xf32, #tpu.memory_space<vmem>>)
        %ge3A = arith.constant 8 : i32
        %ge3A_556 = arith.cmpi sge, %add3A_238, %ge3A : i32
        %convert_element_type3A_557 = arith.extui %ge3A_556 : i1 to i32
        %cond3A_558 = arith.constant 0 : i32
        %cond3A_559 = arith.cmpi ne, %convert_element_type3A_557, %cond3A_558 : i32
        scf.if %cond3A_559 {
          %dma_wait3A_584 = arith.constant 0 : i32
          %dma_wait3A_585 = tpu.memref_slice %arg3[%dma_wait3A_584] : memref<42598400xf32, #tpu.memory_space<hbm>> -> memref<2048xf32, #tpu.memory_space<hbm>>
          %dma_wait3A_586 = arith.constant 0 : i32
          %dma_wait3A_587 = tpu.memref_slice %arg3[%dma_wait3A_586] : memref<42598400xf32, #tpu.memory_space<hbm>> -> memref<2048xf32, #tpu.memory_space<hbm>>
          tpu.wait_dma2 semaphore(%arg31 : memref<!tpu.dma_semaphore, #tpu.memory_space<semaphore_mem>>) src(%arg14 : memref<2048xf32, #tpu.memory_space<vmem>>) dst(%dma_wait3A_587 : memref<2048xf32, #tpu.memory_space<hbm>>)
        } else {
        }
        %get3A = arith.constant 0 : index
        %get3A_560 = tpu.vector_load %arg20[%get3A] {strides = array<i32>} : memref<16xi32, #tpu.memory_space<vmem>>, vector<16xi32>,
        %scan3A_561 = arith.constant 0 : i32
        %scan3A_562 = arith.constant 0 : i32
        %scan3A_563 = arith.constant 8 : i32
        %scan3A_564 = arith.addi %scan3A_562, %scan3A_563 : i32
        %scan3A_565 = arith.constant 1 : i32
        %scan3A_566 = scf.for %scan3A_584 = %scan3A_562 to %scan3A_564 step %scan3A_565 iter_args(%scan3A_585 = %scan3A_561) -> (i32)  : i32 {
          %mul3A_586 = arith.constant 16 : i32
          %mul3A_587 = arith.muli %scan3A_584, %mul3A_586 : i32
          %broadcast_in_dim3A = vector.broadcast %mul3A_587 : i32 to vector<16xi32>
          %add3A_588 = arith.constant 0 : i32
          %add3A_589 = vector.broadcast %add3A_588 : i32 to vector<16xi32>
          %add3A_590 = arith.addi %get3A_560, %add3A_589 : vector<16xi32>
          %and3A_591 = arith.constant 15 : i32
          %and3A_592 = vector.broadcast %and3A_591 : i32 to vector<16xi32>
          %and3A_593 = arith.andi %add3A_590, %and3A_592 : vector<16xi32>
          %add3A_594 = arith.addi %broadcast_in_dim3A, %and3A_593 : vector<16xi32>
          %gather3A = tpu.vector_load_idx %arg6[%get3A_560, %add3A_594] : memref<16x128xf32, #tpu.memory_space<vmem>>[vector<16xi32>, vector<16xi32>], vector<16xf32>,
          %add3A_595 = arith.constant 1 : i32
          %add3A_596 = vector.broadcast %add3A_595 : i32 to vector<16xi32>
          %add3A_597 = arith.addi %get3A_560, %add3A_596 : vector<16xi32>
          %and3A_598 = arith.constant 15 : i32
          %and3A_599 = vector.broadcast %and3A_598 : i32 to vector<16xi32>
          %and3A_600 = arith.andi %add3A_597, %and3A_599 : vector<16xi32>
          %add3A_601 = arith.addi %broadcast_in_dim3A, %and3A_600 : vector<16xi32>
          %gather3A_602 = tpu.vector_load_idx %arg6[%get3A_560, %add3A_601] : memref<16x128xf32, #tpu.memory_space<vmem>>[vector<16xi32>, vector<16xi32>], vector<16xf32>,
          %add3A_603 = arith.constant 2 : i32
          %add3A_604 = vector.broadcast %add3A_603 : i32 to vector<16xi32>
          %add3A_605 = arith.addi %get3A_560, %add3A_604 : vector<16xi32>
          %and3A_606 = arith.constant 15 : i32
          %and3A_607 = vector.broadcast %and3A_606 : i32 to vector<16xi32>
          %and3A_608 = arith.andi %add3A_605, %and3A_607 : vector<16xi32>
          %add3A_609 = arith.addi %broadcast_in_dim3A, %and3A_608 : vector<16xi32>
          %gather3A_610 = tpu.vector_load_idx %arg6[%get3A_560, %add3A_609] : memref<16x128xf32, #tpu.memory_space<vmem>>[vector<16xi32>, vector<16xi32>], vector<16xf32>,
          %add3A_611 = arith.constant 3 : i32
          %add3A_612 = vector.broadcast %add3A_611 : i32 to vector<16xi32>
          %add3A_613 = arith.addi %get3A_560, %add3A_612 : vector<16xi32>
          %and3A_614 = arith.constant 15 : i32
          %and3A_615 = vector.broadcast %and3A_614 : i32 to vector<16xi32>
          %and3A_616 = arith.andi %add3A_613, %and3A_615 : vector<16xi32>
          %add3A_617 = arith.addi %broadcast_in_dim3A, %and3A_616 : vector<16xi32>
          %gather3A_618 = tpu.vector_load_idx %arg6[%get3A_560, %add3A_617] : memref<16x128xf32, #tpu.memory_space<vmem>>[vector<16xi32>, vector<16xi32>], vector<16xf32>,
          %add3A_619 = arith.constant 4 : i32
          %add3A_620 = vector.broadcast %add3A_619 : i32 to vector<16xi32>
          %add3A_621 = arith.addi %get3A_560, %add3A_620 : vector<16xi32>
          %and3A_622 = arith.constant 15 : i32
          %and3A_623 = vector.broadcast %and3A_622 : i32 to vector<16xi32>
          %and3A_624 = arith.andi %add3A_621, %and3A_623 : vector<16xi32>
          %add3A_625 = arith.addi %broadcast_in_dim3A, %and3A_624 : vector<16xi32>
          %gather3A_626 = tpu.vector_load_idx %arg6[%get3A_560, %add3A_625] : memref<16x128xf32, #tpu.memory_space<vmem>>[vector<16xi32>, vector<16xi32>], vector<16xf32>,
          %add3A_627 = arith.constant 5 : i32
          %add3A_628 = vector.broadcast %add3A_627 : i32 to vector<16xi32>
          %add3A_629 = arith.addi %get3A_560, %add3A_628 : vector<16xi32>
          %and3A_630 = arith.constant 15 : i32
          %and3A_631 = vector.broadcast %and3A_630 : i32 to vector<16xi32>
          %and3A_632 = arith.andi %add3A_629, %and3A_631 : vector<16xi32>
          %add3A_633 = arith.addi %broadcast_in_dim3A, %and3A_632 : vector<16xi32>
          %gather3A_634 = tpu.vector_load_idx %arg6[%get3A_560, %add3A_633] : memref<16x128xf32, #tpu.memory_space<vmem>>[vector<16xi32>, vector<16xi32>], vector<16xf32>,
          %add3A_635 = arith.constant 6 : i32
          %add3A_636 = vector.broadcast %add3A_635 : i32 to vector<16xi32>
          %add3A_637 = arith.addi %get3A_560, %add3A_636 : vector<16xi32>
          %and3A_638 = arith.constant 15 : i32
          %and3A_639 = vector.broadcast %and3A_638 : i32 to vector<16xi32>
          %and3A_640 = arith.andi %add3A_637, %and3A_639 : vector<16xi32>
          %add3A_641 = arith.addi %broadcast_in_dim3A, %and3A_640 : vector<16xi32>
          %gather3A_642 = tpu.vector_load_idx %arg6[%get3A_560, %add3A_641] : memref<16x128xf32, #tpu.memory_space<vmem>>[vector<16xi32>, vector<16xi32>], vector<16xf32>,
          %add3A_643 = arith.constant 7 : i32
          %add3A_644 = vector.broadcast %add3A_643 : i32 to vector<16xi32>
          %add3A_645 = arith.addi %get3A_560, %add3A_644 : vector<16xi32>
          %and3A_646 = arith.constant 15 : i32
          %and3A_647 = vector.broadcast %and3A_646 : i32 to vector<16xi32>
          %and3A_648 = arith.andi %add3A_645, %and3A_647 : vector<16xi32>
          %add3A_649 = arith.addi %broadcast_in_dim3A, %and3A_648 : vector<16xi32>
          %gather3A_650 = tpu.vector_load_idx %arg6[%get3A_560, %add3A_649] : memref<16x128xf32, #tpu.memory_space<vmem>>[vector<16xi32>, vector<16xi32>], vector<16xf32>,
          %add3A_651 = arith.constant 8 : i32
          %add3A_652 = vector.broadcast %add3A_651 : i32 to vector<16xi32>
          %add3A_653 = arith.addi %get3A_560, %add3A_652 : vector<16xi32>
          %and3A_654 = arith.constant 15 : i32
          %and3A_655 = vector.broadcast %and3A_654 : i32 to vector<16xi32>
          %and3A_656 = arith.andi %add3A_653, %and3A_655 : vector<16xi32>
          %add3A_657 = arith.addi %broadcast_in_dim3A, %and3A_656 : vector<16xi32>
          %gather3A_658 = tpu.vector_load_idx %arg6[%get3A_560, %add3A_657] : memref<16x128xf32, #tpu.memory_space<vmem>>[vector<16xi32>, vector<16xi32>], vector<16xf32>,
          %add3A_659 = arith.constant 9 : i32
          %add3A_660 = vector.broadcast %add3A_659 : i32 to vector<16xi32>
          %add3A_661 = arith.addi %get3A_560, %add3A_660 : vector<16xi32>
          %and3A_662 = arith.constant 15 : i32
          %and3A_663 = vector.broadcast %and3A_662 : i32 to vector<16xi32>
          %and3A_664 = arith.andi %add3A_661, %and3A_663 : vector<16xi32>
          %add3A_665 = arith.addi %broadcast_in_dim3A, %and3A_664 : vector<16xi32>
          %gather3A_666 = tpu.vector_load_idx %arg6[%get3A_560, %add3A_665] : memref<16x128xf32, #tpu.memory_space<vmem>>[vector<16xi32>, vector<16xi32>], vector<16xf32>,
          %add3A_667 = arith.constant 10 : i32
          %add3A_668 = vector.broadcast %add3A_667 : i32 to vector<16xi32>
          %add3A_669 = arith.addi %get3A_560, %add3A_668 : vector<16xi32>
          %and3A_670 = arith.constant 15 : i32
          %and3A_671 = vector.broadcast %and3A_670 : i32 to vector<16xi32>
          %and3A_672 = arith.andi %add3A_669, %and3A_671 : vector<16xi32>
          %add3A_673 = arith.addi %broadcast_in_dim3A, %and3A_672 : vector<16xi32>
          %gather3A_674 = tpu.vector_load_idx %arg6[%get3A_560, %add3A_673] : memref<16x128xf32, #tpu.memory_space<vmem>>[vector<16xi32>, vector<16xi32>], vector<16xf32>,
          %add3A_675 = arith.constant 11 : i32
          %add3A_676 = vector.broadcast %add3A_675 : i32 to vector<16xi32>
          %add3A_677 = arith.addi %get3A_560, %add3A_676 : vector<16xi32>
          %and3A_678 = arith.constant 15 : i32
          %and3A_679 = vector.broadcast %and3A_678 : i32 to vector<16xi32>
          %and3A_680 = arith.andi %add3A_677, %and3A_679 : vector<16xi32>
          %add3A_681 = arith.addi %broadcast_in_dim3A, %and3A_680 : vector<16xi32>
          %gather3A_682 = tpu.vector_load_idx %arg6[%get3A_560, %add3A_681] : memref<16x128xf32, #tpu.memory_space<vmem>>[vector<16xi32>, vector<16xi32>], vector<16xf32>,
          %add3A_683 = arith.constant 12 : i32
          %add3A_684 = vector.broadcast %add3A_683 : i32 to vector<16xi32>
          %add3A_685 = arith.addi %get3A_560, %add3A_684 : vector<16xi32>
          %and3A_686 = arith.constant 15 : i32
          %and3A_687 = vector.broadcast %and3A_686 : i32 to vector<16xi32>
          %and3A_688 = arith.andi %add3A_685, %and3A_687 : vector<16xi32>
          %add3A_689 = arith.addi %broadcast_in_dim3A, %and3A_688 : vector<16xi32>
          %gather3A_690 = tpu.vector_load_idx %arg6[%get3A_560, %add3A_689] : memref<16x128xf32, #tpu.memory_space<vmem>>[vector<16xi32>, vector<16xi32>], vector<16xf32>,
          %add3A_691 = arith.constant 13 : i32
          %add3A_692 = vector.broadcast %add3A_691 : i32 to vector<16xi32>
          %add3A_693 = arith.addi %get3A_560, %add3A_692 : vector<16xi32>
          %and3A_694 = arith.constant 15 : i32
          %and3A_695 = vector.broadcast %and3A_694 : i32 to vector<16xi32>
          %and3A_696 = arith.andi %add3A_693, %and3A_695 : vector<16xi32>
          %add3A_697 = arith.addi %broadcast_in_dim3A, %and3A_696 : vector<16xi32>
          %gather3A_698 = tpu.vector_load_idx %arg6[%get3A_560, %add3A_697] : memref<16x128xf32, #tpu.memory_space<vmem>>[vector<16xi32>, vector<16xi32>], vector<16xf32>,
          %add3A_699 = arith.constant 14 : i32
          %add3A_700 = vector.broadcast %add3A_699 : i32 to vector<16xi32>
          %add3A_701 = arith.addi %get3A_560, %add3A_700 : vector<16xi32>
          %and3A_702 = arith.constant 15 : i32
          %and3A_703 = vector.broadcast %and3A_702 : i32 to vector<16xi32>
          %and3A_704 = arith.andi %add3A_701, %and3A_703 : vector<16xi32>
          %add3A_705 = arith.addi %broadcast_in_dim3A, %and3A_704 : vector<16xi32>
          %gather3A_706 = tpu.vector_load_idx %arg6[%get3A_560, %add3A_705] : memref<16x128xf32, #tpu.memory_space<vmem>>[vector<16xi32>, vector<16xi32>], vector<16xf32>,
          %add3A_707 = arith.constant 15 : i32
          %add3A_708 = vector.broadcast %add3A_707 : i32 to vector<16xi32>
          %add3A_709 = arith.addi %get3A_560, %add3A_708 : vector<16xi32>
          %and3A_710 = arith.constant 15 : i32
          %and3A_711 = vector.broadcast %and3A_710 : i32 to vector<16xi32>
          %and3A_712 = arith.andi %add3A_709, %and3A_711 : vector<16xi32>
          %add3A_713 = arith.addi %broadcast_in_dim3A, %and3A_712 : vector<16xi32>
          %gather3A_714 = tpu.vector_load_idx %arg6[%get3A_560, %add3A_713] : memref<16x128xf32, #tpu.memory_space<vmem>>[vector<16xi32>, vector<16xi32>], vector<16xf32>,
          %shift_left3A = arith.constant 4 : i32
          %shift_left3A_715 = vector.broadcast %shift_left3A : i32 to vector<16xi32>
          %shift_left3A_716 = arith.shli %add3A_594, %shift_left3A_715 : vector<16xi32>
          %or3A = arith.ori %shift_left3A_716, %get3A_560 : vector<16xi32>
          tpu.vector_store_idx %arg14[%or3A], %gather3A : memref<2048xf32, #tpu.memory_space<vmem>>[vector<16xi32>], vector<16xf32>,
          %shift_left3A_717 = arith.constant 4 : i32
          %shift_left3A_718 = vector.broadcast %shift_left3A_717 : i32 to vector<16xi32>
          %shift_left3A_719 = arith.shli %add3A_601, %shift_left3A_718 : vector<16xi32>
          %or3A_720 = arith.ori %shift_left3A_719, %get3A_560 : vector<16xi32>
          tpu.vector_store_idx %arg14[%or3A_720], %gather3A_602 : memref<2048xf32, #tpu.memory_space<vmem>>[vector<16xi32>], vector<16xf32>,
          %shift_left3A_721 = arith.constant 4 : i32
          %shift_left3A_722 = vector.broadcast %shift_left3A_721 : i32 to vector<16xi32>
          %shift_left3A_723 = arith.shli %add3A_609, %shift_left3A_722 : vector<16xi32>
          %or3A_724 = arith.ori %shift_left3A_723, %get3A_560 : vector<16xi32>
          tpu.vector_store_idx %arg14[%or3A_724], %gather3A_610 : memref<2048xf32, #tpu.memory_space<vmem>>[vector<16xi32>], vector<16xf32>,
          %shift_left3A_725 = arith.constant 4 : i32
          %shift_left3A_726 = vector.broadcast %shift_left3A_725 : i32 to vector<16xi32>
          %shift_left3A_727 = arith.shli %add3A_617, %shift_left3A_726 : vector<16xi32>
          %or3A_728 = arith.ori %shift_left3A_727, %get3A_560 : vector<16xi32>
          tpu.vector_store_idx %arg14[%or3A_728], %gather3A_618 : memref<2048xf32, #tpu.memory_space<vmem>>[vector<16xi32>], vector<16xf32>,
          %shift_left3A_729 = arith.constant 4 : i32
          %shift_left3A_730 = vector.broadcast %shift_left3A_729 : i32 to vector<16xi32>
          %shift_left3A_731 = arith.shli %add3A_625, %shift_left3A_730 : vector<16xi32>
          %or3A_732 = arith.ori %shift_left3A_731, %get3A_560 : vector<16xi32>
          tpu.vector_store_idx %arg14[%or3A_732], %gather3A_626 : memref<2048xf32, #tpu.memory_space<vmem>>[vector<16xi32>], vector<16xf32>,
          %shift_left3A_733 = arith.constant 4 : i32
          %shift_left3A_734 = vector.broadcast %shift_left3A_733 : i32 to vector<16xi32>
          %shift_left3A_735 = arith.shli %add3A_633, %shift_left3A_734 : vector<16xi32>
          %or3A_736 = arith.ori %shift_left3A_735, %get3A_560 : vector<16xi32>
          tpu.vector_store_idx %arg14[%or3A_736], %gather3A_634 : memref<2048xf32, #tpu.memory_space<vmem>>[vector<16xi32>], vector<16xf32>,
          %shift_left3A_737 = arith.constant 4 : i32
          %shift_left3A_738 = vector.broadcast %shift_left3A_737 : i32 to vector<16xi32>
          %shift_left3A_739 = arith.shli %add3A_641, %shift_left3A_738 : vector<16xi32>
          %or3A_740 = arith.ori %shift_left3A_739, %get3A_560 : vector<16xi32>
          tpu.vector_store_idx %arg14[%or3A_740], %gather3A_642 : memref<2048xf32, #tpu.memory_space<vmem>>[vector<16xi32>], vector<16xf32>,
          %shift_left3A_741 = arith.constant 4 : i32
          %shift_left3A_742 = vector.broadcast %shift_left3A_741 : i32 to vector<16xi32>
          %shift_left3A_743 = arith.shli %add3A_649, %shift_left3A_742 : vector<16xi32>
          %or3A_744 = arith.ori %shift_left3A_743, %get3A_560 : vector<16xi32>
          tpu.vector_store_idx %arg14[%or3A_744], %gather3A_650 : memref<2048xf32, #tpu.memory_space<vmem>>[vector<16xi32>], vector<16xf32>,
          %shift_left3A_745 = arith.constant 4 : i32
          %shift_left3A_746 = vector.broadcast %shift_left3A_745 : i32 to vector<16xi32>
          %shift_left3A_747 = arith.shli %add3A_657, %shift_left3A_746 : vector<16xi32>
          %or3A_748 = arith.ori %shift_left3A_747, %get3A_560 : vector<16xi32>
          tpu.vector_store_idx %arg14[%or3A_748], %gather3A_658 : memref<2048xf32, #tpu.memory_space<vmem>>[vector<16xi32>], vector<16xf32>,
          %shift_left3A_749 = arith.constant 4 : i32
          %shift_left3A_750 = vector.broadcast %shift_left3A_749 : i32 to vector<16xi32>
          %shift_left3A_751 = arith.shli %add3A_665, %shift_left3A_750 : vector<16xi32>
          %or3A_752 = arith.ori %shift_left3A_751, %get3A_560 : vector<16xi32>
          tpu.vector_store_idx %arg14[%or3A_752], %gather3A_666 : memref<2048xf32, #tpu.memory_space<vmem>>[vector<16xi32>], vector<16xf32>,
          %shift_left3A_753 = arith.constant 4 : i32
          %shift_left3A_754 = vector.broadcast %shift_left3A_753 : i32 to vector<16xi32>
          %shift_left3A_755 = arith.shli %add3A_673, %shift_left3A_754 : vector<16xi32>
          %or3A_756 = arith.ori %shift_left3A_755, %get3A_560 : vector<16xi32>
          tpu.vector_store_idx %arg14[%or3A_756], %gather3A_674 : memref<2048xf32, #tpu.memory_space<vmem>>[vector<16xi32>], vector<16xf32>,
          %shift_left3A_757 = arith.constant 4 : i32
          %shift_left3A_758 = vector.broadcast %shift_left3A_757 : i32 to vector<16xi32>
          %shift_left3A_759 = arith.shli %add3A_681, %shift_left3A_758 : vector<16xi32>
          %or3A_760 = arith.ori %shift_left3A_759, %get3A_560 : vector<16xi32>
          tpu.vector_store_idx %arg14[%or3A_760], %gather3A_682 : memref<2048xf32, #tpu.memory_space<vmem>>[vector<16xi32>], vector<16xf32>,
          %shift_left3A_761 = arith.constant 4 : i32
          %shift_left3A_762 = vector.broadcast %shift_left3A_761 : i32 to vector<16xi32>
          %shift_left3A_763 = arith.shli %add3A_689, %shift_left3A_762 : vector<16xi32>
          %or3A_764 = arith.ori %shift_left3A_763, %get3A_560 : vector<16xi32>
          tpu.vector_store_idx %arg14[%or3A_764], %gather3A_690 : memref<2048xf32, #tpu.memory_space<vmem>>[vector<16xi32>], vector<16xf32>,
          %shift_left3A_765 = arith.constant 4 : i32
          %shift_left3A_766 = vector.broadcast %shift_left3A_765 : i32 to vector<16xi32>
          %shift_left3A_767 = arith.shli %add3A_697, %shift_left3A_766 : vector<16xi32>
          %or3A_768 = arith.ori %shift_left3A_767, %get3A_560 : vector<16xi32>
          tpu.vector_store_idx %arg14[%or3A_768], %gather3A_698 : memref<2048xf32, #tpu.memory_space<vmem>>[vector<16xi32>], vector<16xf32>,
          %shift_left3A_769 = arith.constant 4 : i32
          %shift_left3A_770 = vector.broadcast %shift_left3A_769 : i32 to vector<16xi32>
          %shift_left3A_771 = arith.shli %add3A_705, %shift_left3A_770 : vector<16xi32>
          %or3A_772 = arith.ori %shift_left3A_771, %get3A_560 : vector<16xi32>
          tpu.vector_store_idx %arg14[%or3A_772], %gather3A_706 : memref<2048xf32, #tpu.memory_space<vmem>>[vector<16xi32>], vector<16xf32>,
          %shift_left3A_773 = arith.constant 4 : i32
          %shift_left3A_774 = vector.broadcast %shift_left3A_773 : i32 to vector<16xi32>
          %shift_left3A_775 = arith.shli %add3A_713, %shift_left3A_774 : vector<16xi32>
          %or3A_776 = arith.ori %shift_left3A_775, %get3A_560 : vector<16xi32>
          tpu.vector_store_idx %arg14[%or3A_776], %gather3A_714 : memref<2048xf32, #tpu.memory_space<vmem>>[vector<16xi32>], vector<16xf32>,
          %scan3A_777 = arith.constant 0 : i32
          scf.yield %scan3A_777 : i32
        }
        %scan3A_567 = arith.constant 8 : i32
        %mul3A_568 = arith.constant 102400 : i32
        %mul3A_569 = arith.muli %select_n3A_262, %mul3A_568 : i32
        %mul3A_570 = arith.constant 128 : i32
        %mul3A_571 = arith.muli %add3A_281, %mul3A_570 : i32
        %add3A_572 = arith.addi %mul3A_569, %mul3A_571 : i32
        %mul3A_573 = arith.constant 16 : i32
        %mul3A_574 = arith.muli %add3A_572, %mul3A_573 : i32
        %dma_start3A_575 = tpu.memref_slice %arg3[%mul3A_574] : memref<42598400xf32, #tpu.memory_space<hbm>> -> memref<2048xf32, #tpu.memory_space<hbm>>
        %dma_start3A_576 = tpu.memref_slice %arg3[%mul3A_574] : memref<42598400xf32, #tpu.memory_space<hbm>> -> memref<2048xf32, #tpu.memory_space<hbm>>
        tpu.enqueue_dma source(%arg14 : memref<2048xf32, #tpu.memory_space<vmem>>) target(%dma_start3A_576 : memref<2048xf32, #tpu.memory_space<hbm>>) target_semaphore(%arg31 : memref<!tpu.dma_semaphore, #tpu.memory_space<semaphore_mem>>)
        %add3A_577 = arith.constant 8 : i32
        %add3A_578 = arith.addi %add3A_238, %add3A_577 : i32
        %lt3A_579 = arith.constant 650 : i32
        %lt3A_580 = arith.cmpi slt, %add3A_578, %lt3A_579 : i32
        %convert_element_type3A_581 = arith.extui %lt3A_580 : i1 to i32
        %cond3A_582 = arith.constant 0 : i32
        %cond3A_583 = arith.cmpi ne, %convert_element_type3A_581, %cond3A_582 : i32
        scf.if %cond3A_583 {
          %add3A_584 = arith.constant 8 : i32
          %add3A_585 = arith.addi %add3A_238, %add3A_584 : i32
          %jit3A_586 = arith.constant 25 : i32
          %div3A_587 = arith.divsi %add3A_585, %jit3A_586 : i32
          %sign3A_588 = arith.constant 0 : i32
          %sign3A_589 = arith.cmpi sgt, %add3A_585, %sign3A_588 : i32
          %sign3A_590 = arith.extui %sign3A_589 : i1 to i32
          %sign3A_591 = arith.constant 0 : i32
          %sign3A_592 = arith.cmpi slt, %add3A_585, %sign3A_591 : i32
          %sign3A_593 = arith.extui %sign3A_592 : i1 to i32
          %sign3A_594 = arith.subi %sign3A_590, %sign3A_593 : i32
          %sign3A_595 = arith.constant 0 : i32
          %sign3A_596 = arith.cmpi sgt, %jit3A_586, %sign3A_595 : i32
          %sign3A_597 = arith.extui %sign3A_596 : i1 to i32
          %sign3A_598 = arith.constant 0 : i32
          %sign3A_599 = arith.cmpi slt, %jit3A_586, %sign3A_598 : i32
          %sign3A_600 = arith.extui %sign3A_599 : i1 to i32
          %sign3A_601 = arith.subi %sign3A_597, %sign3A_600 : i32
          %ne3A_602 = arith.cmpi ne, %sign3A_594, %sign3A_601 : i32
          %rem3A_603 = arith.remsi %add3A_585, %jit3A_586 : i32
          %ne3A_604 = arith.constant 0 : i32
          %ne3A_605 = arith.cmpi ne, %rem3A_603, %ne3A_604 : i32
          %and3A_606 = arith.andi %ne3A_602, %ne3A_605 : i1
          %sub3A_607 = arith.constant 1 : i32
          %sub3A_608 = arith.subi %div3A_587, %sub3A_607 : i32
          %select_n3A_609 = arith.select %and3A_606, %sub3A_608, %div3A_587 : i32
          %jit3A_610 = arith.constant 25 : i32
          %eq3A_611 = arith.constant 0 : i32
          %eq3A_612 = arith.cmpi eq, %jit3A_610, %eq3A_611 : i32
          %jit3A_613 = arith.constant 1 : i32
          %select_n3A_614 = arith.select %eq3A_612, %jit3A_613, %jit3A_610 : i32
          %rem3A_615 = arith.remsi %add3A_585, %select_n3A_614 : i32
          %ne3A_616 = arith.constant 0 : i32
          %ne3A_617 = arith.cmpi ne, %rem3A_615, %ne3A_616 : i32
          %lt3A_618 = arith.constant 0 : i32
          %lt3A_619 = arith.cmpi slt, %rem3A_615, %lt3A_618 : i32
          %lt3A_620 = arith.constant 0 : i32
          %lt3A_621 = arith.cmpi slt, %select_n3A_614, %lt3A_620 : i32
          %ne3A_622 = arith.xori %lt3A_619, %lt3A_621 : i1
          %and3A_623 = arith.andi %ne3A_622, %ne3A_617 : i1
          %add3A_624 = arith.addi %rem3A_615, %select_n3A_614 : i32
          %select_n3A_625 = arith.select %and3A_623, %add3A_624, %rem3A_615 : i32
          %mul3A_626 = arith.constant 32 : i32
          %mul3A_627 = arith.muli %select_n3A_625, %mul3A_626 : i32
          %add3A_628 = arith.addi %mul3A_627, %add3A : i32
          %min3A_629 = arith.constant 781 : i32
          %min3A_630 = arith.minsi %add3A_628, %min3A_629 : i32
          %mul3A_631 = arith.constant 128 : i32
          %mul3A_632 = arith.muli %min3A_630, %mul3A_631 : i32
          %dma_start3A_633 = arith.constant 0 : i32
          %dma_start3A_634 = tpu.memref_slice %arg2[%select_n3A_609, %dma_start3A_633, %mul3A_632] : memref<26x16x100000xf32, #tpu.memory_space<hbm>> -> memref<1x16x128xf32, #tpu.memory_space<hbm>>
          %dma_start3A_635 = tpu.memref_squeeze %dma_start3A_634 : memref<1x16x128xf32, #tpu.memory_space<hbm>> -> memref<16x128xf32, #tpu.memory_space<hbm>>
          %dma_start3A_636 = arith.constant 0 : i32
          %dma_start3A_637 = tpu.memref_slice %arg2[%select_n3A_609, %dma_start3A_636, %mul3A_632] : memref<26x16x100000xf32, #tpu.memory_space<hbm>> -> memref<1x16x128xf32, #tpu.memory_space<hbm>>
          %dma_start3A_638 = tpu.memref_squeeze %dma_start3A_637 : memref<1x16x128xf32, #tpu.memory_space<hbm>> -> memref<16x128xf32, #tpu.memory_space<hbm>>
          tpu.enqueue_dma source(%dma_start3A_638 : memref<16x128xf32, #tpu.memory_space<hbm>>) target(%arg6 : memref<16x128xf32, #tpu.memory_space<vmem>>) target_semaphore(%arg23 : memref<!tpu.dma_semaphore, #tpu.memory_space<semaphore_mem>>)
        } else {
        }
      } else {
      }
      %mul3A_287 = arith.constant 8 : i32
      %mul3A_288 = arith.muli %scan3A_141, %mul3A_287 : i32
      %add3A_289 = arith.constant 3 : i32
      %add3A_290 = arith.addi %mul3A_288, %add3A_289 : i32
      %jit3A_291 = arith.constant 25 : i32
      %div3A_292 = arith.divsi %add3A_290, %jit3A_291 : i32
      %sign3A_293 = arith.constant 0 : i32
      %sign3A_294 = arith.cmpi sgt, %add3A_290, %sign3A_293 : i32
      %sign3A_295 = arith.extui %sign3A_294 : i1 to i32
      %sign3A_296 = arith.constant 0 : i32
      %sign3A_297 = arith.cmpi slt, %add3A_290, %sign3A_296 : i32
      %sign3A_298 = arith.extui %sign3A_297 : i1 to i32
      %sign3A_299 = arith.subi %sign3A_295, %sign3A_298 : i32
      %sign3A_300 = arith.constant 0 : i32
      %sign3A_301 = arith.cmpi sgt, %jit3A_291, %sign3A_300 : i32
      %sign3A_302 = arith.extui %sign3A_301 : i1 to i32
      %sign3A_303 = arith.constant 0 : i32
      %sign3A_304 = arith.cmpi slt, %jit3A_291, %sign3A_303 : i32
      %sign3A_305 = arith.extui %sign3A_304 : i1 to i32
      %sign3A_306 = arith.subi %sign3A_302, %sign3A_305 : i32
      %ne3A_307 = arith.cmpi ne, %sign3A_299, %sign3A_306 : i32
      %rem3A_308 = arith.remsi %add3A_290, %jit3A_291 : i32
      %ne3A_309 = arith.constant 0 : i32
      %ne3A_310 = arith.cmpi ne, %rem3A_308, %ne3A_309 : i32
      %and3A_311 = arith.andi %ne3A_307, %ne3A_310 : i1
      %sub3A_312 = arith.constant 1 : i32
      %sub3A_313 = arith.subi %div3A_292, %sub3A_312 : i32
      %select_n3A_314 = arith.select %and3A_311, %sub3A_313, %div3A_292 : i32
      %jit3A_315 = arith.constant 25 : i32
      %eq3A_316 = arith.constant 0 : i32
      %eq3A_317 = arith.cmpi eq, %jit3A_315, %eq3A_316 : i32
      %jit3A_318 = arith.constant 1 : i32
      %select_n3A_319 = arith.select %eq3A_317, %jit3A_318, %jit3A_315 : i32
      %rem3A_320 = arith.remsi %add3A_290, %select_n3A_319 : i32
      %ne3A_321 = arith.constant 0 : i32
      %ne3A_322 = arith.cmpi ne, %rem3A_320, %ne3A_321 : i32
      %lt3A_323 = arith.constant 0 : i32
      %lt3A_324 = arith.cmpi slt, %rem3A_320, %lt3A_323 : i32
      %lt3A_325 = arith.constant 0 : i32
      %lt3A_326 = arith.cmpi slt, %select_n3A_319, %lt3A_325 : i32
      %ne3A_327 = arith.xori %lt3A_324, %lt3A_326 : i1
      %and3A_328 = arith.andi %ne3A_327, %ne3A_322 : i1
      %add3A_329 = arith.addi %rem3A_320, %select_n3A_319 : i32
      %select_n3A_330 = arith.select %and3A_328, %add3A_329, %rem3A_320 : i32
      %mul3A_331 = arith.constant 32 : i32
      %mul3A_332 = arith.muli %select_n3A_330, %mul3A_331 : i32
      %add3A_333 = arith.addi %mul3A_332, %add3A : i32
      %lt3A_334 = arith.constant 650 : i32
      %lt3A_335 = arith.cmpi slt, %add3A_290, %lt3A_334 : i32
      %convert_element_type3A_336 = arith.extui %lt3A_335 : i1 to i32
      %cond3A_337 = arith.constant 0 : i32
      %cond3A_338 = arith.cmpi ne, %convert_element_type3A_336, %cond3A_337 : i32
      scf.if %cond3A_338 {
        %dma_wait3A_548 = arith.constant 0 : i32
        %dma_wait3A_549 = arith.constant 0 : i32
        %dma_wait3A_550 = tpu.memref_slice %arg2[%select_n3A_314, %dma_wait3A_548, %dma_wait3A_549] : memref<26x16x100000xf32, #tpu.memory_space<hbm>> -> memref<1x16x128xf32, #tpu.memory_space<hbm>>
        %dma_wait3A_551 = tpu.memref_squeeze %dma_wait3A_550 : memref<1x16x128xf32, #tpu.memory_space<hbm>> -> memref<16x128xf32, #tpu.memory_space<hbm>>
        %dma_wait3A_552 = arith.constant 0 : i32
        %dma_wait3A_553 = arith.constant 0 : i32
        %dma_wait3A_554 = tpu.memref_slice %arg2[%select_n3A_314, %dma_wait3A_552, %dma_wait3A_553] : memref<26x16x100000xf32, #tpu.memory_space<hbm>> -> memref<1x16x128xf32, #tpu.memory_space<hbm>>
        %dma_wait3A_555 = tpu.memref_squeeze %dma_wait3A_554 : memref<1x16x128xf32, #tpu.memory_space<hbm>> -> memref<16x128xf32, #tpu.memory_space<hbm>>
        tpu.wait_dma2 semaphore(%arg24 : memref<!tpu.dma_semaphore, #tpu.memory_space<semaphore_mem>>) src(%dma_wait3A_555 : memref<16x128xf32, #tpu.memory_space<hbm>>) dst(%arg7 : memref<16x128xf32, #tpu.memory_space<vmem>>)
        %ge3A = arith.constant 8 : i32
        %ge3A_556 = arith.cmpi sge, %add3A_290, %ge3A : i32
        %convert_element_type3A_557 = arith.extui %ge3A_556 : i1 to i32
        %cond3A_558 = arith.constant 0 : i32
        %cond3A_559 = arith.cmpi ne, %convert_element_type3A_557, %cond3A_558 : i32
        scf.if %cond3A_559 {
          %dma_wait3A_584 = arith.constant 0 : i32
          %dma_wait3A_585 = tpu.memref_slice %arg3[%dma_wait3A_584] : memref<42598400xf32, #tpu.memory_space<hbm>> -> memref<2048xf32, #tpu.memory_space<hbm>>
          %dma_wait3A_586 = arith.constant 0 : i32
          %dma_wait3A_587 = tpu.memref_slice %arg3[%dma_wait3A_586] : memref<42598400xf32, #tpu.memory_space<hbm>> -> memref<2048xf32, #tpu.memory_space<hbm>>
          tpu.wait_dma2 semaphore(%arg32 : memref<!tpu.dma_semaphore, #tpu.memory_space<semaphore_mem>>) src(%arg15 : memref<2048xf32, #tpu.memory_space<vmem>>) dst(%dma_wait3A_587 : memref<2048xf32, #tpu.memory_space<hbm>>)
        } else {
        }
        %get3A = arith.constant 0 : index
        %get3A_560 = tpu.vector_load %arg20[%get3A] {strides = array<i32>} : memref<16xi32, #tpu.memory_space<vmem>>, vector<16xi32>,
        %scan3A_561 = arith.constant 0 : i32
        %scan3A_562 = arith.constant 0 : i32
        %scan3A_563 = arith.constant 8 : i32
        %scan3A_564 = arith.addi %scan3A_562, %scan3A_563 : i32
        %scan3A_565 = arith.constant 1 : i32
        %scan3A_566 = scf.for %scan3A_584 = %scan3A_562 to %scan3A_564 step %scan3A_565 iter_args(%scan3A_585 = %scan3A_561) -> (i32)  : i32 {
          %mul3A_586 = arith.constant 16 : i32
          %mul3A_587 = arith.muli %scan3A_584, %mul3A_586 : i32
          %broadcast_in_dim3A = vector.broadcast %mul3A_587 : i32 to vector<16xi32>
          %add3A_588 = arith.constant 0 : i32
          %add3A_589 = vector.broadcast %add3A_588 : i32 to vector<16xi32>
          %add3A_590 = arith.addi %get3A_560, %add3A_589 : vector<16xi32>
          %and3A_591 = arith.constant 15 : i32
          %and3A_592 = vector.broadcast %and3A_591 : i32 to vector<16xi32>
          %and3A_593 = arith.andi %add3A_590, %and3A_592 : vector<16xi32>
          %add3A_594 = arith.addi %broadcast_in_dim3A, %and3A_593 : vector<16xi32>
          %gather3A = tpu.vector_load_idx %arg7[%get3A_560, %add3A_594] : memref<16x128xf32, #tpu.memory_space<vmem>>[vector<16xi32>, vector<16xi32>], vector<16xf32>,
          %add3A_595 = arith.constant 1 : i32
          %add3A_596 = vector.broadcast %add3A_595 : i32 to vector<16xi32>
          %add3A_597 = arith.addi %get3A_560, %add3A_596 : vector<16xi32>
          %and3A_598 = arith.constant 15 : i32
          %and3A_599 = vector.broadcast %and3A_598 : i32 to vector<16xi32>
          %and3A_600 = arith.andi %add3A_597, %and3A_599 : vector<16xi32>
          %add3A_601 = arith.addi %broadcast_in_dim3A, %and3A_600 : vector<16xi32>
          %gather3A_602 = tpu.vector_load_idx %arg7[%get3A_560, %add3A_601] : memref<16x128xf32, #tpu.memory_space<vmem>>[vector<16xi32>, vector<16xi32>], vector<16xf32>,
          %add3A_603 = arith.constant 2 : i32
          %add3A_604 = vector.broadcast %add3A_603 : i32 to vector<16xi32>
          %add3A_605 = arith.addi %get3A_560, %add3A_604 : vector<16xi32>
          %and3A_606 = arith.constant 15 : i32
          %and3A_607 = vector.broadcast %and3A_606 : i32 to vector<16xi32>
          %and3A_608 = arith.andi %add3A_605, %and3A_607 : vector<16xi32>
          %add3A_609 = arith.addi %broadcast_in_dim3A, %and3A_608 : vector<16xi32>
          %gather3A_610 = tpu.vector_load_idx %arg7[%get3A_560, %add3A_609] : memref<16x128xf32, #tpu.memory_space<vmem>>[vector<16xi32>, vector<16xi32>], vector<16xf32>,
          %add3A_611 = arith.constant 3 : i32
          %add3A_612 = vector.broadcast %add3A_611 : i32 to vector<16xi32>
          %add3A_613 = arith.addi %get3A_560, %add3A_612 : vector<16xi32>
          %and3A_614 = arith.constant 15 : i32
          %and3A_615 = vector.broadcast %and3A_614 : i32 to vector<16xi32>
          %and3A_616 = arith.andi %add3A_613, %and3A_615 : vector<16xi32>
          %add3A_617 = arith.addi %broadcast_in_dim3A, %and3A_616 : vector<16xi32>
          %gather3A_618 = tpu.vector_load_idx %arg7[%get3A_560, %add3A_617] : memref<16x128xf32, #tpu.memory_space<vmem>>[vector<16xi32>, vector<16xi32>], vector<16xf32>,
          %add3A_619 = arith.constant 4 : i32
          %add3A_620 = vector.broadcast %add3A_619 : i32 to vector<16xi32>
          %add3A_621 = arith.addi %get3A_560, %add3A_620 : vector<16xi32>
          %and3A_622 = arith.constant 15 : i32
          %and3A_623 = vector.broadcast %and3A_622 : i32 to vector<16xi32>
          %and3A_624 = arith.andi %add3A_621, %and3A_623 : vector<16xi32>
          %add3A_625 = arith.addi %broadcast_in_dim3A, %and3A_624 : vector<16xi32>
          %gather3A_626 = tpu.vector_load_idx %arg7[%get3A_560, %add3A_625] : memref<16x128xf32, #tpu.memory_space<vmem>>[vector<16xi32>, vector<16xi32>], vector<16xf32>,
          %add3A_627 = arith.constant 5 : i32
          %add3A_628 = vector.broadcast %add3A_627 : i32 to vector<16xi32>
          %add3A_629 = arith.addi %get3A_560, %add3A_628 : vector<16xi32>
          %and3A_630 = arith.constant 15 : i32
          %and3A_631 = vector.broadcast %and3A_630 : i32 to vector<16xi32>
          %and3A_632 = arith.andi %add3A_629, %and3A_631 : vector<16xi32>
          %add3A_633 = arith.addi %broadcast_in_dim3A, %and3A_632 : vector<16xi32>
          %gather3A_634 = tpu.vector_load_idx %arg7[%get3A_560, %add3A_633] : memref<16x128xf32, #tpu.memory_space<vmem>>[vector<16xi32>, vector<16xi32>], vector<16xf32>,
          %add3A_635 = arith.constant 6 : i32
          %add3A_636 = vector.broadcast %add3A_635 : i32 to vector<16xi32>
          %add3A_637 = arith.addi %get3A_560, %add3A_636 : vector<16xi32>
          %and3A_638 = arith.constant 15 : i32
          %and3A_639 = vector.broadcast %and3A_638 : i32 to vector<16xi32>
          %and3A_640 = arith.andi %add3A_637, %and3A_639 : vector<16xi32>
          %add3A_641 = arith.addi %broadcast_in_dim3A, %and3A_640 : vector<16xi32>
          %gather3A_642 = tpu.vector_load_idx %arg7[%get3A_560, %add3A_641] : memref<16x128xf32, #tpu.memory_space<vmem>>[vector<16xi32>, vector<16xi32>], vector<16xf32>,
          %add3A_643 = arith.constant 7 : i32
          %add3A_644 = vector.broadcast %add3A_643 : i32 to vector<16xi32>
          %add3A_645 = arith.addi %get3A_560, %add3A_644 : vector<16xi32>
          %and3A_646 = arith.constant 15 : i32
          %and3A_647 = vector.broadcast %and3A_646 : i32 to vector<16xi32>
          %and3A_648 = arith.andi %add3A_645, %and3A_647 : vector<16xi32>
          %add3A_649 = arith.addi %broadcast_in_dim3A, %and3A_648 : vector<16xi32>
          %gather3A_650 = tpu.vector_load_idx %arg7[%get3A_560, %add3A_649] : memref<16x128xf32, #tpu.memory_space<vmem>>[vector<16xi32>, vector<16xi32>], vector<16xf32>,
          %add3A_651 = arith.constant 8 : i32
          %add3A_652 = vector.broadcast %add3A_651 : i32 to vector<16xi32>
          %add3A_653 = arith.addi %get3A_560, %add3A_652 : vector<16xi32>
          %and3A_654 = arith.constant 15 : i32
          %and3A_655 = vector.broadcast %and3A_654 : i32 to vector<16xi32>
          %and3A_656 = arith.andi %add3A_653, %and3A_655 : vector<16xi32>
          %add3A_657 = arith.addi %broadcast_in_dim3A, %and3A_656 : vector<16xi32>
          %gather3A_658 = tpu.vector_load_idx %arg7[%get3A_560, %add3A_657] : memref<16x128xf32, #tpu.memory_space<vmem>>[vector<16xi32>, vector<16xi32>], vector<16xf32>,
          %add3A_659 = arith.constant 9 : i32
          %add3A_660 = vector.broadcast %add3A_659 : i32 to vector<16xi32>
          %add3A_661 = arith.addi %get3A_560, %add3A_660 : vector<16xi32>
          %and3A_662 = arith.constant 15 : i32
          %and3A_663 = vector.broadcast %and3A_662 : i32 to vector<16xi32>
          %and3A_664 = arith.andi %add3A_661, %and3A_663 : vector<16xi32>
          %add3A_665 = arith.addi %broadcast_in_dim3A, %and3A_664 : vector<16xi32>
          %gather3A_666 = tpu.vector_load_idx %arg7[%get3A_560, %add3A_665] : memref<16x128xf32, #tpu.memory_space<vmem>>[vector<16xi32>, vector<16xi32>], vector<16xf32>,
          %add3A_667 = arith.constant 10 : i32
          %add3A_668 = vector.broadcast %add3A_667 : i32 to vector<16xi32>
          %add3A_669 = arith.addi %get3A_560, %add3A_668 : vector<16xi32>
          %and3A_670 = arith.constant 15 : i32
          %and3A_671 = vector.broadcast %and3A_670 : i32 to vector<16xi32>
          %and3A_672 = arith.andi %add3A_669, %and3A_671 : vector<16xi32>
          %add3A_673 = arith.addi %broadcast_in_dim3A, %and3A_672 : vector<16xi32>
          %gather3A_674 = tpu.vector_load_idx %arg7[%get3A_560, %add3A_673] : memref<16x128xf32, #tpu.memory_space<vmem>>[vector<16xi32>, vector<16xi32>], vector<16xf32>,
          %add3A_675 = arith.constant 11 : i32
          %add3A_676 = vector.broadcast %add3A_675 : i32 to vector<16xi32>
          %add3A_677 = arith.addi %get3A_560, %add3A_676 : vector<16xi32>
          %and3A_678 = arith.constant 15 : i32
          %and3A_679 = vector.broadcast %and3A_678 : i32 to vector<16xi32>
          %and3A_680 = arith.andi %add3A_677, %and3A_679 : vector<16xi32>
          %add3A_681 = arith.addi %broadcast_in_dim3A, %and3A_680 : vector<16xi32>
          %gather3A_682 = tpu.vector_load_idx %arg7[%get3A_560, %add3A_681] : memref<16x128xf32, #tpu.memory_space<vmem>>[vector<16xi32>, vector<16xi32>], vector<16xf32>,
          %add3A_683 = arith.constant 12 : i32
          %add3A_684 = vector.broadcast %add3A_683 : i32 to vector<16xi32>
          %add3A_685 = arith.addi %get3A_560, %add3A_684 : vector<16xi32>
          %and3A_686 = arith.constant 15 : i32
          %and3A_687 = vector.broadcast %and3A_686 : i32 to vector<16xi32>
          %and3A_688 = arith.andi %add3A_685, %and3A_687 : vector<16xi32>
          %add3A_689 = arith.addi %broadcast_in_dim3A, %and3A_688 : vector<16xi32>
          %gather3A_690 = tpu.vector_load_idx %arg7[%get3A_560, %add3A_689] : memref<16x128xf32, #tpu.memory_space<vmem>>[vector<16xi32>, vector<16xi32>], vector<16xf32>,
          %add3A_691 = arith.constant 13 : i32
          %add3A_692 = vector.broadcast %add3A_691 : i32 to vector<16xi32>
          %add3A_693 = arith.addi %get3A_560, %add3A_692 : vector<16xi32>
          %and3A_694 = arith.constant 15 : i32
          %and3A_695 = vector.broadcast %and3A_694 : i32 to vector<16xi32>
          %and3A_696 = arith.andi %add3A_693, %and3A_695 : vector<16xi32>
          %add3A_697 = arith.addi %broadcast_in_dim3A, %and3A_696 : vector<16xi32>
          %gather3A_698 = tpu.vector_load_idx %arg7[%get3A_560, %add3A_697] : memref<16x128xf32, #tpu.memory_space<vmem>>[vector<16xi32>, vector<16xi32>], vector<16xf32>,
          %add3A_699 = arith.constant 14 : i32
          %add3A_700 = vector.broadcast %add3A_699 : i32 to vector<16xi32>
          %add3A_701 = arith.addi %get3A_560, %add3A_700 : vector<16xi32>
          %and3A_702 = arith.constant 15 : i32
          %and3A_703 = vector.broadcast %and3A_702 : i32 to vector<16xi32>
          %and3A_704 = arith.andi %add3A_701, %and3A_703 : vector<16xi32>
          %add3A_705 = arith.addi %broadcast_in_dim3A, %and3A_704 : vector<16xi32>
          %gather3A_706 = tpu.vector_load_idx %arg7[%get3A_560, %add3A_705] : memref<16x128xf32, #tpu.memory_space<vmem>>[vector<16xi32>, vector<16xi32>], vector<16xf32>,
          %add3A_707 = arith.constant 15 : i32
          %add3A_708 = vector.broadcast %add3A_707 : i32 to vector<16xi32>
          %add3A_709 = arith.addi %get3A_560, %add3A_708 : vector<16xi32>
          %and3A_710 = arith.constant 15 : i32
          %and3A_711 = vector.broadcast %and3A_710 : i32 to vector<16xi32>
          %and3A_712 = arith.andi %add3A_709, %and3A_711 : vector<16xi32>
          %add3A_713 = arith.addi %broadcast_in_dim3A, %and3A_712 : vector<16xi32>
          %gather3A_714 = tpu.vector_load_idx %arg7[%get3A_560, %add3A_713] : memref<16x128xf32, #tpu.memory_space<vmem>>[vector<16xi32>, vector<16xi32>], vector<16xf32>,
          %shift_left3A = arith.constant 4 : i32
          %shift_left3A_715 = vector.broadcast %shift_left3A : i32 to vector<16xi32>
          %shift_left3A_716 = arith.shli %add3A_594, %shift_left3A_715 : vector<16xi32>
          %or3A = arith.ori %shift_left3A_716, %get3A_560 : vector<16xi32>
          tpu.vector_store_idx %arg15[%or3A], %gather3A : memref<2048xf32, #tpu.memory_space<vmem>>[vector<16xi32>], vector<16xf32>,
          %shift_left3A_717 = arith.constant 4 : i32
          %shift_left3A_718 = vector.broadcast %shift_left3A_717 : i32 to vector<16xi32>
          %shift_left3A_719 = arith.shli %add3A_601, %shift_left3A_718 : vector<16xi32>
          %or3A_720 = arith.ori %shift_left3A_719, %get3A_560 : vector<16xi32>
          tpu.vector_store_idx %arg15[%or3A_720], %gather3A_602 : memref<2048xf32, #tpu.memory_space<vmem>>[vector<16xi32>], vector<16xf32>,
          %shift_left3A_721 = arith.constant 4 : i32
          %shift_left3A_722 = vector.broadcast %shift_left3A_721 : i32 to vector<16xi32>
          %shift_left3A_723 = arith.shli %add3A_609, %shift_left3A_722 : vector<16xi32>
          %or3A_724 = arith.ori %shift_left3A_723, %get3A_560 : vector<16xi32>
          tpu.vector_store_idx %arg15[%or3A_724], %gather3A_610 : memref<2048xf32, #tpu.memory_space<vmem>>[vector<16xi32>], vector<16xf32>,
          %shift_left3A_725 = arith.constant 4 : i32
          %shift_left3A_726 = vector.broadcast %shift_left3A_725 : i32 to vector<16xi32>
          %shift_left3A_727 = arith.shli %add3A_617, %shift_left3A_726 : vector<16xi32>
          %or3A_728 = arith.ori %shift_left3A_727, %get3A_560 : vector<16xi32>
          tpu.vector_store_idx %arg15[%or3A_728], %gather3A_618 : memref<2048xf32, #tpu.memory_space<vmem>>[vector<16xi32>], vector<16xf32>,
          %shift_left3A_729 = arith.constant 4 : i32
          %shift_left3A_730 = vector.broadcast %shift_left3A_729 : i32 to vector<16xi32>
          %shift_left3A_731 = arith.shli %add3A_625, %shift_left3A_730 : vector<16xi32>
          %or3A_732 = arith.ori %shift_left3A_731, %get3A_560 : vector<16xi32>
          tpu.vector_store_idx %arg15[%or3A_732], %gather3A_626 : memref<2048xf32, #tpu.memory_space<vmem>>[vector<16xi32>], vector<16xf32>,
          %shift_left3A_733 = arith.constant 4 : i32
          %shift_left3A_734 = vector.broadcast %shift_left3A_733 : i32 to vector<16xi32>
          %shift_left3A_735 = arith.shli %add3A_633, %shift_left3A_734 : vector<16xi32>
          %or3A_736 = arith.ori %shift_left3A_735, %get3A_560 : vector<16xi32>
          tpu.vector_store_idx %arg15[%or3A_736], %gather3A_634 : memref<2048xf32, #tpu.memory_space<vmem>>[vector<16xi32>], vector<16xf32>,
          %shift_left3A_737 = arith.constant 4 : i32
          %shift_left3A_738 = vector.broadcast %shift_left3A_737 : i32 to vector<16xi32>
          %shift_left3A_739 = arith.shli %add3A_641, %shift_left3A_738 : vector<16xi32>
          %or3A_740 = arith.ori %shift_left3A_739, %get3A_560 : vector<16xi32>
          tpu.vector_store_idx %arg15[%or3A_740], %gather3A_642 : memref<2048xf32, #tpu.memory_space<vmem>>[vector<16xi32>], vector<16xf32>,
          %shift_left3A_741 = arith.constant 4 : i32
          %shift_left3A_742 = vector.broadcast %shift_left3A_741 : i32 to vector<16xi32>
          %shift_left3A_743 = arith.shli %add3A_649, %shift_left3A_742 : vector<16xi32>
          %or3A_744 = arith.ori %shift_left3A_743, %get3A_560 : vector<16xi32>
          tpu.vector_store_idx %arg15[%or3A_744], %gather3A_650 : memref<2048xf32, #tpu.memory_space<vmem>>[vector<16xi32>], vector<16xf32>,
          %shift_left3A_745 = arith.constant 4 : i32
          %shift_left3A_746 = vector.broadcast %shift_left3A_745 : i32 to vector<16xi32>
          %shift_left3A_747 = arith.shli %add3A_657, %shift_left3A_746 : vector<16xi32>
          %or3A_748 = arith.ori %shift_left3A_747, %get3A_560 : vector<16xi32>
          tpu.vector_store_idx %arg15[%or3A_748], %gather3A_658 : memref<2048xf32, #tpu.memory_space<vmem>>[vector<16xi32>], vector<16xf32>,
          %shift_left3A_749 = arith.constant 4 : i32
          %shift_left3A_750 = vector.broadcast %shift_left3A_749 : i32 to vector<16xi32>
          %shift_left3A_751 = arith.shli %add3A_665, %shift_left3A_750 : vector<16xi32>
          %or3A_752 = arith.ori %shift_left3A_751, %get3A_560 : vector<16xi32>
          tpu.vector_store_idx %arg15[%or3A_752], %gather3A_666 : memref<2048xf32, #tpu.memory_space<vmem>>[vector<16xi32>], vector<16xf32>,
          %shift_left3A_753 = arith.constant 4 : i32
          %shift_left3A_754 = vector.broadcast %shift_left3A_753 : i32 to vector<16xi32>
          %shift_left3A_755 = arith.shli %add3A_673, %shift_left3A_754 : vector<16xi32>
          %or3A_756 = arith.ori %shift_left3A_755, %get3A_560 : vector<16xi32>
          tpu.vector_store_idx %arg15[%or3A_756], %gather3A_674 : memref<2048xf32, #tpu.memory_space<vmem>>[vector<16xi32>], vector<16xf32>,
          %shift_left3A_757 = arith.constant 4 : i32
          %shift_left3A_758 = vector.broadcast %shift_left3A_757 : i32 to vector<16xi32>
          %shift_left3A_759 = arith.shli %add3A_681, %shift_left3A_758 : vector<16xi32>
          %or3A_760 = arith.ori %shift_left3A_759, %get3A_560 : vector<16xi32>
          tpu.vector_store_idx %arg15[%or3A_760], %gather3A_682 : memref<2048xf32, #tpu.memory_space<vmem>>[vector<16xi32>], vector<16xf32>,
          %shift_left3A_761 = arith.constant 4 : i32
          %shift_left3A_762 = vector.broadcast %shift_left3A_761 : i32 to vector<16xi32>
          %shift_left3A_763 = arith.shli %add3A_689, %shift_left3A_762 : vector<16xi32>
          %or3A_764 = arith.ori %shift_left3A_763, %get3A_560 : vector<16xi32>
          tpu.vector_store_idx %arg15[%or3A_764], %gather3A_690 : memref<2048xf32, #tpu.memory_space<vmem>>[vector<16xi32>], vector<16xf32>,
          %shift_left3A_765 = arith.constant 4 : i32
          %shift_left3A_766 = vector.broadcast %shift_left3A_765 : i32 to vector<16xi32>
          %shift_left3A_767 = arith.shli %add3A_697, %shift_left3A_766 : vector<16xi32>
          %or3A_768 = arith.ori %shift_left3A_767, %get3A_560 : vector<16xi32>
          tpu.vector_store_idx %arg15[%or3A_768], %gather3A_698 : memref<2048xf32, #tpu.memory_space<vmem>>[vector<16xi32>], vector<16xf32>,
          %shift_left3A_769 = arith.constant 4 : i32
          %shift_left3A_770 = vector.broadcast %shift_left3A_769 : i32 to vector<16xi32>
          %shift_left3A_771 = arith.shli %add3A_705, %shift_left3A_770 : vector<16xi32>
          %or3A_772 = arith.ori %shift_left3A_771, %get3A_560 : vector<16xi32>
          tpu.vector_store_idx %arg15[%or3A_772], %gather3A_706 : memref<2048xf32, #tpu.memory_space<vmem>>[vector<16xi32>], vector<16xf32>,
          %shift_left3A_773 = arith.constant 4 : i32
          %shift_left3A_774 = vector.broadcast %shift_left3A_773 : i32 to vector<16xi32>
          %shift_left3A_775 = arith.shli %add3A_713, %shift_left3A_774 : vector<16xi32>
          %or3A_776 = arith.ori %shift_left3A_775, %get3A_560 : vector<16xi32>
          tpu.vector_store_idx %arg15[%or3A_776], %gather3A_714 : memref<2048xf32, #tpu.memory_space<vmem>>[vector<16xi32>], vector<16xf32>,
          %scan3A_777 = arith.constant 0 : i32
          scf.yield %scan3A_777 : i32
        }
        %scan3A_567 = arith.constant 8 : i32
        %mul3A_568 = arith.constant 102400 : i32
        %mul3A_569 = arith.muli %select_n3A_314, %mul3A_568 : i32
        %mul3A_570 = arith.constant 128 : i32
        %mul3A_571 = arith.muli %add3A_333, %mul3A_570 : i32
        %add3A_572 = arith.addi %mul3A_569, %mul3A_571 : i32
        %mul3A_573 = arith.constant 16 : i32
        %mul3A_574 = arith.muli %add3A_572, %mul3A_573 : i32
        %dma_start3A_575 = tpu.memref_slice %arg3[%mul3A_574] : memref<42598400xf32, #tpu.memory_space<hbm>> -> memref<2048xf32, #tpu.memory_space<hbm>>
        %dma_start3A_576 = tpu.memref_slice %arg3[%mul3A_574] : memref<42598400xf32, #tpu.memory_space<hbm>> -> memref<2048xf32, #tpu.memory_space<hbm>>
        tpu.enqueue_dma source(%arg15 : memref<2048xf32, #tpu.memory_space<vmem>>) target(%dma_start3A_576 : memref<2048xf32, #tpu.memory_space<hbm>>) target_semaphore(%arg32 : memref<!tpu.dma_semaphore, #tpu.memory_space<semaphore_mem>>)
        %add3A_577 = arith.constant 8 : i32
        %add3A_578 = arith.addi %add3A_290, %add3A_577 : i32
        %lt3A_579 = arith.constant 650 : i32
        %lt3A_580 = arith.cmpi slt, %add3A_578, %lt3A_579 : i32
        %convert_element_type3A_581 = arith.extui %lt3A_580 : i1 to i32
        %cond3A_582 = arith.constant 0 : i32
        %cond3A_583 = arith.cmpi ne, %convert_element_type3A_581, %cond3A_582 : i32
        scf.if %cond3A_583 {
          %add3A_584 = arith.constant 8 : i32
          %add3A_585 = arith.addi %add3A_290, %add3A_584 : i32
          %jit3A_586 = arith.constant 25 : i32
          %div3A_587 = arith.divsi %add3A_585, %jit3A_586 : i32
          %sign3A_588 = arith.constant 0 : i32
          %sign3A_589 = arith.cmpi sgt, %add3A_585, %sign3A_588 : i32
          %sign3A_590 = arith.extui %sign3A_589 : i1 to i32
          %sign3A_591 = arith.constant 0 : i32
          %sign3A_592 = arith.cmpi slt, %add3A_585, %sign3A_591 : i32
          %sign3A_593 = arith.extui %sign3A_592 : i1 to i32
          %sign3A_594 = arith.subi %sign3A_590, %sign3A_593 : i32
          %sign3A_595 = arith.constant 0 : i32
          %sign3A_596 = arith.cmpi sgt, %jit3A_586, %sign3A_595 : i32
          %sign3A_597 = arith.extui %sign3A_596 : i1 to i32
          %sign3A_598 = arith.constant 0 : i32
          %sign3A_599 = arith.cmpi slt, %jit3A_586, %sign3A_598 : i32
          %sign3A_600 = arith.extui %sign3A_599 : i1 to i32
          %sign3A_601 = arith.subi %sign3A_597, %sign3A_600 : i32
          %ne3A_602 = arith.cmpi ne, %sign3A_594, %sign3A_601 : i32
          %rem3A_603 = arith.remsi %add3A_585, %jit3A_586 : i32
          %ne3A_604 = arith.constant 0 : i32
          %ne3A_605 = arith.cmpi ne, %rem3A_603, %ne3A_604 : i32
          %and3A_606 = arith.andi %ne3A_602, %ne3A_605 : i1
          %sub3A_607 = arith.constant 1 : i32
          %sub3A_608 = arith.subi %div3A_587, %sub3A_607 : i32
          %select_n3A_609 = arith.select %and3A_606, %sub3A_608, %div3A_587 : i32
          %jit3A_610 = arith.constant 25 : i32
          %eq3A_611 = arith.constant 0 : i32
          %eq3A_612 = arith.cmpi eq, %jit3A_610, %eq3A_611 : i32
          %jit3A_613 = arith.constant 1 : i32
          %select_n3A_614 = arith.select %eq3A_612, %jit3A_613, %jit3A_610 : i32
          %rem3A_615 = arith.remsi %add3A_585, %select_n3A_614 : i32
          %ne3A_616 = arith.constant 0 : i32
          %ne3A_617 = arith.cmpi ne, %rem3A_615, %ne3A_616 : i32
          %lt3A_618 = arith.constant 0 : i32
          %lt3A_619 = arith.cmpi slt, %rem3A_615, %lt3A_618 : i32
          %lt3A_620 = arith.constant 0 : i32
          %lt3A_621 = arith.cmpi slt, %select_n3A_614, %lt3A_620 : i32
          %ne3A_622 = arith.xori %lt3A_619, %lt3A_621 : i1
          %and3A_623 = arith.andi %ne3A_622, %ne3A_617 : i1
          %add3A_624 = arith.addi %rem3A_615, %select_n3A_614 : i32
          %select_n3A_625 = arith.select %and3A_623, %add3A_624, %rem3A_615 : i32
          %mul3A_626 = arith.constant 32 : i32
          %mul3A_627 = arith.muli %select_n3A_625, %mul3A_626 : i32
          %add3A_628 = arith.addi %mul3A_627, %add3A : i32
          %min3A_629 = arith.constant 781 : i32
          %min3A_630 = arith.minsi %add3A_628, %min3A_629 : i32
          %mul3A_631 = arith.constant 128 : i32
          %mul3A_632 = arith.muli %min3A_630, %mul3A_631 : i32
          %dma_start3A_633 = arith.constant 0 : i32
          %dma_start3A_634 = tpu.memref_slice %arg2[%select_n3A_609, %dma_start3A_633, %mul3A_632] : memref<26x16x100000xf32, #tpu.memory_space<hbm>> -> memref<1x16x128xf32, #tpu.memory_space<hbm>>
          %dma_start3A_635 = tpu.memref_squeeze %dma_start3A_634 : memref<1x16x128xf32, #tpu.memory_space<hbm>> -> memref<16x128xf32, #tpu.memory_space<hbm>>
          %dma_start3A_636 = arith.constant 0 : i32
          %dma_start3A_637 = tpu.memref_slice %arg2[%select_n3A_609, %dma_start3A_636, %mul3A_632] : memref<26x16x100000xf32, #tpu.memory_space<hbm>> -> memref<1x16x128xf32, #tpu.memory_space<hbm>>
          %dma_start3A_638 = tpu.memref_squeeze %dma_start3A_637 : memref<1x16x128xf32, #tpu.memory_space<hbm>> -> memref<16x128xf32, #tpu.memory_space<hbm>>
          tpu.enqueue_dma source(%dma_start3A_638 : memref<16x128xf32, #tpu.memory_space<hbm>>) target(%arg7 : memref<16x128xf32, #tpu.memory_space<vmem>>) target_semaphore(%arg24 : memref<!tpu.dma_semaphore, #tpu.memory_space<semaphore_mem>>)
        } else {
        }
      } else {
      }
      %mul3A_339 = arith.constant 8 : i32
      %mul3A_340 = arith.muli %scan3A_141, %mul3A_339 : i32
      %add3A_341 = arith.constant 4 : i32
      %add3A_342 = arith.addi %mul3A_340, %add3A_341 : i32
      %jit3A_343 = arith.constant 25 : i32
      %div3A_344 = arith.divsi %add3A_342, %jit3A_343 : i32
      %sign3A_345 = arith.constant 0 : i32
      %sign3A_346 = arith.cmpi sgt, %add3A_342, %sign3A_345 : i32
      %sign3A_347 = arith.extui %sign3A_346 : i1 to i32
      %sign3A_348 = arith.constant 0 : i32
      %sign3A_349 = arith.cmpi slt, %add3A_342, %sign3A_348 : i32
      %sign3A_350 = arith.extui %sign3A_349 : i1 to i32
      %sign3A_351 = arith.subi %sign3A_347, %sign3A_350 : i32
      %sign3A_352 = arith.constant 0 : i32
      %sign3A_353 = arith.cmpi sgt, %jit3A_343, %sign3A_352 : i32
      %sign3A_354 = arith.extui %sign3A_353 : i1 to i32
      %sign3A_355 = arith.constant 0 : i32
      %sign3A_356 = arith.cmpi slt, %jit3A_343, %sign3A_355 : i32
      %sign3A_357 = arith.extui %sign3A_356 : i1 to i32
      %sign3A_358 = arith.subi %sign3A_354, %sign3A_357 : i32
      %ne3A_359 = arith.cmpi ne, %sign3A_351, %sign3A_358 : i32
      %rem3A_360 = arith.remsi %add3A_342, %jit3A_343 : i32
      %ne3A_361 = arith.constant 0 : i32
      %ne3A_362 = arith.cmpi ne, %rem3A_360, %ne3A_361 : i32
      %and3A_363 = arith.andi %ne3A_359, %ne3A_362 : i1
      %sub3A_364 = arith.constant 1 : i32
      %sub3A_365 = arith.subi %div3A_344, %sub3A_364 : i32
      %select_n3A_366 = arith.select %and3A_363, %sub3A_365, %div3A_344 : i32
      %jit3A_367 = arith.constant 25 : i32
      %eq3A_368 = arith.constant 0 : i32
      %eq3A_369 = arith.cmpi eq, %jit3A_367, %eq3A_368 : i32
      %jit3A_370 = arith.constant 1 : i32
      %select_n3A_371 = arith.select %eq3A_369, %jit3A_370, %jit3A_367 : i32
      %rem3A_372 = arith.remsi %add3A_342, %select_n3A_371 : i32
      %ne3A_373 = arith.constant 0 : i32
      %ne3A_374 = arith.cmpi ne, %rem3A_372, %ne3A_373 : i32
      %lt3A_375 = arith.constant 0 : i32
      %lt3A_376 = arith.cmpi slt, %rem3A_372, %lt3A_375 : i32
      %lt3A_377 = arith.constant 0 : i32
      %lt3A_378 = arith.cmpi slt, %select_n3A_371, %lt3A_377 : i32
      %ne3A_379 = arith.xori %lt3A_376, %lt3A_378 : i1
      %and3A_380 = arith.andi %ne3A_379, %ne3A_374 : i1
      %add3A_381 = arith.addi %rem3A_372, %select_n3A_371 : i32
      %select_n3A_382 = arith.select %and3A_380, %add3A_381, %rem3A_372 : i32
      %mul3A_383 = arith.constant 32 : i32
      %mul3A_384 = arith.muli %select_n3A_382, %mul3A_383 : i32
      %add3A_385 = arith.addi %mul3A_384, %add3A : i32
      %lt3A_386 = arith.constant 650 : i32
      %lt3A_387 = arith.cmpi slt, %add3A_342, %lt3A_386 : i32
      %convert_element_type3A_388 = arith.extui %lt3A_387 : i1 to i32
      %cond3A_389 = arith.constant 0 : i32
      %cond3A_390 = arith.cmpi ne, %convert_element_type3A_388, %cond3A_389 : i32
      scf.if %cond3A_390 {
        %dma_wait3A_548 = arith.constant 0 : i32
        %dma_wait3A_549 = arith.constant 0 : i32
        %dma_wait3A_550 = tpu.memref_slice %arg2[%select_n3A_366, %dma_wait3A_548, %dma_wait3A_549] : memref<26x16x100000xf32, #tpu.memory_space<hbm>> -> memref<1x16x128xf32, #tpu.memory_space<hbm>>
        %dma_wait3A_551 = tpu.memref_squeeze %dma_wait3A_550 : memref<1x16x128xf32, #tpu.memory_space<hbm>> -> memref<16x128xf32, #tpu.memory_space<hbm>>
        %dma_wait3A_552 = arith.constant 0 : i32
        %dma_wait3A_553 = arith.constant 0 : i32
        %dma_wait3A_554 = tpu.memref_slice %arg2[%select_n3A_366, %dma_wait3A_552, %dma_wait3A_553] : memref<26x16x100000xf32, #tpu.memory_space<hbm>> -> memref<1x16x128xf32, #tpu.memory_space<hbm>>
        %dma_wait3A_555 = tpu.memref_squeeze %dma_wait3A_554 : memref<1x16x128xf32, #tpu.memory_space<hbm>> -> memref<16x128xf32, #tpu.memory_space<hbm>>
        tpu.wait_dma2 semaphore(%arg25 : memref<!tpu.dma_semaphore, #tpu.memory_space<semaphore_mem>>) src(%dma_wait3A_555 : memref<16x128xf32, #tpu.memory_space<hbm>>) dst(%arg8 : memref<16x128xf32, #tpu.memory_space<vmem>>)
        %ge3A = arith.constant 8 : i32
        %ge3A_556 = arith.cmpi sge, %add3A_342, %ge3A : i32
        %convert_element_type3A_557 = arith.extui %ge3A_556 : i1 to i32
        %cond3A_558 = arith.constant 0 : i32
        %cond3A_559 = arith.cmpi ne, %convert_element_type3A_557, %cond3A_558 : i32
        scf.if %cond3A_559 {
          %dma_wait3A_584 = arith.constant 0 : i32
          %dma_wait3A_585 = tpu.memref_slice %arg3[%dma_wait3A_584] : memref<42598400xf32, #tpu.memory_space<hbm>> -> memref<2048xf32, #tpu.memory_space<hbm>>
          %dma_wait3A_586 = arith.constant 0 : i32
          %dma_wait3A_587 = tpu.memref_slice %arg3[%dma_wait3A_586] : memref<42598400xf32, #tpu.memory_space<hbm>> -> memref<2048xf32, #tpu.memory_space<hbm>>
          tpu.wait_dma2 semaphore(%arg33 : memref<!tpu.dma_semaphore, #tpu.memory_space<semaphore_mem>>) src(%arg16 : memref<2048xf32, #tpu.memory_space<vmem>>) dst(%dma_wait3A_587 : memref<2048xf32, #tpu.memory_space<hbm>>)
        } else {
        }
        %get3A = arith.constant 0 : index
        %get3A_560 = tpu.vector_load %arg20[%get3A] {strides = array<i32>} : memref<16xi32, #tpu.memory_space<vmem>>, vector<16xi32>,
        %scan3A_561 = arith.constant 0 : i32
        %scan3A_562 = arith.constant 0 : i32
        %scan3A_563 = arith.constant 8 : i32
        %scan3A_564 = arith.addi %scan3A_562, %scan3A_563 : i32
        %scan3A_565 = arith.constant 1 : i32
        %scan3A_566 = scf.for %scan3A_584 = %scan3A_562 to %scan3A_564 step %scan3A_565 iter_args(%scan3A_585 = %scan3A_561) -> (i32)  : i32 {
          %mul3A_586 = arith.constant 16 : i32
          %mul3A_587 = arith.muli %scan3A_584, %mul3A_586 : i32
          %broadcast_in_dim3A = vector.broadcast %mul3A_587 : i32 to vector<16xi32>
          %add3A_588 = arith.constant 0 : i32
          %add3A_589 = vector.broadcast %add3A_588 : i32 to vector<16xi32>
          %add3A_590 = arith.addi %get3A_560, %add3A_589 : vector<16xi32>
          %and3A_591 = arith.constant 15 : i32
          %and3A_592 = vector.broadcast %and3A_591 : i32 to vector<16xi32>
          %and3A_593 = arith.andi %add3A_590, %and3A_592 : vector<16xi32>
          %add3A_594 = arith.addi %broadcast_in_dim3A, %and3A_593 : vector<16xi32>
          %gather3A = tpu.vector_load_idx %arg8[%get3A_560, %add3A_594] : memref<16x128xf32, #tpu.memory_space<vmem>>[vector<16xi32>, vector<16xi32>], vector<16xf32>,
          %add3A_595 = arith.constant 1 : i32
          %add3A_596 = vector.broadcast %add3A_595 : i32 to vector<16xi32>
          %add3A_597 = arith.addi %get3A_560, %add3A_596 : vector<16xi32>
          %and3A_598 = arith.constant 15 : i32
          %and3A_599 = vector.broadcast %and3A_598 : i32 to vector<16xi32>
          %and3A_600 = arith.andi %add3A_597, %and3A_599 : vector<16xi32>
          %add3A_601 = arith.addi %broadcast_in_dim3A, %and3A_600 : vector<16xi32>
          %gather3A_602 = tpu.vector_load_idx %arg8[%get3A_560, %add3A_601] : memref<16x128xf32, #tpu.memory_space<vmem>>[vector<16xi32>, vector<16xi32>], vector<16xf32>,
          %add3A_603 = arith.constant 2 : i32
          %add3A_604 = vector.broadcast %add3A_603 : i32 to vector<16xi32>
          %add3A_605 = arith.addi %get3A_560, %add3A_604 : vector<16xi32>
          %and3A_606 = arith.constant 15 : i32
          %and3A_607 = vector.broadcast %and3A_606 : i32 to vector<16xi32>
          %and3A_608 = arith.andi %add3A_605, %and3A_607 : vector<16xi32>
          %add3A_609 = arith.addi %broadcast_in_dim3A, %and3A_608 : vector<16xi32>
          %gather3A_610 = tpu.vector_load_idx %arg8[%get3A_560, %add3A_609] : memref<16x128xf32, #tpu.memory_space<vmem>>[vector<16xi32>, vector<16xi32>], vector<16xf32>,
          %add3A_611 = arith.constant 3 : i32
          %add3A_612 = vector.broadcast %add3A_611 : i32 to vector<16xi32>
          %add3A_613 = arith.addi %get3A_560, %add3A_612 : vector<16xi32>
          %and3A_614 = arith.constant 15 : i32
          %and3A_615 = vector.broadcast %and3A_614 : i32 to vector<16xi32>
          %and3A_616 = arith.andi %add3A_613, %and3A_615 : vector<16xi32>
          %add3A_617 = arith.addi %broadcast_in_dim3A, %and3A_616 : vector<16xi32>
          %gather3A_618 = tpu.vector_load_idx %arg8[%get3A_560, %add3A_617] : memref<16x128xf32, #tpu.memory_space<vmem>>[vector<16xi32>, vector<16xi32>], vector<16xf32>,
          %add3A_619 = arith.constant 4 : i32
          %add3A_620 = vector.broadcast %add3A_619 : i32 to vector<16xi32>
          %add3A_621 = arith.addi %get3A_560, %add3A_620 : vector<16xi32>
          %and3A_622 = arith.constant 15 : i32
          %and3A_623 = vector.broadcast %and3A_622 : i32 to vector<16xi32>
          %and3A_624 = arith.andi %add3A_621, %and3A_623 : vector<16xi32>
          %add3A_625 = arith.addi %broadcast_in_dim3A, %and3A_624 : vector<16xi32>
          %gather3A_626 = tpu.vector_load_idx %arg8[%get3A_560, %add3A_625] : memref<16x128xf32, #tpu.memory_space<vmem>>[vector<16xi32>, vector<16xi32>], vector<16xf32>,
          %add3A_627 = arith.constant 5 : i32
          %add3A_628 = vector.broadcast %add3A_627 : i32 to vector<16xi32>
          %add3A_629 = arith.addi %get3A_560, %add3A_628 : vector<16xi32>
          %and3A_630 = arith.constant 15 : i32
          %and3A_631 = vector.broadcast %and3A_630 : i32 to vector<16xi32>
          %and3A_632 = arith.andi %add3A_629, %and3A_631 : vector<16xi32>
          %add3A_633 = arith.addi %broadcast_in_dim3A, %and3A_632 : vector<16xi32>
          %gather3A_634 = tpu.vector_load_idx %arg8[%get3A_560, %add3A_633] : memref<16x128xf32, #tpu.memory_space<vmem>>[vector<16xi32>, vector<16xi32>], vector<16xf32>,
          %add3A_635 = arith.constant 6 : i32
          %add3A_636 = vector.broadcast %add3A_635 : i32 to vector<16xi32>
          %add3A_637 = arith.addi %get3A_560, %add3A_636 : vector<16xi32>
          %and3A_638 = arith.constant 15 : i32
          %and3A_639 = vector.broadcast %and3A_638 : i32 to vector<16xi32>
          %and3A_640 = arith.andi %add3A_637, %and3A_639 : vector<16xi32>
          %add3A_641 = arith.addi %broadcast_in_dim3A, %and3A_640 : vector<16xi32>
          %gather3A_642 = tpu.vector_load_idx %arg8[%get3A_560, %add3A_641] : memref<16x128xf32, #tpu.memory_space<vmem>>[vector<16xi32>, vector<16xi32>], vector<16xf32>,
          %add3A_643 = arith.constant 7 : i32
          %add3A_644 = vector.broadcast %add3A_643 : i32 to vector<16xi32>
          %add3A_645 = arith.addi %get3A_560, %add3A_644 : vector<16xi32>
          %and3A_646 = arith.constant 15 : i32
          %and3A_647 = vector.broadcast %and3A_646 : i32 to vector<16xi32>
          %and3A_648 = arith.andi %add3A_645, %and3A_647 : vector<16xi32>
          %add3A_649 = arith.addi %broadcast_in_dim3A, %and3A_648 : vector<16xi32>
          %gather3A_650 = tpu.vector_load_idx %arg8[%get3A_560, %add3A_649] : memref<16x128xf32, #tpu.memory_space<vmem>>[vector<16xi32>, vector<16xi32>], vector<16xf32>,
          %add3A_651 = arith.constant 8 : i32
          %add3A_652 = vector.broadcast %add3A_651 : i32 to vector<16xi32>
          %add3A_653 = arith.addi %get3A_560, %add3A_652 : vector<16xi32>
          %and3A_654 = arith.constant 15 : i32
          %and3A_655 = vector.broadcast %and3A_654 : i32 to vector<16xi32>
          %and3A_656 = arith.andi %add3A_653, %and3A_655 : vector<16xi32>
          %add3A_657 = arith.addi %broadcast_in_dim3A, %and3A_656 : vector<16xi32>
          %gather3A_658 = tpu.vector_load_idx %arg8[%get3A_560, %add3A_657] : memref<16x128xf32, #tpu.memory_space<vmem>>[vector<16xi32>, vector<16xi32>], vector<16xf32>,
          %add3A_659 = arith.constant 9 : i32
          %add3A_660 = vector.broadcast %add3A_659 : i32 to vector<16xi32>
          %add3A_661 = arith.addi %get3A_560, %add3A_660 : vector<16xi32>
          %and3A_662 = arith.constant 15 : i32
          %and3A_663 = vector.broadcast %and3A_662 : i32 to vector<16xi32>
          %and3A_664 = arith.andi %add3A_661, %and3A_663 : vector<16xi32>
          %add3A_665 = arith.addi %broadcast_in_dim3A, %and3A_664 : vector<16xi32>
          %gather3A_666 = tpu.vector_load_idx %arg8[%get3A_560, %add3A_665] : memref<16x128xf32, #tpu.memory_space<vmem>>[vector<16xi32>, vector<16xi32>], vector<16xf32>,
          %add3A_667 = arith.constant 10 : i32
          %add3A_668 = vector.broadcast %add3A_667 : i32 to vector<16xi32>
          %add3A_669 = arith.addi %get3A_560, %add3A_668 : vector<16xi32>
          %and3A_670 = arith.constant 15 : i32
          %and3A_671 = vector.broadcast %and3A_670 : i32 to vector<16xi32>
          %and3A_672 = arith.andi %add3A_669, %and3A_671 : vector<16xi32>
          %add3A_673 = arith.addi %broadcast_in_dim3A, %and3A_672 : vector<16xi32>
          %gather3A_674 = tpu.vector_load_idx %arg8[%get3A_560, %add3A_673] : memref<16x128xf32, #tpu.memory_space<vmem>>[vector<16xi32>, vector<16xi32>], vector<16xf32>,
          %add3A_675 = arith.constant 11 : i32
          %add3A_676 = vector.broadcast %add3A_675 : i32 to vector<16xi32>
          %add3A_677 = arith.addi %get3A_560, %add3A_676 : vector<16xi32>
          %and3A_678 = arith.constant 15 : i32
          %and3A_679 = vector.broadcast %and3A_678 : i32 to vector<16xi32>
          %and3A_680 = arith.andi %add3A_677, %and3A_679 : vector<16xi32>
          %add3A_681 = arith.addi %broadcast_in_dim3A, %and3A_680 : vector<16xi32>
          %gather3A_682 = tpu.vector_load_idx %arg8[%get3A_560, %add3A_681] : memref<16x128xf32, #tpu.memory_space<vmem>>[vector<16xi32>, vector<16xi32>], vector<16xf32>,
          %add3A_683 = arith.constant 12 : i32
          %add3A_684 = vector.broadcast %add3A_683 : i32 to vector<16xi32>
          %add3A_685 = arith.addi %get3A_560, %add3A_684 : vector<16xi32>
          %and3A_686 = arith.constant 15 : i32
          %and3A_687 = vector.broadcast %and3A_686 : i32 to vector<16xi32>
          %and3A_688 = arith.andi %add3A_685, %and3A_687 : vector<16xi32>
          %add3A_689 = arith.addi %broadcast_in_dim3A, %and3A_688 : vector<16xi32>
          %gather3A_690 = tpu.vector_load_idx %arg8[%get3A_560, %add3A_689] : memref<16x128xf32, #tpu.memory_space<vmem>>[vector<16xi32>, vector<16xi32>], vector<16xf32>,
          %add3A_691 = arith.constant 13 : i32
          %add3A_692 = vector.broadcast %add3A_691 : i32 to vector<16xi32>
          %add3A_693 = arith.addi %get3A_560, %add3A_692 : vector<16xi32>
          %and3A_694 = arith.constant 15 : i32
          %and3A_695 = vector.broadcast %and3A_694 : i32 to vector<16xi32>
          %and3A_696 = arith.andi %add3A_693, %and3A_695 : vector<16xi32>
          %add3A_697 = arith.addi %broadcast_in_dim3A, %and3A_696 : vector<16xi32>
          %gather3A_698 = tpu.vector_load_idx %arg8[%get3A_560, %add3A_697] : memref<16x128xf32, #tpu.memory_space<vmem>>[vector<16xi32>, vector<16xi32>], vector<16xf32>,
          %add3A_699 = arith.constant 14 : i32
          %add3A_700 = vector.broadcast %add3A_699 : i32 to vector<16xi32>
          %add3A_701 = arith.addi %get3A_560, %add3A_700 : vector<16xi32>
          %and3A_702 = arith.constant 15 : i32
          %and3A_703 = vector.broadcast %and3A_702 : i32 to vector<16xi32>
          %and3A_704 = arith.andi %add3A_701, %and3A_703 : vector<16xi32>
          %add3A_705 = arith.addi %broadcast_in_dim3A, %and3A_704 : vector<16xi32>
          %gather3A_706 = tpu.vector_load_idx %arg8[%get3A_560, %add3A_705] : memref<16x128xf32, #tpu.memory_space<vmem>>[vector<16xi32>, vector<16xi32>], vector<16xf32>,
          %add3A_707 = arith.constant 15 : i32
          %add3A_708 = vector.broadcast %add3A_707 : i32 to vector<16xi32>
          %add3A_709 = arith.addi %get3A_560, %add3A_708 : vector<16xi32>
          %and3A_710 = arith.constant 15 : i32
          %and3A_711 = vector.broadcast %and3A_710 : i32 to vector<16xi32>
          %and3A_712 = arith.andi %add3A_709, %and3A_711 : vector<16xi32>
          %add3A_713 = arith.addi %broadcast_in_dim3A, %and3A_712 : vector<16xi32>
          %gather3A_714 = tpu.vector_load_idx %arg8[%get3A_560, %add3A_713] : memref<16x128xf32, #tpu.memory_space<vmem>>[vector<16xi32>, vector<16xi32>], vector<16xf32>,
          %shift_left3A = arith.constant 4 : i32
          %shift_left3A_715 = vector.broadcast %shift_left3A : i32 to vector<16xi32>
          %shift_left3A_716 = arith.shli %add3A_594, %shift_left3A_715 : vector<16xi32>
          %or3A = arith.ori %shift_left3A_716, %get3A_560 : vector<16xi32>
          tpu.vector_store_idx %arg16[%or3A], %gather3A : memref<2048xf32, #tpu.memory_space<vmem>>[vector<16xi32>], vector<16xf32>,
          %shift_left3A_717 = arith.constant 4 : i32
          %shift_left3A_718 = vector.broadcast %shift_left3A_717 : i32 to vector<16xi32>
          %shift_left3A_719 = arith.shli %add3A_601, %shift_left3A_718 : vector<16xi32>
          %or3A_720 = arith.ori %shift_left3A_719, %get3A_560 : vector<16xi32>
          tpu.vector_store_idx %arg16[%or3A_720], %gather3A_602 : memref<2048xf32, #tpu.memory_space<vmem>>[vector<16xi32>], vector<16xf32>,
          %shift_left3A_721 = arith.constant 4 : i32
          %shift_left3A_722 = vector.broadcast %shift_left3A_721 : i32 to vector<16xi32>
          %shift_left3A_723 = arith.shli %add3A_609, %shift_left3A_722 : vector<16xi32>
          %or3A_724 = arith.ori %shift_left3A_723, %get3A_560 : vector<16xi32>
          tpu.vector_store_idx %arg16[%or3A_724], %gather3A_610 : memref<2048xf32, #tpu.memory_space<vmem>>[vector<16xi32>], vector<16xf32>,
          %shift_left3A_725 = arith.constant 4 : i32
          %shift_left3A_726 = vector.broadcast %shift_left3A_725 : i32 to vector<16xi32>
          %shift_left3A_727 = arith.shli %add3A_617, %shift_left3A_726 : vector<16xi32>
          %or3A_728 = arith.ori %shift_left3A_727, %get3A_560 : vector<16xi32>
          tpu.vector_store_idx %arg16[%or3A_728], %gather3A_618 : memref<2048xf32, #tpu.memory_space<vmem>>[vector<16xi32>], vector<16xf32>,
          %shift_left3A_729 = arith.constant 4 : i32
          %shift_left3A_730 = vector.broadcast %shift_left3A_729 : i32 to vector<16xi32>
          %shift_left3A_731 = arith.shli %add3A_625, %shift_left3A_730 : vector<16xi32>
          %or3A_732 = arith.ori %shift_left3A_731, %get3A_560 : vector<16xi32>
          tpu.vector_store_idx %arg16[%or3A_732], %gather3A_626 : memref<2048xf32, #tpu.memory_space<vmem>>[vector<16xi32>], vector<16xf32>,
          %shift_left3A_733 = arith.constant 4 : i32
          %shift_left3A_734 = vector.broadcast %shift_left3A_733 : i32 to vector<16xi32>
          %shift_left3A_735 = arith.shli %add3A_633, %shift_left3A_734 : vector<16xi32>
          %or3A_736 = arith.ori %shift_left3A_735, %get3A_560 : vector<16xi32>
          tpu.vector_store_idx %arg16[%or3A_736], %gather3A_634 : memref<2048xf32, #tpu.memory_space<vmem>>[vector<16xi32>], vector<16xf32>,
          %shift_left3A_737 = arith.constant 4 : i32
          %shift_left3A_738 = vector.broadcast %shift_left3A_737 : i32 to vector<16xi32>
          %shift_left3A_739 = arith.shli %add3A_641, %shift_left3A_738 : vector<16xi32>
          %or3A_740 = arith.ori %shift_left3A_739, %get3A_560 : vector<16xi32>
          tpu.vector_store_idx %arg16[%or3A_740], %gather3A_642 : memref<2048xf32, #tpu.memory_space<vmem>>[vector<16xi32>], vector<16xf32>,
          %shift_left3A_741 = arith.constant 4 : i32
          %shift_left3A_742 = vector.broadcast %shift_left3A_741 : i32 to vector<16xi32>
          %shift_left3A_743 = arith.shli %add3A_649, %shift_left3A_742 : vector<16xi32>
          %or3A_744 = arith.ori %shift_left3A_743, %get3A_560 : vector<16xi32>
          tpu.vector_store_idx %arg16[%or3A_744], %gather3A_650 : memref<2048xf32, #tpu.memory_space<vmem>>[vector<16xi32>], vector<16xf32>,
          %shift_left3A_745 = arith.constant 4 : i32
          %shift_left3A_746 = vector.broadcast %shift_left3A_745 : i32 to vector<16xi32>
          %shift_left3A_747 = arith.shli %add3A_657, %shift_left3A_746 : vector<16xi32>
          %or3A_748 = arith.ori %shift_left3A_747, %get3A_560 : vector<16xi32>
          tpu.vector_store_idx %arg16[%or3A_748], %gather3A_658 : memref<2048xf32, #tpu.memory_space<vmem>>[vector<16xi32>], vector<16xf32>,
          %shift_left3A_749 = arith.constant 4 : i32
          %shift_left3A_750 = vector.broadcast %shift_left3A_749 : i32 to vector<16xi32>
          %shift_left3A_751 = arith.shli %add3A_665, %shift_left3A_750 : vector<16xi32>
          %or3A_752 = arith.ori %shift_left3A_751, %get3A_560 : vector<16xi32>
          tpu.vector_store_idx %arg16[%or3A_752], %gather3A_666 : memref<2048xf32, #tpu.memory_space<vmem>>[vector<16xi32>], vector<16xf32>,
          %shift_left3A_753 = arith.constant 4 : i32
          %shift_left3A_754 = vector.broadcast %shift_left3A_753 : i32 to vector<16xi32>
          %shift_left3A_755 = arith.shli %add3A_673, %shift_left3A_754 : vector<16xi32>
          %or3A_756 = arith.ori %shift_left3A_755, %get3A_560 : vector<16xi32>
          tpu.vector_store_idx %arg16[%or3A_756], %gather3A_674 : memref<2048xf32, #tpu.memory_space<vmem>>[vector<16xi32>], vector<16xf32>,
          %shift_left3A_757 = arith.constant 4 : i32
          %shift_left3A_758 = vector.broadcast %shift_left3A_757 : i32 to vector<16xi32>
          %shift_left3A_759 = arith.shli %add3A_681, %shift_left3A_758 : vector<16xi32>
          %or3A_760 = arith.ori %shift_left3A_759, %get3A_560 : vector<16xi32>
          tpu.vector_store_idx %arg16[%or3A_760], %gather3A_682 : memref<2048xf32, #tpu.memory_space<vmem>>[vector<16xi32>], vector<16xf32>,
          %shift_left3A_761 = arith.constant 4 : i32
          %shift_left3A_762 = vector.broadcast %shift_left3A_761 : i32 to vector<16xi32>
          %shift_left3A_763 = arith.shli %add3A_689, %shift_left3A_762 : vector<16xi32>
          %or3A_764 = arith.ori %shift_left3A_763, %get3A_560 : vector<16xi32>
          tpu.vector_store_idx %arg16[%or3A_764], %gather3A_690 : memref<2048xf32, #tpu.memory_space<vmem>>[vector<16xi32>], vector<16xf32>,
          %shift_left3A_765 = arith.constant 4 : i32
          %shift_left3A_766 = vector.broadcast %shift_left3A_765 : i32 to vector<16xi32>
          %shift_left3A_767 = arith.shli %add3A_697, %shift_left3A_766 : vector<16xi32>
          %or3A_768 = arith.ori %shift_left3A_767, %get3A_560 : vector<16xi32>
          tpu.vector_store_idx %arg16[%or3A_768], %gather3A_698 : memref<2048xf32, #tpu.memory_space<vmem>>[vector<16xi32>], vector<16xf32>,
          %shift_left3A_769 = arith.constant 4 : i32
          %shift_left3A_770 = vector.broadcast %shift_left3A_769 : i32 to vector<16xi32>
          %shift_left3A_771 = arith.shli %add3A_705, %shift_left3A_770 : vector<16xi32>
          %or3A_772 = arith.ori %shift_left3A_771, %get3A_560 : vector<16xi32>
          tpu.vector_store_idx %arg16[%or3A_772], %gather3A_706 : memref<2048xf32, #tpu.memory_space<vmem>>[vector<16xi32>], vector<16xf32>,
          %shift_left3A_773 = arith.constant 4 : i32
          %shift_left3A_774 = vector.broadcast %shift_left3A_773 : i32 to vector<16xi32>
          %shift_left3A_775 = arith.shli %add3A_713, %shift_left3A_774 : vector<16xi32>
          %or3A_776 = arith.ori %shift_left3A_775, %get3A_560 : vector<16xi32>
          tpu.vector_store_idx %arg16[%or3A_776], %gather3A_714 : memref<2048xf32, #tpu.memory_space<vmem>>[vector<16xi32>], vector<16xf32>,
          %scan3A_777 = arith.constant 0 : i32
          scf.yield %scan3A_777 : i32
        }
        %scan3A_567 = arith.constant 8 : i32
        %mul3A_568 = arith.constant 102400 : i32
        %mul3A_569 = arith.muli %select_n3A_366, %mul3A_568 : i32
        %mul3A_570 = arith.constant 128 : i32
        %mul3A_571 = arith.muli %add3A_385, %mul3A_570 : i32
        %add3A_572 = arith.addi %mul3A_569, %mul3A_571 : i32
        %mul3A_573 = arith.constant 16 : i32
        %mul3A_574 = arith.muli %add3A_572, %mul3A_573 : i32
        %dma_start3A_575 = tpu.memref_slice %arg3[%mul3A_574] : memref<42598400xf32, #tpu.memory_space<hbm>> -> memref<2048xf32, #tpu.memory_space<hbm>>
        %dma_start3A_576 = tpu.memref_slice %arg3[%mul3A_574] : memref<42598400xf32, #tpu.memory_space<hbm>> -> memref<2048xf32, #tpu.memory_space<hbm>>
        tpu.enqueue_dma source(%arg16 : memref<2048xf32, #tpu.memory_space<vmem>>) target(%dma_start3A_576 : memref<2048xf32, #tpu.memory_space<hbm>>) target_semaphore(%arg33 : memref<!tpu.dma_semaphore, #tpu.memory_space<semaphore_mem>>)
        %add3A_577 = arith.constant 8 : i32
        %add3A_578 = arith.addi %add3A_342, %add3A_577 : i32
        %lt3A_579 = arith.constant 650 : i32
        %lt3A_580 = arith.cmpi slt, %add3A_578, %lt3A_579 : i32
        %convert_element_type3A_581 = arith.extui %lt3A_580 : i1 to i32
        %cond3A_582 = arith.constant 0 : i32
        %cond3A_583 = arith.cmpi ne, %convert_element_type3A_581, %cond3A_582 : i32
        scf.if %cond3A_583 {
          %add3A_584 = arith.constant 8 : i32
          %add3A_585 = arith.addi %add3A_342, %add3A_584 : i32
          %jit3A_586 = arith.constant 25 : i32
          %div3A_587 = arith.divsi %add3A_585, %jit3A_586 : i32
          %sign3A_588 = arith.constant 0 : i32
          %sign3A_589 = arith.cmpi sgt, %add3A_585, %sign3A_588 : i32
          %sign3A_590 = arith.extui %sign3A_589 : i1 to i32
          %sign3A_591 = arith.constant 0 : i32
          %sign3A_592 = arith.cmpi slt, %add3A_585, %sign3A_591 : i32
          %sign3A_593 = arith.extui %sign3A_592 : i1 to i32
          %sign3A_594 = arith.subi %sign3A_590, %sign3A_593 : i32
          %sign3A_595 = arith.constant 0 : i32
          %sign3A_596 = arith.cmpi sgt, %jit3A_586, %sign3A_595 : i32
          %sign3A_597 = arith.extui %sign3A_596 : i1 to i32
          %sign3A_598 = arith.constant 0 : i32
          %sign3A_599 = arith.cmpi slt, %jit3A_586, %sign3A_598 : i32
          %sign3A_600 = arith.extui %sign3A_599 : i1 to i32
          %sign3A_601 = arith.subi %sign3A_597, %sign3A_600 : i32
          %ne3A_602 = arith.cmpi ne, %sign3A_594, %sign3A_601 : i32
          %rem3A_603 = arith.remsi %add3A_585, %jit3A_586 : i32
          %ne3A_604 = arith.constant 0 : i32
          %ne3A_605 = arith.cmpi ne, %rem3A_603, %ne3A_604 : i32
          %and3A_606 = arith.andi %ne3A_602, %ne3A_605 : i1
          %sub3A_607 = arith.constant 1 : i32
          %sub3A_608 = arith.subi %div3A_587, %sub3A_607 : i32
          %select_n3A_609 = arith.select %and3A_606, %sub3A_608, %div3A_587 : i32
          %jit3A_610 = arith.constant 25 : i32
          %eq3A_611 = arith.constant 0 : i32
          %eq3A_612 = arith.cmpi eq, %jit3A_610, %eq3A_611 : i32
          %jit3A_613 = arith.constant 1 : i32
          %select_n3A_614 = arith.select %eq3A_612, %jit3A_613, %jit3A_610 : i32
          %rem3A_615 = arith.remsi %add3A_585, %select_n3A_614 : i32
          %ne3A_616 = arith.constant 0 : i32
          %ne3A_617 = arith.cmpi ne, %rem3A_615, %ne3A_616 : i32
          %lt3A_618 = arith.constant 0 : i32
          %lt3A_619 = arith.cmpi slt, %rem3A_615, %lt3A_618 : i32
          %lt3A_620 = arith.constant 0 : i32
          %lt3A_621 = arith.cmpi slt, %select_n3A_614, %lt3A_620 : i32
          %ne3A_622 = arith.xori %lt3A_619, %lt3A_621 : i1
          %and3A_623 = arith.andi %ne3A_622, %ne3A_617 : i1
          %add3A_624 = arith.addi %rem3A_615, %select_n3A_614 : i32
          %select_n3A_625 = arith.select %and3A_623, %add3A_624, %rem3A_615 : i32
          %mul3A_626 = arith.constant 32 : i32
          %mul3A_627 = arith.muli %select_n3A_625, %mul3A_626 : i32
          %add3A_628 = arith.addi %mul3A_627, %add3A : i32
          %min3A_629 = arith.constant 781 : i32
          %min3A_630 = arith.minsi %add3A_628, %min3A_629 : i32
          %mul3A_631 = arith.constant 128 : i32
          %mul3A_632 = arith.muli %min3A_630, %mul3A_631 : i32
          %dma_start3A_633 = arith.constant 0 : i32
          %dma_start3A_634 = tpu.memref_slice %arg2[%select_n3A_609, %dma_start3A_633, %mul3A_632] : memref<26x16x100000xf32, #tpu.memory_space<hbm>> -> memref<1x16x128xf32, #tpu.memory_space<hbm>>
          %dma_start3A_635 = tpu.memref_squeeze %dma_start3A_634 : memref<1x16x128xf32, #tpu.memory_space<hbm>> -> memref<16x128xf32, #tpu.memory_space<hbm>>
          %dma_start3A_636 = arith.constant 0 : i32
          %dma_start3A_637 = tpu.memref_slice %arg2[%select_n3A_609, %dma_start3A_636, %mul3A_632] : memref<26x16x100000xf32, #tpu.memory_space<hbm>> -> memref<1x16x128xf32, #tpu.memory_space<hbm>>
          %dma_start3A_638 = tpu.memref_squeeze %dma_start3A_637 : memref<1x16x128xf32, #tpu.memory_space<hbm>> -> memref<16x128xf32, #tpu.memory_space<hbm>>
          tpu.enqueue_dma source(%dma_start3A_638 : memref<16x128xf32, #tpu.memory_space<hbm>>) target(%arg8 : memref<16x128xf32, #tpu.memory_space<vmem>>) target_semaphore(%arg25 : memref<!tpu.dma_semaphore, #tpu.memory_space<semaphore_mem>>)
        } else {
        }
      } else {
      }
      %mul3A_391 = arith.constant 8 : i32
      %mul3A_392 = arith.muli %scan3A_141, %mul3A_391 : i32
      %add3A_393 = arith.constant 5 : i32
      %add3A_394 = arith.addi %mul3A_392, %add3A_393 : i32
      %jit3A_395 = arith.constant 25 : i32
      %div3A_396 = arith.divsi %add3A_394, %jit3A_395 : i32
      %sign3A_397 = arith.constant 0 : i32
      %sign3A_398 = arith.cmpi sgt, %add3A_394, %sign3A_397 : i32
      %sign3A_399 = arith.extui %sign3A_398 : i1 to i32
      %sign3A_400 = arith.constant 0 : i32
      %sign3A_401 = arith.cmpi slt, %add3A_394, %sign3A_400 : i32
      %sign3A_402 = arith.extui %sign3A_401 : i1 to i32
      %sign3A_403 = arith.subi %sign3A_399, %sign3A_402 : i32
      %sign3A_404 = arith.constant 0 : i32
      %sign3A_405 = arith.cmpi sgt, %jit3A_395, %sign3A_404 : i32
      %sign3A_406 = arith.extui %sign3A_405 : i1 to i32
      %sign3A_407 = arith.constant 0 : i32
      %sign3A_408 = arith.cmpi slt, %jit3A_395, %sign3A_407 : i32
      %sign3A_409 = arith.extui %sign3A_408 : i1 to i32
      %sign3A_410 = arith.subi %sign3A_406, %sign3A_409 : i32
      %ne3A_411 = arith.cmpi ne, %sign3A_403, %sign3A_410 : i32
      %rem3A_412 = arith.remsi %add3A_394, %jit3A_395 : i32
      %ne3A_413 = arith.constant 0 : i32
      %ne3A_414 = arith.cmpi ne, %rem3A_412, %ne3A_413 : i32
      %and3A_415 = arith.andi %ne3A_411, %ne3A_414 : i1
      %sub3A_416 = arith.constant 1 : i32
      %sub3A_417 = arith.subi %div3A_396, %sub3A_416 : i32
      %select_n3A_418 = arith.select %and3A_415, %sub3A_417, %div3A_396 : i32
      %jit3A_419 = arith.constant 25 : i32
      %eq3A_420 = arith.constant 0 : i32
      %eq3A_421 = arith.cmpi eq, %jit3A_419, %eq3A_420 : i32
      %jit3A_422 = arith.constant 1 : i32
      %select_n3A_423 = arith.select %eq3A_421, %jit3A_422, %jit3A_419 : i32
      %rem3A_424 = arith.remsi %add3A_394, %select_n3A_423 : i32
      %ne3A_425 = arith.constant 0 : i32
      %ne3A_426 = arith.cmpi ne, %rem3A_424, %ne3A_425 : i32
      %lt3A_427 = arith.constant 0 : i32
      %lt3A_428 = arith.cmpi slt, %rem3A_424, %lt3A_427 : i32
      %lt3A_429 = arith.constant 0 : i32
      %lt3A_430 = arith.cmpi slt, %select_n3A_423, %lt3A_429 : i32
      %ne3A_431 = arith.xori %lt3A_428, %lt3A_430 : i1
      %and3A_432 = arith.andi %ne3A_431, %ne3A_426 : i1
      %add3A_433 = arith.addi %rem3A_424, %select_n3A_423 : i32
      %select_n3A_434 = arith.select %and3A_432, %add3A_433, %rem3A_424 : i32
      %mul3A_435 = arith.constant 32 : i32
      %mul3A_436 = arith.muli %select_n3A_434, %mul3A_435 : i32
      %add3A_437 = arith.addi %mul3A_436, %add3A : i32
      %lt3A_438 = arith.constant 650 : i32
      %lt3A_439 = arith.cmpi slt, %add3A_394, %lt3A_438 : i32
      %convert_element_type3A_440 = arith.extui %lt3A_439 : i1 to i32
      %cond3A_441 = arith.constant 0 : i32
      %cond3A_442 = arith.cmpi ne, %convert_element_type3A_440, %cond3A_441 : i32
      scf.if %cond3A_442 {
        %dma_wait3A_548 = arith.constant 0 : i32
        %dma_wait3A_549 = arith.constant 0 : i32
        %dma_wait3A_550 = tpu.memref_slice %arg2[%select_n3A_418, %dma_wait3A_548, %dma_wait3A_549] : memref<26x16x100000xf32, #tpu.memory_space<hbm>> -> memref<1x16x128xf32, #tpu.memory_space<hbm>>
        %dma_wait3A_551 = tpu.memref_squeeze %dma_wait3A_550 : memref<1x16x128xf32, #tpu.memory_space<hbm>> -> memref<16x128xf32, #tpu.memory_space<hbm>>
        %dma_wait3A_552 = arith.constant 0 : i32
        %dma_wait3A_553 = arith.constant 0 : i32
        %dma_wait3A_554 = tpu.memref_slice %arg2[%select_n3A_418, %dma_wait3A_552, %dma_wait3A_553] : memref<26x16x100000xf32, #tpu.memory_space<hbm>> -> memref<1x16x128xf32, #tpu.memory_space<hbm>>
        %dma_wait3A_555 = tpu.memref_squeeze %dma_wait3A_554 : memref<1x16x128xf32, #tpu.memory_space<hbm>> -> memref<16x128xf32, #tpu.memory_space<hbm>>
        tpu.wait_dma2 semaphore(%arg26 : memref<!tpu.dma_semaphore, #tpu.memory_space<semaphore_mem>>) src(%dma_wait3A_555 : memref<16x128xf32, #tpu.memory_space<hbm>>) dst(%arg9 : memref<16x128xf32, #tpu.memory_space<vmem>>)
        %ge3A = arith.constant 8 : i32
        %ge3A_556 = arith.cmpi sge, %add3A_394, %ge3A : i32
        %convert_element_type3A_557 = arith.extui %ge3A_556 : i1 to i32
        %cond3A_558 = arith.constant 0 : i32
        %cond3A_559 = arith.cmpi ne, %convert_element_type3A_557, %cond3A_558 : i32
        scf.if %cond3A_559 {
          %dma_wait3A_584 = arith.constant 0 : i32
          %dma_wait3A_585 = tpu.memref_slice %arg3[%dma_wait3A_584] : memref<42598400xf32, #tpu.memory_space<hbm>> -> memref<2048xf32, #tpu.memory_space<hbm>>
          %dma_wait3A_586 = arith.constant 0 : i32
          %dma_wait3A_587 = tpu.memref_slice %arg3[%dma_wait3A_586] : memref<42598400xf32, #tpu.memory_space<hbm>> -> memref<2048xf32, #tpu.memory_space<hbm>>
          tpu.wait_dma2 semaphore(%arg34 : memref<!tpu.dma_semaphore, #tpu.memory_space<semaphore_mem>>) src(%arg17 : memref<2048xf32, #tpu.memory_space<vmem>>) dst(%dma_wait3A_587 : memref<2048xf32, #tpu.memory_space<hbm>>)
        } else {
        }
        %get3A = arith.constant 0 : index
        %get3A_560 = tpu.vector_load %arg20[%get3A] {strides = array<i32>} : memref<16xi32, #tpu.memory_space<vmem>>, vector<16xi32>,
        %scan3A_561 = arith.constant 0 : i32
        %scan3A_562 = arith.constant 0 : i32
        %scan3A_563 = arith.constant 8 : i32
        %scan3A_564 = arith.addi %scan3A_562, %scan3A_563 : i32
        %scan3A_565 = arith.constant 1 : i32
        %scan3A_566 = scf.for %scan3A_584 = %scan3A_562 to %scan3A_564 step %scan3A_565 iter_args(%scan3A_585 = %scan3A_561) -> (i32)  : i32 {
          %mul3A_586 = arith.constant 16 : i32
          %mul3A_587 = arith.muli %scan3A_584, %mul3A_586 : i32
          %broadcast_in_dim3A = vector.broadcast %mul3A_587 : i32 to vector<16xi32>
          %add3A_588 = arith.constant 0 : i32
          %add3A_589 = vector.broadcast %add3A_588 : i32 to vector<16xi32>
          %add3A_590 = arith.addi %get3A_560, %add3A_589 : vector<16xi32>
          %and3A_591 = arith.constant 15 : i32
          %and3A_592 = vector.broadcast %and3A_591 : i32 to vector<16xi32>
          %and3A_593 = arith.andi %add3A_590, %and3A_592 : vector<16xi32>
          %add3A_594 = arith.addi %broadcast_in_dim3A, %and3A_593 : vector<16xi32>
          %gather3A = tpu.vector_load_idx %arg9[%get3A_560, %add3A_594] : memref<16x128xf32, #tpu.memory_space<vmem>>[vector<16xi32>, vector<16xi32>], vector<16xf32>,
          %add3A_595 = arith.constant 1 : i32
          %add3A_596 = vector.broadcast %add3A_595 : i32 to vector<16xi32>
          %add3A_597 = arith.addi %get3A_560, %add3A_596 : vector<16xi32>
          %and3A_598 = arith.constant 15 : i32
          %and3A_599 = vector.broadcast %and3A_598 : i32 to vector<16xi32>
          %and3A_600 = arith.andi %add3A_597, %and3A_599 : vector<16xi32>
          %add3A_601 = arith.addi %broadcast_in_dim3A, %and3A_600 : vector<16xi32>
          %gather3A_602 = tpu.vector_load_idx %arg9[%get3A_560, %add3A_601] : memref<16x128xf32, #tpu.memory_space<vmem>>[vector<16xi32>, vector<16xi32>], vector<16xf32>,
          %add3A_603 = arith.constant 2 : i32
          %add3A_604 = vector.broadcast %add3A_603 : i32 to vector<16xi32>
          %add3A_605 = arith.addi %get3A_560, %add3A_604 : vector<16xi32>
          %and3A_606 = arith.constant 15 : i32
          %and3A_607 = vector.broadcast %and3A_606 : i32 to vector<16xi32>
          %and3A_608 = arith.andi %add3A_605, %and3A_607 : vector<16xi32>
          %add3A_609 = arith.addi %broadcast_in_dim3A, %and3A_608 : vector<16xi32>
          %gather3A_610 = tpu.vector_load_idx %arg9[%get3A_560, %add3A_609] : memref<16x128xf32, #tpu.memory_space<vmem>>[vector<16xi32>, vector<16xi32>], vector<16xf32>,
          %add3A_611 = arith.constant 3 : i32
          %add3A_612 = vector.broadcast %add3A_611 : i32 to vector<16xi32>
          %add3A_613 = arith.addi %get3A_560, %add3A_612 : vector<16xi32>
          %and3A_614 = arith.constant 15 : i32
          %and3A_615 = vector.broadcast %and3A_614 : i32 to vector<16xi32>
          %and3A_616 = arith.andi %add3A_613, %and3A_615 : vector<16xi32>
          %add3A_617 = arith.addi %broadcast_in_dim3A, %and3A_616 : vector<16xi32>
          %gather3A_618 = tpu.vector_load_idx %arg9[%get3A_560, %add3A_617] : memref<16x128xf32, #tpu.memory_space<vmem>>[vector<16xi32>, vector<16xi32>], vector<16xf32>,
          %add3A_619 = arith.constant 4 : i32
          %add3A_620 = vector.broadcast %add3A_619 : i32 to vector<16xi32>
          %add3A_621 = arith.addi %get3A_560, %add3A_620 : vector<16xi32>
          %and3A_622 = arith.constant 15 : i32
          %and3A_623 = vector.broadcast %and3A_622 : i32 to vector<16xi32>
          %and3A_624 = arith.andi %add3A_621, %and3A_623 : vector<16xi32>
          %add3A_625 = arith.addi %broadcast_in_dim3A, %and3A_624 : vector<16xi32>
          %gather3A_626 = tpu.vector_load_idx %arg9[%get3A_560, %add3A_625] : memref<16x128xf32, #tpu.memory_space<vmem>>[vector<16xi32>, vector<16xi32>], vector<16xf32>,
          %add3A_627 = arith.constant 5 : i32
          %add3A_628 = vector.broadcast %add3A_627 : i32 to vector<16xi32>
          %add3A_629 = arith.addi %get3A_560, %add3A_628 : vector<16xi32>
          %and3A_630 = arith.constant 15 : i32
          %and3A_631 = vector.broadcast %and3A_630 : i32 to vector<16xi32>
          %and3A_632 = arith.andi %add3A_629, %and3A_631 : vector<16xi32>
          %add3A_633 = arith.addi %broadcast_in_dim3A, %and3A_632 : vector<16xi32>
          %gather3A_634 = tpu.vector_load_idx %arg9[%get3A_560, %add3A_633] : memref<16x128xf32, #tpu.memory_space<vmem>>[vector<16xi32>, vector<16xi32>], vector<16xf32>,
          %add3A_635 = arith.constant 6 : i32
          %add3A_636 = vector.broadcast %add3A_635 : i32 to vector<16xi32>
          %add3A_637 = arith.addi %get3A_560, %add3A_636 : vector<16xi32>
          %and3A_638 = arith.constant 15 : i32
          %and3A_639 = vector.broadcast %and3A_638 : i32 to vector<16xi32>
          %and3A_640 = arith.andi %add3A_637, %and3A_639 : vector<16xi32>
          %add3A_641 = arith.addi %broadcast_in_dim3A, %and3A_640 : vector<16xi32>
          %gather3A_642 = tpu.vector_load_idx %arg9[%get3A_560, %add3A_641] : memref<16x128xf32, #tpu.memory_space<vmem>>[vector<16xi32>, vector<16xi32>], vector<16xf32>,
          %add3A_643 = arith.constant 7 : i32
          %add3A_644 = vector.broadcast %add3A_643 : i32 to vector<16xi32>
          %add3A_645 = arith.addi %get3A_560, %add3A_644 : vector<16xi32>
          %and3A_646 = arith.constant 15 : i32
          %and3A_647 = vector.broadcast %and3A_646 : i32 to vector<16xi32>
          %and3A_648 = arith.andi %add3A_645, %and3A_647 : vector<16xi32>
          %add3A_649 = arith.addi %broadcast_in_dim3A, %and3A_648 : vector<16xi32>
          %gather3A_650 = tpu.vector_load_idx %arg9[%get3A_560, %add3A_649] : memref<16x128xf32, #tpu.memory_space<vmem>>[vector<16xi32>, vector<16xi32>], vector<16xf32>,
          %add3A_651 = arith.constant 8 : i32
          %add3A_652 = vector.broadcast %add3A_651 : i32 to vector<16xi32>
          %add3A_653 = arith.addi %get3A_560, %add3A_652 : vector<16xi32>
          %and3A_654 = arith.constant 15 : i32
          %and3A_655 = vector.broadcast %and3A_654 : i32 to vector<16xi32>
          %and3A_656 = arith.andi %add3A_653, %and3A_655 : vector<16xi32>
          %add3A_657 = arith.addi %broadcast_in_dim3A, %and3A_656 : vector<16xi32>
          %gather3A_658 = tpu.vector_load_idx %arg9[%get3A_560, %add3A_657] : memref<16x128xf32, #tpu.memory_space<vmem>>[vector<16xi32>, vector<16xi32>], vector<16xf32>,
          %add3A_659 = arith.constant 9 : i32
          %add3A_660 = vector.broadcast %add3A_659 : i32 to vector<16xi32>
          %add3A_661 = arith.addi %get3A_560, %add3A_660 : vector<16xi32>
          %and3A_662 = arith.constant 15 : i32
          %and3A_663 = vector.broadcast %and3A_662 : i32 to vector<16xi32>
          %and3A_664 = arith.andi %add3A_661, %and3A_663 : vector<16xi32>
          %add3A_665 = arith.addi %broadcast_in_dim3A, %and3A_664 : vector<16xi32>
          %gather3A_666 = tpu.vector_load_idx %arg9[%get3A_560, %add3A_665] : memref<16x128xf32, #tpu.memory_space<vmem>>[vector<16xi32>, vector<16xi32>], vector<16xf32>,
          %add3A_667 = arith.constant 10 : i32
          %add3A_668 = vector.broadcast %add3A_667 : i32 to vector<16xi32>
          %add3A_669 = arith.addi %get3A_560, %add3A_668 : vector<16xi32>
          %and3A_670 = arith.constant 15 : i32
          %and3A_671 = vector.broadcast %and3A_670 : i32 to vector<16xi32>
          %and3A_672 = arith.andi %add3A_669, %and3A_671 : vector<16xi32>
          %add3A_673 = arith.addi %broadcast_in_dim3A, %and3A_672 : vector<16xi32>
          %gather3A_674 = tpu.vector_load_idx %arg9[%get3A_560, %add3A_673] : memref<16x128xf32, #tpu.memory_space<vmem>>[vector<16xi32>, vector<16xi32>], vector<16xf32>,
          %add3A_675 = arith.constant 11 : i32
          %add3A_676 = vector.broadcast %add3A_675 : i32 to vector<16xi32>
          %add3A_677 = arith.addi %get3A_560, %add3A_676 : vector<16xi32>
          %and3A_678 = arith.constant 15 : i32
          %and3A_679 = vector.broadcast %and3A_678 : i32 to vector<16xi32>
          %and3A_680 = arith.andi %add3A_677, %and3A_679 : vector<16xi32>
          %add3A_681 = arith.addi %broadcast_in_dim3A, %and3A_680 : vector<16xi32>
          %gather3A_682 = tpu.vector_load_idx %arg9[%get3A_560, %add3A_681] : memref<16x128xf32, #tpu.memory_space<vmem>>[vector<16xi32>, vector<16xi32>], vector<16xf32>,
          %add3A_683 = arith.constant 12 : i32
          %add3A_684 = vector.broadcast %add3A_683 : i32 to vector<16xi32>
          %add3A_685 = arith.addi %get3A_560, %add3A_684 : vector<16xi32>
          %and3A_686 = arith.constant 15 : i32
          %and3A_687 = vector.broadcast %and3A_686 : i32 to vector<16xi32>
          %and3A_688 = arith.andi %add3A_685, %and3A_687 : vector<16xi32>
          %add3A_689 = arith.addi %broadcast_in_dim3A, %and3A_688 : vector<16xi32>
          %gather3A_690 = tpu.vector_load_idx %arg9[%get3A_560, %add3A_689] : memref<16x128xf32, #tpu.memory_space<vmem>>[vector<16xi32>, vector<16xi32>], vector<16xf32>,
          %add3A_691 = arith.constant 13 : i32
          %add3A_692 = vector.broadcast %add3A_691 : i32 to vector<16xi32>
          %add3A_693 = arith.addi %get3A_560, %add3A_692 : vector<16xi32>
          %and3A_694 = arith.constant 15 : i32
          %and3A_695 = vector.broadcast %and3A_694 : i32 to vector<16xi32>
          %and3A_696 = arith.andi %add3A_693, %and3A_695 : vector<16xi32>
          %add3A_697 = arith.addi %broadcast_in_dim3A, %and3A_696 : vector<16xi32>
          %gather3A_698 = tpu.vector_load_idx %arg9[%get3A_560, %add3A_697] : memref<16x128xf32, #tpu.memory_space<vmem>>[vector<16xi32>, vector<16xi32>], vector<16xf32>,
          %add3A_699 = arith.constant 14 : i32
          %add3A_700 = vector.broadcast %add3A_699 : i32 to vector<16xi32>
          %add3A_701 = arith.addi %get3A_560, %add3A_700 : vector<16xi32>
          %and3A_702 = arith.constant 15 : i32
          %and3A_703 = vector.broadcast %and3A_702 : i32 to vector<16xi32>
          %and3A_704 = arith.andi %add3A_701, %and3A_703 : vector<16xi32>
          %add3A_705 = arith.addi %broadcast_in_dim3A, %and3A_704 : vector<16xi32>
          %gather3A_706 = tpu.vector_load_idx %arg9[%get3A_560, %add3A_705] : memref<16x128xf32, #tpu.memory_space<vmem>>[vector<16xi32>, vector<16xi32>], vector<16xf32>,
          %add3A_707 = arith.constant 15 : i32
          %add3A_708 = vector.broadcast %add3A_707 : i32 to vector<16xi32>
          %add3A_709 = arith.addi %get3A_560, %add3A_708 : vector<16xi32>
          %and3A_710 = arith.constant 15 : i32
          %and3A_711 = vector.broadcast %and3A_710 : i32 to vector<16xi32>
          %and3A_712 = arith.andi %add3A_709, %and3A_711 : vector<16xi32>
          %add3A_713 = arith.addi %broadcast_in_dim3A, %and3A_712 : vector<16xi32>
          %gather3A_714 = tpu.vector_load_idx %arg9[%get3A_560, %add3A_713] : memref<16x128xf32, #tpu.memory_space<vmem>>[vector<16xi32>, vector<16xi32>], vector<16xf32>,
          %shift_left3A = arith.constant 4 : i32
          %shift_left3A_715 = vector.broadcast %shift_left3A : i32 to vector<16xi32>
          %shift_left3A_716 = arith.shli %add3A_594, %shift_left3A_715 : vector<16xi32>
          %or3A = arith.ori %shift_left3A_716, %get3A_560 : vector<16xi32>
          tpu.vector_store_idx %arg17[%or3A], %gather3A : memref<2048xf32, #tpu.memory_space<vmem>>[vector<16xi32>], vector<16xf32>,
          %shift_left3A_717 = arith.constant 4 : i32
          %shift_left3A_718 = vector.broadcast %shift_left3A_717 : i32 to vector<16xi32>
          %shift_left3A_719 = arith.shli %add3A_601, %shift_left3A_718 : vector<16xi32>
          %or3A_720 = arith.ori %shift_left3A_719, %get3A_560 : vector<16xi32>
          tpu.vector_store_idx %arg17[%or3A_720], %gather3A_602 : memref<2048xf32, #tpu.memory_space<vmem>>[vector<16xi32>], vector<16xf32>,
          %shift_left3A_721 = arith.constant 4 : i32
          %shift_left3A_722 = vector.broadcast %shift_left3A_721 : i32 to vector<16xi32>
          %shift_left3A_723 = arith.shli %add3A_609, %shift_left3A_722 : vector<16xi32>
          %or3A_724 = arith.ori %shift_left3A_723, %get3A_560 : vector<16xi32>
          tpu.vector_store_idx %arg17[%or3A_724], %gather3A_610 : memref<2048xf32, #tpu.memory_space<vmem>>[vector<16xi32>], vector<16xf32>,
          %shift_left3A_725 = arith.constant 4 : i32
          %shift_left3A_726 = vector.broadcast %shift_left3A_725 : i32 to vector<16xi32>
          %shift_left3A_727 = arith.shli %add3A_617, %shift_left3A_726 : vector<16xi32>
          %or3A_728 = arith.ori %shift_left3A_727, %get3A_560 : vector<16xi32>
          tpu.vector_store_idx %arg17[%or3A_728], %gather3A_618 : memref<2048xf32, #tpu.memory_space<vmem>>[vector<16xi32>], vector<16xf32>,
          %shift_left3A_729 = arith.constant 4 : i32
          %shift_left3A_730 = vector.broadcast %shift_left3A_729 : i32 to vector<16xi32>
          %shift_left3A_731 = arith.shli %add3A_625, %shift_left3A_730 : vector<16xi32>
          %or3A_732 = arith.ori %shift_left3A_731, %get3A_560 : vector<16xi32>
          tpu.vector_store_idx %arg17[%or3A_732], %gather3A_626 : memref<2048xf32, #tpu.memory_space<vmem>>[vector<16xi32>], vector<16xf32>,
          %shift_left3A_733 = arith.constant 4 : i32
          %shift_left3A_734 = vector.broadcast %shift_left3A_733 : i32 to vector<16xi32>
          %shift_left3A_735 = arith.shli %add3A_633, %shift_left3A_734 : vector<16xi32>
          %or3A_736 = arith.ori %shift_left3A_735, %get3A_560 : vector<16xi32>
          tpu.vector_store_idx %arg17[%or3A_736], %gather3A_634 : memref<2048xf32, #tpu.memory_space<vmem>>[vector<16xi32>], vector<16xf32>,
          %shift_left3A_737 = arith.constant 4 : i32
          %shift_left3A_738 = vector.broadcast %shift_left3A_737 : i32 to vector<16xi32>
          %shift_left3A_739 = arith.shli %add3A_641, %shift_left3A_738 : vector<16xi32>
          %or3A_740 = arith.ori %shift_left3A_739, %get3A_560 : vector<16xi32>
          tpu.vector_store_idx %arg17[%or3A_740], %gather3A_642 : memref<2048xf32, #tpu.memory_space<vmem>>[vector<16xi32>], vector<16xf32>,
          %shift_left3A_741 = arith.constant 4 : i32
          %shift_left3A_742 = vector.broadcast %shift_left3A_741 : i32 to vector<16xi32>
          %shift_left3A_743 = arith.shli %add3A_649, %shift_left3A_742 : vector<16xi32>
          %or3A_744 = arith.ori %shift_left3A_743, %get3A_560 : vector<16xi32>
          tpu.vector_store_idx %arg17[%or3A_744], %gather3A_650 : memref<2048xf32, #tpu.memory_space<vmem>>[vector<16xi32>], vector<16xf32>,
          %shift_left3A_745 = arith.constant 4 : i32
          %shift_left3A_746 = vector.broadcast %shift_left3A_745 : i32 to vector<16xi32>
          %shift_left3A_747 = arith.shli %add3A_657, %shift_left3A_746 : vector<16xi32>
          %or3A_748 = arith.ori %shift_left3A_747, %get3A_560 : vector<16xi32>
          tpu.vector_store_idx %arg17[%or3A_748], %gather3A_658 : memref<2048xf32, #tpu.memory_space<vmem>>[vector<16xi32>], vector<16xf32>,
          %shift_left3A_749 = arith.constant 4 : i32
          %shift_left3A_750 = vector.broadcast %shift_left3A_749 : i32 to vector<16xi32>
          %shift_left3A_751 = arith.shli %add3A_665, %shift_left3A_750 : vector<16xi32>
          %or3A_752 = arith.ori %shift_left3A_751, %get3A_560 : vector<16xi32>
          tpu.vector_store_idx %arg17[%or3A_752], %gather3A_666 : memref<2048xf32, #tpu.memory_space<vmem>>[vector<16xi32>], vector<16xf32>,
          %shift_left3A_753 = arith.constant 4 : i32
          %shift_left3A_754 = vector.broadcast %shift_left3A_753 : i32 to vector<16xi32>
          %shift_left3A_755 = arith.shli %add3A_673, %shift_left3A_754 : vector<16xi32>
          %or3A_756 = arith.ori %shift_left3A_755, %get3A_560 : vector<16xi32>
          tpu.vector_store_idx %arg17[%or3A_756], %gather3A_674 : memref<2048xf32, #tpu.memory_space<vmem>>[vector<16xi32>], vector<16xf32>,
          %shift_left3A_757 = arith.constant 4 : i32
          %shift_left3A_758 = vector.broadcast %shift_left3A_757 : i32 to vector<16xi32>
          %shift_left3A_759 = arith.shli %add3A_681, %shift_left3A_758 : vector<16xi32>
          %or3A_760 = arith.ori %shift_left3A_759, %get3A_560 : vector<16xi32>
          tpu.vector_store_idx %arg17[%or3A_760], %gather3A_682 : memref<2048xf32, #tpu.memory_space<vmem>>[vector<16xi32>], vector<16xf32>,
          %shift_left3A_761 = arith.constant 4 : i32
          %shift_left3A_762 = vector.broadcast %shift_left3A_761 : i32 to vector<16xi32>
          %shift_left3A_763 = arith.shli %add3A_689, %shift_left3A_762 : vector<16xi32>
          %or3A_764 = arith.ori %shift_left3A_763, %get3A_560 : vector<16xi32>
          tpu.vector_store_idx %arg17[%or3A_764], %gather3A_690 : memref<2048xf32, #tpu.memory_space<vmem>>[vector<16xi32>], vector<16xf32>,
          %shift_left3A_765 = arith.constant 4 : i32
          %shift_left3A_766 = vector.broadcast %shift_left3A_765 : i32 to vector<16xi32>
          %shift_left3A_767 = arith.shli %add3A_697, %shift_left3A_766 : vector<16xi32>
          %or3A_768 = arith.ori %shift_left3A_767, %get3A_560 : vector<16xi32>
          tpu.vector_store_idx %arg17[%or3A_768], %gather3A_698 : memref<2048xf32, #tpu.memory_space<vmem>>[vector<16xi32>], vector<16xf32>,
          %shift_left3A_769 = arith.constant 4 : i32
          %shift_left3A_770 = vector.broadcast %shift_left3A_769 : i32 to vector<16xi32>
          %shift_left3A_771 = arith.shli %add3A_705, %shift_left3A_770 : vector<16xi32>
          %or3A_772 = arith.ori %shift_left3A_771, %get3A_560 : vector<16xi32>
          tpu.vector_store_idx %arg17[%or3A_772], %gather3A_706 : memref<2048xf32, #tpu.memory_space<vmem>>[vector<16xi32>], vector<16xf32>,
          %shift_left3A_773 = arith.constant 4 : i32
          %shift_left3A_774 = vector.broadcast %shift_left3A_773 : i32 to vector<16xi32>
          %shift_left3A_775 = arith.shli %add3A_713, %shift_left3A_774 : vector<16xi32>
          %or3A_776 = arith.ori %shift_left3A_775, %get3A_560 : vector<16xi32>
          tpu.vector_store_idx %arg17[%or3A_776], %gather3A_714 : memref<2048xf32, #tpu.memory_space<vmem>>[vector<16xi32>], vector<16xf32>,
          %scan3A_777 = arith.constant 0 : i32
          scf.yield %scan3A_777 : i32
        }
        %scan3A_567 = arith.constant 8 : i32
        %mul3A_568 = arith.constant 102400 : i32
        %mul3A_569 = arith.muli %select_n3A_418, %mul3A_568 : i32
        %mul3A_570 = arith.constant 128 : i32
        %mul3A_571 = arith.muli %add3A_437, %mul3A_570 : i32
        %add3A_572 = arith.addi %mul3A_569, %mul3A_571 : i32
        %mul3A_573 = arith.constant 16 : i32
        %mul3A_574 = arith.muli %add3A_572, %mul3A_573 : i32
        %dma_start3A_575 = tpu.memref_slice %arg3[%mul3A_574] : memref<42598400xf32, #tpu.memory_space<hbm>> -> memref<2048xf32, #tpu.memory_space<hbm>>
        %dma_start3A_576 = tpu.memref_slice %arg3[%mul3A_574] : memref<42598400xf32, #tpu.memory_space<hbm>> -> memref<2048xf32, #tpu.memory_space<hbm>>
        tpu.enqueue_dma source(%arg17 : memref<2048xf32, #tpu.memory_space<vmem>>) target(%dma_start3A_576 : memref<2048xf32, #tpu.memory_space<hbm>>) target_semaphore(%arg34 : memref<!tpu.dma_semaphore, #tpu.memory_space<semaphore_mem>>)
        %add3A_577 = arith.constant 8 : i32
        %add3A_578 = arith.addi %add3A_394, %add3A_577 : i32
        %lt3A_579 = arith.constant 650 : i32
        %lt3A_580 = arith.cmpi slt, %add3A_578, %lt3A_579 : i32
        %convert_element_type3A_581 = arith.extui %lt3A_580 : i1 to i32
        %cond3A_582 = arith.constant 0 : i32
        %cond3A_583 = arith.cmpi ne, %convert_element_type3A_581, %cond3A_582 : i32
        scf.if %cond3A_583 {
          %add3A_584 = arith.constant 8 : i32
          %add3A_585 = arith.addi %add3A_394, %add3A_584 : i32
          %jit3A_586 = arith.constant 25 : i32
          %div3A_587 = arith.divsi %add3A_585, %jit3A_586 : i32
          %sign3A_588 = arith.constant 0 : i32
          %sign3A_589 = arith.cmpi sgt, %add3A_585, %sign3A_588 : i32
          %sign3A_590 = arith.extui %sign3A_589 : i1 to i32
          %sign3A_591 = arith.constant 0 : i32
          %sign3A_592 = arith.cmpi slt, %add3A_585, %sign3A_591 : i32
          %sign3A_593 = arith.extui %sign3A_592 : i1 to i32
          %sign3A_594 = arith.subi %sign3A_590, %sign3A_593 : i32
          %sign3A_595 = arith.constant 0 : i32
          %sign3A_596 = arith.cmpi sgt, %jit3A_586, %sign3A_595 : i32
          %sign3A_597 = arith.extui %sign3A_596 : i1 to i32
          %sign3A_598 = arith.constant 0 : i32
          %sign3A_599 = arith.cmpi slt, %jit3A_586, %sign3A_598 : i32
          %sign3A_600 = arith.extui %sign3A_599 : i1 to i32
          %sign3A_601 = arith.subi %sign3A_597, %sign3A_600 : i32
          %ne3A_602 = arith.cmpi ne, %sign3A_594, %sign3A_601 : i32
          %rem3A_603 = arith.remsi %add3A_585, %jit3A_586 : i32
          %ne3A_604 = arith.constant 0 : i32
          %ne3A_605 = arith.cmpi ne, %rem3A_603, %ne3A_604 : i32
          %and3A_606 = arith.andi %ne3A_602, %ne3A_605 : i1
          %sub3A_607 = arith.constant 1 : i32
          %sub3A_608 = arith.subi %div3A_587, %sub3A_607 : i32
          %select_n3A_609 = arith.select %and3A_606, %sub3A_608, %div3A_587 : i32
          %jit3A_610 = arith.constant 25 : i32
          %eq3A_611 = arith.constant 0 : i32
          %eq3A_612 = arith.cmpi eq, %jit3A_610, %eq3A_611 : i32
          %jit3A_613 = arith.constant 1 : i32
          %select_n3A_614 = arith.select %eq3A_612, %jit3A_613, %jit3A_610 : i32
          %rem3A_615 = arith.remsi %add3A_585, %select_n3A_614 : i32
          %ne3A_616 = arith.constant 0 : i32
          %ne3A_617 = arith.cmpi ne, %rem3A_615, %ne3A_616 : i32
          %lt3A_618 = arith.constant 0 : i32
          %lt3A_619 = arith.cmpi slt, %rem3A_615, %lt3A_618 : i32
          %lt3A_620 = arith.constant 0 : i32
          %lt3A_621 = arith.cmpi slt, %select_n3A_614, %lt3A_620 : i32
          %ne3A_622 = arith.xori %lt3A_619, %lt3A_621 : i1
          %and3A_623 = arith.andi %ne3A_622, %ne3A_617 : i1
          %add3A_624 = arith.addi %rem3A_615, %select_n3A_614 : i32
          %select_n3A_625 = arith.select %and3A_623, %add3A_624, %rem3A_615 : i32
          %mul3A_626 = arith.constant 32 : i32
          %mul3A_627 = arith.muli %select_n3A_625, %mul3A_626 : i32
          %add3A_628 = arith.addi %mul3A_627, %add3A : i32
          %min3A_629 = arith.constant 781 : i32
          %min3A_630 = arith.minsi %add3A_628, %min3A_629 : i32
          %mul3A_631 = arith.constant 128 : i32
          %mul3A_632 = arith.muli %min3A_630, %mul3A_631 : i32
          %dma_start3A_633 = arith.constant 0 : i32
          %dma_start3A_634 = tpu.memref_slice %arg2[%select_n3A_609, %dma_start3A_633, %mul3A_632] : memref<26x16x100000xf32, #tpu.memory_space<hbm>> -> memref<1x16x128xf32, #tpu.memory_space<hbm>>
          %dma_start3A_635 = tpu.memref_squeeze %dma_start3A_634 : memref<1x16x128xf32, #tpu.memory_space<hbm>> -> memref<16x128xf32, #tpu.memory_space<hbm>>
          %dma_start3A_636 = arith.constant 0 : i32
          %dma_start3A_637 = tpu.memref_slice %arg2[%select_n3A_609, %dma_start3A_636, %mul3A_632] : memref<26x16x100000xf32, #tpu.memory_space<hbm>> -> memref<1x16x128xf32, #tpu.memory_space<hbm>>
          %dma_start3A_638 = tpu.memref_squeeze %dma_start3A_637 : memref<1x16x128xf32, #tpu.memory_space<hbm>> -> memref<16x128xf32, #tpu.memory_space<hbm>>
          tpu.enqueue_dma source(%dma_start3A_638 : memref<16x128xf32, #tpu.memory_space<hbm>>) target(%arg9 : memref<16x128xf32, #tpu.memory_space<vmem>>) target_semaphore(%arg26 : memref<!tpu.dma_semaphore, #tpu.memory_space<semaphore_mem>>)
        } else {
        }
      } else {
      }
      %mul3A_443 = arith.constant 8 : i32
      %mul3A_444 = arith.muli %scan3A_141, %mul3A_443 : i32
      %add3A_445 = arith.constant 6 : i32
      %add3A_446 = arith.addi %mul3A_444, %add3A_445 : i32
      %jit3A_447 = arith.constant 25 : i32
      %div3A_448 = arith.divsi %add3A_446, %jit3A_447 : i32
      %sign3A_449 = arith.constant 0 : i32
      %sign3A_450 = arith.cmpi sgt, %add3A_446, %sign3A_449 : i32
      %sign3A_451 = arith.extui %sign3A_450 : i1 to i32
      %sign3A_452 = arith.constant 0 : i32
      %sign3A_453 = arith.cmpi slt, %add3A_446, %sign3A_452 : i32
      %sign3A_454 = arith.extui %sign3A_453 : i1 to i32
      %sign3A_455 = arith.subi %sign3A_451, %sign3A_454 : i32
      %sign3A_456 = arith.constant 0 : i32
      %sign3A_457 = arith.cmpi sgt, %jit3A_447, %sign3A_456 : i32
      %sign3A_458 = arith.extui %sign3A_457 : i1 to i32
      %sign3A_459 = arith.constant 0 : i32
      %sign3A_460 = arith.cmpi slt, %jit3A_447, %sign3A_459 : i32
      %sign3A_461 = arith.extui %sign3A_460 : i1 to i32
      %sign3A_462 = arith.subi %sign3A_458, %sign3A_461 : i32
      %ne3A_463 = arith.cmpi ne, %sign3A_455, %sign3A_462 : i32
      %rem3A_464 = arith.remsi %add3A_446, %jit3A_447 : i32
      %ne3A_465 = arith.constant 0 : i32
      %ne3A_466 = arith.cmpi ne, %rem3A_464, %ne3A_465 : i32
      %and3A_467 = arith.andi %ne3A_463, %ne3A_466 : i1
      %sub3A_468 = arith.constant 1 : i32
      %sub3A_469 = arith.subi %div3A_448, %sub3A_468 : i32
      %select_n3A_470 = arith.select %and3A_467, %sub3A_469, %div3A_448 : i32
      %jit3A_471 = arith.constant 25 : i32
      %eq3A_472 = arith.constant 0 : i32
      %eq3A_473 = arith.cmpi eq, %jit3A_471, %eq3A_472 : i32
      %jit3A_474 = arith.constant 1 : i32
      %select_n3A_475 = arith.select %eq3A_473, %jit3A_474, %jit3A_471 : i32
      %rem3A_476 = arith.remsi %add3A_446, %select_n3A_475 : i32
      %ne3A_477 = arith.constant 0 : i32
      %ne3A_478 = arith.cmpi ne, %rem3A_476, %ne3A_477 : i32
      %lt3A_479 = arith.constant 0 : i32
      %lt3A_480 = arith.cmpi slt, %rem3A_476, %lt3A_479 : i32
      %lt3A_481 = arith.constant 0 : i32
      %lt3A_482 = arith.cmpi slt, %select_n3A_475, %lt3A_481 : i32
      %ne3A_483 = arith.xori %lt3A_480, %lt3A_482 : i1
      %and3A_484 = arith.andi %ne3A_483, %ne3A_478 : i1
      %add3A_485 = arith.addi %rem3A_476, %select_n3A_475 : i32
      %select_n3A_486 = arith.select %and3A_484, %add3A_485, %rem3A_476 : i32
      %mul3A_487 = arith.constant 32 : i32
      %mul3A_488 = arith.muli %select_n3A_486, %mul3A_487 : i32
      %add3A_489 = arith.addi %mul3A_488, %add3A : i32
      %lt3A_490 = arith.constant 650 : i32
      %lt3A_491 = arith.cmpi slt, %add3A_446, %lt3A_490 : i32
      %convert_element_type3A_492 = arith.extui %lt3A_491 : i1 to i32
      %cond3A_493 = arith.constant 0 : i32
      %cond3A_494 = arith.cmpi ne, %convert_element_type3A_492, %cond3A_493 : i32
      scf.if %cond3A_494 {
        %dma_wait3A_548 = arith.constant 0 : i32
        %dma_wait3A_549 = arith.constant 0 : i32
        %dma_wait3A_550 = tpu.memref_slice %arg2[%select_n3A_470, %dma_wait3A_548, %dma_wait3A_549] : memref<26x16x100000xf32, #tpu.memory_space<hbm>> -> memref<1x16x128xf32, #tpu.memory_space<hbm>>
        %dma_wait3A_551 = tpu.memref_squeeze %dma_wait3A_550 : memref<1x16x128xf32, #tpu.memory_space<hbm>> -> memref<16x128xf32, #tpu.memory_space<hbm>>
        %dma_wait3A_552 = arith.constant 0 : i32
        %dma_wait3A_553 = arith.constant 0 : i32
        %dma_wait3A_554 = tpu.memref_slice %arg2[%select_n3A_470, %dma_wait3A_552, %dma_wait3A_553] : memref<26x16x100000xf32, #tpu.memory_space<hbm>> -> memref<1x16x128xf32, #tpu.memory_space<hbm>>
        %dma_wait3A_555 = tpu.memref_squeeze %dma_wait3A_554 : memref<1x16x128xf32, #tpu.memory_space<hbm>> -> memref<16x128xf32, #tpu.memory_space<hbm>>
        tpu.wait_dma2 semaphore(%arg27 : memref<!tpu.dma_semaphore, #tpu.memory_space<semaphore_mem>>) src(%dma_wait3A_555 : memref<16x128xf32, #tpu.memory_space<hbm>>) dst(%arg10 : memref<16x128xf32, #tpu.memory_space<vmem>>)
        %ge3A = arith.constant 8 : i32
        %ge3A_556 = arith.cmpi sge, %add3A_446, %ge3A : i32
        %convert_element_type3A_557 = arith.extui %ge3A_556 : i1 to i32
        %cond3A_558 = arith.constant 0 : i32
        %cond3A_559 = arith.cmpi ne, %convert_element_type3A_557, %cond3A_558 : i32
        scf.if %cond3A_559 {
          %dma_wait3A_584 = arith.constant 0 : i32
          %dma_wait3A_585 = tpu.memref_slice %arg3[%dma_wait3A_584] : memref<42598400xf32, #tpu.memory_space<hbm>> -> memref<2048xf32, #tpu.memory_space<hbm>>
          %dma_wait3A_586 = arith.constant 0 : i32
          %dma_wait3A_587 = tpu.memref_slice %arg3[%dma_wait3A_586] : memref<42598400xf32, #tpu.memory_space<hbm>> -> memref<2048xf32, #tpu.memory_space<hbm>>
          tpu.wait_dma2 semaphore(%arg35 : memref<!tpu.dma_semaphore, #tpu.memory_space<semaphore_mem>>) src(%arg18 : memref<2048xf32, #tpu.memory_space<vmem>>) dst(%dma_wait3A_587 : memref<2048xf32, #tpu.memory_space<hbm>>)
        } else {
        }
        %get3A = arith.constant 0 : index
        %get3A_560 = tpu.vector_load %arg20[%get3A] {strides = array<i32>} : memref<16xi32, #tpu.memory_space<vmem>>, vector<16xi32>,
        %scan3A_561 = arith.constant 0 : i32
        %scan3A_562 = arith.constant 0 : i32
        %scan3A_563 = arith.constant 8 : i32
        %scan3A_564 = arith.addi %scan3A_562, %scan3A_563 : i32
        %scan3A_565 = arith.constant 1 : i32
        %scan3A_566 = scf.for %scan3A_584 = %scan3A_562 to %scan3A_564 step %scan3A_565 iter_args(%scan3A_585 = %scan3A_561) -> (i32)  : i32 {
          %mul3A_586 = arith.constant 16 : i32
          %mul3A_587 = arith.muli %scan3A_584, %mul3A_586 : i32
          %broadcast_in_dim3A = vector.broadcast %mul3A_587 : i32 to vector<16xi32>
          %add3A_588 = arith.constant 0 : i32
          %add3A_589 = vector.broadcast %add3A_588 : i32 to vector<16xi32>
          %add3A_590 = arith.addi %get3A_560, %add3A_589 : vector<16xi32>
          %and3A_591 = arith.constant 15 : i32
          %and3A_592 = vector.broadcast %and3A_591 : i32 to vector<16xi32>
          %and3A_593 = arith.andi %add3A_590, %and3A_592 : vector<16xi32>
          %add3A_594 = arith.addi %broadcast_in_dim3A, %and3A_593 : vector<16xi32>
          %gather3A = tpu.vector_load_idx %arg10[%get3A_560, %add3A_594] : memref<16x128xf32, #tpu.memory_space<vmem>>[vector<16xi32>, vector<16xi32>], vector<16xf32>,
          %add3A_595 = arith.constant 1 : i32
          %add3A_596 = vector.broadcast %add3A_595 : i32 to vector<16xi32>
          %add3A_597 = arith.addi %get3A_560, %add3A_596 : vector<16xi32>
          %and3A_598 = arith.constant 15 : i32
          %and3A_599 = vector.broadcast %and3A_598 : i32 to vector<16xi32>
          %and3A_600 = arith.andi %add3A_597, %and3A_599 : vector<16xi32>
          %add3A_601 = arith.addi %broadcast_in_dim3A, %and3A_600 : vector<16xi32>
          %gather3A_602 = tpu.vector_load_idx %arg10[%get3A_560, %add3A_601] : memref<16x128xf32, #tpu.memory_space<vmem>>[vector<16xi32>, vector<16xi32>], vector<16xf32>,
          %add3A_603 = arith.constant 2 : i32
          %add3A_604 = vector.broadcast %add3A_603 : i32 to vector<16xi32>
          %add3A_605 = arith.addi %get3A_560, %add3A_604 : vector<16xi32>
          %and3A_606 = arith.constant 15 : i32
          %and3A_607 = vector.broadcast %and3A_606 : i32 to vector<16xi32>
          %and3A_608 = arith.andi %add3A_605, %and3A_607 : vector<16xi32>
          %add3A_609 = arith.addi %broadcast_in_dim3A, %and3A_608 : vector<16xi32>
          %gather3A_610 = tpu.vector_load_idx %arg10[%get3A_560, %add3A_609] : memref<16x128xf32, #tpu.memory_space<vmem>>[vector<16xi32>, vector<16xi32>], vector<16xf32>,
          %add3A_611 = arith.constant 3 : i32
          %add3A_612 = vector.broadcast %add3A_611 : i32 to vector<16xi32>
          %add3A_613 = arith.addi %get3A_560, %add3A_612 : vector<16xi32>
          %and3A_614 = arith.constant 15 : i32
          %and3A_615 = vector.broadcast %and3A_614 : i32 to vector<16xi32>
          %and3A_616 = arith.andi %add3A_613, %and3A_615 : vector<16xi32>
          %add3A_617 = arith.addi %broadcast_in_dim3A, %and3A_616 : vector<16xi32>
          %gather3A_618 = tpu.vector_load_idx %arg10[%get3A_560, %add3A_617] : memref<16x128xf32, #tpu.memory_space<vmem>>[vector<16xi32>, vector<16xi32>], vector<16xf32>,
          %add3A_619 = arith.constant 4 : i32
          %add3A_620 = vector.broadcast %add3A_619 : i32 to vector<16xi32>
          %add3A_621 = arith.addi %get3A_560, %add3A_620 : vector<16xi32>
          %and3A_622 = arith.constant 15 : i32
          %and3A_623 = vector.broadcast %and3A_622 : i32 to vector<16xi32>
          %and3A_624 = arith.andi %add3A_621, %and3A_623 : vector<16xi32>
          %add3A_625 = arith.addi %broadcast_in_dim3A, %and3A_624 : vector<16xi32>
          %gather3A_626 = tpu.vector_load_idx %arg10[%get3A_560, %add3A_625] : memref<16x128xf32, #tpu.memory_space<vmem>>[vector<16xi32>, vector<16xi32>], vector<16xf32>,
          %add3A_627 = arith.constant 5 : i32
          %add3A_628 = vector.broadcast %add3A_627 : i32 to vector<16xi32>
          %add3A_629 = arith.addi %get3A_560, %add3A_628 : vector<16xi32>
          %and3A_630 = arith.constant 15 : i32
          %and3A_631 = vector.broadcast %and3A_630 : i32 to vector<16xi32>
          %and3A_632 = arith.andi %add3A_629, %and3A_631 : vector<16xi32>
          %add3A_633 = arith.addi %broadcast_in_dim3A, %and3A_632 : vector<16xi32>
          %gather3A_634 = tpu.vector_load_idx %arg10[%get3A_560, %add3A_633] : memref<16x128xf32, #tpu.memory_space<vmem>>[vector<16xi32>, vector<16xi32>], vector<16xf32>,
          %add3A_635 = arith.constant 6 : i32
          %add3A_636 = vector.broadcast %add3A_635 : i32 to vector<16xi32>
          %add3A_637 = arith.addi %get3A_560, %add3A_636 : vector<16xi32>
          %and3A_638 = arith.constant 15 : i32
          %and3A_639 = vector.broadcast %and3A_638 : i32 to vector<16xi32>
          %and3A_640 = arith.andi %add3A_637, %and3A_639 : vector<16xi32>
          %add3A_641 = arith.addi %broadcast_in_dim3A, %and3A_640 : vector<16xi32>
          %gather3A_642 = tpu.vector_load_idx %arg10[%get3A_560, %add3A_641] : memref<16x128xf32, #tpu.memory_space<vmem>>[vector<16xi32>, vector<16xi32>], vector<16xf32>,
          %add3A_643 = arith.constant 7 : i32
          %add3A_644 = vector.broadcast %add3A_643 : i32 to vector<16xi32>
          %add3A_645 = arith.addi %get3A_560, %add3A_644 : vector<16xi32>
          %and3A_646 = arith.constant 15 : i32
          %and3A_647 = vector.broadcast %and3A_646 : i32 to vector<16xi32>
          %and3A_648 = arith.andi %add3A_645, %and3A_647 : vector<16xi32>
          %add3A_649 = arith.addi %broadcast_in_dim3A, %and3A_648 : vector<16xi32>
          %gather3A_650 = tpu.vector_load_idx %arg10[%get3A_560, %add3A_649] : memref<16x128xf32, #tpu.memory_space<vmem>>[vector<16xi32>, vector<16xi32>], vector<16xf32>,
          %add3A_651 = arith.constant 8 : i32
          %add3A_652 = vector.broadcast %add3A_651 : i32 to vector<16xi32>
          %add3A_653 = arith.addi %get3A_560, %add3A_652 : vector<16xi32>
          %and3A_654 = arith.constant 15 : i32
          %and3A_655 = vector.broadcast %and3A_654 : i32 to vector<16xi32>
          %and3A_656 = arith.andi %add3A_653, %and3A_655 : vector<16xi32>
          %add3A_657 = arith.addi %broadcast_in_dim3A, %and3A_656 : vector<16xi32>
          %gather3A_658 = tpu.vector_load_idx %arg10[%get3A_560, %add3A_657] : memref<16x128xf32, #tpu.memory_space<vmem>>[vector<16xi32>, vector<16xi32>], vector<16xf32>,
          %add3A_659 = arith.constant 9 : i32
          %add3A_660 = vector.broadcast %add3A_659 : i32 to vector<16xi32>
          %add3A_661 = arith.addi %get3A_560, %add3A_660 : vector<16xi32>
          %and3A_662 = arith.constant 15 : i32
          %and3A_663 = vector.broadcast %and3A_662 : i32 to vector<16xi32>
          %and3A_664 = arith.andi %add3A_661, %and3A_663 : vector<16xi32>
          %add3A_665 = arith.addi %broadcast_in_dim3A, %and3A_664 : vector<16xi32>
          %gather3A_666 = tpu.vector_load_idx %arg10[%get3A_560, %add3A_665] : memref<16x128xf32, #tpu.memory_space<vmem>>[vector<16xi32>, vector<16xi32>], vector<16xf32>,
          %add3A_667 = arith.constant 10 : i32
          %add3A_668 = vector.broadcast %add3A_667 : i32 to vector<16xi32>
          %add3A_669 = arith.addi %get3A_560, %add3A_668 : vector<16xi32>
          %and3A_670 = arith.constant 15 : i32
          %and3A_671 = vector.broadcast %and3A_670 : i32 to vector<16xi32>
          %and3A_672 = arith.andi %add3A_669, %and3A_671 : vector<16xi32>
          %add3A_673 = arith.addi %broadcast_in_dim3A, %and3A_672 : vector<16xi32>
          %gather3A_674 = tpu.vector_load_idx %arg10[%get3A_560, %add3A_673] : memref<16x128xf32, #tpu.memory_space<vmem>>[vector<16xi32>, vector<16xi32>], vector<16xf32>,
          %add3A_675 = arith.constant 11 : i32
          %add3A_676 = vector.broadcast %add3A_675 : i32 to vector<16xi32>
          %add3A_677 = arith.addi %get3A_560, %add3A_676 : vector<16xi32>
          %and3A_678 = arith.constant 15 : i32
          %and3A_679 = vector.broadcast %and3A_678 : i32 to vector<16xi32>
          %and3A_680 = arith.andi %add3A_677, %and3A_679 : vector<16xi32>
          %add3A_681 = arith.addi %broadcast_in_dim3A, %and3A_680 : vector<16xi32>
          %gather3A_682 = tpu.vector_load_idx %arg10[%get3A_560, %add3A_681] : memref<16x128xf32, #tpu.memory_space<vmem>>[vector<16xi32>, vector<16xi32>], vector<16xf32>,
          %add3A_683 = arith.constant 12 : i32
          %add3A_684 = vector.broadcast %add3A_683 : i32 to vector<16xi32>
          %add3A_685 = arith.addi %get3A_560, %add3A_684 : vector<16xi32>
          %and3A_686 = arith.constant 15 : i32
          %and3A_687 = vector.broadcast %and3A_686 : i32 to vector<16xi32>
          %and3A_688 = arith.andi %add3A_685, %and3A_687 : vector<16xi32>
          %add3A_689 = arith.addi %broadcast_in_dim3A, %and3A_688 : vector<16xi32>
          %gather3A_690 = tpu.vector_load_idx %arg10[%get3A_560, %add3A_689] : memref<16x128xf32, #tpu.memory_space<vmem>>[vector<16xi32>, vector<16xi32>], vector<16xf32>,
          %add3A_691 = arith.constant 13 : i32
          %add3A_692 = vector.broadcast %add3A_691 : i32 to vector<16xi32>
          %add3A_693 = arith.addi %get3A_560, %add3A_692 : vector<16xi32>
          %and3A_694 = arith.constant 15 : i32
          %and3A_695 = vector.broadcast %and3A_694 : i32 to vector<16xi32>
          %and3A_696 = arith.andi %add3A_693, %and3A_695 : vector<16xi32>
          %add3A_697 = arith.addi %broadcast_in_dim3A, %and3A_696 : vector<16xi32>
          %gather3A_698 = tpu.vector_load_idx %arg10[%get3A_560, %add3A_697] : memref<16x128xf32, #tpu.memory_space<vmem>>[vector<16xi32>, vector<16xi32>], vector<16xf32>,
          %add3A_699 = arith.constant 14 : i32
          %add3A_700 = vector.broadcast %add3A_699 : i32 to vector<16xi32>
          %add3A_701 = arith.addi %get3A_560, %add3A_700 : vector<16xi32>
          %and3A_702 = arith.constant 15 : i32
          %and3A_703 = vector.broadcast %and3A_702 : i32 to vector<16xi32>
          %and3A_704 = arith.andi %add3A_701, %and3A_703 : vector<16xi32>
          %add3A_705 = arith.addi %broadcast_in_dim3A, %and3A_704 : vector<16xi32>
          %gather3A_706 = tpu.vector_load_idx %arg10[%get3A_560, %add3A_705] : memref<16x128xf32, #tpu.memory_space<vmem>>[vector<16xi32>, vector<16xi32>], vector<16xf32>,
          %add3A_707 = arith.constant 15 : i32
          %add3A_708 = vector.broadcast %add3A_707 : i32 to vector<16xi32>
          %add3A_709 = arith.addi %get3A_560, %add3A_708 : vector<16xi32>
          %and3A_710 = arith.constant 15 : i32
          %and3A_711 = vector.broadcast %and3A_710 : i32 to vector<16xi32>
          %and3A_712 = arith.andi %add3A_709, %and3A_711 : vector<16xi32>
          %add3A_713 = arith.addi %broadcast_in_dim3A, %and3A_712 : vector<16xi32>
          %gather3A_714 = tpu.vector_load_idx %arg10[%get3A_560, %add3A_713] : memref<16x128xf32, #tpu.memory_space<vmem>>[vector<16xi32>, vector<16xi32>], vector<16xf32>,
          %shift_left3A = arith.constant 4 : i32
          %shift_left3A_715 = vector.broadcast %shift_left3A : i32 to vector<16xi32>
          %shift_left3A_716 = arith.shli %add3A_594, %shift_left3A_715 : vector<16xi32>
          %or3A = arith.ori %shift_left3A_716, %get3A_560 : vector<16xi32>
          tpu.vector_store_idx %arg18[%or3A], %gather3A : memref<2048xf32, #tpu.memory_space<vmem>>[vector<16xi32>], vector<16xf32>,
          %shift_left3A_717 = arith.constant 4 : i32
          %shift_left3A_718 = vector.broadcast %shift_left3A_717 : i32 to vector<16xi32>
          %shift_left3A_719 = arith.shli %add3A_601, %shift_left3A_718 : vector<16xi32>
          %or3A_720 = arith.ori %shift_left3A_719, %get3A_560 : vector<16xi32>
          tpu.vector_store_idx %arg18[%or3A_720], %gather3A_602 : memref<2048xf32, #tpu.memory_space<vmem>>[vector<16xi32>], vector<16xf32>,
          %shift_left3A_721 = arith.constant 4 : i32
          %shift_left3A_722 = vector.broadcast %shift_left3A_721 : i32 to vector<16xi32>
          %shift_left3A_723 = arith.shli %add3A_609, %shift_left3A_722 : vector<16xi32>
          %or3A_724 = arith.ori %shift_left3A_723, %get3A_560 : vector<16xi32>
          tpu.vector_store_idx %arg18[%or3A_724], %gather3A_610 : memref<2048xf32, #tpu.memory_space<vmem>>[vector<16xi32>], vector<16xf32>,
          %shift_left3A_725 = arith.constant 4 : i32
          %shift_left3A_726 = vector.broadcast %shift_left3A_725 : i32 to vector<16xi32>
          %shift_left3A_727 = arith.shli %add3A_617, %shift_left3A_726 : vector<16xi32>
          %or3A_728 = arith.ori %shift_left3A_727, %get3A_560 : vector<16xi32>
          tpu.vector_store_idx %arg18[%or3A_728], %gather3A_618 : memref<2048xf32, #tpu.memory_space<vmem>>[vector<16xi32>], vector<16xf32>,
          %shift_left3A_729 = arith.constant 4 : i32
          %shift_left3A_730 = vector.broadcast %shift_left3A_729 : i32 to vector<16xi32>
          %shift_left3A_731 = arith.shli %add3A_625, %shift_left3A_730 : vector<16xi32>
          %or3A_732 = arith.ori %shift_left3A_731, %get3A_560 : vector<16xi32>
          tpu.vector_store_idx %arg18[%or3A_732], %gather3A_626 : memref<2048xf32, #tpu.memory_space<vmem>>[vector<16xi32>], vector<16xf32>,
          %shift_left3A_733 = arith.constant 4 : i32
          %shift_left3A_734 = vector.broadcast %shift_left3A_733 : i32 to vector<16xi32>
          %shift_left3A_735 = arith.shli %add3A_633, %shift_left3A_734 : vector<16xi32>
          %or3A_736 = arith.ori %shift_left3A_735, %get3A_560 : vector<16xi32>
          tpu.vector_store_idx %arg18[%or3A_736], %gather3A_634 : memref<2048xf32, #tpu.memory_space<vmem>>[vector<16xi32>], vector<16xf32>,
          %shift_left3A_737 = arith.constant 4 : i32
          %shift_left3A_738 = vector.broadcast %shift_left3A_737 : i32 to vector<16xi32>
          %shift_left3A_739 = arith.shli %add3A_641, %shift_left3A_738 : vector<16xi32>
          %or3A_740 = arith.ori %shift_left3A_739, %get3A_560 : vector<16xi32>
          tpu.vector_store_idx %arg18[%or3A_740], %gather3A_642 : memref<2048xf32, #tpu.memory_space<vmem>>[vector<16xi32>], vector<16xf32>,
          %shift_left3A_741 = arith.constant 4 : i32
          %shift_left3A_742 = vector.broadcast %shift_left3A_741 : i32 to vector<16xi32>
          %shift_left3A_743 = arith.shli %add3A_649, %shift_left3A_742 : vector<16xi32>
          %or3A_744 = arith.ori %shift_left3A_743, %get3A_560 : vector<16xi32>
          tpu.vector_store_idx %arg18[%or3A_744], %gather3A_650 : memref<2048xf32, #tpu.memory_space<vmem>>[vector<16xi32>], vector<16xf32>,
          %shift_left3A_745 = arith.constant 4 : i32
          %shift_left3A_746 = vector.broadcast %shift_left3A_745 : i32 to vector<16xi32>
          %shift_left3A_747 = arith.shli %add3A_657, %shift_left3A_746 : vector<16xi32>
          %or3A_748 = arith.ori %shift_left3A_747, %get3A_560 : vector<16xi32>
          tpu.vector_store_idx %arg18[%or3A_748], %gather3A_658 : memref<2048xf32, #tpu.memory_space<vmem>>[vector<16xi32>], vector<16xf32>,
          %shift_left3A_749 = arith.constant 4 : i32
          %shift_left3A_750 = vector.broadcast %shift_left3A_749 : i32 to vector<16xi32>
          %shift_left3A_751 = arith.shli %add3A_665, %shift_left3A_750 : vector<16xi32>
          %or3A_752 = arith.ori %shift_left3A_751, %get3A_560 : vector<16xi32>
          tpu.vector_store_idx %arg18[%or3A_752], %gather3A_666 : memref<2048xf32, #tpu.memory_space<vmem>>[vector<16xi32>], vector<16xf32>,
          %shift_left3A_753 = arith.constant 4 : i32
          %shift_left3A_754 = vector.broadcast %shift_left3A_753 : i32 to vector<16xi32>
          %shift_left3A_755 = arith.shli %add3A_673, %shift_left3A_754 : vector<16xi32>
          %or3A_756 = arith.ori %shift_left3A_755, %get3A_560 : vector<16xi32>
          tpu.vector_store_idx %arg18[%or3A_756], %gather3A_674 : memref<2048xf32, #tpu.memory_space<vmem>>[vector<16xi32>], vector<16xf32>,
          %shift_left3A_757 = arith.constant 4 : i32
          %shift_left3A_758 = vector.broadcast %shift_left3A_757 : i32 to vector<16xi32>
          %shift_left3A_759 = arith.shli %add3A_681, %shift_left3A_758 : vector<16xi32>
          %or3A_760 = arith.ori %shift_left3A_759, %get3A_560 : vector<16xi32>
          tpu.vector_store_idx %arg18[%or3A_760], %gather3A_682 : memref<2048xf32, #tpu.memory_space<vmem>>[vector<16xi32>], vector<16xf32>,
          %shift_left3A_761 = arith.constant 4 : i32
          %shift_left3A_762 = vector.broadcast %shift_left3A_761 : i32 to vector<16xi32>
          %shift_left3A_763 = arith.shli %add3A_689, %shift_left3A_762 : vector<16xi32>
          %or3A_764 = arith.ori %shift_left3A_763, %get3A_560 : vector<16xi32>
          tpu.vector_store_idx %arg18[%or3A_764], %gather3A_690 : memref<2048xf32, #tpu.memory_space<vmem>>[vector<16xi32>], vector<16xf32>,
          %shift_left3A_765 = arith.constant 4 : i32
          %shift_left3A_766 = vector.broadcast %shift_left3A_765 : i32 to vector<16xi32>
          %shift_left3A_767 = arith.shli %add3A_697, %shift_left3A_766 : vector<16xi32>
          %or3A_768 = arith.ori %shift_left3A_767, %get3A_560 : vector<16xi32>
          tpu.vector_store_idx %arg18[%or3A_768], %gather3A_698 : memref<2048xf32, #tpu.memory_space<vmem>>[vector<16xi32>], vector<16xf32>,
          %shift_left3A_769 = arith.constant 4 : i32
          %shift_left3A_770 = vector.broadcast %shift_left3A_769 : i32 to vector<16xi32>
          %shift_left3A_771 = arith.shli %add3A_705, %shift_left3A_770 : vector<16xi32>
          %or3A_772 = arith.ori %shift_left3A_771, %get3A_560 : vector<16xi32>
          tpu.vector_store_idx %arg18[%or3A_772], %gather3A_706 : memref<2048xf32, #tpu.memory_space<vmem>>[vector<16xi32>], vector<16xf32>,
          %shift_left3A_773 = arith.constant 4 : i32
          %shift_left3A_774 = vector.broadcast %shift_left3A_773 : i32 to vector<16xi32>
          %shift_left3A_775 = arith.shli %add3A_713, %shift_left3A_774 : vector<16xi32>
          %or3A_776 = arith.ori %shift_left3A_775, %get3A_560 : vector<16xi32>
          tpu.vector_store_idx %arg18[%or3A_776], %gather3A_714 : memref<2048xf32, #tpu.memory_space<vmem>>[vector<16xi32>], vector<16xf32>,
          %scan3A_777 = arith.constant 0 : i32
          scf.yield %scan3A_777 : i32
        }
        %scan3A_567 = arith.constant 8 : i32
        %mul3A_568 = arith.constant 102400 : i32
        %mul3A_569 = arith.muli %select_n3A_470, %mul3A_568 : i32
        %mul3A_570 = arith.constant 128 : i32
        %mul3A_571 = arith.muli %add3A_489, %mul3A_570 : i32
        %add3A_572 = arith.addi %mul3A_569, %mul3A_571 : i32
        %mul3A_573 = arith.constant 16 : i32
        %mul3A_574 = arith.muli %add3A_572, %mul3A_573 : i32
        %dma_start3A_575 = tpu.memref_slice %arg3[%mul3A_574] : memref<42598400xf32, #tpu.memory_space<hbm>> -> memref<2048xf32, #tpu.memory_space<hbm>>
        %dma_start3A_576 = tpu.memref_slice %arg3[%mul3A_574] : memref<42598400xf32, #tpu.memory_space<hbm>> -> memref<2048xf32, #tpu.memory_space<hbm>>
        tpu.enqueue_dma source(%arg18 : memref<2048xf32, #tpu.memory_space<vmem>>) target(%dma_start3A_576 : memref<2048xf32, #tpu.memory_space<hbm>>) target_semaphore(%arg35 : memref<!tpu.dma_semaphore, #tpu.memory_space<semaphore_mem>>)
        %add3A_577 = arith.constant 8 : i32
        %add3A_578 = arith.addi %add3A_446, %add3A_577 : i32
        %lt3A_579 = arith.constant 650 : i32
        %lt3A_580 = arith.cmpi slt, %add3A_578, %lt3A_579 : i32
        %convert_element_type3A_581 = arith.extui %lt3A_580 : i1 to i32
        %cond3A_582 = arith.constant 0 : i32
        %cond3A_583 = arith.cmpi ne, %convert_element_type3A_581, %cond3A_582 : i32
        scf.if %cond3A_583 {
          %add3A_584 = arith.constant 8 : i32
          %add3A_585 = arith.addi %add3A_446, %add3A_584 : i32
          %jit3A_586 = arith.constant 25 : i32
          %div3A_587 = arith.divsi %add3A_585, %jit3A_586 : i32
          %sign3A_588 = arith.constant 0 : i32
          %sign3A_589 = arith.cmpi sgt, %add3A_585, %sign3A_588 : i32
          %sign3A_590 = arith.extui %sign3A_589 : i1 to i32
          %sign3A_591 = arith.constant 0 : i32
          %sign3A_592 = arith.cmpi slt, %add3A_585, %sign3A_591 : i32
          %sign3A_593 = arith.extui %sign3A_592 : i1 to i32
          %sign3A_594 = arith.subi %sign3A_590, %sign3A_593 : i32
          %sign3A_595 = arith.constant 0 : i32
          %sign3A_596 = arith.cmpi sgt, %jit3A_586, %sign3A_595 : i32
          %sign3A_597 = arith.extui %sign3A_596 : i1 to i32
          %sign3A_598 = arith.constant 0 : i32
          %sign3A_599 = arith.cmpi slt, %jit3A_586, %sign3A_598 : i32
          %sign3A_600 = arith.extui %sign3A_599 : i1 to i32
          %sign3A_601 = arith.subi %sign3A_597, %sign3A_600 : i32
          %ne3A_602 = arith.cmpi ne, %sign3A_594, %sign3A_601 : i32
          %rem3A_603 = arith.remsi %add3A_585, %jit3A_586 : i32
          %ne3A_604 = arith.constant 0 : i32
          %ne3A_605 = arith.cmpi ne, %rem3A_603, %ne3A_604 : i32
          %and3A_606 = arith.andi %ne3A_602, %ne3A_605 : i1
          %sub3A_607 = arith.constant 1 : i32
          %sub3A_608 = arith.subi %div3A_587, %sub3A_607 : i32
          %select_n3A_609 = arith.select %and3A_606, %sub3A_608, %div3A_587 : i32
          %jit3A_610 = arith.constant 25 : i32
          %eq3A_611 = arith.constant 0 : i32
          %eq3A_612 = arith.cmpi eq, %jit3A_610, %eq3A_611 : i32
          %jit3A_613 = arith.constant 1 : i32
          %select_n3A_614 = arith.select %eq3A_612, %jit3A_613, %jit3A_610 : i32
          %rem3A_615 = arith.remsi %add3A_585, %select_n3A_614 : i32
          %ne3A_616 = arith.constant 0 : i32
          %ne3A_617 = arith.cmpi ne, %rem3A_615, %ne3A_616 : i32
          %lt3A_618 = arith.constant 0 : i32
          %lt3A_619 = arith.cmpi slt, %rem3A_615, %lt3A_618 : i32
          %lt3A_620 = arith.constant 0 : i32
          %lt3A_621 = arith.cmpi slt, %select_n3A_614, %lt3A_620 : i32
          %ne3A_622 = arith.xori %lt3A_619, %lt3A_621 : i1
          %and3A_623 = arith.andi %ne3A_622, %ne3A_617 : i1
          %add3A_624 = arith.addi %rem3A_615, %select_n3A_614 : i32
          %select_n3A_625 = arith.select %and3A_623, %add3A_624, %rem3A_615 : i32
          %mul3A_626 = arith.constant 32 : i32
          %mul3A_627 = arith.muli %select_n3A_625, %mul3A_626 : i32
          %add3A_628 = arith.addi %mul3A_627, %add3A : i32
          %min3A_629 = arith.constant 781 : i32
          %min3A_630 = arith.minsi %add3A_628, %min3A_629 : i32
          %mul3A_631 = arith.constant 128 : i32
          %mul3A_632 = arith.muli %min3A_630, %mul3A_631 : i32
          %dma_start3A_633 = arith.constant 0 : i32
          %dma_start3A_634 = tpu.memref_slice %arg2[%select_n3A_609, %dma_start3A_633, %mul3A_632] : memref<26x16x100000xf32, #tpu.memory_space<hbm>> -> memref<1x16x128xf32, #tpu.memory_space<hbm>>
          %dma_start3A_635 = tpu.memref_squeeze %dma_start3A_634 : memref<1x16x128xf32, #tpu.memory_space<hbm>> -> memref<16x128xf32, #tpu.memory_space<hbm>>
          %dma_start3A_636 = arith.constant 0 : i32
          %dma_start3A_637 = tpu.memref_slice %arg2[%select_n3A_609, %dma_start3A_636, %mul3A_632] : memref<26x16x100000xf32, #tpu.memory_space<hbm>> -> memref<1x16x128xf32, #tpu.memory_space<hbm>>
          %dma_start3A_638 = tpu.memref_squeeze %dma_start3A_637 : memref<1x16x128xf32, #tpu.memory_space<hbm>> -> memref<16x128xf32, #tpu.memory_space<hbm>>
          tpu.enqueue_dma source(%dma_start3A_638 : memref<16x128xf32, #tpu.memory_space<hbm>>) target(%arg10 : memref<16x128xf32, #tpu.memory_space<vmem>>) target_semaphore(%arg27 : memref<!tpu.dma_semaphore, #tpu.memory_space<semaphore_mem>>)
        } else {
        }
      } else {
      }
      %mul3A_495 = arith.constant 8 : i32
      %mul3A_496 = arith.muli %scan3A_141, %mul3A_495 : i32
      %add3A_497 = arith.constant 7 : i32
      %add3A_498 = arith.addi %mul3A_496, %add3A_497 : i32
      %jit3A_499 = arith.constant 25 : i32
      %div3A_500 = arith.divsi %add3A_498, %jit3A_499 : i32
      %sign3A_501 = arith.constant 0 : i32
      %sign3A_502 = arith.cmpi sgt, %add3A_498, %sign3A_501 : i32
      %sign3A_503 = arith.extui %sign3A_502 : i1 to i32
      %sign3A_504 = arith.constant 0 : i32
      %sign3A_505 = arith.cmpi slt, %add3A_498, %sign3A_504 : i32
      %sign3A_506 = arith.extui %sign3A_505 : i1 to i32
      %sign3A_507 = arith.subi %sign3A_503, %sign3A_506 : i32
      %sign3A_508 = arith.constant 0 : i32
      %sign3A_509 = arith.cmpi sgt, %jit3A_499, %sign3A_508 : i32
      %sign3A_510 = arith.extui %sign3A_509 : i1 to i32
      %sign3A_511 = arith.constant 0 : i32
      %sign3A_512 = arith.cmpi slt, %jit3A_499, %sign3A_511 : i32
      %sign3A_513 = arith.extui %sign3A_512 : i1 to i32
      %sign3A_514 = arith.subi %sign3A_510, %sign3A_513 : i32
      %ne3A_515 = arith.cmpi ne, %sign3A_507, %sign3A_514 : i32
      %rem3A_516 = arith.remsi %add3A_498, %jit3A_499 : i32
      %ne3A_517 = arith.constant 0 : i32
      %ne3A_518 = arith.cmpi ne, %rem3A_516, %ne3A_517 : i32
      %and3A_519 = arith.andi %ne3A_515, %ne3A_518 : i1
      %sub3A_520 = arith.constant 1 : i32
      %sub3A_521 = arith.subi %div3A_500, %sub3A_520 : i32
      %select_n3A_522 = arith.select %and3A_519, %sub3A_521, %div3A_500 : i32
      %jit3A_523 = arith.constant 25 : i32
      %eq3A_524 = arith.constant 0 : i32
      %eq3A_525 = arith.cmpi eq, %jit3A_523, %eq3A_524 : i32
      %jit3A_526 = arith.constant 1 : i32
      %select_n3A_527 = arith.select %eq3A_525, %jit3A_526, %jit3A_523 : i32
      %rem3A_528 = arith.remsi %add3A_498, %select_n3A_527 : i32
      %ne3A_529 = arith.constant 0 : i32
      %ne3A_530 = arith.cmpi ne, %rem3A_528, %ne3A_529 : i32
      %lt3A_531 = arith.constant 0 : i32
      %lt3A_532 = arith.cmpi slt, %rem3A_528, %lt3A_531 : i32
      %lt3A_533 = arith.constant 0 : i32
      %lt3A_534 = arith.cmpi slt, %select_n3A_527, %lt3A_533 : i32
      %ne3A_535 = arith.xori %lt3A_532, %lt3A_534 : i1
      %and3A_536 = arith.andi %ne3A_535, %ne3A_530 : i1
      %add3A_537 = arith.addi %rem3A_528, %select_n3A_527 : i32
      %select_n3A_538 = arith.select %and3A_536, %add3A_537, %rem3A_528 : i32
      %mul3A_539 = arith.constant 32 : i32
      %mul3A_540 = arith.muli %select_n3A_538, %mul3A_539 : i32
      %add3A_541 = arith.addi %mul3A_540, %add3A : i32
      %lt3A_542 = arith.constant 650 : i32
      %lt3A_543 = arith.cmpi slt, %add3A_498, %lt3A_542 : i32
      %convert_element_type3A_544 = arith.extui %lt3A_543 : i1 to i32
      %cond3A_545 = arith.constant 0 : i32
      %cond3A_546 = arith.cmpi ne, %convert_element_type3A_544, %cond3A_545 : i32
      scf.if %cond3A_546 {
        %dma_wait3A_548 = arith.constant 0 : i32
        %dma_wait3A_549 = arith.constant 0 : i32
        %dma_wait3A_550 = tpu.memref_slice %arg2[%select_n3A_522, %dma_wait3A_548, %dma_wait3A_549] : memref<26x16x100000xf32, #tpu.memory_space<hbm>> -> memref<1x16x128xf32, #tpu.memory_space<hbm>>
        %dma_wait3A_551 = tpu.memref_squeeze %dma_wait3A_550 : memref<1x16x128xf32, #tpu.memory_space<hbm>> -> memref<16x128xf32, #tpu.memory_space<hbm>>
        %dma_wait3A_552 = arith.constant 0 : i32
        %dma_wait3A_553 = arith.constant 0 : i32
        %dma_wait3A_554 = tpu.memref_slice %arg2[%select_n3A_522, %dma_wait3A_552, %dma_wait3A_553] : memref<26x16x100000xf32, #tpu.memory_space<hbm>> -> memref<1x16x128xf32, #tpu.memory_space<hbm>>
        %dma_wait3A_555 = tpu.memref_squeeze %dma_wait3A_554 : memref<1x16x128xf32, #tpu.memory_space<hbm>> -> memref<16x128xf32, #tpu.memory_space<hbm>>
        tpu.wait_dma2 semaphore(%arg28 : memref<!tpu.dma_semaphore, #tpu.memory_space<semaphore_mem>>) src(%dma_wait3A_555 : memref<16x128xf32, #tpu.memory_space<hbm>>) dst(%arg11 : memref<16x128xf32, #tpu.memory_space<vmem>>)
        %ge3A = arith.constant 8 : i32
        %ge3A_556 = arith.cmpi sge, %add3A_498, %ge3A : i32
        %convert_element_type3A_557 = arith.extui %ge3A_556 : i1 to i32
        %cond3A_558 = arith.constant 0 : i32
        %cond3A_559 = arith.cmpi ne, %convert_element_type3A_557, %cond3A_558 : i32
        scf.if %cond3A_559 {
          %dma_wait3A_584 = arith.constant 0 : i32
          %dma_wait3A_585 = tpu.memref_slice %arg3[%dma_wait3A_584] : memref<42598400xf32, #tpu.memory_space<hbm>> -> memref<2048xf32, #tpu.memory_space<hbm>>
          %dma_wait3A_586 = arith.constant 0 : i32
          %dma_wait3A_587 = tpu.memref_slice %arg3[%dma_wait3A_586] : memref<42598400xf32, #tpu.memory_space<hbm>> -> memref<2048xf32, #tpu.memory_space<hbm>>
          tpu.wait_dma2 semaphore(%arg36 : memref<!tpu.dma_semaphore, #tpu.memory_space<semaphore_mem>>) src(%arg19 : memref<2048xf32, #tpu.memory_space<vmem>>) dst(%dma_wait3A_587 : memref<2048xf32, #tpu.memory_space<hbm>>)
        } else {
        }
        %get3A = arith.constant 0 : index
        %get3A_560 = tpu.vector_load %arg20[%get3A] {strides = array<i32>} : memref<16xi32, #tpu.memory_space<vmem>>, vector<16xi32>,
        %scan3A_561 = arith.constant 0 : i32
        %scan3A_562 = arith.constant 0 : i32
        %scan3A_563 = arith.constant 8 : i32
        %scan3A_564 = arith.addi %scan3A_562, %scan3A_563 : i32
        %scan3A_565 = arith.constant 1 : i32
        %scan3A_566 = scf.for %scan3A_584 = %scan3A_562 to %scan3A_564 step %scan3A_565 iter_args(%scan3A_585 = %scan3A_561) -> (i32)  : i32 {
          %mul3A_586 = arith.constant 16 : i32
          %mul3A_587 = arith.muli %scan3A_584, %mul3A_586 : i32
          %broadcast_in_dim3A = vector.broadcast %mul3A_587 : i32 to vector<16xi32>
          %add3A_588 = arith.constant 0 : i32
          %add3A_589 = vector.broadcast %add3A_588 : i32 to vector<16xi32>
          %add3A_590 = arith.addi %get3A_560, %add3A_589 : vector<16xi32>
          %and3A_591 = arith.constant 15 : i32
          %and3A_592 = vector.broadcast %and3A_591 : i32 to vector<16xi32>
          %and3A_593 = arith.andi %add3A_590, %and3A_592 : vector<16xi32>
          %add3A_594 = arith.addi %broadcast_in_dim3A, %and3A_593 : vector<16xi32>
          %gather3A = tpu.vector_load_idx %arg11[%get3A_560, %add3A_594] : memref<16x128xf32, #tpu.memory_space<vmem>>[vector<16xi32>, vector<16xi32>], vector<16xf32>,
          %add3A_595 = arith.constant 1 : i32
          %add3A_596 = vector.broadcast %add3A_595 : i32 to vector<16xi32>
          %add3A_597 = arith.addi %get3A_560, %add3A_596 : vector<16xi32>
          %and3A_598 = arith.constant 15 : i32
          %and3A_599 = vector.broadcast %and3A_598 : i32 to vector<16xi32>
          %and3A_600 = arith.andi %add3A_597, %and3A_599 : vector<16xi32>
          %add3A_601 = arith.addi %broadcast_in_dim3A, %and3A_600 : vector<16xi32>
          %gather3A_602 = tpu.vector_load_idx %arg11[%get3A_560, %add3A_601] : memref<16x128xf32, #tpu.memory_space<vmem>>[vector<16xi32>, vector<16xi32>], vector<16xf32>,
          %add3A_603 = arith.constant 2 : i32
          %add3A_604 = vector.broadcast %add3A_603 : i32 to vector<16xi32>
          %add3A_605 = arith.addi %get3A_560, %add3A_604 : vector<16xi32>
          %and3A_606 = arith.constant 15 : i32
          %and3A_607 = vector.broadcast %and3A_606 : i32 to vector<16xi32>
          %and3A_608 = arith.andi %add3A_605, %and3A_607 : vector<16xi32>
          %add3A_609 = arith.addi %broadcast_in_dim3A, %and3A_608 : vector<16xi32>
          %gather3A_610 = tpu.vector_load_idx %arg11[%get3A_560, %add3A_609] : memref<16x128xf32, #tpu.memory_space<vmem>>[vector<16xi32>, vector<16xi32>], vector<16xf32>,
          %add3A_611 = arith.constant 3 : i32
          %add3A_612 = vector.broadcast %add3A_611 : i32 to vector<16xi32>
          %add3A_613 = arith.addi %get3A_560, %add3A_612 : vector<16xi32>
          %and3A_614 = arith.constant 15 : i32
          %and3A_615 = vector.broadcast %and3A_614 : i32 to vector<16xi32>
          %and3A_616 = arith.andi %add3A_613, %and3A_615 : vector<16xi32>
          %add3A_617 = arith.addi %broadcast_in_dim3A, %and3A_616 : vector<16xi32>
          %gather3A_618 = tpu.vector_load_idx %arg11[%get3A_560, %add3A_617] : memref<16x128xf32, #tpu.memory_space<vmem>>[vector<16xi32>, vector<16xi32>], vector<16xf32>,
          %add3A_619 = arith.constant 4 : i32
          %add3A_620 = vector.broadcast %add3A_619 : i32 to vector<16xi32>
          %add3A_621 = arith.addi %get3A_560, %add3A_620 : vector<16xi32>
          %and3A_622 = arith.constant 15 : i32
          %and3A_623 = vector.broadcast %and3A_622 : i32 to vector<16xi32>
          %and3A_624 = arith.andi %add3A_621, %and3A_623 : vector<16xi32>
          %add3A_625 = arith.addi %broadcast_in_dim3A, %and3A_624 : vector<16xi32>
          %gather3A_626 = tpu.vector_load_idx %arg11[%get3A_560, %add3A_625] : memref<16x128xf32, #tpu.memory_space<vmem>>[vector<16xi32>, vector<16xi32>], vector<16xf32>,
          %add3A_627 = arith.constant 5 : i32
          %add3A_628 = vector.broadcast %add3A_627 : i32 to vector<16xi32>
          %add3A_629 = arith.addi %get3A_560, %add3A_628 : vector<16xi32>
          %and3A_630 = arith.constant 15 : i32
          %and3A_631 = vector.broadcast %and3A_630 : i32 to vector<16xi32>
          %and3A_632 = arith.andi %add3A_629, %and3A_631 : vector<16xi32>
          %add3A_633 = arith.addi %broadcast_in_dim3A, %and3A_632 : vector<16xi32>
          %gather3A_634 = tpu.vector_load_idx %arg11[%get3A_560, %add3A_633] : memref<16x128xf32, #tpu.memory_space<vmem>>[vector<16xi32>, vector<16xi32>], vector<16xf32>,
          %add3A_635 = arith.constant 6 : i32
          %add3A_636 = vector.broadcast %add3A_635 : i32 to vector<16xi32>
          %add3A_637 = arith.addi %get3A_560, %add3A_636 : vector<16xi32>
          %and3A_638 = arith.constant 15 : i32
          %and3A_639 = vector.broadcast %and3A_638 : i32 to vector<16xi32>
          %and3A_640 = arith.andi %add3A_637, %and3A_639 : vector<16xi32>
          %add3A_641 = arith.addi %broadcast_in_dim3A, %and3A_640 : vector<16xi32>
          %gather3A_642 = tpu.vector_load_idx %arg11[%get3A_560, %add3A_641] : memref<16x128xf32, #tpu.memory_space<vmem>>[vector<16xi32>, vector<16xi32>], vector<16xf32>,
          %add3A_643 = arith.constant 7 : i32
          %add3A_644 = vector.broadcast %add3A_643 : i32 to vector<16xi32>
          %add3A_645 = arith.addi %get3A_560, %add3A_644 : vector<16xi32>
          %and3A_646 = arith.constant 15 : i32
          %and3A_647 = vector.broadcast %and3A_646 : i32 to vector<16xi32>
          %and3A_648 = arith.andi %add3A_645, %and3A_647 : vector<16xi32>
          %add3A_649 = arith.addi %broadcast_in_dim3A, %and3A_648 : vector<16xi32>
          %gather3A_650 = tpu.vector_load_idx %arg11[%get3A_560, %add3A_649] : memref<16x128xf32, #tpu.memory_space<vmem>>[vector<16xi32>, vector<16xi32>], vector<16xf32>,
          %add3A_651 = arith.constant 8 : i32
          %add3A_652 = vector.broadcast %add3A_651 : i32 to vector<16xi32>
          %add3A_653 = arith.addi %get3A_560, %add3A_652 : vector<16xi32>
          %and3A_654 = arith.constant 15 : i32
          %and3A_655 = vector.broadcast %and3A_654 : i32 to vector<16xi32>
          %and3A_656 = arith.andi %add3A_653, %and3A_655 : vector<16xi32>
          %add3A_657 = arith.addi %broadcast_in_dim3A, %and3A_656 : vector<16xi32>
          %gather3A_658 = tpu.vector_load_idx %arg11[%get3A_560, %add3A_657] : memref<16x128xf32, #tpu.memory_space<vmem>>[vector<16xi32>, vector<16xi32>], vector<16xf32>,
          %add3A_659 = arith.constant 9 : i32
          %add3A_660 = vector.broadcast %add3A_659 : i32 to vector<16xi32>
          %add3A_661 = arith.addi %get3A_560, %add3A_660 : vector<16xi32>
          %and3A_662 = arith.constant 15 : i32
          %and3A_663 = vector.broadcast %and3A_662 : i32 to vector<16xi32>
          %and3A_664 = arith.andi %add3A_661, %and3A_663 : vector<16xi32>
          %add3A_665 = arith.addi %broadcast_in_dim3A, %and3A_664 : vector<16xi32>
          %gather3A_666 = tpu.vector_load_idx %arg11[%get3A_560, %add3A_665] : memref<16x128xf32, #tpu.memory_space<vmem>>[vector<16xi32>, vector<16xi32>], vector<16xf32>,
          %add3A_667 = arith.constant 10 : i32
          %add3A_668 = vector.broadcast %add3A_667 : i32 to vector<16xi32>
          %add3A_669 = arith.addi %get3A_560, %add3A_668 : vector<16xi32>
          %and3A_670 = arith.constant 15 : i32
          %and3A_671 = vector.broadcast %and3A_670 : i32 to vector<16xi32>
          %and3A_672 = arith.andi %add3A_669, %and3A_671 : vector<16xi32>
          %add3A_673 = arith.addi %broadcast_in_dim3A, %and3A_672 : vector<16xi32>
          %gather3A_674 = tpu.vector_load_idx %arg11[%get3A_560, %add3A_673] : memref<16x128xf32, #tpu.memory_space<vmem>>[vector<16xi32>, vector<16xi32>], vector<16xf32>,
          %add3A_675 = arith.constant 11 : i32
          %add3A_676 = vector.broadcast %add3A_675 : i32 to vector<16xi32>
          %add3A_677 = arith.addi %get3A_560, %add3A_676 : vector<16xi32>
          %and3A_678 = arith.constant 15 : i32
          %and3A_679 = vector.broadcast %and3A_678 : i32 to vector<16xi32>
          %and3A_680 = arith.andi %add3A_677, %and3A_679 : vector<16xi32>
          %add3A_681 = arith.addi %broadcast_in_dim3A, %and3A_680 : vector<16xi32>
          %gather3A_682 = tpu.vector_load_idx %arg11[%get3A_560, %add3A_681] : memref<16x128xf32, #tpu.memory_space<vmem>>[vector<16xi32>, vector<16xi32>], vector<16xf32>,
          %add3A_683 = arith.constant 12 : i32
          %add3A_684 = vector.broadcast %add3A_683 : i32 to vector<16xi32>
          %add3A_685 = arith.addi %get3A_560, %add3A_684 : vector<16xi32>
          %and3A_686 = arith.constant 15 : i32
          %and3A_687 = vector.broadcast %and3A_686 : i32 to vector<16xi32>
          %and3A_688 = arith.andi %add3A_685, %and3A_687 : vector<16xi32>
          %add3A_689 = arith.addi %broadcast_in_dim3A, %and3A_688 : vector<16xi32>
          %gather3A_690 = tpu.vector_load_idx %arg11[%get3A_560, %add3A_689] : memref<16x128xf32, #tpu.memory_space<vmem>>[vector<16xi32>, vector<16xi32>], vector<16xf32>,
          %add3A_691 = arith.constant 13 : i32
          %add3A_692 = vector.broadcast %add3A_691 : i32 to vector<16xi32>
          %add3A_693 = arith.addi %get3A_560, %add3A_692 : vector<16xi32>
          %and3A_694 = arith.constant 15 : i32
          %and3A_695 = vector.broadcast %and3A_694 : i32 to vector<16xi32>
          %and3A_696 = arith.andi %add3A_693, %and3A_695 : vector<16xi32>
          %add3A_697 = arith.addi %broadcast_in_dim3A, %and3A_696 : vector<16xi32>
          %gather3A_698 = tpu.vector_load_idx %arg11[%get3A_560, %add3A_697] : memref<16x128xf32, #tpu.memory_space<vmem>>[vector<16xi32>, vector<16xi32>], vector<16xf32>,
          %add3A_699 = arith.constant 14 : i32
          %add3A_700 = vector.broadcast %add3A_699 : i32 to vector<16xi32>
          %add3A_701 = arith.addi %get3A_560, %add3A_700 : vector<16xi32>
          %and3A_702 = arith.constant 15 : i32
          %and3A_703 = vector.broadcast %and3A_702 : i32 to vector<16xi32>
          %and3A_704 = arith.andi %add3A_701, %and3A_703 : vector<16xi32>
          %add3A_705 = arith.addi %broadcast_in_dim3A, %and3A_704 : vector<16xi32>
          %gather3A_706 = tpu.vector_load_idx %arg11[%get3A_560, %add3A_705] : memref<16x128xf32, #tpu.memory_space<vmem>>[vector<16xi32>, vector<16xi32>], vector<16xf32>,
          %add3A_707 = arith.constant 15 : i32
          %add3A_708 = vector.broadcast %add3A_707 : i32 to vector<16xi32>
          %add3A_709 = arith.addi %get3A_560, %add3A_708 : vector<16xi32>
          %and3A_710 = arith.constant 15 : i32
          %and3A_711 = vector.broadcast %and3A_710 : i32 to vector<16xi32>
          %and3A_712 = arith.andi %add3A_709, %and3A_711 : vector<16xi32>
          %add3A_713 = arith.addi %broadcast_in_dim3A, %and3A_712 : vector<16xi32>
          %gather3A_714 = tpu.vector_load_idx %arg11[%get3A_560, %add3A_713] : memref<16x128xf32, #tpu.memory_space<vmem>>[vector<16xi32>, vector<16xi32>], vector<16xf32>,
          %shift_left3A = arith.constant 4 : i32
          %shift_left3A_715 = vector.broadcast %shift_left3A : i32 to vector<16xi32>
          %shift_left3A_716 = arith.shli %add3A_594, %shift_left3A_715 : vector<16xi32>
          %or3A = arith.ori %shift_left3A_716, %get3A_560 : vector<16xi32>
          tpu.vector_store_idx %arg19[%or3A], %gather3A : memref<2048xf32, #tpu.memory_space<vmem>>[vector<16xi32>], vector<16xf32>,
          %shift_left3A_717 = arith.constant 4 : i32
          %shift_left3A_718 = vector.broadcast %shift_left3A_717 : i32 to vector<16xi32>
          %shift_left3A_719 = arith.shli %add3A_601, %shift_left3A_718 : vector<16xi32>
          %or3A_720 = arith.ori %shift_left3A_719, %get3A_560 : vector<16xi32>
          tpu.vector_store_idx %arg19[%or3A_720], %gather3A_602 : memref<2048xf32, #tpu.memory_space<vmem>>[vector<16xi32>], vector<16xf32>,
          %shift_left3A_721 = arith.constant 4 : i32
          %shift_left3A_722 = vector.broadcast %shift_left3A_721 : i32 to vector<16xi32>
          %shift_left3A_723 = arith.shli %add3A_609, %shift_left3A_722 : vector<16xi32>
          %or3A_724 = arith.ori %shift_left3A_723, %get3A_560 : vector<16xi32>
          tpu.vector_store_idx %arg19[%or3A_724], %gather3A_610 : memref<2048xf32, #tpu.memory_space<vmem>>[vector<16xi32>], vector<16xf32>,
          %shift_left3A_725 = arith.constant 4 : i32
          %shift_left3A_726 = vector.broadcast %shift_left3A_725 : i32 to vector<16xi32>
          %shift_left3A_727 = arith.shli %add3A_617, %shift_left3A_726 : vector<16xi32>
          %or3A_728 = arith.ori %shift_left3A_727, %get3A_560 : vector<16xi32>
          tpu.vector_store_idx %arg19[%or3A_728], %gather3A_618 : memref<2048xf32, #tpu.memory_space<vmem>>[vector<16xi32>], vector<16xf32>,
          %shift_left3A_729 = arith.constant 4 : i32
          %shift_left3A_730 = vector.broadcast %shift_left3A_729 : i32 to vector<16xi32>
          %shift_left3A_731 = arith.shli %add3A_625, %shift_left3A_730 : vector<16xi32>
          %or3A_732 = arith.ori %shift_left3A_731, %get3A_560 : vector<16xi32>
          tpu.vector_store_idx %arg19[%or3A_732], %gather3A_626 : memref<2048xf32, #tpu.memory_space<vmem>>[vector<16xi32>], vector<16xf32>,
          %shift_left3A_733 = arith.constant 4 : i32
          %shift_left3A_734 = vector.broadcast %shift_left3A_733 : i32 to vector<16xi32>
          %shift_left3A_735 = arith.shli %add3A_633, %shift_left3A_734 : vector<16xi32>
          %or3A_736 = arith.ori %shift_left3A_735, %get3A_560 : vector<16xi32>
          tpu.vector_store_idx %arg19[%or3A_736], %gather3A_634 : memref<2048xf32, #tpu.memory_space<vmem>>[vector<16xi32>], vector<16xf32>,
          %shift_left3A_737 = arith.constant 4 : i32
          %shift_left3A_738 = vector.broadcast %shift_left3A_737 : i32 to vector<16xi32>
          %shift_left3A_739 = arith.shli %add3A_641, %shift_left3A_738 : vector<16xi32>
          %or3A_740 = arith.ori %shift_left3A_739, %get3A_560 : vector<16xi32>
          tpu.vector_store_idx %arg19[%or3A_740], %gather3A_642 : memref<2048xf32, #tpu.memory_space<vmem>>[vector<16xi32>], vector<16xf32>,
          %shift_left3A_741 = arith.constant 4 : i32
          %shift_left3A_742 = vector.broadcast %shift_left3A_741 : i32 to vector<16xi32>
          %shift_left3A_743 = arith.shli %add3A_649, %shift_left3A_742 : vector<16xi32>
          %or3A_744 = arith.ori %shift_left3A_743, %get3A_560 : vector<16xi32>
          tpu.vector_store_idx %arg19[%or3A_744], %gather3A_650 : memref<2048xf32, #tpu.memory_space<vmem>>[vector<16xi32>], vector<16xf32>,
          %shift_left3A_745 = arith.constant 4 : i32
          %shift_left3A_746 = vector.broadcast %shift_left3A_745 : i32 to vector<16xi32>
          %shift_left3A_747 = arith.shli %add3A_657, %shift_left3A_746 : vector<16xi32>
          %or3A_748 = arith.ori %shift_left3A_747, %get3A_560 : vector<16xi32>
          tpu.vector_store_idx %arg19[%or3A_748], %gather3A_658 : memref<2048xf32, #tpu.memory_space<vmem>>[vector<16xi32>], vector<16xf32>,
          %shift_left3A_749 = arith.constant 4 : i32
          %shift_left3A_750 = vector.broadcast %shift_left3A_749 : i32 to vector<16xi32>
          %shift_left3A_751 = arith.shli %add3A_665, %shift_left3A_750 : vector<16xi32>
          %or3A_752 = arith.ori %shift_left3A_751, %get3A_560 : vector<16xi32>
          tpu.vector_store_idx %arg19[%or3A_752], %gather3A_666 : memref<2048xf32, #tpu.memory_space<vmem>>[vector<16xi32>], vector<16xf32>,
          %shift_left3A_753 = arith.constant 4 : i32
          %shift_left3A_754 = vector.broadcast %shift_left3A_753 : i32 to vector<16xi32>
          %shift_left3A_755 = arith.shli %add3A_673, %shift_left3A_754 : vector<16xi32>
          %or3A_756 = arith.ori %shift_left3A_755, %get3A_560 : vector<16xi32>
          tpu.vector_store_idx %arg19[%or3A_756], %gather3A_674 : memref<2048xf32, #tpu.memory_space<vmem>>[vector<16xi32>], vector<16xf32>,
          %shift_left3A_757 = arith.constant 4 : i32
          %shift_left3A_758 = vector.broadcast %shift_left3A_757 : i32 to vector<16xi32>
          %shift_left3A_759 = arith.shli %add3A_681, %shift_left3A_758 : vector<16xi32>
          %or3A_760 = arith.ori %shift_left3A_759, %get3A_560 : vector<16xi32>
          tpu.vector_store_idx %arg19[%or3A_760], %gather3A_682 : memref<2048xf32, #tpu.memory_space<vmem>>[vector<16xi32>], vector<16xf32>,
          %shift_left3A_761 = arith.constant 4 : i32
          %shift_left3A_762 = vector.broadcast %shift_left3A_761 : i32 to vector<16xi32>
          %shift_left3A_763 = arith.shli %add3A_689, %shift_left3A_762 : vector<16xi32>
          %or3A_764 = arith.ori %shift_left3A_763, %get3A_560 : vector<16xi32>
          tpu.vector_store_idx %arg19[%or3A_764], %gather3A_690 : memref<2048xf32, #tpu.memory_space<vmem>>[vector<16xi32>], vector<16xf32>,
          %shift_left3A_765 = arith.constant 4 : i32
          %shift_left3A_766 = vector.broadcast %shift_left3A_765 : i32 to vector<16xi32>
          %shift_left3A_767 = arith.shli %add3A_697, %shift_left3A_766 : vector<16xi32>
          %or3A_768 = arith.ori %shift_left3A_767, %get3A_560 : vector<16xi32>
          tpu.vector_store_idx %arg19[%or3A_768], %gather3A_698 : memref<2048xf32, #tpu.memory_space<vmem>>[vector<16xi32>], vector<16xf32>,
          %shift_left3A_769 = arith.constant 4 : i32
          %shift_left3A_770 = vector.broadcast %shift_left3A_769 : i32 to vector<16xi32>
          %shift_left3A_771 = arith.shli %add3A_705, %shift_left3A_770 : vector<16xi32>
          %or3A_772 = arith.ori %shift_left3A_771, %get3A_560 : vector<16xi32>
          tpu.vector_store_idx %arg19[%or3A_772], %gather3A_706 : memref<2048xf32, #tpu.memory_space<vmem>>[vector<16xi32>], vector<16xf32>,
          %shift_left3A_773 = arith.constant 4 : i32
          %shift_left3A_774 = vector.broadcast %shift_left3A_773 : i32 to vector<16xi32>
          %shift_left3A_775 = arith.shli %add3A_713, %shift_left3A_774 : vector<16xi32>
          %or3A_776 = arith.ori %shift_left3A_775, %get3A_560 : vector<16xi32>
          tpu.vector_store_idx %arg19[%or3A_776], %gather3A_714 : memref<2048xf32, #tpu.memory_space<vmem>>[vector<16xi32>], vector<16xf32>,
          %scan3A_777 = arith.constant 0 : i32
          scf.yield %scan3A_777 : i32
        }
        %scan3A_567 = arith.constant 8 : i32
        %mul3A_568 = arith.constant 102400 : i32
        %mul3A_569 = arith.muli %select_n3A_522, %mul3A_568 : i32
        %mul3A_570 = arith.constant 128 : i32
        %mul3A_571 = arith.muli %add3A_541, %mul3A_570 : i32
        %add3A_572 = arith.addi %mul3A_569, %mul3A_571 : i32
        %mul3A_573 = arith.constant 16 : i32
        %mul3A_574 = arith.muli %add3A_572, %mul3A_573 : i32
        %dma_start3A_575 = tpu.memref_slice %arg3[%mul3A_574] : memref<42598400xf32, #tpu.memory_space<hbm>> -> memref<2048xf32, #tpu.memory_space<hbm>>
        %dma_start3A_576 = tpu.memref_slice %arg3[%mul3A_574] : memref<42598400xf32, #tpu.memory_space<hbm>> -> memref<2048xf32, #tpu.memory_space<hbm>>
        tpu.enqueue_dma source(%arg19 : memref<2048xf32, #tpu.memory_space<vmem>>) target(%dma_start3A_576 : memref<2048xf32, #tpu.memory_space<hbm>>) target_semaphore(%arg36 : memref<!tpu.dma_semaphore, #tpu.memory_space<semaphore_mem>>)
        %add3A_577 = arith.constant 8 : i32
        %add3A_578 = arith.addi %add3A_498, %add3A_577 : i32
        %lt3A_579 = arith.constant 650 : i32
        %lt3A_580 = arith.cmpi slt, %add3A_578, %lt3A_579 : i32
        %convert_element_type3A_581 = arith.extui %lt3A_580 : i1 to i32
        %cond3A_582 = arith.constant 0 : i32
        %cond3A_583 = arith.cmpi ne, %convert_element_type3A_581, %cond3A_582 : i32
        scf.if %cond3A_583 {
          %add3A_584 = arith.constant 8 : i32
          %add3A_585 = arith.addi %add3A_498, %add3A_584 : i32
          %jit3A_586 = arith.constant 25 : i32
          %div3A_587 = arith.divsi %add3A_585, %jit3A_586 : i32
          %sign3A_588 = arith.constant 0 : i32
          %sign3A_589 = arith.cmpi sgt, %add3A_585, %sign3A_588 : i32
          %sign3A_590 = arith.extui %sign3A_589 : i1 to i32
          %sign3A_591 = arith.constant 0 : i32
          %sign3A_592 = arith.cmpi slt, %add3A_585, %sign3A_591 : i32
          %sign3A_593 = arith.extui %sign3A_592 : i1 to i32
          %sign3A_594 = arith.subi %sign3A_590, %sign3A_593 : i32
          %sign3A_595 = arith.constant 0 : i32
          %sign3A_596 = arith.cmpi sgt, %jit3A_586, %sign3A_595 : i32
          %sign3A_597 = arith.extui %sign3A_596 : i1 to i32
          %sign3A_598 = arith.constant 0 : i32
          %sign3A_599 = arith.cmpi slt, %jit3A_586, %sign3A_598 : i32
          %sign3A_600 = arith.extui %sign3A_599 : i1 to i32
          %sign3A_601 = arith.subi %sign3A_597, %sign3A_600 : i32
          %ne3A_602 = arith.cmpi ne, %sign3A_594, %sign3A_601 : i32
          %rem3A_603 = arith.remsi %add3A_585, %jit3A_586 : i32
          %ne3A_604 = arith.constant 0 : i32
          %ne3A_605 = arith.cmpi ne, %rem3A_603, %ne3A_604 : i32
          %and3A_606 = arith.andi %ne3A_602, %ne3A_605 : i1
          %sub3A_607 = arith.constant 1 : i32
          %sub3A_608 = arith.subi %div3A_587, %sub3A_607 : i32
          %select_n3A_609 = arith.select %and3A_606, %sub3A_608, %div3A_587 : i32
          %jit3A_610 = arith.constant 25 : i32
          %eq3A_611 = arith.constant 0 : i32
          %eq3A_612 = arith.cmpi eq, %jit3A_610, %eq3A_611 : i32
          %jit3A_613 = arith.constant 1 : i32
          %select_n3A_614 = arith.select %eq3A_612, %jit3A_613, %jit3A_610 : i32
          %rem3A_615 = arith.remsi %add3A_585, %select_n3A_614 : i32
          %ne3A_616 = arith.constant 0 : i32
          %ne3A_617 = arith.cmpi ne, %rem3A_615, %ne3A_616 : i32
          %lt3A_618 = arith.constant 0 : i32
          %lt3A_619 = arith.cmpi slt, %rem3A_615, %lt3A_618 : i32
          %lt3A_620 = arith.constant 0 : i32
          %lt3A_621 = arith.cmpi slt, %select_n3A_614, %lt3A_620 : i32
          %ne3A_622 = arith.xori %lt3A_619, %lt3A_621 : i1
          %and3A_623 = arith.andi %ne3A_622, %ne3A_617 : i1
          %add3A_624 = arith.addi %rem3A_615, %select_n3A_614 : i32
          %select_n3A_625 = arith.select %and3A_623, %add3A_624, %rem3A_615 : i32
          %mul3A_626 = arith.constant 32 : i32
          %mul3A_627 = arith.muli %select_n3A_625, %mul3A_626 : i32
          %add3A_628 = arith.addi %mul3A_627, %add3A : i32
          %min3A_629 = arith.constant 781 : i32
          %min3A_630 = arith.minsi %add3A_628, %min3A_629 : i32
          %mul3A_631 = arith.constant 128 : i32
          %mul3A_632 = arith.muli %min3A_630, %mul3A_631 : i32
          %dma_start3A_633 = arith.constant 0 : i32
          %dma_start3A_634 = tpu.memref_slice %arg2[%select_n3A_609, %dma_start3A_633, %mul3A_632] : memref<26x16x100000xf32, #tpu.memory_space<hbm>> -> memref<1x16x128xf32, #tpu.memory_space<hbm>>
          %dma_start3A_635 = tpu.memref_squeeze %dma_start3A_634 : memref<1x16x128xf32, #tpu.memory_space<hbm>> -> memref<16x128xf32, #tpu.memory_space<hbm>>
          %dma_start3A_636 = arith.constant 0 : i32
          %dma_start3A_637 = tpu.memref_slice %arg2[%select_n3A_609, %dma_start3A_636, %mul3A_632] : memref<26x16x100000xf32, #tpu.memory_space<hbm>> -> memref<1x16x128xf32, #tpu.memory_space<hbm>>
          %dma_start3A_638 = tpu.memref_squeeze %dma_start3A_637 : memref<1x16x128xf32, #tpu.memory_space<hbm>> -> memref<16x128xf32, #tpu.memory_space<hbm>>
          tpu.enqueue_dma source(%dma_start3A_638 : memref<16x128xf32, #tpu.memory_space<hbm>>) target(%arg11 : memref<16x128xf32, #tpu.memory_space<vmem>>) target_semaphore(%arg28 : memref<!tpu.dma_semaphore, #tpu.memory_space<semaphore_mem>>)
        } else {
        }
      } else {
      }
      %scan3A_547 = arith.constant 0 : i32
      scf.yield %scan3A_547 : i32
    }
    %scan3A_109 = arith.constant 82 : i32
    %dma_wait3A = arith.constant 0 : i32
    %dma_wait3A_110 = tpu.memref_slice %arg3[%dma_wait3A] : memref<42598400xf32, #tpu.memory_space<hbm>> -> memref<2048xf32, #tpu.memory_space<hbm>>
    %dma_wait3A_111 = arith.constant 0 : i32
    %dma_wait3A_112 = tpu.memref_slice %arg3[%dma_wait3A_111] : memref<42598400xf32, #tpu.memory_space<hbm>> -> memref<2048xf32, #tpu.memory_space<hbm>>
    tpu.wait_dma2 semaphore(%arg29 : memref<!tpu.dma_semaphore, #tpu.memory_space<semaphore_mem>>) src(%arg12 : memref<2048xf32, #tpu.memory_space<vmem>>) dst(%dma_wait3A_112 : memref<2048xf32, #tpu.memory_space<hbm>>)
    %dma_wait3A_113 = arith.constant 0 : i32
    %dma_wait3A_114 = tpu.memref_slice %arg3[%dma_wait3A_113] : memref<42598400xf32, #tpu.memory_space<hbm>> -> memref<2048xf32, #tpu.memory_space<hbm>>
    %dma_wait3A_115 = arith.constant 0 : i32
    %dma_wait3A_116 = tpu.memref_slice %arg3[%dma_wait3A_115] : memref<42598400xf32, #tpu.memory_space<hbm>> -> memref<2048xf32, #tpu.memory_space<hbm>>
    tpu.wait_dma2 semaphore(%arg30 : memref<!tpu.dma_semaphore, #tpu.memory_space<semaphore_mem>>) src(%arg13 : memref<2048xf32, #tpu.memory_space<vmem>>) dst(%dma_wait3A_116 : memref<2048xf32, #tpu.memory_space<hbm>>)
    %dma_wait3A_117 = arith.constant 0 : i32
    %dma_wait3A_118 = tpu.memref_slice %arg3[%dma_wait3A_117] : memref<42598400xf32, #tpu.memory_space<hbm>> -> memref<2048xf32, #tpu.memory_space<hbm>>
    %dma_wait3A_119 = arith.constant 0 : i32
    %dma_wait3A_120 = tpu.memref_slice %arg3[%dma_wait3A_119] : memref<42598400xf32, #tpu.memory_space<hbm>> -> memref<2048xf32, #tpu.memory_space<hbm>>
    tpu.wait_dma2 semaphore(%arg31 : memref<!tpu.dma_semaphore, #tpu.memory_space<semaphore_mem>>) src(%arg14 : memref<2048xf32, #tpu.memory_space<vmem>>) dst(%dma_wait3A_120 : memref<2048xf32, #tpu.memory_space<hbm>>)
    %dma_wait3A_121 = arith.constant 0 : i32
    %dma_wait3A_122 = tpu.memref_slice %arg3[%dma_wait3A_121] : memref<42598400xf32, #tpu.memory_space<hbm>> -> memref<2048xf32, #tpu.memory_space<hbm>>
    %dma_wait3A_123 = arith.constant 0 : i32
    %dma_wait3A_124 = tpu.memref_slice %arg3[%dma_wait3A_123] : memref<42598400xf32, #tpu.memory_space<hbm>> -> memref<2048xf32, #tpu.memory_space<hbm>>
    tpu.wait_dma2 semaphore(%arg32 : memref<!tpu.dma_semaphore, #tpu.memory_space<semaphore_mem>>) src(%arg15 : memref<2048xf32, #tpu.memory_space<vmem>>) dst(%dma_wait3A_124 : memref<2048xf32, #tpu.memory_space<hbm>>)
    %dma_wait3A_125 = arith.constant 0 : i32
    %dma_wait3A_126 = tpu.memref_slice %arg3[%dma_wait3A_125] : memref<42598400xf32, #tpu.memory_space<hbm>> -> memref<2048xf32, #tpu.memory_space<hbm>>
    %dma_wait3A_127 = arith.constant 0 : i32
    %dma_wait3A_128 = tpu.memref_slice %arg3[%dma_wait3A_127] : memref<42598400xf32, #tpu.memory_space<hbm>> -> memref<2048xf32, #tpu.memory_space<hbm>>
    tpu.wait_dma2 semaphore(%arg33 : memref<!tpu.dma_semaphore, #tpu.memory_space<semaphore_mem>>) src(%arg16 : memref<2048xf32, #tpu.memory_space<vmem>>) dst(%dma_wait3A_128 : memref<2048xf32, #tpu.memory_space<hbm>>)
    %dma_wait3A_129 = arith.constant 0 : i32
    %dma_wait3A_130 = tpu.memref_slice %arg3[%dma_wait3A_129] : memref<42598400xf32, #tpu.memory_space<hbm>> -> memref<2048xf32, #tpu.memory_space<hbm>>
    %dma_wait3A_131 = arith.constant 0 : i32
    %dma_wait3A_132 = tpu.memref_slice %arg3[%dma_wait3A_131] : memref<42598400xf32, #tpu.memory_space<hbm>> -> memref<2048xf32, #tpu.memory_space<hbm>>
    tpu.wait_dma2 semaphore(%arg34 : memref<!tpu.dma_semaphore, #tpu.memory_space<semaphore_mem>>) src(%arg17 : memref<2048xf32, #tpu.memory_space<vmem>>) dst(%dma_wait3A_132 : memref<2048xf32, #tpu.memory_space<hbm>>)
    %dma_wait3A_133 = arith.constant 0 : i32
    %dma_wait3A_134 = tpu.memref_slice %arg3[%dma_wait3A_133] : memref<42598400xf32, #tpu.memory_space<hbm>> -> memref<2048xf32, #tpu.memory_space<hbm>>
    %dma_wait3A_135 = arith.constant 0 : i32
    %dma_wait3A_136 = tpu.memref_slice %arg3[%dma_wait3A_135] : memref<42598400xf32, #tpu.memory_space<hbm>> -> memref<2048xf32, #tpu.memory_space<hbm>>
    tpu.wait_dma2 semaphore(%arg35 : memref<!tpu.dma_semaphore, #tpu.memory_space<semaphore_mem>>) src(%arg18 : memref<2048xf32, #tpu.memory_space<vmem>>) dst(%dma_wait3A_136 : memref<2048xf32, #tpu.memory_space<hbm>>)
    %dma_wait3A_137 = arith.constant 0 : i32
    %dma_wait3A_138 = tpu.memref_slice %arg3[%dma_wait3A_137] : memref<42598400xf32, #tpu.memory_space<hbm>> -> memref<2048xf32, #tpu.memory_space<hbm>>
    %dma_wait3A_139 = arith.constant 0 : i32
    %dma_wait3A_140 = tpu.memref_slice %arg3[%dma_wait3A_139] : memref<42598400xf32, #tpu.memory_space<hbm>> -> memref<2048xf32, #tpu.memory_space<hbm>>
    tpu.wait_dma2 semaphore(%arg36 : memref<!tpu.dma_semaphore, #tpu.memory_space<semaphore_mem>>) src(%arg19 : memref<2048xf32, #tpu.memory_space<vmem>>) dst(%dma_wait3A_140 : memref<2048xf32, #tpu.memory_space<hbm>>)
    return
  }
}

#map = affine_map<(d0, d1) -> (0)>
#map1 = affine_map<(d0, d1) -> (0, 0)>
module attributes {stable_mosaic.version = 14 : i64} {
  func.func @_gather_body(%arg0: i32, %arg1: i32, %arg2: memref<425984xi32, #tpu.memory_space<hbm>>, %arg3: memref<1664xi32, #tpu.memory_space<hbm>>, %arg4: memref<2662400x16xf32, #tpu.memory_space<hbm>>, %arg5: memref<425984x16xf32, #tpu.memory_space<hbm>>, %arg6: memref<1664xi32, #tpu.memory_space<vmem>>, %arg7: memref<1664xi32, #tpu.memory_space<vmem>>, %arg8: memref<1664xi32, #tpu.memory_space<vmem>>, %arg9: memref<1664xi32, #tpu.memory_space<vmem>>, %arg10: memref<1664x16xf32, #tpu.memory_space<vmem>>, %arg11: memref<1664x16xf32, #tpu.memory_space<vmem>>, %arg12: memref<1664xi32, #tpu.memory_space<vmem>>, %arg13: memref<!tpu.dma_semaphore, #tpu.memory_space<semaphore_mem>>, %arg14: memref<!tpu.dma_semaphore, #tpu.memory_space<semaphore_mem>>, %arg15: memref<!tpu.dma_semaphore, #tpu.memory_space<semaphore_mem>>, %arg16: memref<!tpu.dma_semaphore, #tpu.memory_space<semaphore_mem>>, %arg17: memref<!tpu.dma_semaphore, #tpu.memory_space<semaphore_mem>>, %arg18: memref<!tpu.dma_semaphore, #tpu.memory_space<semaphore_mem>>) attributes {dimension_semantics = [#tpu.dimension_semantics<core_parallel>, #tpu.dimension_semantics<subcore_parallel>], iteration_bounds = array<i64: 2, 16>, scalar_prefetch = 0 : i64, scratch_operands = 13 : i64, tpu.core_type = #tpu.core_type<sc_vector_subcore>, window_params = [{transform_indices = #map}, {transform_indices = #map}, {transform_indices = #map1}, {transform_indices = #map1}]} {
    %mul3A = arith.constant 2 : i32
    %mul3A_0 = arith.muli %arg1, %mul3A : i32
    %add3A = arith.addi %mul3A_0, %arg0 : i32
    "tpu.region"() ({
      %run_scoped3A = tpu.sem_alloc : memref<!tpu.dma_semaphore, #tpu.memory_space<semaphore_mem>>
      tpu.enqueue_dma source(%arg3 : memref<1664xi32, #tpu.memory_space<hbm>>) target(%arg12 : memref<1664xi32, #tpu.memory_space<vmem>>) target_semaphore(%run_scoped3A : memref<!tpu.dma_semaphore, #tpu.memory_space<semaphore_mem>>)
      tpu.wait_dma2 semaphore(%run_scoped3A : memref<!tpu.dma_semaphore, #tpu.memory_space<semaphore_mem>>) src(%arg3 : memref<1664xi32, #tpu.memory_space<hbm>>) dst(%arg12 : memref<1664xi32, #tpu.memory_space<vmem>>)
      tpu.yield
    }) : () -> ()
    %mul3A_1 = arith.constant 8 : i32
    %mul3A_2 = arith.muli %add3A, %mul3A_1 : i32
    %add3A_3 = arith.constant 0 : i32
    %add3A_4 = arith.addi %mul3A_2, %add3A_3 : i32
    %mul3A_5 = arith.constant 1664 : i32
    %mul3A_6 = arith.muli %add3A_4, %mul3A_5 : i32
    %dma_start3A = tpu.memref_slice %arg2[%mul3A_6] : memref<425984xi32, #tpu.memory_space<hbm>> -> memref<1664xi32, #tpu.memory_space<hbm>>
    %dma_start3A_7 = tpu.memref_slice %arg2[%mul3A_6] : memref<425984xi32, #tpu.memory_space<hbm>> -> memref<1664xi32, #tpu.memory_space<hbm>>
    tpu.enqueue_dma source(%dma_start3A_7 : memref<1664xi32, #tpu.memory_space<hbm>>) target(%arg6 : memref<1664xi32, #tpu.memory_space<vmem>>) target_semaphore(%arg13 : memref<!tpu.dma_semaphore, #tpu.memory_space<semaphore_mem>>)
    %mul3A_8 = arith.constant 8 : i32
    %mul3A_9 = arith.muli %add3A, %mul3A_8 : i32
    %add3A_10 = arith.constant 1 : i32
    %add3A_11 = arith.addi %mul3A_9, %add3A_10 : i32
    %mul3A_12 = arith.constant 1664 : i32
    %mul3A_13 = arith.muli %add3A_11, %mul3A_12 : i32
    %dma_start3A_14 = tpu.memref_slice %arg2[%mul3A_13] : memref<425984xi32, #tpu.memory_space<hbm>> -> memref<1664xi32, #tpu.memory_space<hbm>>
    %dma_start3A_15 = tpu.memref_slice %arg2[%mul3A_13] : memref<425984xi32, #tpu.memory_space<hbm>> -> memref<1664xi32, #tpu.memory_space<hbm>>
    tpu.enqueue_dma source(%dma_start3A_15 : memref<1664xi32, #tpu.memory_space<hbm>>) target(%arg7 : memref<1664xi32, #tpu.memory_space<vmem>>) target_semaphore(%arg14 : memref<!tpu.dma_semaphore, #tpu.memory_space<semaphore_mem>>)
    %dma_wait3A = arith.constant 0 : i32
    %dma_wait3A_16 = tpu.memref_slice %arg2[%dma_wait3A] : memref<425984xi32, #tpu.memory_space<hbm>> -> memref<1664xi32, #tpu.memory_space<hbm>>
    %dma_wait3A_17 = arith.constant 0 : i32
    %dma_wait3A_18 = tpu.memref_slice %arg2[%dma_wait3A_17] : memref<425984xi32, #tpu.memory_space<hbm>> -> memref<1664xi32, #tpu.memory_space<hbm>>
    tpu.wait_dma2 semaphore(%arg13 : memref<!tpu.dma_semaphore, #tpu.memory_space<semaphore_mem>>) src(%dma_wait3A_18 : memref<1664xi32, #tpu.memory_space<hbm>>) dst(%arg6 : memref<1664xi32, #tpu.memory_space<vmem>>)
    %scan3A = arith.constant 0 : i32
    %scan3A_19 = arith.constant 0 : i32
    %scan3A_20 = arith.constant 104 : i32
    %scan3A_21 = arith.addi %scan3A_19, %scan3A_20 : i32
    %scan3A_22 = arith.constant 1 : i32
    %scan3A_23 = scf.for %scan3A_350 = %scan3A_19 to %scan3A_21 step %scan3A_22 iter_args(%scan3A_351 = %scan3A) -> (i32)  : i32 {
      %mul3A_352 = arith.constant 16 : i32
      %mul3A_353 = arith.muli %scan3A_350, %mul3A_352 : i32
      %get3A = arith.index_cast %mul3A_353 : i32 to index
      %get3A_354 = tpu.vector_load %arg6[%get3A] {strides = array<i32>} : memref<1664xi32, #tpu.memory_space<vmem>>, vector<16xi32>,
      %get3A_355 = vector.shape_cast %get3A_354 : vector<16xi32> to vector<16xi32>
      %get3A_356 = arith.index_cast %mul3A_353 : i32 to index
      %get3A_357 = tpu.vector_load %arg12[%get3A_356] {strides = array<i32>} : memref<1664xi32, #tpu.memory_space<vmem>>, vector<16xi32>,
      %get3A_358 = vector.shape_cast %get3A_357 : vector<16xi32> to vector<16xi32>
      %add3A_359 = arith.addi %get3A_355, %get3A_358 : vector<16xi32>
      %swap3A = arith.index_cast %mul3A_353 : i32 to index
      %swap3A_360 = tpu.vector_load %arg8[%swap3A] {strides = array<i32>} : memref<1664xi32, #tpu.memory_space<vmem>>, vector<16xi32>,
      %swap3A_361 = vector.shape_cast %swap3A_360 : vector<16xi32> to vector<16xi32>
      %swap3A_362 = vector.shape_cast %add3A_359 : vector<16xi32> to vector<16xi32>
      tpu.vector_store %arg8[%swap3A], %swap3A_362 {strides = array<i32>} : memref<1664xi32, #tpu.memory_space<vmem>>, vector<16xi32>,
      %scan3A_363 = arith.constant 0 : i32
      scf.yield %scan3A_363 : i32
    }
    %scan3A_24 = arith.constant 104 : i32
    %dma_start3A_25 = arith.constant 0 : i32
    %dma_start3A_26 = arith.constant 0 : i32
    %dma_start3A_27 = tpu.memref_slice %arg4[%dma_start3A_25, %dma_start3A_26] : memref<2662400x16xf32, #tpu.memory_space<hbm>> -> memref<2662400x16xf32, #tpu.memory_space<hbm>>
    tpu.enqueue_indirect_dma source(%dma_start3A_27 : memref<2662400x16xf32, #tpu.memory_space<hbm>>) target(%arg10 : memref<1664x16xf32, #tpu.memory_space<vmem>>) offsets(%arg8 : memref<1664xi32, #tpu.memory_space<vmem>>) semaphore(%arg15 : memref<!tpu.dma_semaphore, #tpu.memory_space<semaphore_mem>>)
    %mul3A_28 = arith.constant 8 : i32
    %mul3A_29 = arith.muli %add3A, %mul3A_28 : i32
    %add3A_30 = arith.constant 2 : i32
    %add3A_31 = arith.addi %mul3A_29, %add3A_30 : i32
    %mul3A_32 = arith.constant 1664 : i32
    %mul3A_33 = arith.muli %add3A_31, %mul3A_32 : i32
    %dma_start3A_34 = tpu.memref_slice %arg2[%mul3A_33] : memref<425984xi32, #tpu.memory_space<hbm>> -> memref<1664xi32, #tpu.memory_space<hbm>>
    %dma_start3A_35 = tpu.memref_slice %arg2[%mul3A_33] : memref<425984xi32, #tpu.memory_space<hbm>> -> memref<1664xi32, #tpu.memory_space<hbm>>
    tpu.enqueue_dma source(%dma_start3A_35 : memref<1664xi32, #tpu.memory_space<hbm>>) target(%arg6 : memref<1664xi32, #tpu.memory_space<vmem>>) target_semaphore(%arg13 : memref<!tpu.dma_semaphore, #tpu.memory_space<semaphore_mem>>)
    %dma_wait3A_36 = arith.constant 0 : i32
    %dma_wait3A_37 = tpu.memref_slice %arg2[%dma_wait3A_36] : memref<425984xi32, #tpu.memory_space<hbm>> -> memref<1664xi32, #tpu.memory_space<hbm>>
    %dma_wait3A_38 = arith.constant 0 : i32
    %dma_wait3A_39 = tpu.memref_slice %arg2[%dma_wait3A_38] : memref<425984xi32, #tpu.memory_space<hbm>> -> memref<1664xi32, #tpu.memory_space<hbm>>
    tpu.wait_dma2 semaphore(%arg14 : memref<!tpu.dma_semaphore, #tpu.memory_space<semaphore_mem>>) src(%dma_wait3A_39 : memref<1664xi32, #tpu.memory_space<hbm>>) dst(%arg7 : memref<1664xi32, #tpu.memory_space<vmem>>)
    %scan3A_40 = arith.constant 0 : i32
    %scan3A_41 = arith.constant 0 : i32
    %scan3A_42 = arith.constant 104 : i32
    %scan3A_43 = arith.addi %scan3A_41, %scan3A_42 : i32
    %scan3A_44 = arith.constant 1 : i32
    %scan3A_45 = scf.for %scan3A_350 = %scan3A_41 to %scan3A_43 step %scan3A_44 iter_args(%scan3A_351 = %scan3A_40) -> (i32)  : i32 {
      %mul3A_352 = arith.constant 16 : i32
      %mul3A_353 = arith.muli %scan3A_350, %mul3A_352 : i32
      %get3A = arith.index_cast %mul3A_353 : i32 to index
      %get3A_354 = tpu.vector_load %arg7[%get3A] {strides = array<i32>} : memref<1664xi32, #tpu.memory_space<vmem>>, vector<16xi32>,
      %get3A_355 = vector.shape_cast %get3A_354 : vector<16xi32> to vector<16xi32>
      %get3A_356 = arith.index_cast %mul3A_353 : i32 to index
      %get3A_357 = tpu.vector_load %arg12[%get3A_356] {strides = array<i32>} : memref<1664xi32, #tpu.memory_space<vmem>>, vector<16xi32>,
      %get3A_358 = vector.shape_cast %get3A_357 : vector<16xi32> to vector<16xi32>
      %add3A_359 = arith.addi %get3A_355, %get3A_358 : vector<16xi32>
      %swap3A = arith.index_cast %mul3A_353 : i32 to index
      %swap3A_360 = tpu.vector_load %arg9[%swap3A] {strides = array<i32>} : memref<1664xi32, #tpu.memory_space<vmem>>, vector<16xi32>,
      %swap3A_361 = vector.shape_cast %swap3A_360 : vector<16xi32> to vector<16xi32>
      %swap3A_362 = vector.shape_cast %add3A_359 : vector<16xi32> to vector<16xi32>
      tpu.vector_store %arg9[%swap3A], %swap3A_362 {strides = array<i32>} : memref<1664xi32, #tpu.memory_space<vmem>>, vector<16xi32>,
      %scan3A_363 = arith.constant 0 : i32
      scf.yield %scan3A_363 : i32
    }
    %scan3A_46 = arith.constant 104 : i32
    %dma_start3A_47 = arith.constant 0 : i32
    %dma_start3A_48 = arith.constant 0 : i32
    %dma_start3A_49 = tpu.memref_slice %arg4[%dma_start3A_47, %dma_start3A_48] : memref<2662400x16xf32, #tpu.memory_space<hbm>> -> memref<2662400x16xf32, #tpu.memory_space<hbm>>
    tpu.enqueue_indirect_dma source(%dma_start3A_49 : memref<2662400x16xf32, #tpu.memory_space<hbm>>) target(%arg11 : memref<1664x16xf32, #tpu.memory_space<vmem>>) offsets(%arg9 : memref<1664xi32, #tpu.memory_space<vmem>>) semaphore(%arg16 : memref<!tpu.dma_semaphore, #tpu.memory_space<semaphore_mem>>)
    %dma_wait3A_50 = arith.constant 0 : i32
    %dma_wait3A_51 = arith.constant 0 : i32
    %dma_wait3A_52 = tpu.memref_slice %arg4[%dma_wait3A_50, %dma_wait3A_51] : memref<2662400x16xf32, #tpu.memory_space<hbm>> -> memref<1664x16xf32, #tpu.memory_space<hbm>>
    %dma_wait3A_53 = arith.constant 0 : i32
    %dma_wait3A_54 = arith.constant 0 : i32
    %dma_wait3A_55 = tpu.memref_slice %arg4[%dma_wait3A_53, %dma_wait3A_54] : memref<2662400x16xf32, #tpu.memory_space<hbm>> -> memref<1664x16xf32, #tpu.memory_space<hbm>>
    tpu.wait_dma2 semaphore(%arg15 : memref<!tpu.dma_semaphore, #tpu.memory_space<semaphore_mem>>) src(%dma_wait3A_55 : memref<1664x16xf32, #tpu.memory_space<hbm>>) dst(%arg10 : memref<1664x16xf32, #tpu.memory_space<vmem>>)
    %mul3A_56 = arith.constant 8 : i32
    %mul3A_57 = arith.muli %add3A, %mul3A_56 : i32
    %add3A_58 = arith.constant 0 : i32
    %add3A_59 = arith.addi %mul3A_57, %add3A_58 : i32
    %mul3A_60 = arith.constant 1664 : i32
    %mul3A_61 = arith.muli %add3A_59, %mul3A_60 : i32
    %dma_start3A_62 = arith.constant 0 : i32
    %dma_start3A_63 = tpu.memref_slice %arg5[%mul3A_61, %dma_start3A_62] : memref<425984x16xf32, #tpu.memory_space<hbm>> -> memref<1664x16xf32, #tpu.memory_space<hbm>>
    %dma_start3A_64 = arith.constant 0 : i32
    %dma_start3A_65 = tpu.memref_slice %arg5[%mul3A_61, %dma_start3A_64] : memref<425984x16xf32, #tpu.memory_space<hbm>> -> memref<1664x16xf32, #tpu.memory_space<hbm>>
    tpu.enqueue_dma source(%arg10 : memref<1664x16xf32, #tpu.memory_space<vmem>>) target(%dma_start3A_65 : memref<1664x16xf32, #tpu.memory_space<hbm>>) target_semaphore(%arg17 : memref<!tpu.dma_semaphore, #tpu.memory_space<semaphore_mem>>)
    %mul3A_66 = arith.constant 8 : i32
    %mul3A_67 = arith.muli %add3A, %mul3A_66 : i32
    %add3A_68 = arith.constant 3 : i32
    %add3A_69 = arith.addi %mul3A_67, %add3A_68 : i32
    %mul3A_70 = arith.constant 1664 : i32
    %mul3A_71 = arith.muli %add3A_69, %mul3A_70 : i32
    %dma_start3A_72 = tpu.memref_slice %arg2[%mul3A_71] : memref<425984xi32, #tpu.memory_space<hbm>> -> memref<1664xi32, #tpu.memory_space<hbm>>
    %dma_start3A_73 = tpu.memref_slice %arg2[%mul3A_71] : memref<425984xi32, #tpu.memory_space<hbm>> -> memref<1664xi32, #tpu.memory_space<hbm>>
    tpu.enqueue_dma source(%dma_start3A_73 : memref<1664xi32, #tpu.memory_space<hbm>>) target(%arg7 : memref<1664xi32, #tpu.memory_space<vmem>>) target_semaphore(%arg14 : memref<!tpu.dma_semaphore, #tpu.memory_space<semaphore_mem>>)
    %dma_wait3A_74 = arith.constant 0 : i32
    %dma_wait3A_75 = tpu.memref_slice %arg2[%dma_wait3A_74] : memref<425984xi32, #tpu.memory_space<hbm>> -> memref<1664xi32, #tpu.memory_space<hbm>>
    %dma_wait3A_76 = arith.constant 0 : i32
    %dma_wait3A_77 = tpu.memref_slice %arg2[%dma_wait3A_76] : memref<425984xi32, #tpu.memory_space<hbm>> -> memref<1664xi32, #tpu.memory_space<hbm>>
    tpu.wait_dma2 semaphore(%arg13 : memref<!tpu.dma_semaphore, #tpu.memory_space<semaphore_mem>>) src(%dma_wait3A_77 : memref<1664xi32, #tpu.memory_space<hbm>>) dst(%arg6 : memref<1664xi32, #tpu.memory_space<vmem>>)
    %dma_wait3A_78 = arith.constant 0 : i32
    %dma_wait3A_79 = arith.constant 0 : i32
    %dma_wait3A_80 = tpu.memref_slice %arg5[%dma_wait3A_78, %dma_wait3A_79] : memref<425984x16xf32, #tpu.memory_space<hbm>> -> memref<1664x16xf32, #tpu.memory_space<hbm>>
    %dma_wait3A_81 = arith.constant 0 : i32
    %dma_wait3A_82 = arith.constant 0 : i32
    %dma_wait3A_83 = tpu.memref_slice %arg5[%dma_wait3A_81, %dma_wait3A_82] : memref<425984x16xf32, #tpu.memory_space<hbm>> -> memref<1664x16xf32, #tpu.memory_space<hbm>>
    tpu.wait_dma2 semaphore(%arg17 : memref<!tpu.dma_semaphore, #tpu.memory_space<semaphore_mem>>) src(%arg10 : memref<1664x16xf32, #tpu.memory_space<vmem>>) dst(%dma_wait3A_83 : memref<1664x16xf32, #tpu.memory_space<hbm>>)
    %scan3A_84 = arith.constant 0 : i32
    %scan3A_85 = arith.constant 0 : i32
    %scan3A_86 = arith.constant 104 : i32
    %scan3A_87 = arith.addi %scan3A_85, %scan3A_86 : i32
    %scan3A_88 = arith.constant 1 : i32
    %scan3A_89 = scf.for %scan3A_350 = %scan3A_85 to %scan3A_87 step %scan3A_88 iter_args(%scan3A_351 = %scan3A_84) -> (i32)  : i32 {
      %mul3A_352 = arith.constant 16 : i32
      %mul3A_353 = arith.muli %scan3A_350, %mul3A_352 : i32
      %get3A = arith.index_cast %mul3A_353 : i32 to index
      %get3A_354 = tpu.vector_load %arg6[%get3A] {strides = array<i32>} : memref<1664xi32, #tpu.memory_space<vmem>>, vector<16xi32>,
      %get3A_355 = vector.shape_cast %get3A_354 : vector<16xi32> to vector<16xi32>
      %get3A_356 = arith.index_cast %mul3A_353 : i32 to index
      %get3A_357 = tpu.vector_load %arg12[%get3A_356] {strides = array<i32>} : memref<1664xi32, #tpu.memory_space<vmem>>, vector<16xi32>,
      %get3A_358 = vector.shape_cast %get3A_357 : vector<16xi32> to vector<16xi32>
      %add3A_359 = arith.addi %get3A_355, %get3A_358 : vector<16xi32>
      %swap3A = arith.index_cast %mul3A_353 : i32 to index
      %swap3A_360 = tpu.vector_load %arg8[%swap3A] {strides = array<i32>} : memref<1664xi32, #tpu.memory_space<vmem>>, vector<16xi32>,
      %swap3A_361 = vector.shape_cast %swap3A_360 : vector<16xi32> to vector<16xi32>
      %swap3A_362 = vector.shape_cast %add3A_359 : vector<16xi32> to vector<16xi32>
      tpu.vector_store %arg8[%swap3A], %swap3A_362 {strides = array<i32>} : memref<1664xi32, #tpu.memory_space<vmem>>, vector<16xi32>,
      %scan3A_363 = arith.constant 0 : i32
      scf.yield %scan3A_363 : i32
    }
    %scan3A_90 = arith.constant 104 : i32
    %dma_start3A_91 = arith.constant 0 : i32
    %dma_start3A_92 = arith.constant 0 : i32
    %dma_start3A_93 = tpu.memref_slice %arg4[%dma_start3A_91, %dma_start3A_92] : memref<2662400x16xf32, #tpu.memory_space<hbm>> -> memref<2662400x16xf32, #tpu.memory_space<hbm>>
    tpu.enqueue_indirect_dma source(%dma_start3A_93 : memref<2662400x16xf32, #tpu.memory_space<hbm>>) target(%arg10 : memref<1664x16xf32, #tpu.memory_space<vmem>>) offsets(%arg8 : memref<1664xi32, #tpu.memory_space<vmem>>) semaphore(%arg15 : memref<!tpu.dma_semaphore, #tpu.memory_space<semaphore_mem>>)
    %dma_wait3A_94 = arith.constant 0 : i32
    %dma_wait3A_95 = arith.constant 0 : i32
    %dma_wait3A_96 = tpu.memref_slice %arg4[%dma_wait3A_94, %dma_wait3A_95] : memref<2662400x16xf32, #tpu.memory_space<hbm>> -> memref<1664x16xf32, #tpu.memory_space<hbm>>
    %dma_wait3A_97 = arith.constant 0 : i32
    %dma_wait3A_98 = arith.constant 0 : i32
    %dma_wait3A_99 = tpu.memref_slice %arg4[%dma_wait3A_97, %dma_wait3A_98] : memref<2662400x16xf32, #tpu.memory_space<hbm>> -> memref<1664x16xf32, #tpu.memory_space<hbm>>
    tpu.wait_dma2 semaphore(%arg16 : memref<!tpu.dma_semaphore, #tpu.memory_space<semaphore_mem>>) src(%dma_wait3A_99 : memref<1664x16xf32, #tpu.memory_space<hbm>>) dst(%arg11 : memref<1664x16xf32, #tpu.memory_space<vmem>>)
    %mul3A_100 = arith.constant 8 : i32
    %mul3A_101 = arith.muli %add3A, %mul3A_100 : i32
    %add3A_102 = arith.constant 1 : i32
    %add3A_103 = arith.addi %mul3A_101, %add3A_102 : i32
    %mul3A_104 = arith.constant 1664 : i32
    %mul3A_105 = arith.muli %add3A_103, %mul3A_104 : i32
    %dma_start3A_106 = arith.constant 0 : i32
    %dma_start3A_107 = tpu.memref_slice %arg5[%mul3A_105, %dma_start3A_106] : memref<425984x16xf32, #tpu.memory_space<hbm>> -> memref<1664x16xf32, #tpu.memory_space<hbm>>
    %dma_start3A_108 = arith.constant 0 : i32
    %dma_start3A_109 = tpu.memref_slice %arg5[%mul3A_105, %dma_start3A_108] : memref<425984x16xf32, #tpu.memory_space<hbm>> -> memref<1664x16xf32, #tpu.memory_space<hbm>>
    tpu.enqueue_dma source(%arg11 : memref<1664x16xf32, #tpu.memory_space<vmem>>) target(%dma_start3A_109 : memref<1664x16xf32, #tpu.memory_space<hbm>>) target_semaphore(%arg18 : memref<!tpu.dma_semaphore, #tpu.memory_space<semaphore_mem>>)
    %mul3A_110 = arith.constant 8 : i32
    %mul3A_111 = arith.muli %add3A, %mul3A_110 : i32
    %add3A_112 = arith.constant 4 : i32
    %add3A_113 = arith.addi %mul3A_111, %add3A_112 : i32
    %mul3A_114 = arith.constant 1664 : i32
    %mul3A_115 = arith.muli %add3A_113, %mul3A_114 : i32
    %dma_start3A_116 = tpu.memref_slice %arg2[%mul3A_115] : memref<425984xi32, #tpu.memory_space<hbm>> -> memref<1664xi32, #tpu.memory_space<hbm>>
    %dma_start3A_117 = tpu.memref_slice %arg2[%mul3A_115] : memref<425984xi32, #tpu.memory_space<hbm>> -> memref<1664xi32, #tpu.memory_space<hbm>>
    tpu.enqueue_dma source(%dma_start3A_117 : memref<1664xi32, #tpu.memory_space<hbm>>) target(%arg6 : memref<1664xi32, #tpu.memory_space<vmem>>) target_semaphore(%arg13 : memref<!tpu.dma_semaphore, #tpu.memory_space<semaphore_mem>>)
    %dma_wait3A_118 = arith.constant 0 : i32
    %dma_wait3A_119 = tpu.memref_slice %arg2[%dma_wait3A_118] : memref<425984xi32, #tpu.memory_space<hbm>> -> memref<1664xi32, #tpu.memory_space<hbm>>
    %dma_wait3A_120 = arith.constant 0 : i32
    %dma_wait3A_121 = tpu.memref_slice %arg2[%dma_wait3A_120] : memref<425984xi32, #tpu.memory_space<hbm>> -> memref<1664xi32, #tpu.memory_space<hbm>>
    tpu.wait_dma2 semaphore(%arg14 : memref<!tpu.dma_semaphore, #tpu.memory_space<semaphore_mem>>) src(%dma_wait3A_121 : memref<1664xi32, #tpu.memory_space<hbm>>) dst(%arg7 : memref<1664xi32, #tpu.memory_space<vmem>>)
    %dma_wait3A_122 = arith.constant 0 : i32
    %dma_wait3A_123 = arith.constant 0 : i32
    %dma_wait3A_124 = tpu.memref_slice %arg5[%dma_wait3A_122, %dma_wait3A_123] : memref<425984x16xf32, #tpu.memory_space<hbm>> -> memref<1664x16xf32, #tpu.memory_space<hbm>>
    %dma_wait3A_125 = arith.constant 0 : i32
    %dma_wait3A_126 = arith.constant 0 : i32
    %dma_wait3A_127 = tpu.memref_slice %arg5[%dma_wait3A_125, %dma_wait3A_126] : memref<425984x16xf32, #tpu.memory_space<hbm>> -> memref<1664x16xf32, #tpu.memory_space<hbm>>
    tpu.wait_dma2 semaphore(%arg18 : memref<!tpu.dma_semaphore, #tpu.memory_space<semaphore_mem>>) src(%arg11 : memref<1664x16xf32, #tpu.memory_space<vmem>>) dst(%dma_wait3A_127 : memref<1664x16xf32, #tpu.memory_space<hbm>>)
    %scan3A_128 = arith.constant 0 : i32
    %scan3A_129 = arith.constant 0 : i32
    %scan3A_130 = arith.constant 104 : i32
    %scan3A_131 = arith.addi %scan3A_129, %scan3A_130 : i32
    %scan3A_132 = arith.constant 1 : i32
    %scan3A_133 = scf.for %scan3A_350 = %scan3A_129 to %scan3A_131 step %scan3A_132 iter_args(%scan3A_351 = %scan3A_128) -> (i32)  : i32 {
      %mul3A_352 = arith.constant 16 : i32
      %mul3A_353 = arith.muli %scan3A_350, %mul3A_352 : i32
      %get3A = arith.index_cast %mul3A_353 : i32 to index
      %get3A_354 = tpu.vector_load %arg7[%get3A] {strides = array<i32>} : memref<1664xi32, #tpu.memory_space<vmem>>, vector<16xi32>,
      %get3A_355 = vector.shape_cast %get3A_354 : vector<16xi32> to vector<16xi32>
      %get3A_356 = arith.index_cast %mul3A_353 : i32 to index
      %get3A_357 = tpu.vector_load %arg12[%get3A_356] {strides = array<i32>} : memref<1664xi32, #tpu.memory_space<vmem>>, vector<16xi32>,
      %get3A_358 = vector.shape_cast %get3A_357 : vector<16xi32> to vector<16xi32>
      %add3A_359 = arith.addi %get3A_355, %get3A_358 : vector<16xi32>
      %swap3A = arith.index_cast %mul3A_353 : i32 to index
      %swap3A_360 = tpu.vector_load %arg9[%swap3A] {strides = array<i32>} : memref<1664xi32, #tpu.memory_space<vmem>>, vector<16xi32>,
      %swap3A_361 = vector.shape_cast %swap3A_360 : vector<16xi32> to vector<16xi32>
      %swap3A_362 = vector.shape_cast %add3A_359 : vector<16xi32> to vector<16xi32>
      tpu.vector_store %arg9[%swap3A], %swap3A_362 {strides = array<i32>} : memref<1664xi32, #tpu.memory_space<vmem>>, vector<16xi32>,
      %scan3A_363 = arith.constant 0 : i32
      scf.yield %scan3A_363 : i32
    }
    %scan3A_134 = arith.constant 104 : i32
    %dma_start3A_135 = arith.constant 0 : i32
    %dma_start3A_136 = arith.constant 0 : i32
    %dma_start3A_137 = tpu.memref_slice %arg4[%dma_start3A_135, %dma_start3A_136] : memref<2662400x16xf32, #tpu.memory_space<hbm>> -> memref<2662400x16xf32, #tpu.memory_space<hbm>>
    tpu.enqueue_indirect_dma source(%dma_start3A_137 : memref<2662400x16xf32, #tpu.memory_space<hbm>>) target(%arg11 : memref<1664x16xf32, #tpu.memory_space<vmem>>) offsets(%arg9 : memref<1664xi32, #tpu.memory_space<vmem>>) semaphore(%arg16 : memref<!tpu.dma_semaphore, #tpu.memory_space<semaphore_mem>>)
    %dma_wait3A_138 = arith.constant 0 : i32
    %dma_wait3A_139 = arith.constant 0 : i32
    %dma_wait3A_140 = tpu.memref_slice %arg4[%dma_wait3A_138, %dma_wait3A_139] : memref<2662400x16xf32, #tpu.memory_space<hbm>> -> memref<1664x16xf32, #tpu.memory_space<hbm>>
    %dma_wait3A_141 = arith.constant 0 : i32
    %dma_wait3A_142 = arith.constant 0 : i32
    %dma_wait3A_143 = tpu.memref_slice %arg4[%dma_wait3A_141, %dma_wait3A_142] : memref<2662400x16xf32, #tpu.memory_space<hbm>> -> memref<1664x16xf32, #tpu.memory_space<hbm>>
    tpu.wait_dma2 semaphore(%arg15 : memref<!tpu.dma_semaphore, #tpu.memory_space<semaphore_mem>>) src(%dma_wait3A_143 : memref<1664x16xf32, #tpu.memory_space<hbm>>) dst(%arg10 : memref<1664x16xf32, #tpu.memory_space<vmem>>)
    %mul3A_144 = arith.constant 8 : i32
    %mul3A_145 = arith.muli %add3A, %mul3A_144 : i32
    %add3A_146 = arith.constant 2 : i32
    %add3A_147 = arith.addi %mul3A_145, %add3A_146 : i32
    %mul3A_148 = arith.constant 1664 : i32
    %mul3A_149 = arith.muli %add3A_147, %mul3A_148 : i32
    %dma_start3A_150 = arith.constant 0 : i32
    %dma_start3A_151 = tpu.memref_slice %arg5[%mul3A_149, %dma_start3A_150] : memref<425984x16xf32, #tpu.memory_space<hbm>> -> memref<1664x16xf32, #tpu.memory_space<hbm>>
    %dma_start3A_152 = arith.constant 0 : i32
    %dma_start3A_153 = tpu.memref_slice %arg5[%mul3A_149, %dma_start3A_152] : memref<425984x16xf32, #tpu.memory_space<hbm>> -> memref<1664x16xf32, #tpu.memory_space<hbm>>
    tpu.enqueue_dma source(%arg10 : memref<1664x16xf32, #tpu.memory_space<vmem>>) target(%dma_start3A_153 : memref<1664x16xf32, #tpu.memory_space<hbm>>) target_semaphore(%arg17 : memref<!tpu.dma_semaphore, #tpu.memory_space<semaphore_mem>>)
    %mul3A_154 = arith.constant 8 : i32
    %mul3A_155 = arith.muli %add3A, %mul3A_154 : i32
    %add3A_156 = arith.constant 5 : i32
    %add3A_157 = arith.addi %mul3A_155, %add3A_156 : i32
    %mul3A_158 = arith.constant 1664 : i32
    %mul3A_159 = arith.muli %add3A_157, %mul3A_158 : i32
    %dma_start3A_160 = tpu.memref_slice %arg2[%mul3A_159] : memref<425984xi32, #tpu.memory_space<hbm>> -> memref<1664xi32, #tpu.memory_space<hbm>>
    %dma_start3A_161 = tpu.memref_slice %arg2[%mul3A_159] : memref<425984xi32, #tpu.memory_space<hbm>> -> memref<1664xi32, #tpu.memory_space<hbm>>
    tpu.enqueue_dma source(%dma_start3A_161 : memref<1664xi32, #tpu.memory_space<hbm>>) target(%arg7 : memref<1664xi32, #tpu.memory_space<vmem>>) target_semaphore(%arg14 : memref<!tpu.dma_semaphore, #tpu.memory_space<semaphore_mem>>)
    %dma_wait3A_162 = arith.constant 0 : i32
    %dma_wait3A_163 = tpu.memref_slice %arg2[%dma_wait3A_162] : memref<425984xi32, #tpu.memory_space<hbm>> -> memref<1664xi32, #tpu.memory_space<hbm>>
    %dma_wait3A_164 = arith.constant 0 : i32
    %dma_wait3A_165 = tpu.memref_slice %arg2[%dma_wait3A_164] : memref<425984xi32, #tpu.memory_space<hbm>> -> memref<1664xi32, #tpu.memory_space<hbm>>
    tpu.wait_dma2 semaphore(%arg13 : memref<!tpu.dma_semaphore, #tpu.memory_space<semaphore_mem>>) src(%dma_wait3A_165 : memref<1664xi32, #tpu.memory_space<hbm>>) dst(%arg6 : memref<1664xi32, #tpu.memory_space<vmem>>)
    %dma_wait3A_166 = arith.constant 0 : i32
    %dma_wait3A_167 = arith.constant 0 : i32
    %dma_wait3A_168 = tpu.memref_slice %arg5[%dma_wait3A_166, %dma_wait3A_167] : memref<425984x16xf32, #tpu.memory_space<hbm>> -> memref<1664x16xf32, #tpu.memory_space<hbm>>
    %dma_wait3A_169 = arith.constant 0 : i32
    %dma_wait3A_170 = arith.constant 0 : i32
    %dma_wait3A_171 = tpu.memref_slice %arg5[%dma_wait3A_169, %dma_wait3A_170] : memref<425984x16xf32, #tpu.memory_space<hbm>> -> memref<1664x16xf32, #tpu.memory_space<hbm>>
    tpu.wait_dma2 semaphore(%arg17 : memref<!tpu.dma_semaphore, #tpu.memory_space<semaphore_mem>>) src(%arg10 : memref<1664x16xf32, #tpu.memory_space<vmem>>) dst(%dma_wait3A_171 : memref<1664x16xf32, #tpu.memory_space<hbm>>)
    %scan3A_172 = arith.constant 0 : i32
    %scan3A_173 = arith.constant 0 : i32
    %scan3A_174 = arith.constant 104 : i32
    %scan3A_175 = arith.addi %scan3A_173, %scan3A_174 : i32
    %scan3A_176 = arith.constant 1 : i32
    %scan3A_177 = scf.for %scan3A_350 = %scan3A_173 to %scan3A_175 step %scan3A_176 iter_args(%scan3A_351 = %scan3A_172) -> (i32)  : i32 {
      %mul3A_352 = arith.constant 16 : i32
      %mul3A_353 = arith.muli %scan3A_350, %mul3A_352 : i32
      %get3A = arith.index_cast %mul3A_353 : i32 to index
      %get3A_354 = tpu.vector_load %arg6[%get3A] {strides = array<i32>} : memref<1664xi32, #tpu.memory_space<vmem>>, vector<16xi32>,
      %get3A_355 = vector.shape_cast %get3A_354 : vector<16xi32> to vector<16xi32>
      %get3A_356 = arith.index_cast %mul3A_353 : i32 to index
      %get3A_357 = tpu.vector_load %arg12[%get3A_356] {strides = array<i32>} : memref<1664xi32, #tpu.memory_space<vmem>>, vector<16xi32>,
      %get3A_358 = vector.shape_cast %get3A_357 : vector<16xi32> to vector<16xi32>
      %add3A_359 = arith.addi %get3A_355, %get3A_358 : vector<16xi32>
      %swap3A = arith.index_cast %mul3A_353 : i32 to index
      %swap3A_360 = tpu.vector_load %arg8[%swap3A] {strides = array<i32>} : memref<1664xi32, #tpu.memory_space<vmem>>, vector<16xi32>,
      %swap3A_361 = vector.shape_cast %swap3A_360 : vector<16xi32> to vector<16xi32>
      %swap3A_362 = vector.shape_cast %add3A_359 : vector<16xi32> to vector<16xi32>
      tpu.vector_store %arg8[%swap3A], %swap3A_362 {strides = array<i32>} : memref<1664xi32, #tpu.memory_space<vmem>>, vector<16xi32>,
      %scan3A_363 = arith.constant 0 : i32
      scf.yield %scan3A_363 : i32
    }
    %scan3A_178 = arith.constant 104 : i32
    %dma_start3A_179 = arith.constant 0 : i32
    %dma_start3A_180 = arith.constant 0 : i32
    %dma_start3A_181 = tpu.memref_slice %arg4[%dma_start3A_179, %dma_start3A_180] : memref<2662400x16xf32, #tpu.memory_space<hbm>> -> memref<2662400x16xf32, #tpu.memory_space<hbm>>
    tpu.enqueue_indirect_dma source(%dma_start3A_181 : memref<2662400x16xf32, #tpu.memory_space<hbm>>) target(%arg10 : memref<1664x16xf32, #tpu.memory_space<vmem>>) offsets(%arg8 : memref<1664xi32, #tpu.memory_space<vmem>>) semaphore(%arg15 : memref<!tpu.dma_semaphore, #tpu.memory_space<semaphore_mem>>)
    %dma_wait3A_182 = arith.constant 0 : i32
    %dma_wait3A_183 = arith.constant 0 : i32
    %dma_wait3A_184 = tpu.memref_slice %arg4[%dma_wait3A_182, %dma_wait3A_183] : memref<2662400x16xf32, #tpu.memory_space<hbm>> -> memref<1664x16xf32, #tpu.memory_space<hbm>>
    %dma_wait3A_185 = arith.constant 0 : i32
    %dma_wait3A_186 = arith.constant 0 : i32
    %dma_wait3A_187 = tpu.memref_slice %arg4[%dma_wait3A_185, %dma_wait3A_186] : memref<2662400x16xf32, #tpu.memory_space<hbm>> -> memref<1664x16xf32, #tpu.memory_space<hbm>>
    tpu.wait_dma2 semaphore(%arg16 : memref<!tpu.dma_semaphore, #tpu.memory_space<semaphore_mem>>) src(%dma_wait3A_187 : memref<1664x16xf32, #tpu.memory_space<hbm>>) dst(%arg11 : memref<1664x16xf32, #tpu.memory_space<vmem>>)
    %mul3A_188 = arith.constant 8 : i32
    %mul3A_189 = arith.muli %add3A, %mul3A_188 : i32
    %add3A_190 = arith.constant 3 : i32
    %add3A_191 = arith.addi %mul3A_189, %add3A_190 : i32
    %mul3A_192 = arith.constant 1664 : i32
    %mul3A_193 = arith.muli %add3A_191, %mul3A_192 : i32
    %dma_start3A_194 = arith.constant 0 : i32
    %dma_start3A_195 = tpu.memref_slice %arg5[%mul3A_193, %dma_start3A_194] : memref<425984x16xf32, #tpu.memory_space<hbm>> -> memref<1664x16xf32, #tpu.memory_space<hbm>>
    %dma_start3A_196 = arith.constant 0 : i32
    %dma_start3A_197 = tpu.memref_slice %arg5[%mul3A_193, %dma_start3A_196] : memref<425984x16xf32, #tpu.memory_space<hbm>> -> memref<1664x16xf32, #tpu.memory_space<hbm>>
    tpu.enqueue_dma source(%arg11 : memref<1664x16xf32, #tpu.memory_space<vmem>>) target(%dma_start3A_197 : memref<1664x16xf32, #tpu.memory_space<hbm>>) target_semaphore(%arg18 : memref<!tpu.dma_semaphore, #tpu.memory_space<semaphore_mem>>)
    %mul3A_198 = arith.constant 8 : i32
    %mul3A_199 = arith.muli %add3A, %mul3A_198 : i32
    %add3A_200 = arith.constant 6 : i32
    %add3A_201 = arith.addi %mul3A_199, %add3A_200 : i32
    %mul3A_202 = arith.constant 1664 : i32
    %mul3A_203 = arith.muli %add3A_201, %mul3A_202 : i32
    %dma_start3A_204 = tpu.memref_slice %arg2[%mul3A_203] : memref<425984xi32, #tpu.memory_space<hbm>> -> memref<1664xi32, #tpu.memory_space<hbm>>
    %dma_start3A_205 = tpu.memref_slice %arg2[%mul3A_203] : memref<425984xi32, #tpu.memory_space<hbm>> -> memref<1664xi32, #tpu.memory_space<hbm>>
    tpu.enqueue_dma source(%dma_start3A_205 : memref<1664xi32, #tpu.memory_space<hbm>>) target(%arg6 : memref<1664xi32, #tpu.memory_space<vmem>>) target_semaphore(%arg13 : memref<!tpu.dma_semaphore, #tpu.memory_space<semaphore_mem>>)
    %dma_wait3A_206 = arith.constant 0 : i32
    %dma_wait3A_207 = tpu.memref_slice %arg2[%dma_wait3A_206] : memref<425984xi32, #tpu.memory_space<hbm>> -> memref<1664xi32, #tpu.memory_space<hbm>>
    %dma_wait3A_208 = arith.constant 0 : i32
    %dma_wait3A_209 = tpu.memref_slice %arg2[%dma_wait3A_208] : memref<425984xi32, #tpu.memory_space<hbm>> -> memref<1664xi32, #tpu.memory_space<hbm>>
    tpu.wait_dma2 semaphore(%arg14 : memref<!tpu.dma_semaphore, #tpu.memory_space<semaphore_mem>>) src(%dma_wait3A_209 : memref<1664xi32, #tpu.memory_space<hbm>>) dst(%arg7 : memref<1664xi32, #tpu.memory_space<vmem>>)
    %dma_wait3A_210 = arith.constant 0 : i32
    %dma_wait3A_211 = arith.constant 0 : i32
    %dma_wait3A_212 = tpu.memref_slice %arg5[%dma_wait3A_210, %dma_wait3A_211] : memref<425984x16xf32, #tpu.memory_space<hbm>> -> memref<1664x16xf32, #tpu.memory_space<hbm>>
    %dma_wait3A_213 = arith.constant 0 : i32
    %dma_wait3A_214 = arith.constant 0 : i32
    %dma_wait3A_215 = tpu.memref_slice %arg5[%dma_wait3A_213, %dma_wait3A_214] : memref<425984x16xf32, #tpu.memory_space<hbm>> -> memref<1664x16xf32, #tpu.memory_space<hbm>>
    tpu.wait_dma2 semaphore(%arg18 : memref<!tpu.dma_semaphore, #tpu.memory_space<semaphore_mem>>) src(%arg11 : memref<1664x16xf32, #tpu.memory_space<vmem>>) dst(%dma_wait3A_215 : memref<1664x16xf32, #tpu.memory_space<hbm>>)
    %scan3A_216 = arith.constant 0 : i32
    %scan3A_217 = arith.constant 0 : i32
    %scan3A_218 = arith.constant 104 : i32
    %scan3A_219 = arith.addi %scan3A_217, %scan3A_218 : i32
    %scan3A_220 = arith.constant 1 : i32
    %scan3A_221 = scf.for %scan3A_350 = %scan3A_217 to %scan3A_219 step %scan3A_220 iter_args(%scan3A_351 = %scan3A_216) -> (i32)  : i32 {
      %mul3A_352 = arith.constant 16 : i32
      %mul3A_353 = arith.muli %scan3A_350, %mul3A_352 : i32
      %get3A = arith.index_cast %mul3A_353 : i32 to index
      %get3A_354 = tpu.vector_load %arg7[%get3A] {strides = array<i32>} : memref<1664xi32, #tpu.memory_space<vmem>>, vector<16xi32>,
      %get3A_355 = vector.shape_cast %get3A_354 : vector<16xi32> to vector<16xi32>
      %get3A_356 = arith.index_cast %mul3A_353 : i32 to index
      %get3A_357 = tpu.vector_load %arg12[%get3A_356] {strides = array<i32>} : memref<1664xi32, #tpu.memory_space<vmem>>, vector<16xi32>,
      %get3A_358 = vector.shape_cast %get3A_357 : vector<16xi32> to vector<16xi32>
      %add3A_359 = arith.addi %get3A_355, %get3A_358 : vector<16xi32>
      %swap3A = arith.index_cast %mul3A_353 : i32 to index
      %swap3A_360 = tpu.vector_load %arg9[%swap3A] {strides = array<i32>} : memref<1664xi32, #tpu.memory_space<vmem>>, vector<16xi32>,
      %swap3A_361 = vector.shape_cast %swap3A_360 : vector<16xi32> to vector<16xi32>
      %swap3A_362 = vector.shape_cast %add3A_359 : vector<16xi32> to vector<16xi32>
      tpu.vector_store %arg9[%swap3A], %swap3A_362 {strides = array<i32>} : memref<1664xi32, #tpu.memory_space<vmem>>, vector<16xi32>,
      %scan3A_363 = arith.constant 0 : i32
      scf.yield %scan3A_363 : i32
    }
    %scan3A_222 = arith.constant 104 : i32
    %dma_start3A_223 = arith.constant 0 : i32
    %dma_start3A_224 = arith.constant 0 : i32
    %dma_start3A_225 = tpu.memref_slice %arg4[%dma_start3A_223, %dma_start3A_224] : memref<2662400x16xf32, #tpu.memory_space<hbm>> -> memref<2662400x16xf32, #tpu.memory_space<hbm>>
    tpu.enqueue_indirect_dma source(%dma_start3A_225 : memref<2662400x16xf32, #tpu.memory_space<hbm>>) target(%arg11 : memref<1664x16xf32, #tpu.memory_space<vmem>>) offsets(%arg9 : memref<1664xi32, #tpu.memory_space<vmem>>) semaphore(%arg16 : memref<!tpu.dma_semaphore, #tpu.memory_space<semaphore_mem>>)
    %dma_wait3A_226 = arith.constant 0 : i32
    %dma_wait3A_227 = arith.constant 0 : i32
    %dma_wait3A_228 = tpu.memref_slice %arg4[%dma_wait3A_226, %dma_wait3A_227] : memref<2662400x16xf32, #tpu.memory_space<hbm>> -> memref<1664x16xf32, #tpu.memory_space<hbm>>
    %dma_wait3A_229 = arith.constant 0 : i32
    %dma_wait3A_230 = arith.constant 0 : i32
    %dma_wait3A_231 = tpu.memref_slice %arg4[%dma_wait3A_229, %dma_wait3A_230] : memref<2662400x16xf32, #tpu.memory_space<hbm>> -> memref<1664x16xf32, #tpu.memory_space<hbm>>
    tpu.wait_dma2 semaphore(%arg15 : memref<!tpu.dma_semaphore, #tpu.memory_space<semaphore_mem>>) src(%dma_wait3A_231 : memref<1664x16xf32, #tpu.memory_space<hbm>>) dst(%arg10 : memref<1664x16xf32, #tpu.memory_space<vmem>>)
    %mul3A_232 = arith.constant 8 : i32
    %mul3A_233 = arith.muli %add3A, %mul3A_232 : i32
    %add3A_234 = arith.constant 4 : i32
    %add3A_235 = arith.addi %mul3A_233, %add3A_234 : i32
    %mul3A_236 = arith.constant 1664 : i32
    %mul3A_237 = arith.muli %add3A_235, %mul3A_236 : i32
    %dma_start3A_238 = arith.constant 0 : i32
    %dma_start3A_239 = tpu.memref_slice %arg5[%mul3A_237, %dma_start3A_238] : memref<425984x16xf32, #tpu.memory_space<hbm>> -> memref<1664x16xf32, #tpu.memory_space<hbm>>
    %dma_start3A_240 = arith.constant 0 : i32
    %dma_start3A_241 = tpu.memref_slice %arg5[%mul3A_237, %dma_start3A_240] : memref<425984x16xf32, #tpu.memory_space<hbm>> -> memref<1664x16xf32, #tpu.memory_space<hbm>>
    tpu.enqueue_dma source(%arg10 : memref<1664x16xf32, #tpu.memory_space<vmem>>) target(%dma_start3A_241 : memref<1664x16xf32, #tpu.memory_space<hbm>>) target_semaphore(%arg17 : memref<!tpu.dma_semaphore, #tpu.memory_space<semaphore_mem>>)
    %mul3A_242 = arith.constant 8 : i32
    %mul3A_243 = arith.muli %add3A, %mul3A_242 : i32
    %add3A_244 = arith.constant 7 : i32
    %add3A_245 = arith.addi %mul3A_243, %add3A_244 : i32
    %mul3A_246 = arith.constant 1664 : i32
    %mul3A_247 = arith.muli %add3A_245, %mul3A_246 : i32
    %dma_start3A_248 = tpu.memref_slice %arg2[%mul3A_247] : memref<425984xi32, #tpu.memory_space<hbm>> -> memref<1664xi32, #tpu.memory_space<hbm>>
    %dma_start3A_249 = tpu.memref_slice %arg2[%mul3A_247] : memref<425984xi32, #tpu.memory_space<hbm>> -> memref<1664xi32, #tpu.memory_space<hbm>>
    tpu.enqueue_dma source(%dma_start3A_249 : memref<1664xi32, #tpu.memory_space<hbm>>) target(%arg7 : memref<1664xi32, #tpu.memory_space<vmem>>) target_semaphore(%arg14 : memref<!tpu.dma_semaphore, #tpu.memory_space<semaphore_mem>>)
    %dma_wait3A_250 = arith.constant 0 : i32
    %dma_wait3A_251 = tpu.memref_slice %arg2[%dma_wait3A_250] : memref<425984xi32, #tpu.memory_space<hbm>> -> memref<1664xi32, #tpu.memory_space<hbm>>
    %dma_wait3A_252 = arith.constant 0 : i32
    %dma_wait3A_253 = tpu.memref_slice %arg2[%dma_wait3A_252] : memref<425984xi32, #tpu.memory_space<hbm>> -> memref<1664xi32, #tpu.memory_space<hbm>>
    tpu.wait_dma2 semaphore(%arg13 : memref<!tpu.dma_semaphore, #tpu.memory_space<semaphore_mem>>) src(%dma_wait3A_253 : memref<1664xi32, #tpu.memory_space<hbm>>) dst(%arg6 : memref<1664xi32, #tpu.memory_space<vmem>>)
    %dma_wait3A_254 = arith.constant 0 : i32
    %dma_wait3A_255 = arith.constant 0 : i32
    %dma_wait3A_256 = tpu.memref_slice %arg5[%dma_wait3A_254, %dma_wait3A_255] : memref<425984x16xf32, #tpu.memory_space<hbm>> -> memref<1664x16xf32, #tpu.memory_space<hbm>>
    %dma_wait3A_257 = arith.constant 0 : i32
    %dma_wait3A_258 = arith.constant 0 : i32
    %dma_wait3A_259 = tpu.memref_slice %arg5[%dma_wait3A_257, %dma_wait3A_258] : memref<425984x16xf32, #tpu.memory_space<hbm>> -> memref<1664x16xf32, #tpu.memory_space<hbm>>
    tpu.wait_dma2 semaphore(%arg17 : memref<!tpu.dma_semaphore, #tpu.memory_space<semaphore_mem>>) src(%arg10 : memref<1664x16xf32, #tpu.memory_space<vmem>>) dst(%dma_wait3A_259 : memref<1664x16xf32, #tpu.memory_space<hbm>>)
    %scan3A_260 = arith.constant 0 : i32
    %scan3A_261 = arith.constant 0 : i32
    %scan3A_262 = arith.constant 104 : i32
    %scan3A_263 = arith.addi %scan3A_261, %scan3A_262 : i32
    %scan3A_264 = arith.constant 1 : i32
    %scan3A_265 = scf.for %scan3A_350 = %scan3A_261 to %scan3A_263 step %scan3A_264 iter_args(%scan3A_351 = %scan3A_260) -> (i32)  : i32 {
      %mul3A_352 = arith.constant 16 : i32
      %mul3A_353 = arith.muli %scan3A_350, %mul3A_352 : i32
      %get3A = arith.index_cast %mul3A_353 : i32 to index
      %get3A_354 = tpu.vector_load %arg6[%get3A] {strides = array<i32>} : memref<1664xi32, #tpu.memory_space<vmem>>, vector<16xi32>,
      %get3A_355 = vector.shape_cast %get3A_354 : vector<16xi32> to vector<16xi32>
      %get3A_356 = arith.index_cast %mul3A_353 : i32 to index
      %get3A_357 = tpu.vector_load %arg12[%get3A_356] {strides = array<i32>} : memref<1664xi32, #tpu.memory_space<vmem>>, vector<16xi32>,
      %get3A_358 = vector.shape_cast %get3A_357 : vector<16xi32> to vector<16xi32>
      %add3A_359 = arith.addi %get3A_355, %get3A_358 : vector<16xi32>
      %swap3A = arith.index_cast %mul3A_353 : i32 to index
      %swap3A_360 = tpu.vector_load %arg8[%swap3A] {strides = array<i32>} : memref<1664xi32, #tpu.memory_space<vmem>>, vector<16xi32>,
      %swap3A_361 = vector.shape_cast %swap3A_360 : vector<16xi32> to vector<16xi32>
      %swap3A_362 = vector.shape_cast %add3A_359 : vector<16xi32> to vector<16xi32>
      tpu.vector_store %arg8[%swap3A], %swap3A_362 {strides = array<i32>} : memref<1664xi32, #tpu.memory_space<vmem>>, vector<16xi32>,
      %scan3A_363 = arith.constant 0 : i32
      scf.yield %scan3A_363 : i32
    }
    %scan3A_266 = arith.constant 104 : i32
    %dma_start3A_267 = arith.constant 0 : i32
    %dma_start3A_268 = arith.constant 0 : i32
    %dma_start3A_269 = tpu.memref_slice %arg4[%dma_start3A_267, %dma_start3A_268] : memref<2662400x16xf32, #tpu.memory_space<hbm>> -> memref<2662400x16xf32, #tpu.memory_space<hbm>>
    tpu.enqueue_indirect_dma source(%dma_start3A_269 : memref<2662400x16xf32, #tpu.memory_space<hbm>>) target(%arg10 : memref<1664x16xf32, #tpu.memory_space<vmem>>) offsets(%arg8 : memref<1664xi32, #tpu.memory_space<vmem>>) semaphore(%arg15 : memref<!tpu.dma_semaphore, #tpu.memory_space<semaphore_mem>>)
    %dma_wait3A_270 = arith.constant 0 : i32
    %dma_wait3A_271 = arith.constant 0 : i32
    %dma_wait3A_272 = tpu.memref_slice %arg4[%dma_wait3A_270, %dma_wait3A_271] : memref<2662400x16xf32, #tpu.memory_space<hbm>> -> memref<1664x16xf32, #tpu.memory_space<hbm>>
    %dma_wait3A_273 = arith.constant 0 : i32
    %dma_wait3A_274 = arith.constant 0 : i32
    %dma_wait3A_275 = tpu.memref_slice %arg4[%dma_wait3A_273, %dma_wait3A_274] : memref<2662400x16xf32, #tpu.memory_space<hbm>> -> memref<1664x16xf32, #tpu.memory_space<hbm>>
    tpu.wait_dma2 semaphore(%arg16 : memref<!tpu.dma_semaphore, #tpu.memory_space<semaphore_mem>>) src(%dma_wait3A_275 : memref<1664x16xf32, #tpu.memory_space<hbm>>) dst(%arg11 : memref<1664x16xf32, #tpu.memory_space<vmem>>)
    %mul3A_276 = arith.constant 8 : i32
    %mul3A_277 = arith.muli %add3A, %mul3A_276 : i32
    %add3A_278 = arith.constant 5 : i32
    %add3A_279 = arith.addi %mul3A_277, %add3A_278 : i32
    %mul3A_280 = arith.constant 1664 : i32
    %mul3A_281 = arith.muli %add3A_279, %mul3A_280 : i32
    %dma_start3A_282 = arith.constant 0 : i32
    %dma_start3A_283 = tpu.memref_slice %arg5[%mul3A_281, %dma_start3A_282] : memref<425984x16xf32, #tpu.memory_space<hbm>> -> memref<1664x16xf32, #tpu.memory_space<hbm>>
    %dma_start3A_284 = arith.constant 0 : i32
    %dma_start3A_285 = tpu.memref_slice %arg5[%mul3A_281, %dma_start3A_284] : memref<425984x16xf32, #tpu.memory_space<hbm>> -> memref<1664x16xf32, #tpu.memory_space<hbm>>
    tpu.enqueue_dma source(%arg11 : memref<1664x16xf32, #tpu.memory_space<vmem>>) target(%dma_start3A_285 : memref<1664x16xf32, #tpu.memory_space<hbm>>) target_semaphore(%arg18 : memref<!tpu.dma_semaphore, #tpu.memory_space<semaphore_mem>>)
    %dma_wait3A_286 = arith.constant 0 : i32
    %dma_wait3A_287 = tpu.memref_slice %arg2[%dma_wait3A_286] : memref<425984xi32, #tpu.memory_space<hbm>> -> memref<1664xi32, #tpu.memory_space<hbm>>
    %dma_wait3A_288 = arith.constant 0 : i32
    %dma_wait3A_289 = tpu.memref_slice %arg2[%dma_wait3A_288] : memref<425984xi32, #tpu.memory_space<hbm>> -> memref<1664xi32, #tpu.memory_space<hbm>>
    tpu.wait_dma2 semaphore(%arg14 : memref<!tpu.dma_semaphore, #tpu.memory_space<semaphore_mem>>) src(%dma_wait3A_289 : memref<1664xi32, #tpu.memory_space<hbm>>) dst(%arg7 : memref<1664xi32, #tpu.memory_space<vmem>>)
    %dma_wait3A_290 = arith.constant 0 : i32
    %dma_wait3A_291 = arith.constant 0 : i32
    %dma_wait3A_292 = tpu.memref_slice %arg5[%dma_wait3A_290, %dma_wait3A_291] : memref<425984x16xf32, #tpu.memory_space<hbm>> -> memref<1664x16xf32, #tpu.memory_space<hbm>>
    %dma_wait3A_293 = arith.constant 0 : i32
    %dma_wait3A_294 = arith.constant 0 : i32
    %dma_wait3A_295 = tpu.memref_slice %arg5[%dma_wait3A_293, %dma_wait3A_294] : memref<425984x16xf32, #tpu.memory_space<hbm>> -> memref<1664x16xf32, #tpu.memory_space<hbm>>
    tpu.wait_dma2 semaphore(%arg18 : memref<!tpu.dma_semaphore, #tpu.memory_space<semaphore_mem>>) src(%arg11 : memref<1664x16xf32, #tpu.memory_space<vmem>>) dst(%dma_wait3A_295 : memref<1664x16xf32, #tpu.memory_space<hbm>>)
    %scan3A_296 = arith.constant 0 : i32
    %scan3A_297 = arith.constant 0 : i32
    %scan3A_298 = arith.constant 104 : i32
    %scan3A_299 = arith.addi %scan3A_297, %scan3A_298 : i32
    %scan3A_300 = arith.constant 1 : i32
    %scan3A_301 = scf.for %scan3A_350 = %scan3A_297 to %scan3A_299 step %scan3A_300 iter_args(%scan3A_351 = %scan3A_296) -> (i32)  : i32 {
      %mul3A_352 = arith.constant 16 : i32
      %mul3A_353 = arith.muli %scan3A_350, %mul3A_352 : i32
      %get3A = arith.index_cast %mul3A_353 : i32 to index
      %get3A_354 = tpu.vector_load %arg7[%get3A] {strides = array<i32>} : memref<1664xi32, #tpu.memory_space<vmem>>, vector<16xi32>,
      %get3A_355 = vector.shape_cast %get3A_354 : vector<16xi32> to vector<16xi32>
      %get3A_356 = arith.index_cast %mul3A_353 : i32 to index
      %get3A_357 = tpu.vector_load %arg12[%get3A_356] {strides = array<i32>} : memref<1664xi32, #tpu.memory_space<vmem>>, vector<16xi32>,
      %get3A_358 = vector.shape_cast %get3A_357 : vector<16xi32> to vector<16xi32>
      %add3A_359 = arith.addi %get3A_355, %get3A_358 : vector<16xi32>
      %swap3A = arith.index_cast %mul3A_353 : i32 to index
      %swap3A_360 = tpu.vector_load %arg9[%swap3A] {strides = array<i32>} : memref<1664xi32, #tpu.memory_space<vmem>>, vector<16xi32>,
      %swap3A_361 = vector.shape_cast %swap3A_360 : vector<16xi32> to vector<16xi32>
      %swap3A_362 = vector.shape_cast %add3A_359 : vector<16xi32> to vector<16xi32>
      tpu.vector_store %arg9[%swap3A], %swap3A_362 {strides = array<i32>} : memref<1664xi32, #tpu.memory_space<vmem>>, vector<16xi32>,
      %scan3A_363 = arith.constant 0 : i32
      scf.yield %scan3A_363 : i32
    }
    %scan3A_302 = arith.constant 104 : i32
    %dma_start3A_303 = arith.constant 0 : i32
    %dma_start3A_304 = arith.constant 0 : i32
    %dma_start3A_305 = tpu.memref_slice %arg4[%dma_start3A_303, %dma_start3A_304] : memref<2662400x16xf32, #tpu.memory_space<hbm>> -> memref<2662400x16xf32, #tpu.memory_space<hbm>>
    tpu.enqueue_indirect_dma source(%dma_start3A_305 : memref<2662400x16xf32, #tpu.memory_space<hbm>>) target(%arg11 : memref<1664x16xf32, #tpu.memory_space<vmem>>) offsets(%arg9 : memref<1664xi32, #tpu.memory_space<vmem>>) semaphore(%arg16 : memref<!tpu.dma_semaphore, #tpu.memory_space<semaphore_mem>>)
    %dma_wait3A_306 = arith.constant 0 : i32
    %dma_wait3A_307 = arith.constant 0 : i32
    %dma_wait3A_308 = tpu.memref_slice %arg4[%dma_wait3A_306, %dma_wait3A_307] : memref<2662400x16xf32, #tpu.memory_space<hbm>> -> memref<1664x16xf32, #tpu.memory_space<hbm>>
    %dma_wait3A_309 = arith.constant 0 : i32
    %dma_wait3A_310 = arith.constant 0 : i32
    %dma_wait3A_311 = tpu.memref_slice %arg4[%dma_wait3A_309, %dma_wait3A_310] : memref<2662400x16xf32, #tpu.memory_space<hbm>> -> memref<1664x16xf32, #tpu.memory_space<hbm>>
    tpu.wait_dma2 semaphore(%arg15 : memref<!tpu.dma_semaphore, #tpu.memory_space<semaphore_mem>>) src(%dma_wait3A_311 : memref<1664x16xf32, #tpu.memory_space<hbm>>) dst(%arg10 : memref<1664x16xf32, #tpu.memory_space<vmem>>)
    %mul3A_312 = arith.constant 8 : i32
    %mul3A_313 = arith.muli %add3A, %mul3A_312 : i32
    %add3A_314 = arith.constant 6 : i32
    %add3A_315 = arith.addi %mul3A_313, %add3A_314 : i32
    %mul3A_316 = arith.constant 1664 : i32
    %mul3A_317 = arith.muli %add3A_315, %mul3A_316 : i32
    %dma_start3A_318 = arith.constant 0 : i32
    %dma_start3A_319 = tpu.memref_slice %arg5[%mul3A_317, %dma_start3A_318] : memref<425984x16xf32, #tpu.memory_space<hbm>> -> memref<1664x16xf32, #tpu.memory_space<hbm>>
    %dma_start3A_320 = arith.constant 0 : i32
    %dma_start3A_321 = tpu.memref_slice %arg5[%mul3A_317, %dma_start3A_320] : memref<425984x16xf32, #tpu.memory_space<hbm>> -> memref<1664x16xf32, #tpu.memory_space<hbm>>
    tpu.enqueue_dma source(%arg10 : memref<1664x16xf32, #tpu.memory_space<vmem>>) target(%dma_start3A_321 : memref<1664x16xf32, #tpu.memory_space<hbm>>) target_semaphore(%arg17 : memref<!tpu.dma_semaphore, #tpu.memory_space<semaphore_mem>>)
    %dma_wait3A_322 = arith.constant 0 : i32
    %dma_wait3A_323 = arith.constant 0 : i32
    %dma_wait3A_324 = tpu.memref_slice %arg4[%dma_wait3A_322, %dma_wait3A_323] : memref<2662400x16xf32, #tpu.memory_space<hbm>> -> memref<1664x16xf32, #tpu.memory_space<hbm>>
    %dma_wait3A_325 = arith.constant 0 : i32
    %dma_wait3A_326 = arith.constant 0 : i32
    %dma_wait3A_327 = tpu.memref_slice %arg4[%dma_wait3A_325, %dma_wait3A_326] : memref<2662400x16xf32, #tpu.memory_space<hbm>> -> memref<1664x16xf32, #tpu.memory_space<hbm>>
    tpu.wait_dma2 semaphore(%arg16 : memref<!tpu.dma_semaphore, #tpu.memory_space<semaphore_mem>>) src(%dma_wait3A_327 : memref<1664x16xf32, #tpu.memory_space<hbm>>) dst(%arg11 : memref<1664x16xf32, #tpu.memory_space<vmem>>)
    %mul3A_328 = arith.constant 8 : i32
    %mul3A_329 = arith.muli %add3A, %mul3A_328 : i32
    %add3A_330 = arith.constant 7 : i32
    %add3A_331 = arith.addi %mul3A_329, %add3A_330 : i32
    %mul3A_332 = arith.constant 1664 : i32
    %mul3A_333 = arith.muli %add3A_331, %mul3A_332 : i32
    %dma_start3A_334 = arith.constant 0 : i32
    %dma_start3A_335 = tpu.memref_slice %arg5[%mul3A_333, %dma_start3A_334] : memref<425984x16xf32, #tpu.memory_space<hbm>> -> memref<1664x16xf32, #tpu.memory_space<hbm>>
    %dma_start3A_336 = arith.constant 0 : i32
    %dma_start3A_337 = tpu.memref_slice %arg5[%mul3A_333, %dma_start3A_336] : memref<425984x16xf32, #tpu.memory_space<hbm>> -> memref<1664x16xf32, #tpu.memory_space<hbm>>
    tpu.enqueue_dma source(%arg11 : memref<1664x16xf32, #tpu.memory_space<vmem>>) target(%dma_start3A_337 : memref<1664x16xf32, #tpu.memory_space<hbm>>) target_semaphore(%arg18 : memref<!tpu.dma_semaphore, #tpu.memory_space<semaphore_mem>>)
    %dma_wait3A_338 = arith.constant 0 : i32
    %dma_wait3A_339 = arith.constant 0 : i32
    %dma_wait3A_340 = tpu.memref_slice %arg5[%dma_wait3A_338, %dma_wait3A_339] : memref<425984x16xf32, #tpu.memory_space<hbm>> -> memref<1664x16xf32, #tpu.memory_space<hbm>>
    %dma_wait3A_341 = arith.constant 0 : i32
    %dma_wait3A_342 = arith.constant 0 : i32
    %dma_wait3A_343 = tpu.memref_slice %arg5[%dma_wait3A_341, %dma_wait3A_342] : memref<425984x16xf32, #tpu.memory_space<hbm>> -> memref<1664x16xf32, #tpu.memory_space<hbm>>
    tpu.wait_dma2 semaphore(%arg17 : memref<!tpu.dma_semaphore, #tpu.memory_space<semaphore_mem>>) src(%arg10 : memref<1664x16xf32, #tpu.memory_space<vmem>>) dst(%dma_wait3A_343 : memref<1664x16xf32, #tpu.memory_space<hbm>>)
    %dma_wait3A_344 = arith.constant 0 : i32
    %dma_wait3A_345 = arith.constant 0 : i32
    %dma_wait3A_346 = tpu.memref_slice %arg5[%dma_wait3A_344, %dma_wait3A_345] : memref<425984x16xf32, #tpu.memory_space<hbm>> -> memref<1664x16xf32, #tpu.memory_space<hbm>>
    %dma_wait3A_347 = arith.constant 0 : i32
    %dma_wait3A_348 = arith.constant 0 : i32
    %dma_wait3A_349 = tpu.memref_slice %arg5[%dma_wait3A_347, %dma_wait3A_348] : memref<425984x16xf32, #tpu.memory_space<hbm>> -> memref<1664x16xf32, #tpu.memory_space<hbm>>
    tpu.wait_dma2 semaphore(%arg18 : memref<!tpu.dma_semaphore, #tpu.memory_space<semaphore_mem>>) src(%arg11 : memref<1664x16xf32, #tpu.memory_space<vmem>>) dst(%dma_wait3A_349 : memref<1664x16xf32, #tpu.memory_space<hbm>>)
    return
  }
}

</mosaic_0001>

<sc_bundles>
// kernel: kernel.4.cloned.1.call-start
scs
__scs_entry_jumppad:
0x0: {  	(pc) =	sbr.rel $0x88, $3  }
0x1: {  	(tag) =	ssettag $0x0;
	lr =	simm.s32 $0x1  }
0x2: {  	[smem:$0x3F9F] =	sst lr;
	_ =	strace $0xD0000000  }
0x3: {  	_ = 	snop  }
0x4: {  	_ = 	snop  }
0x5: {  	_ = 	snop  }
0x6: {  	_ = 	snop  }
0x7: {  	_ = 	snop  }
__scs_overlays_trampoline_lowered:
0x8: {  	[smem:$0x3FAE] =	sst s0  }
0x9: {  	[smem:$0x3FAF] =	sst s1  }
0xa: {  	[smem:$0x3FB0] =	sst s2  }
0xb: {  	[smem:$0x3FB1] =	sst s3  }
0xc: {  	[smem:$0x3FB2] =	sst s4  }
0xd: {  	[smem:$0x3FB3] =	sst s5  }
0xe: {  	[smem:$0x3FB4] =	sst s6  }
0xf: {  	[smem:$0x3FB5] =	sst s7  }
0x10: {  	[smem:$0x3FB6] =	sst s8  }
0x11: {  	[smem:$0x3FB7] =	sst s9;
	s0 =	simm.s32 @!p0 $0x0  }
0x12: {  	s1 =	sld [smem:$0x3F9D];
	s0 =	simm.s32 @p0 $0x1  }
0x13: {  	[smem:$0x3FB8] =	sst s0;
	s0 =	simm.s32 @!p1 $0x0  }
0x14: {  	s2 =	sld [smem:$0x3F9C];
	s0 =	simm.s32 @p1 $0x1  }
0x15: {  	[smem:$0x3FB9] =	sst s0;
	s0 =	simm.s32 @!p2 $0x0  }
0x16: {  	s3 =	sld [smem:$0x3FDB];
	s0 =	simm.s32 @p2 $0x1  }
0x17: {  	s4 =	simm.s32 $0x1BF5;
	[smem:$0x3FBB] =	sst s0  }
0x18: {  	s0 =	sld [smem:$0x3F9E];
	_ =	swait.ge [sflag:s4], $0x0  }
0x19: {  	s7 =	sld [smem:$0x3F9F]  }
0x1a: {  	s8 =	sadd.s32 $0xFFFFE003, lr  }
0x1b: {  	s9 =	sadd.s32 $0xFFFFFEF7, lr;
	s5 =	simm.s32 $0xFFFFFFFF;
	p2 =	slt.u32 s8, $0xFFFFF086  }
0x1c: {  	p1 =	slt.u32 s9, $0xF7A;
	s5 =	simm.s32 @!p2 $0x0  }
0x1d: {  	s5 =	simm.s32 @p1 $0x1;
	p0 =	seq.s32 s7, s2  }
0x1e: {  	s7 =	smul.u32 @!p0 $0xF7A, s2;
	p2 =	seq.s32 @!p0 s5, $0x0  }
0x1f: {  	s9 =	smul.u32 $0xF7A, s1;
	s8 =	simm.s32 @!p0 $0x1BF5;
	p2 =	por !p2, p0  }
0x20: {  	[sflag:s8] =	ssyncset.s32 @!p0 $0xFFFFF086;
	s6 =	sadd.s32 @!p0 s3, s7;
	s7 =	simm.s32 @!p0 $0x108  }
0x21: {  	s3 =	sadd.s32 s3, s9;
	s6 =	sadd.s32 @!p0 $0x88, s6;
	s7 =	simm.s32 @p2 $0x1082  }
0x22: {  	[simem:s7], [sflag:s8] =	dma.local @!p0 [hbm:s6], $0xF7A  }
0x23: {  	s9 =	sor.u32 $0xD0000000, s2;
	s6 =	simm.s32 $0x108;
	_ =	swait.ge @!p0 [sflag:s8], $0x0  }
0x24: {  	s3 =	sadd.s32 $0x88, s3;
	s6 =	simm.s32 @!p1 $0x1082;
	[sflag:s4] =	ssyncset.s32 $0xFFFFF086  }
0x25: {  	[simem:s6], [sflag:s4] =	dma.local [hbm:s3], $0xF7A  }
0x26: {  	[smem:$0x3F9F] =	sst s1;
	(tag) =	ssettag s2;
	_ =	strace s9  }
0x27: {  	s1 =	sld [smem:$0x3FAF]  }
0x28: {  	s2 =	sld [smem:$0x3FB0]  }
0x29: {  	s4 =	sld [smem:$0x3FB2]  }
0x2a: {  	p0 =	seq.s32 s5, $0x0;
	s5 =	sld [smem:$0x3FB3]  }
0x2b: {  	s6 =	sld [smem:$0x3FB4]  }
0x2c: {  	s7 =	sld [smem:$0x3FB5]  }
0x2d: {  	s3 =	simm.s32 $0x108;
	s8 =	sld [smem:$0x3FB6]  }
0x2e: {  	s3 =	simm.s32 @!p0 $0x1082;
	s9 =	sld [smem:$0x3FB7]  }
0x2f: {  	lr =	sadd.s32 s0, s3;
	s0 =	sld [smem:$0x3FAE]  }
0x30: {  	s3 =	sld [smem:$0x3FB1]  }
0x31: {  	[smem:$0x3FBA] =	sst s10  }
0x32: {  	s10 =	sld [smem:$0x3FB8];
	_ =	sdelay $0x3  }
0x33: {  	p0 =	seq.s32 s10, $0x1;
	s10 =	sld [smem:$0x3FBA];
	_ =	sdelay $0x3  }
0x34: {  	[smem:$0x3FBA] =	sst s10  }
0x35: {  	s10 =	sld [smem:$0x3FB9];
	_ =	sdelay $0x3  }
0x36: {  	p1 =	seq.s32 s10, $0x1;
	s10 =	sld [smem:$0x3FBA];
	_ =	sdelay $0x3  }
0x37: {  	[smem:$0x3FBA] =	sst s10  }
0x38: {  	s10 =	sld [smem:$0x3FBB]  }
0x39: {  	_ = 	snop;
	(pc) =	sbr.ind lr, $3  }
0x3a: {  	_ = 	snop  }
0x3b: {  	_ = 	snop  }
0x3c: {  	p2 =	seq.s32 s10, $0x1;
	s10 =	sld [smem:$0x3FBA]  }
0x3d: {  	_ =	shalt  }
0x3e: {  	_ =	shalt  }
0x3f: {  	_ =	shalt  }
0x40: {  	_ =	shalt  }
0x41: {  	_ =	shalt  }
0x42: {  	_ =	shalt  }
0x43: {  	_ =	shalt  }
0x44: {  	_ =	shalt  }
0x45: {  	_ =	shalt  }
0x46: {  	_ =	shalt  }
0x47: {  	_ =	shalt  }
0x48: {  	_ =	shalt  }
0x49: {  	_ =	shalt  }
0x4a: {  	_ =	shalt  }
0x4b: {  	_ =	shalt  }
0x4c: {  	_ =	shalt  }
0x4d: {  	_ =	shalt  }
0x4e: {  	_ =	shalt  }
0x4f: {  	_ =	shalt  }
0x50: {  	_ =	shalt  }
0x51: {  	_ =	shalt  }
0x52: {  	_ =	shalt  }
0x53: {  	_ =	shalt  }
0x54: {  	_ =	shalt  }
0x55: {  	_ =	shalt  }
0x56: {  	_ =	shalt  }
0x57: {  	_ =	shalt  }
0x58: {  	_ =	shalt  }
0x59: {  	_ =	shalt  }
0x5a: {  	_ =	shalt  }
0x5b: {  	_ =	shalt  }
0x5c: {  	_ =	shalt  }
0x5d: {  	_ =	shalt  }
0x5e: {  	_ =	shalt  }
0x5f: {  	_ =	shalt  }
0x60: {  	_ =	shalt  }
0x61: {  	_ =	shalt  }
0x62: {  	_ =	shalt  }
0x63: {  	_ =	shalt  }
0x64: {  	_ =	shalt  }
0x65: {  	_ =	shalt  }
0x66: {  	_ =	shalt  }
0x67: {  	_ =	shalt  }
0x68: {  	_ =	shalt  }
0x69: {  	_ =	shalt  }
0x6a: {  	_ =	shalt  }
0x6b: {  	_ =	shalt  }
0x6c: {  	_ =	shalt  }
0x6d: {  	_ =	shalt  }
0x6e: {  	_ =	shalt  }
0x6f: {  	_ =	shalt  }
0x70: {  	_ =	shalt  }
0x71: {  	_ =	shalt  }
0x72: {  	_ =	shalt  }
0x73: {  	_ =	shalt  }
0x74: {  	_ =	shalt  }
0x75: {  	_ =	shalt  }
0x76: {  	_ =	shalt  }
0x77: {  	_ =	shalt  }
0x78: {  	_ =	shalt  }
0x79: {  	_ =	shalt  }
0x7a: {  	_ =	shalt  }
0x7b: {  	_ =	shalt  }
0x7c: {  	_ =	shalt  }
0x7d: {  	_ =	shalt  }
0x7e: {  	_ =	shalt  }
0x7f: {  	_ =	shalt  }
0x80: {  	_ =	shalt  }
0x81: {  	_ =	shalt  }
0x82: {  	_ =	shalt  }
0x83: {  	_ =	shalt  }
0x84: {  	_ =	shalt  }
0x85: {  	_ =	shalt  }
0x86: {  	_ =	shalt  }
0x87: {  	_ =	shalt  }
.Lfunc_end0:
.L_simem_size_0:
called_computation_lowered:
.L_overlay_start_0:
0x88: {  	s2 =	sld [smem:$0x3FD9]  }
0x89: {  	s3 =	sld [smem:$0x3FFE];
	_ =	sdelay $0x1  }
0x8a: {  	s1 =	srdreg.scid  }
0x8b: {  	s0 =	sand.u32 $0x1, s1  }
0x8c: {  	s17 =	sshll.u32 s0, $0xA;
	s2 =	sadd.s32 s3, s2  }
0x8d: {  	s2 =	sadd.s32 s2, s17  }
0x8e: {  	[smem:$0x3FC6] =	sst s2  }
0x8f: {  	_ = 	snop  }
0x90: {  	s2 =	sld [smem:$0x3FC8];
	(tm) =	ssettm $0x1  }
0x91: {  	s18 =	sld [smem:$0x3FFB];
	_ =	sdelay $0x3  }
0x92: {  	_ =	strace s18  }
0x93: {  	s3 =	sld [smem:$0x3FFC];
	_ =	sdelay $0x3  }
0x94: {  	_ =	strace s3  }
0x95: {  	s3 =	sld [smem:$0x3FFD];
	_ =	sdelay $0x3  }
0x96: {  	_ =	strace s3  }
0x97: {  	_ =	strace $0x8FFFFFFF  }
0x98: {  	s19 =	sld [smem:$0x3FDB];
	_ =	sdelay $0x1  }
0x99: {  	s4 =	simm.s32 $_scs_section_size  }
0x9a: {  	s5 =	simm.s32 $_size__tile_overlayer_lowered;
	s6 =	simm.s32 $_tile_overlayer_lowered  }
0x9b: {  	s22 =	simm.s32 $0x1BFF;
	s21 =	sshll.u32 s6, $0x1;
	s3 =	sadd.s32 s4, s19  }
0x9c: {  	s7 =	simm.s32 $0x0;
	s20 =	sshll.u32 s5, $0x1;
	s5 =	sadd.s32 s21, s3  }
0x9d: {  	[timem:s7], [sflag:s22] =	dma.local [hbm:s5], s20  }
0x9e: {  	_ =	swait.ge [sflag:s22], s20  }
0x9f: {  	s4 =	ssub.s32 $0x0, s20;
	[sflag:s22] =	ssyncset.done $0x0  }
0xa0: {  	[sflag:s22] =	ssyncadd.s32 s4;
	_ =	sdelay $0x1  }
0xa1: {  	s23 =	simm.s32 $0x1B8B  }
0xa2: {  	_ =	swait.ge [sflag:s23], $0x1  }
0xa3: {  	[sflag:s23] =	ssyncset.done $0x0  }
0xa4: {  	s25 =	simm.s32 $0x1B8E;
	s24 =	sld [smem:$0x3FFE];
	[sflag:s23] =	ssyncadd.s32 $0xFFFFFFFF  }
0xa5: {  	s26 =	simm.s32 $execute0_lowered;
	[smem:$0x3FD2] =	sst s25  }
0xa6: {  	s5 =	sshll.u32 s26, $0x1;
	_ =	strace $0x80000046;
	[dreg:$0x1] =	wrdreg $0xFFFFFFFF  }
0xa7: {  	s28 =	simm.s32 $_size_execute0_lowered;
	s3 =	sadd.s32 s3, s5;
	[dreg:$0x0] =	wrdreg $0x0  }
0xa8: {  	s5 =	sshll.u32 s28, $0x1;
	[dreg:$0x2] =	wrdreg s3  }
0xa9: {  	[dreg:$0x3] =	wrdreg s5  }
0xaa: {  	[dreg:$0x4] =	wrdreg $0xC0  }
0xab: {  	_ =	task [dreg:s7], $0x5FFFF  }
0xac: {  	[dreg:$0x1] =	wrdreg $0xFFFFFFFF  }
0xad: {  	[dreg:$0x0] =	wrdreg $0x60  }
0xae: {  	[dreg:$0x2] =	wrdreg s2  }
0xaf: {  	[dreg:$0x3] =	wrdreg s24  }
0xb0: {  	[dreg:$0x4] =	wrdreg $0x9  }
0xb1: {  	_ =	task.clear_ibuf [dreg:s7], $0x5FFFF;
	_ =	strace $0x90000046  }
0xb2: {  	s29 =	simm.s32 $0x9;
	_ =	strace $0x80000048  }
0xb3: {  	_ =	swait.ge [sflag:s29], $0x1  }
0xb4: {  	[sflag:s29] =	ssyncadd.s32 $0xFFFFFFFF  }
0xb5: {  	_ =	strace $0x90000048  }
0xb6: {  	_ =	sfence  }
0xb7: {  	s30 =	sld [smem:$0x0];
	_ =	sdelay $0x2  }
0xb8: {  	s31 =	sshll.u32 s1, $0xD;
	s1 =	sshrl.u32 s1, $0x2  }
0xb9: {  	s3 =	sand.u32 $0x4000, s31;
	s1 =	sadd.s32 s1, s30  }
0xba: {  	s0 =	sor.u32 s3, s0;
	s1 =	sshll.u32 s1, $0x11  }
0xbb: {  	s0 =	sor.u32 s1, s0  }
0xbc: {  	s0 =	sadd.s32 $0x8F2B, s0  }
0xbd: {  	[sflag:s0] =	ssyncadd.remote.s32 $0x1  }
0xbe: {  	_ =	sfence.sel $0xFFFF  }
0xbf: {  	[dreg:$0x0] =	wrdreg $0xFFFFFFFF;
	(pc) =	sbr.abs _section_cstart, $3  }
0xc0: {  	[dreg:$0x1] =	wrdreg $0xFFFFFFFF  }
0xc1: {  	_ =	task.clear_ibuf [dreg:s7], $0x2FFFF;
	_ =	strace $0x9FFFFFFF  }
0xc2: {  	(tm) =	ssettm $0x7FFFFFFF  }
0xc3: {  	_ =	shalt  }
tec
execute0_lowered:
.L_overlay_start_1:
0x0: {  	(tag) =	ssettag $0x1  }
0x1: {  	s2 =	rddreg [dreg:$0x0];
	s0 =	srdreg.scid  }
0x2: {  	s3 =	stileid.u32;
	s1 =	rddreg [dreg:$0x1]  }
0x3: {  	s18 =	simm.s32 $0x800;
	s19 =	simm.s32 $0x1000;
	s20 =	simm.s32 $0x1800  }
0x4: {  	s28 =	simm.s32 $0x2;
	s29 =	simm.s32 $0x4800;
	s12 =	simm.s32 $0x5000  }
0x5: {  	s15 =	simm.s32 $0x5800;
	s0 =	sand.u32 $0x1, s0;
	s4 =	sshll.u32 s3, $0x1  }
0x6: {  	s30 =	simm.s32 $0x6000;
	s8 =	simm.s32 $0x8;
	s4 =	sor.u32 s0, s4  }
0x7: {  	s9 =	simm.s32 $0x7800;
	s3 =	simm.s32 $0x0;
	s5 =	sshll.u32 s4, $0x7  }
0x8: {  	s11 =	simm.s32 $0x0;
	[smem:$0x7FF] =	sst s3;
	s5 =	sadd.s32 s2, s5  }
0x9: {  	_ =	strace $0x80000047;
	s21 =	sadd.s32 $0x1000, s5;
	[dreg:$0x3] =	wrdreg s5  }
0xa: {  	s6 =	sadd.s32 $0xA00, s1;
	s22 =	sadd.s32 $0x2000, s5;
	[dreg:$0x4] =	wrdreg s21  }
0xb: {  	s1 =	simm.s32 $0x6800;
	s23 =	sadd.s32 $0x3000, s5;
	[dreg:$0x5] =	wrdreg s22  }
0xc: {  	s0 =	ssub.s32 $0x2, s0;
	s24 =	sadd.s32 $0x4000, s5;
	[dreg:$0x6] =	wrdreg s23  }
0xd: {  	s7 =	sshrl.u32 s0, $0x1;
	s25 =	sadd.s32 $0x5000, s5;
	[dreg:$0x7] =	wrdreg s24  }
0xe: {  	s0 =	ssub.s32 s0, s7;
	s26 =	sadd.s32 $0x6000, s5;
	[dreg:$0x8] =	wrdreg s25  }
.Ltmp0:
0xf: {  	s31 =	sadd.s32 $0x7000, s5;
	[dreg:$0x9] =	wrdreg s26;
	(pc) =	sbr.rel .LBB2_1-.Ltmp0, $4  }
0x10: {  	s14 =	sshll.u32 s4, $0xB;
	s0 =	smax.u32 s0, $0x1;
	[dreg:$0xa] =	wrdreg s31  }
0x11: {  	s7 =	simm.s32 $0x7000;
	[dreg:$0xb] =	wrdreg s0;
	s21 =	simm.s32 $0x2000  }
0x12: {  	s22 =	simm.s32 $0x2800;
	s23 =	simm.s32 $0x3000;
	s24 =	simm.s32 $0x3800  }
0x13: {  	v0 =	vlaneseq.u32;
	s25 =	simm.s32 $0x1;
	s26 =	simm.s32 $0x4000;
	s0 =	simm.s32 $0x7  }
.LBB2_32:
0x14: {  	s5 =	simm.s32 $0x9  }
0x15: {  	_ =	swait.ge [sflag:s5], $0x800  }
0x16: {  	[sflag:s5] =	ssyncset.done $0x0  }
0x17: {  	s31 =	simm.s32 $0xA;
	[sflag:s5] =	ssyncadd.s32 $0xFFFFF800  }
0x18: {  	_ =	swait.ge [sflag:s31], $0x800  }
0x19: {  	[sflag:s31] =	ssyncset.done $0x0  }
0x1a: {  	s10 =	simm.s32 $0xB;
	[sflag:s31] =	ssyncadd.s32 $0xFFFFF800  }
0x1b: {  	_ =	swait.ge [sflag:s10], $0x800  }
0x1c: {  	[sflag:s10] =	ssyncset.done $0x0  }
0x1d: {  	s11 =	simm.s32 $0xC;
	[sflag:s10] =	ssyncadd.s32 $0xFFFFF800  }
0x1e: {  	_ =	swait.ge [sflag:s11], $0x800  }
0x1f: {  	[sflag:s11] =	ssyncset.done $0x0  }
0x20: {  	s13 =	simm.s32 $0xD;
	[sflag:s11] =	ssyncadd.s32 $0xFFFFF800  }
0x21: {  	_ =	swait.ge [sflag:s13], $0x800  }
0x22: {  	[sflag:s13] =	ssyncset.done $0x0  }
0x23: {  	s16 =	simm.s32 $0xE;
	[sflag:s13] =	ssyncadd.s32 $0xFFFFF800  }
0x24: {  	_ =	swait.ge [sflag:s16], $0x800  }
0x25: {  	[sflag:s16] =	ssyncset.done $0x0  }
0x26: {  	s17 =	simm.s32 $0xF;
	[sflag:s16] =	ssyncadd.s32 $0xFFFFF800  }
0x27: {  	_ =	swait.ge [sflag:s17], $0x800  }
0x28: {  	[sflag:s17] =	ssyncset.done $0x0  }
0x29: {  	s10 =	simm.s32 $0x10;
	[sflag:s17] =	ssyncadd.s32 $0xFFFFF800  }
0x2a: {  	_ =	swait.ge [sflag:s10], $0x800  }
0x2b: {  	s11 =	rddreg [dreg:$0xc]  }
0x2c: {  	s31 =	rddreg [dreg:$0xb];
	s11 =	sadd.s32 $0x1, s11  }
0x2d: {  	p0 =	sne.s32 s11, s31  }
.Ltmp1:
0x2e: {  	_ = 	snop;
	(pc) =	sbr.rel @!p0 .LBB2_33-.Ltmp1, $3  }
0x2f: {  	_ =	sdelay $0x1  }
0x30: {  	[sflag:s10] =	ssyncset.done $0x0  }
0x31: {  	[sflag:s10] =	ssyncadd.s32 $0xFFFFF800  }
.LBB2_1:
0x32: {  	[dreg:$0xc] =	wrdreg s11  }
0x33: {  	[tilespmem:$0x8000] =	vst v0;
	s5 =	rddreg [dreg:$0x3];
	s10 =	simm.s32 $0x400;
	s11 =	simm.s32 $0xC3800  }
0x34: {  	[tilespmem:s3], [sflag:$0x1] =	stream.strided.gather [hbm4b:s5+s10], $0x800, s11, s10, $0x38;
	[tilespmem:$0x8080] =	vst v63  }
0x35: {  	s16 =	rddreg [dreg:$0x4]  }
0x36: {  	[tilespmem:s18], [sflag:$0x2] =	stream.strided.gather [hbm4b:s16+s10], $0x800, s11, s10, $0x38;
	[tilespmem:$0x8080] =	vst v63  }
0x37: {  	s17 =	rddreg [dreg:$0x5]  }
0x38: {  	[tilespmem:s19], [sflag:$0x3] =	stream.strided.gather [hbm4b:s17+s10], $0x800, s11, s10, $0x38;
	[tilespmem:$0x8080] =	vst v63  }
0x39: {  	s31 =	rddreg [dreg:$0x6]  }
0x3a: {  	[tilespmem:s20], [sflag:$0x4] =	stream.strided.gather [hbm4b:s31+s10], $0x800, s11, s10, $0x38;
	[tilespmem:$0x8080] =	vst v63  }
0x3b: {  	s13 =	rddreg [dreg:$0x7]  }
0x3c: {  	[tilespmem:s21], [sflag:$0x5] =	stream.strided.gather [hbm4b:s13+s10], $0x800, s11, s10, $0x38;
	[tilespmem:$0x8080] =	vst v63  }
0x3d: {  	s16 =	rddreg [dreg:$0x8]  }
0x3e: {  	[tilespmem:s22], [sflag:$0x6] =	stream.strided.gather [hbm4b:s16+s10], $0x800, s11, s10, $0x38;
	[tilespmem:$0x8080] =	vst v63  }
.Ltmp2:
0x3f: {  	s17 =	rddreg [dreg:$0x9];
	(pc) =	sbr.rel .LBB2_2-.Ltmp2, $4  }
0x40: {  	[tilespmem:s23], [sflag:$0x7] =	stream.strided.gather [hbm4b:s17+s10], $0x800, s11, s10, $0x38;
	[tilespmem:$0x8080] =	vst v63  }
0x41: {  	s31 =	rddreg [dreg:$0xa]  }
0x42: {  	[tilespmem:s24], [sflag:$0x8] =	stream.strided.gather [hbm4b:s31+s10], $0x800, s11, s10, $0x38;
	[tilespmem:$0x8080] =	vst v63  }
0x43: {  	s10 =	simm.s32 $0x0  }
.LBB2_31:
0x44: {  	s10 =	sadd.s32 $0x1, s10  }
0x45: {  	p0 =	sne.s32 s10, $0x52  }
.Ltmp3:
0x46: {  	_ = 	snop;
	(pc) =	sbr.rel @!p0 .LBB2_32-.Ltmp3, $1  }
0x47: {  	_ =	sdelay $0x3  }
.LBB2_2:
0x48: {  	_ =	swait.ge [sflag:s25], $0x800  }
0x49: {  	p0 =	seq.s32 s10, $0x0;
	[sflag:s25] =	ssyncset.done $0x0  }
0x4a: {  	s5 =	simm.s32 @!p0 $0x9;
	[sflag:s25] =	ssyncadd.s32 $0xFFFFF800  }
0x4b: {  	_ =	swait.ge @!p0 [sflag:s5], $0x800  }
0x4c: {  	[sflag:s5] =	ssyncset.done @!p0 $0x0  }
0x4d: {  	[sflag:s5] =	ssyncadd.s32 @!p0 $0xFFFFF800  }
0x4e: {  	v1 =	vld [tilespmem:$0x8000];
	_ =	sdelay $0x4  }
0x4f: {  	v2 =	vand.u32 $0xF, v1;
	v3 =	vshll.u32 v1, $0x7;
	v4 =	vadd.s32 $0x1, v1  }
0x50: {  	v6 =	vadd.s32 $0x2, v1;
	v7 =	vadd.s32 $0x3, v1;
	v10 =	vadd.s32 $0xFFFFFFFF, v1  }
0x51: {  	v11 =	vadd.s32 $0x4, v1;
	v12 =	vadd.s32 $0xE, v1;
	v17 =	vadd.s32 $0x5, v1  }
0x52: {  	v19 =	vadd.s32 $0x6, v1;
	v22 =	vadd.s32 $0x9, v1;
	v24 =	vadd.s32 $0x7, v1  }
0x53: {  	v26 =	vadd.s32 $0xD, v1;
	v31 =	vadd.s32 $0xA, v1;
	v33 =	vadd.s32 $0xB, v1  }
0x54: {  	s17 =	simm.s32 $0x0;
	v4 =	vand.u32 $0xF, v4;
	v6 =	vand.u32 $0xF, v6;
	v7 =	vand.u32 $0xF, v7  }
0x55: {  	v10 =	vand.u32 $0xF, v10;
	v11 =	vand.u32 $0xF, v11;
	v35 =	vor.u32 s17, v2  }
0x56: {  	v12 =	vand.u32 $0xF, v12;
	v14 =	vor.u32 v3, v10;
	v25 =	vor.u32 v3, v35  }
0x57: {  	v17 =	vand.u32 $0xF, v17;
	v16 =	vor.u32 v3, v12;
	v13 =	vor.u32 s17, v14  }
0x58: {  	v19 =	vand.u32 $0xF, v19;
	v5 =	vor.u32 v3, v4;
	v20 =	vor.u32 s17, v16  }
0x59: {  	v22 =	vand.u32 $0xF, v22;
	v8 =	vor.u32 v3, v6;
	v27 =	vor.u32 s17, v5  }
0x5a: {  	v24 =	vand.u32 $0xF, v24;
	v37 =	vxor.u32 $0x8, v35;
	v28 =	vor.u32 s17, v8  }
0x5b: {  	v26 =	vand.u32 $0xF, v26;
	v9 =	vor.u32 v3, v7;
	v29 =	vor.u32 v3, v37;
	v41 =	vld.idx.msk [tilespmem:v25+s3+$0x0], $0xffff  }
0x5c: {  	v15 =	vor.u32 v3, v11;
	v23 =	vor.u32 v3, v22;
	v30 =	vor.u32 s17, v9;
	v13 =	vld.idx.msk [tilespmem:v13+s3+$0x0], $0xffff  }
0x5d: {  	v18 =	vor.u32 v3, v17;
	v21 =	vor.u32 v3, v19;
	v32 =	vor.u32 s17, v23;
	v20 =	vld.idx.msk [tilespmem:v20+s3+$0x0], $0xffff  }
0x5e: {  	v55 =	vor.u32 s17, v4;
	v56 =	vshll.u32 v35, $0x4;
	v38 =	vor.u32 s17, v21;
	v42 =	vld.idx.msk [tilespmem:v27+s3+$0x0], $0xffff  }
0x5f: {  	v57 =	vor.u32 s17, v6;
	v58 =	vor.u32 s17, v7;
	v44 =	vor.u32 s17, v15;
	v43 =	vld.idx.msk [tilespmem:v28+s3+$0x0], $0xffff  }
0x60: {  	v46 =	vor.u32 s17, v18;
	v25 =	vor.u32 v3, v24;
	v27 =	vor.u32 v3, v26;
	v34 =	vld.idx.msk [tilespmem:v29+s3+$0x0], $0xffff  }
0x61: {  	v39 =	vor.u32 s17, v25;
	v28 =	vand.u32 $0xF, v31;
	v45 =	vld.idx.msk [tilespmem:v30+s3+$0x0], $0xffff;
	v30 =	vand.u32 $0xF, v33  }
0x62: {  	v31 =	vadd.s32 $0xC, v1;
	v36 =	vld.idx.msk [tilespmem:v32+s3+$0x0], $0xffff;
	v40 =	vor.u32 s17, v27;
	v33 =	vor.u32 v3, v30  }
0x63: {  	v48 =	vld.idx.msk [tilespmem:v38+s3+$0x0], $0xffff;
	v29 =	vand.u32 $0xF, v31;
	v32 =	vor.u32 v3, v28;
	v50 =	vor.u32 s17, v33  }
0x64: {  	s31 =	smul.u32 $0x23D78, s10;
	v59 =	vor.u32 s17, v11;
	v44 =	vld.idx.msk [tilespmem:v44+s3+$0x0], $0xffff;
	v31 =	vor.u32 v3, v29;
	v51 =	vor.u32 s17, v32  }
0x65: {  	v52 =	vor.u32 v1, v56;
	v38 =	vshll.u32 v55, $0x4;
	v46 =	vld.idx.msk [tilespmem:v46+s3+$0x0], $0xffff;
	v47 =	vor.u32 s17, v31  }
0x66: {  	s16 =	sshll.u32 s10, $0x3;
	s5 =	sshrl.u32 s31, $0x10;
	v49 =	vshll.u32 v37, $0x4;
	v53 =	vor.u32 v1, v38;
	v38 =	vshll.u32 v57, $0x4;
	v37 =	vld.idx.msk [tilespmem:v39+s3+$0x0], $0xffff  }
0x67: {  	s11 =	ssub.s32 s16, s5;
	v63 =	vor.u32 s17, v22;
	v54 =	vor.u32 v1, v38;
	v39 =	vshll.u32 v58, $0x4;
	v35 =	vld.idx.msk [tilespmem:v40+s3+$0x0], $0xffff  }
0x68: {  	s11 =	sand.u32 $0xFFFE, s11;
	v55 =	vor.u32 s17, v17;
	v60 =	vor.u32 v1, v39;
	v40 =	vshll.u32 v59, $0x4;
	v39 =	vld.idx.msk [tilespmem:v50+s3+$0x0], $0xffff  }
0x69: {  	s11 =	sshrl.u32 s11, $0x1;
	v56 =	vor.u32 s17, v19;
	v55 =	vshll.u32 v55, $0x4;
	v50 =	vor.u32 v1, v40;
	v40 =	vld.idx.msk [tilespmem:v51+s3+$0x0], $0xffff  }
0x6a: {  	s5 =	sadd.s32 s5, s11;
	v61 =	vshll.u32 v56, $0x4;
	v57 =	vor.u32 s17, v24;
	v51 =	vor.u32 v1, v55;
	v38 =	vld.idx.msk [tilespmem:v47+s3+$0x0], $0xffff;
	[tilespmem:v52+s26+$0x0] =	vst.idx.msk $0xffff, v41  }
0x6b: {  	s5 =	sand.u32 $0xFFF0, s5;
	v56 =	vor.u32 s17, v28;
	v62 =	vshll.u32 v57, $0x4;
	v52 =	vor.u32 v1, v61;
	[tilespmem:v53+s26+$0x0] =	vst.idx.msk $0xffff, v42  }
0x6c: {  	s11 =	sshrl.u32 s5, $0x4;
	v57 =	vshll.u32 v63, $0x4;
	v58 =	vor.u32 s17, v30;
	v42 =	vor.u32 v1, v62;
	[tilespmem:v54+s26+$0x0] =	vst.idx.msk $0xffff, v43  }
0x6d: {  	s5 =	smul.u32 $0x19, s11;
	v59 =	vshll.u32 v56, $0x4;
	v41 =	vor.u32 v1, v49;
	v61 =	vshll.u32 v58, $0x4;
	[tilespmem:v60+s26+$0x0] =	vst.idx.msk $0xffff, v45  }
0x6e: {  	v47 =	vor.u32 s17, v12;
	v43 =	vor.u32 v1, v57;
	v60 =	vor.u32 s17, v29;
	[tilespmem:v50+s26+$0x0] =	vst.idx.msk $0xffff, v44  }
0x6f: {  	s5 =	ssub.s32 s16, s5;
	v62 =	vor.u32 s17, v26;
	v44 =	vor.u32 v1, v59;
	v63 =	vshll.u32 v60, $0x4;
	[tilespmem:v51+s26+$0x0] =	vst.idx.msk $0xffff, v46  }
0x70: {  	s13 =	sand.u32 $0xFFFF, s5;
	s5 =	simm.s32 $0x10;
	v45 =	vor.u32 v1, v61;
	v46 =	vor.u32 v1, v63;
	[tilespmem:v52+s26+$0x0] =	vst.idx.msk $0xffff, v48;
	v48 =	vshll.u32 v62, $0x4  }
.LBB2_3:
0x71: {  	p1 =	sne.s32 s5, $0x70;
	v49 =	vor.u32 s17, v10;
	[tilespmem:v42+s26+$0x0] =	vst.idx.msk $0xffff, v37;
	v37 =	vor.u32 v1, v48;
	v42 =	vshll.u32 v47, $0x4;
	s17 =	smov.u32 s5;
	s5 =	sadd.s32 $0x10, s5  }
0x72: {  	[tilespmem:v41+s26+$0x0] =	vst.idx.msk $0xffff, v34;
	v34 =	vor.u32 v1, v42;
	v41 =	vshll.u32 v49, $0x4  }
0x73: {  	[tilespmem:v43+s26+$0x0] =	vst.idx.msk $0xffff, v36;
	v36 =	vor.u32 v1, v41  }
0x74: {  	[tilespmem:v44+s26+$0x0] =	vst.idx.msk $0xffff, v40  }
0x75: {  	v40 =	vor.u32 s17, v14;
	[tilespmem:v45+s26+$0x0] =	vst.idx.msk $0xffff, v39  }
0x76: {  	v41 =	vor.u32 s17, v16;
	v39 =	vor.u32 s17, v2;
	[tilespmem:v46+s26+$0x0] =	vst.idx.msk $0xffff, v38  }
0x77: {  	v38 =	vor.u32 v3, v39;
	v42 =	vxor.u32 $0x8, v39;
	[tilespmem:v37+s26+$0x0] =	vst.idx.msk $0xffff, v35  }
0x78: {  	v35 =	vor.u32 s17, v5;
	v37 =	vor.u32 v3, v42;
	v43 =	vshll.u32 v42, $0x4;
	[tilespmem:v34+s26+$0x0] =	vst.idx.msk $0xffff, v20  }
0x79: {  	v34 =	vor.u32 s17, v8;
	[tilespmem:v36+s26+$0x0] =	vst.idx.msk $0xffff, v13  }
0x7a: {  	v42 =	vor.u32 s17, v23;
	v36 =	vor.u32 s17, v9;
	v13 =	vld.idx.msk [tilespmem:v40+s3+$0x0], $0xffff  }
0x7b: {  	v44 =	vor.u32 s17, v21;
	v45 =	vor.u32 s17, v25;
	v40 =	vor.u32 s17, v15;
	v20 =	vld.idx.msk [tilespmem:v41+s3+$0x0], $0xffff  }
0x7c: {  	v46 =	vor.u32 s17, v18;
	v39 =	vshll.u32 v39, $0x4;
	v41 =	vld.idx.msk [tilespmem:v38+s3+$0x0], $0xffff;
	v38 =	vor.u32 s17, v4  }
0x7d: {  	v48 =	vor.u32 v1, v39;
	v47 =	vld.idx.msk [tilespmem:v35+s3+$0x0], $0xffff;
	v35 =	vshll.u32 v38, $0x4  }
0x7e: {  	v49 =	vld.idx.msk [tilespmem:v34+s3+$0x0], $0xffff;
	v50 =	vor.u32 v1, v35  }
0x7f: {  	v35 =	vor.u32 s17, v27;
	v34 =	vld.idx.msk [tilespmem:v37+s3+$0x0], $0xffff  }
0x80: {  	v52 =	vor.u32 s17, v32;
	v39 =	vor.u32 s17, v33;
	v38 =	vor.u32 s17, v31;
	v51 =	vld.idx.msk [tilespmem:v36+s3+$0x0], $0xffff  }
0x81: {  	v36 =	vld.idx.msk [tilespmem:v42+s3+$0x0], $0xffff  }
0x82: {  	v53 =	vld.idx.msk [tilespmem:v44+s3+$0x0], $0xffff  }
0x83: {  	v37 =	vld.idx.msk [tilespmem:v45+s3+$0x0], $0xffff  }
0x84: {  	v42 =	vor.u32 s17, v6;
	v35 =	vld.idx.msk [tilespmem:v35+s3+$0x0], $0xffff  }
0x85: {  	v44 =	vor.u32 s17, v7;
	v45 =	vld.idx.msk [tilespmem:v40+s3+$0x0], $0xffff;
	v40 =	vshll.u32 v42, $0x4  }
0x86: {  	v42 =	vor.u32 s17, v11;
	v46 =	vld.idx.msk [tilespmem:v46+s3+$0x0], $0xffff;
	v54 =	vor.u32 v1, v40;
	v40 =	vshll.u32 v44, $0x4  }
0x87: {  	v44 =	vor.u32 s17, v17;
	v38 =	vld.idx.msk [tilespmem:v38+s3+$0x0], $0xffff;
	v55 =	vor.u32 v1, v40;
	v40 =	vshll.u32 v42, $0x4  }
0x88: {  	v42 =	vor.u32 s17, v19;
	v44 =	vshll.u32 v44, $0x4;
	v39 =	vld.idx.msk [tilespmem:v39+s3+$0x0], $0xffff;
	v56 =	vor.u32 v1, v40  }
0x89: {  	v57 =	vor.u32 s17, v24;
	v42 =	vshll.u32 v42, $0x4;
	v40 =	vld.idx.msk [tilespmem:v52+s3+$0x0], $0xffff;
	v52 =	vor.u32 v1, v44  }
0x8a: {  	[tilespmem:v48+s26+$0x0] =	vst.idx.msk $0xffff, v41;
	v48 =	vor.u32 v1, v42;
	v41 =	vshll.u32 v57, $0x4  }
0x8b: {  	v44 =	vor.u32 s17, v22;
	[tilespmem:v50+s26+$0x0] =	vst.idx.msk $0xffff, v47;
	v42 =	vor.u32 v1, v41  }
.Ltmp4:
0x8c: {  	v47 =	vor.u32 s17, v28;
	v41 =	vor.u32 v1, v43;
	v43 =	vshll.u32 v44, $0x4;
	[tilespmem:v54+s26+$0x0] =	vst.idx.msk $0xffff, v49;
	(pc) =	sbr.rel @p1 .LBB2_3-.Ltmp4, $4  }
0x8d: {  	v49 =	vor.u32 s17, v30;
	v43 =	vor.u32 v1, v43;
	v44 =	vshll.u32 v47, $0x4;
	[tilespmem:v55+s26+$0x0] =	vst.idx.msk $0xffff, v51  }
0x8e: {  	v47 =	vor.u32 s17, v29;
	v44 =	vor.u32 v1, v44;
	[tilespmem:v56+s26+$0x0] =	vst.idx.msk $0xffff, v45;
	v45 =	vshll.u32 v49, $0x4  }
0x8f: {  	v49 =	vor.u32 s17, v26;
	[tilespmem:v52+s26+$0x0] =	vst.idx.msk $0xffff, v46;
	v45 =	vor.u32 v1, v45;
	v46 =	vshll.u32 v47, $0x4  }
0x90: {  	v47 =	vor.u32 s17, v12;
	[tilespmem:v48+s26+$0x0] =	vst.idx.msk $0xffff, v53;
	v46 =	vor.u32 v1, v46;
	v48 =	vshll.u32 v49, $0x4  }
0x91: {  	_ =	sdelay $0x3  }
0x92: {  	[tilespmem:v42+s26+$0x0] =	vst.idx.msk $0xffff, v37  }
0x93: {  	v2 =	vor.u32 s17, v10;
	v3 =	vor.u32 v1, v48;
	v4 =	vshll.u32 v47, $0x4;
	[tilespmem:v41+s26+$0x0] =	vst.idx.msk $0xffff, v34  }
0x94: {  	v4 =	vor.u32 v1, v4;
	v2 =	vshll.u32 v2, $0x4;
	[tilespmem:v43+s26+$0x0] =	vst.idx.msk $0xffff, v36  }
0x95: {  	p1 =	seq.s32 s10, $0x51;
	v1 =	vor.u32 v1, v2;
	[tilespmem:v44+s26+$0x0] =	vst.idx.msk $0xffff, v40  }
0x96: {  	s5 =	sshll.u32 s13, $0x10;
	s11 =	smul.u32 $0x190000, s11;
	s13 =	sadd.s32 @!p1 $0x8, s16;
	[tilespmem:v45+s26+$0x0] =	vst.idx.msk $0xffff, v39  }
0x97: {  	s5 =	sor.u32 s14, s5;
	s17 =	smulhi.u32 @!p1 $0x51EB851F, s13;
	[tilespmem:v46+s26+$0x0] =	vst.idx.msk $0xffff, v38  }
0x98: {  	s5 =	sadd.s32 s11, s5;
	[tilespmem:v3+s26+$0x0] =	vst.idx.msk $0xffff, v35  }
0x99: {  	s5 =	sshrl.u32 s5, $0x3;
	s11 =	sshrl.u32 @!p1 s17, $0x3;
	[tilespmem:v4+s26+$0x0] =	vst.idx.msk $0xffff, v20  }
0x9a: {  	s5 =	sadd.s32 s6, s5;
	s17 =	smul.u32 @!p1 $0x19, s11;
	[tilespmem:v1+s26+$0x0] =	vst.idx.msk $0xffff, v13  }
0x9b: {  	[hbm4b:s5+s3] =	stream.linear.scatter [tilespmem:s26], [sflag:$0x9], $0x800, $0x38;
	[tilespmem:$0x8080] =	vst v63  }
0x9c: {  	s5 =	ssub.s32 @!p1 s13, s17  }
0x9d: {  	s5 =	sshll.u32 @!p1 s5, $0x5  }
0x9e: {  	s5 =	sor.u32 @!p1 s4, s5  }
0x9f: {  	s11 =	smul.u32 @!p1 $0x187000, s11;
	s5 =	smin.u32 @!p1 s5, $0x30D  }
0xa0: {  	s5 =	sshll.u32 @!p1 s5, $0xA  }
0xa1: {  	s5 =	sadd.s32 @!p1 s11, s5  }
0xa2: {  	s13 =	simm.s32 @!p1 $0xC3800;
	s5 =	sshrl.u32 @!p1 s5, $0x3  }
0xa3: {  	s17 =	simm.s32 @!p1 $0x0;
	s11 =	simm.s32 @!p1 $0x400;
	s5 =	sadd.s32 @!p1 s2, s5  }
0xa4: {  	[tilespmem:s17], [sflag:$0x1] =	stream.strided.gather @!p1 [hbm4b:s5+s11], $0x800, s13, s11, $0x38;
	[tilespmem:$0x8080] =	vst v63  }
0xa5: {  	_ =	swait.ge [sflag:s28], $0x800  }
0xa6: {  	[sflag:s28] =	ssyncset.done $0x0  }
0xa7: {  	s5 =	simm.s32 @!p0 $0xA;
	[sflag:s28] =	ssyncadd.s32 $0xFFFFF800  }
0xa8: {  	_ =	swait.ge @!p0 [sflag:s5], $0x800  }
0xa9: {  	[sflag:s5] =	ssyncset.done @!p0 $0x0  }
0xaa: {  	[sflag:s5] =	ssyncadd.s32 @!p0 $0xFFFFF800  }
0xab: {  	v1 =	vld [tilespmem:$0x8000];
	_ =	sdelay $0x4  }
0xac: {  	v2 =	vand.u32 $0xF, v1;
	v3 =	vshll.u32 v1, $0x7;
	v4 =	vadd.s32 $0x1, v1  }
0xad: {  	v6 =	vadd.s32 $0x2, v1;
	v7 =	vadd.s32 $0x3, v1;
	v10 =	vadd.s32 $0xFFFFFFFF, v1  }
0xae: {  	v11 =	vadd.s32 $0x4, v1;
	v12 =	vadd.s32 $0xE, v1;
	v17 =	vadd.s32 $0x5, v1  }
0xaf: {  	v19 =	vadd.s32 $0x6, v1;
	v22 =	vadd.s32 $0x9, v1;
	v24 =	vadd.s32 $0x7, v1  }
0xb0: {  	v26 =	vadd.s32 $0xD, v1;
	v31 =	vadd.s32 $0xA, v1;
	v33 =	vadd.s32 $0xB, v1  }
0xb1: {  	s17 =	simm.s32 $0x0;
	v4 =	vand.u32 $0xF, v4;
	v6 =	vand.u32 $0xF, v6;
	v7 =	vand.u32 $0xF, v7  }
0xb2: {  	v10 =	vand.u32 $0xF, v10;
	v11 =	vand.u32 $0xF, v11;
	v56 =	vor.u32 s17, v2  }
0xb3: {  	v12 =	vand.u32 $0xF, v12;
	v13 =	vor.u32 v3, v10;
	v25 =	vor.u32 v3, v56  }
0xb4: {  	v17 =	vand.u32 $0xF, v17;
	v15 =	vor.u32 v3, v12;
	v16 =	vor.u32 s17, v13  }
0xb5: {  	v19 =	vand.u32 $0xF, v19;
	v5 =	vor.u32 v3, v4;
	v21 =	vor.u32 s17, v15  }
0xb6: {  	v22 =	vand.u32 $0xF, v22;
	v8 =	vor.u32 v3, v6;
	v27 =	vor.u32 s17, v5  }
0xb7: {  	v24 =	vand.u32 $0xF, v24;
	v57 =	vxor.u32 $0x8, v56;
	v28 =	vor.u32 s17, v8  }
0xb8: {  	v26 =	vand.u32 $0xF, v26;
	v9 =	vor.u32 v3, v7;
	v29 =	vor.u32 v3, v57;
	v41 =	vld.idx.msk [tilespmem:v25+s18+$0x0], $0xffff  }
0xb9: {  	v14 =	vor.u32 v3, v11;
	v23 =	vor.u32 v3, v22;
	v30 =	vor.u32 s17, v9;
	v16 =	vld.idx.msk [tilespmem:v16+s18+$0x0], $0xffff  }
0xba: {  	v18 =	vor.u32 v3, v17;
	v20 =	vor.u32 v3, v19;
	v32 =	vor.u32 s17, v23;
	v21 =	vld.idx.msk [tilespmem:v21+s18+$0x0], $0xffff  }
0xbb: {  	v55 =	vor.u32 s17, v4;
	v56 =	vshll.u32 v56, $0x4;
	v58 =	vor.u32 s17, v20;
	v42 =	vld.idx.msk [tilespmem:v27+s18+$0x0], $0xffff  }
0xbc: {  	v47 =	vor.u32 s17, v12;
	v61 =	vor.u32 s17, v14;
	v62 =	vor.u32 s17, v18;
	v43 =	vld.idx.msk [tilespmem:v28+s18+$0x0], $0xffff  }
0xbd: {  	v49 =	vshll.u32 v57, $0x4;
	v25 =	vor.u32 v3, v24;
	v27 =	vor.u32 v3, v26;
	v34 =	vld.idx.msk [tilespmem:v29+s18+$0x0], $0xffff  }
0xbe: {  	v59 =	vor.u32 s17, v25;
	v28 =	vand.u32 $0xF, v31;
	v45 =	vld.idx.msk [tilespmem:v30+s18+$0x0], $0xffff;
	v30 =	vand.u32 $0xF, v33  }
0xbf: {  	v31 =	vadd.s32 $0xC, v1;
	v36 =	vld.idx.msk [tilespmem:v32+s18+$0x0], $0xffff;
	v60 =	vor.u32 s17, v27;
	v33 =	vor.u32 v3, v30  }
0xc0: {  	v48 =	vld.idx.msk [tilespmem:v58+s18+$0x0], $0xffff;
	v29 =	vand.u32 $0xF, v31;
	v32 =	vor.u32 v3, v28;
	v50 =	vor.u32 s17, v33  }
0xc1: {  	v37 =	vshll.u32 v55, $0x4;
	v44 =	vld.idx.msk [tilespmem:v61+s18+$0x0], $0xffff;
	v31 =	vor.u32 v3, v29;
	v51 =	vor.u32 s17, v32  }
0xc2: {  	v52 =	vor.u32 v1, v56;
	v57 =	vor.u32 s17, v6;
	v46 =	vld.idx.msk [tilespmem:v62+s18+$0x0], $0xffff;
	v63 =	vor.u32 s17, v31  }
0xc3: {  	v53 =	vor.u32 v1, v37;
	v37 =	vshll.u32 v57, $0x4;
	v58 =	vor.u32 s17, v7;
	v38 =	vld.idx.msk [tilespmem:v59+s18+$0x0], $0xffff  }
0xc4: {  	v54 =	vor.u32 v1, v37;
	v39 =	vshll.u32 v58, $0x4;
	v59 =	vor.u32 s17, v11;
	v35 =	vld.idx.msk [tilespmem:v60+s18+$0x0], $0xffff  }
0xc5: {  	v55 =	vor.u32 s17, v17;
	v60 =	vor.u32 v1, v39;
	v40 =	vshll.u32 v59, $0x4;
	v39 =	vld.idx.msk [tilespmem:v50+s18+$0x0], $0xffff  }
0xc6: {  	v56 =	vor.u32 s17, v19;
	v55 =	vshll.u32 v55, $0x4;
	v50 =	vor.u32 v1, v40;
	v40 =	vld.idx.msk [tilespmem:v51+s18+$0x0], $0xffff  }
0xc7: {  	s5 =	sor.u32 $0x1, s16;
	v57 =	vor.u32 s17, v24;
	v61 =	vshll.u32 v56, $0x4;
	v51 =	vor.u32 v1, v55;
	v37 =	vld.idx.msk [tilespmem:v63+s18+$0x0], $0xffff;
	[tilespmem:v52+s29+$0x0] =	vst.idx.msk $0xffff, v41  }
0xc8: {  	s13 =	smulhi.u32 $0x51EB851F, s5;
	v62 =	vshll.u32 v57, $0x4;
	v56 =	vor.u32 s17, v28;
	v52 =	vor.u32 v1, v61;
	[tilespmem:v53+s29+$0x0] =	vst.idx.msk $0xffff, v42  }
0xc9: {  	v58 =	vor.u32 s17, v30;
	v63 =	vor.u32 s17, v22;
	v42 =	vor.u32 v1, v62;
	[tilespmem:v54+s29+$0x0] =	vst.idx.msk $0xffff, v43  }
0xca: {  	s11 =	sshrl.u32 s13, $0x3;
	v59 =	vshll.u32 v56, $0x4;
	v41 =	vor.u32 v1, v49;
	v57 =	vshll.u32 v63, $0x4;
	[tilespmem:v60+s29+$0x0] =	vst.idx.msk $0xffff, v45  }
0xcb: {  	s31 =	smul.u32 $0x19, s11;
	v61 =	vshll.u32 v58, $0x4;
	v43 =	vor.u32 v1, v57;
	v60 =	vor.u32 s17, v29;
	[tilespmem:v50+s29+$0x0] =	vst.idx.msk $0xffff, v44  }
0xcc: {  	v62 =	vor.u32 s17, v26;
	v44 =	vor.u32 v1, v59;
	v63 =	vshll.u32 v60, $0x4;
	[tilespmem:v51+s29+$0x0] =	vst.idx.msk $0xffff, v46  }
0xcd: {  	s13 =	ssub.s32 s5, s31;
	s5 =	simm.s32 $0x10;
	v45 =	vor.u32 v1, v61;
	v46 =	vor.u32 v1, v63;
	[tilespmem:v52+s29+$0x0] =	vst.idx.msk $0xffff, v48;
	v48 =	vshll.u32 v62, $0x4  }
.LBB2_5:
0xce: {  	p2 =	sne.s32 s5, $0x70;
	v49 =	vor.u32 s17, v10;
	[tilespmem:v42+s29+$0x0] =	vst.idx.msk $0xffff, v38;
	v38 =	vor.u32 v1, v48;
	v42 =	vshll.u32 v47, $0x4;
	s17 =	smov.u32 s5;
	s5 =	sadd.s32 $0x10, s5  }
0xcf: {  	[tilespmem:v41+s29+$0x0] =	vst.idx.msk $0xffff, v34;
	v34 =	vor.u32 v1, v42;
	v41 =	vshll.u32 v49, $0x4  }
0xd0: {  	[tilespmem:v43+s29+$0x0] =	vst.idx.msk $0xffff, v36;
	v36 =	vor.u32 v1, v41  }
0xd1: {  	[tilespmem:v44+s29+$0x0] =	vst.idx.msk $0xffff, v40  }
0xd2: {  	v40 =	vor.u32 s17, v13;
	[tilespmem:v45+s29+$0x0] =	vst.idx.msk $0xffff, v39  }
0xd3: {  	v41 =	vor.u32 s17, v15;
	v39 =	vor.u32 s17, v2;
	[tilespmem:v46+s29+$0x0] =	vst.idx.msk $0xffff, v37  }
0xd4: {  	v37 =	vor.u32 v3, v39;
	v42 =	vxor.u32 $0x8, v39;
	[tilespmem:v38+s29+$0x0] =	vst.idx.msk $0xffff, v35  }
0xd5: {  	v35 =	vor.u32 s17, v5;
	v38 =	vor.u32 v3, v42;
	v43 =	vshll.u32 v42, $0x4;
	[tilespmem:v34+s29+$0x0] =	vst.idx.msk $0xffff, v21  }
0xd6: {  	v34 =	vor.u32 s17, v8;
	[tilespmem:v36+s29+$0x0] =	vst.idx.msk $0xffff, v16  }
0xd7: {  	v42 =	vor.u32 s17, v23;
	v36 =	vor.u32 s17, v9;
	v16 =	vld.idx.msk [tilespmem:v40+s18+$0x0], $0xffff  }
0xd8: {  	v44 =	vor.u32 s17, v20;
	v45 =	vor.u32 s17, v25;
	v40 =	vor.u32 s17, v14;
	v21 =	vld.idx.msk [tilespmem:v41+s18+$0x0], $0xffff  }
0xd9: {  	v46 =	vor.u32 s17, v18;
	v39 =	vshll.u32 v39, $0x4;
	v41 =	vld.idx.msk [tilespmem:v37+s18+$0x0], $0xffff;
	v37 =	vor.u32 s17, v4  }
0xda: {  	v48 =	vor.u32 v1, v39;
	v47 =	vld.idx.msk [tilespmem:v35+s18+$0x0], $0xffff;
	v35 =	vshll.u32 v37, $0x4  }
0xdb: {  	v49 =	vld.idx.msk [tilespmem:v34+s18+$0x0], $0xffff;
	v50 =	vor.u32 v1, v35  }
0xdc: {  	v35 =	vor.u32 s17, v27;
	v34 =	vld.idx.msk [tilespmem:v38+s18+$0x0], $0xffff  }
0xdd: {  	v52 =	vor.u32 s17, v32;
	v39 =	vor.u32 s17, v33;
	v37 =	vor.u32 s17, v31;
	v51 =	vld.idx.msk [tilespmem:v36+s18+$0x0], $0xffff  }
0xde: {  	v36 =	vld.idx.msk [tilespmem:v42+s18+$0x0], $0xffff  }
0xdf: {  	v53 =	vld.idx.msk [tilespmem:v44+s18+$0x0], $0xffff  }
0xe0: {  	v38 =	vld.idx.msk [tilespmem:v45+s18+$0x0], $0xffff  }
0xe1: {  	v42 =	vor.u32 s17, v6;
	v35 =	vld.idx.msk [tilespmem:v35+s18+$0x0], $0xffff  }
0xe2: {  	v44 =	vor.u32 s17, v7;
	v45 =	vld.idx.msk [tilespmem:v40+s18+$0x0], $0xffff;
	v40 =	vshll.u32 v42, $0x4  }
0xe3: {  	v42 =	vor.u32 s17, v11;
	v46 =	vld.idx.msk [tilespmem:v46+s18+$0x0], $0xffff;
	v54 =	vor.u32 v1, v40;
	v40 =	vshll.u32 v44, $0x4  }
0xe4: {  	v44 =	vor.u32 s17, v17;
	v37 =	vld.idx.msk [tilespmem:v37+s18+$0x0], $0xffff;
	v55 =	vor.u32 v1, v40;
	v40 =	vshll.u32 v42, $0x4  }
0xe5: {  	v42 =	vor.u32 s17, v19;
	v44 =	vshll.u32 v44, $0x4;
	v39 =	vld.idx.msk [tilespmem:v39+s18+$0x0], $0xffff;
	v56 =	vor.u32 v1, v40  }
0xe6: {  	v57 =	vor.u32 s17, v24;
	v42 =	vshll.u32 v42, $0x4;
	v40 =	vld.idx.msk [tilespmem:v52+s18+$0x0], $0xffff;
	v52 =	vor.u32 v1, v44  }
0xe7: {  	[tilespmem:v48+s29+$0x0] =	vst.idx.msk $0xffff, v41;
	v48 =	vor.u32 v1, v42;
	v41 =	vshll.u32 v57, $0x4  }
0xe8: {  	v44 =	vor.u32 s17, v22;
	[tilespmem:v50+s29+$0x0] =	vst.idx.msk $0xffff, v47;
	v42 =	vor.u32 v1, v41  }
.Ltmp5:
0xe9: {  	v47 =	vor.u32 s17, v28;
	v41 =	vor.u32 v1, v43;
	v43 =	vshll.u32 v44, $0x4;
	[tilespmem:v54+s29+$0x0] =	vst.idx.msk $0xffff, v49;
	(pc) =	sbr.rel @p2 .LBB2_5-.Ltmp5, $4  }
0xea: {  	v49 =	vor.u32 s17, v30;
	v43 =	vor.u32 v1, v43;
	v44 =	vshll.u32 v47, $0x4;
	[tilespmem:v55+s29+$0x0] =	vst.idx.msk $0xffff, v51  }
0xeb: {  	v47 =	vor.u32 s17, v29;
	v44 =	vor.u32 v1, v44;
	[tilespmem:v56+s29+$0x0] =	vst.idx.msk $0xffff, v45;
	v45 =	vshll.u32 v49, $0x4  }
0xec: {  	v49 =	vor.u32 s17, v26;
	[tilespmem:v52+s29+$0x0] =	vst.idx.msk $0xffff, v46;
	v45 =	vor.u32 v1, v45;
	v46 =	vshll.u32 v47, $0x4  }
0xed: {  	v47 =	vor.u32 s17, v12;
	[tilespmem:v48+s29+$0x0] =	vst.idx.msk $0xffff, v53;
	v46 =	vor.u32 v1, v46;
	v48 =	vshll.u32 v49, $0x4  }
0xee: {  	_ =	sdelay $0x3  }
0xef: {  	[tilespmem:v42+s29+$0x0] =	vst.idx.msk $0xffff, v38  }
0xf0: {  	v2 =	vor.u32 s17, v10;
	v3 =	vor.u32 v1, v48;
	v4 =	vshll.u32 v47, $0x4;
	[tilespmem:v41+s29+$0x0] =	vst.idx.msk $0xffff, v34  }
0xf1: {  	v4 =	vor.u32 v1, v4;
	v2 =	vshll.u32 v2, $0x4;
	[tilespmem:v43+s29+$0x0] =	vst.idx.msk $0xffff, v36  }
0xf2: {  	v1 =	vor.u32 v1, v2;
	[tilespmem:v44+s29+$0x0] =	vst.idx.msk $0xffff, v40  }
0xf3: {  	s5 =	sshll.u32 s13, $0x10;
	s11 =	smul.u32 $0x190000, s11;
	[tilespmem:v45+s29+$0x0] =	vst.idx.msk $0xffff, v39  }
.Ltmp6:
0xf4: {  	s5 =	sor.u32 s14, s5;
	[tilespmem:v46+s29+$0x0] =	vst.idx.msk $0xffff, v37;
	(pc) =	sbr.rel @p1 .LBB2_32-.Ltmp6, $4  }
0xf5: {  	s5 =	sadd.s32 s11, s5;
	[tilespmem:v3+s29+$0x0] =	vst.idx.msk $0xffff, v35  }
0xf6: {  	s5 =	sshrl.u32 s5, $0x3;
	[tilespmem:v4+s29+$0x0] =	vst.idx.msk $0xffff, v21  }
0xf7: {  	s5 =	sadd.s32 s6, s5;
	[tilespmem:v1+s29+$0x0] =	vst.idx.msk $0xffff, v16  }
0xf8: {  	[hbm4b:s5+s3] =	stream.linear.scatter [tilespmem:s29], [sflag:$0xA], $0x800, $0x38;
	[tilespmem:$0x8080] =	vst v63  }
0xf9: {  	s5 =	sadd.s32 $0x9, s16  }
0xfa: {  	s11 =	smulhi.u32 $0x51EB851F, s5;
	_ =	sdelay $0x1  }
0xfb: {  	s11 =	sshrl.u32 s11, $0x3  }
0xfc: {  	s13 =	smul.u32 $0x19, s11;
	_ =	sdelay $0x1  }
0xfd: {  	s5 =	ssub.s32 s5, s13  }
0xfe: {  	s5 =	sshll.u32 s5, $0x5  }
0xff: {  	s5 =	sor.u32 s4, s5  }
0x100: {  	s11 =	smul.u32 $0x187000, s11;
	s5 =	smin.u32 s5, $0x30D  }
0x101: {  	s5 =	sshll.u32 s5, $0xA  }
0x102: {  	s5 =	sadd.s32 s11, s5  }
0x103: {  	s5 =	sshrl.u32 s5, $0x3  }
0x104: {  	s17 =	simm.s32 $0x400;
	s31 =	simm.s32 $0xC3800;
	s5 =	sadd.s32 s2, s5  }
0x105: {  	[tilespmem:s18], [sflag:$0x2] =	stream.strided.gather [hbm4b:s5+s17], $0x800, s31, s17, $0x38;
	[tilespmem:$0x8080] =	vst v63  }
0x106: {  	s5 =	sor.u32 $0x2, s16  }
0x107: {  	p1 =	sgt.u32 s5, $0x289  }
.Ltmp7:
0x108: {  	_ = 	snop;
	(pc) =	sbr.rel @p1 .LBB2_11-.Ltmp7, $1  }
0x109: {  	_ =	sdelay $0x3  }
0x10a: {  	s11 =	simm.s32 $0x3  }
0x10b: {  	_ =	swait.ge [sflag:s11], $0x800  }
0x10c: {  	[sflag:s11] =	ssyncset.done $0x0  }
0x10d: {  	[sflag:s11] =	ssyncadd.s32 $0xFFFFF800;
	s11 =	simm.s32 @!p0 $0xB  }
0x10e: {  	_ =	swait.ge @!p0 [sflag:s11], $0x800  }
0x10f: {  	[sflag:s11] =	ssyncset.done @!p0 $0x0  }
0x110: {  	[sflag:s11] =	ssyncadd.s32 @!p0 $0xFFFFF800  }
0x111: {  	v1 =	vld [tilespmem:$0x8000];
	_ =	sdelay $0x4  }
0x112: {  	v2 =	vand.u32 $0xF, v1;
	v3 =	vshll.u32 v1, $0x7;
	v4 =	vadd.s32 $0x1, v1  }
0x113: {  	v6 =	vadd.s32 $0x2, v1;
	v7 =	vadd.s32 $0x3, v1;
	v11 =	vadd.s32 $0x4, v1  }
0x114: {  	v13 =	vadd.s32 $0xE, v1;
	v17 =	vadd.s32 $0x5, v1;
	v20 =	vadd.s32 $0x6, v1  }
0x115: {  	v22 =	vadd.s32 $0x9, v1;
	v24 =	vadd.s32 $0x7, v1;
	v26 =	vadd.s32 $0xD, v1  }
0x116: {  	v31 =	vadd.s32 $0xA, v1;
	v33 =	vadd.s32 $0xB, v1;
	v4 =	vand.u32 $0xF, v4  }
0x117: {  	s17 =	simm.s32 $0x0;
	v6 =	vand.u32 $0xF, v6;
	v8 =	vand.u32 $0xF, v7;
	v7 =	vadd.s32 $0xFFFFFFFF, v1  }
0x118: {  	v12 =	vand.u32 $0xF, v11;
	v13 =	vand.u32 $0xF, v13;
	v35 =	vor.u32 s17, v2  }
0x119: {  	v17 =	vand.u32 $0xF, v17;
	v16 =	vor.u32 v3, v13;
	v25 =	vor.u32 v3, v35  }
0x11a: {  	v20 =	vand.u32 $0xF, v20;
	v5 =	vor.u32 v3, v4;
	v18 =	vor.u32 s17, v16  }
0x11b: {  	v22 =	vand.u32 $0xF, v22;
	v9 =	vor.u32 v3, v6;
	v27 =	vor.u32 s17, v5  }
0x11c: {  	v24 =	vand.u32 $0xF, v24;
	v37 =	vxor.u32 $0x8, v35;
	v28 =	vor.u32 s17, v9  }
0x11d: {  	v26 =	vand.u32 $0xF, v26;
	v10 =	vor.u32 v3, v8;
	v29 =	vor.u32 v3, v37  }
0x11e: {  	v7 =	vand.u32 $0xF, v7;
	v23 =	vor.u32 v3, v22;
	v30 =	vor.u32 s17, v10;
	v41 =	vld.idx.msk [tilespmem:v25+s19+$0x0], $0xffff  }
0x11f: {  	v15 =	vor.u32 v3, v12;
	v21 =	vor.u32 v3, v20;
	v32 =	vor.u32 s17, v23;
	v18 =	vld.idx.msk [tilespmem:v18+s19+$0x0], $0xffff  }
0x120: {  	v19 =	vor.u32 v3, v17;
	v58 =	vor.u32 s17, v4;
	v38 =	vor.u32 s17, v21;
	v42 =	vld.idx.msk [tilespmem:v27+s19+$0x0], $0xffff  }
0x121: {  	v59 =	vshll.u32 v35, $0x4;
	v14 =	vor.u32 v3, v7;
	v43 =	vor.u32 s17, v15;
	v44 =	vld.idx.msk [tilespmem:v28+s19+$0x0], $0xffff  }
0x122: {  	v60 =	vor.u32 s17, v6;
	v46 =	vor.u32 s17, v19;
	v11 =	vor.u32 s17, v14;
	v34 =	vld.idx.msk [tilespmem:v29+s19+$0x0], $0xffff  }
0x123: {  	v25 =	vor.u32 v3, v24;
	v28 =	vand.u32 $0xF, v31;
	v31 =	vadd.s32 $0xC, v1;
	v45 =	vld.idx.msk [tilespmem:v30+s19+$0x0], $0xffff  }
0x124: {  	v27 =	vor.u32 v3, v26;
	v39 =	vor.u32 s17, v25;
	v36 =	vld.idx.msk [tilespmem:v32+s19+$0x0], $0xffff;
	v29 =	vand.u32 $0xF, v31  }
0x125: {  	v30 =	vand.u32 $0xF, v33;
	v48 =	vld.idx.msk [tilespmem:v38+s19+$0x0], $0xffff;
	v40 =	vor.u32 s17, v27;
	v31 =	vor.u32 v3, v29  }
0x126: {  	v61 =	vor.u32 s17, v8;
	v54 =	vld.idx.msk [tilespmem:v43+s19+$0x0], $0xffff;
	v33 =	vor.u32 v3, v30;
	v47 =	vor.u32 s17, v31  }
0x127: {  	v49 =	vshll.u32 v37, $0x4;
	v46 =	vld.idx.msk [tilespmem:v46+s19+$0x0], $0xffff;
	v32 =	vor.u32 v3, v28;
	v50 =	vor.u32 s17, v33  }
0x128: {  	v37 =	vshll.u32 v58, $0x4;
	v52 =	vor.u32 v1, v59;
	v11 =	vld.idx.msk [tilespmem:v11+s19+$0x0], $0xffff;
	v51 =	vor.u32 s17, v32  }
0x129: {  	v62 =	vor.u32 s17, v12;
	v53 =	vor.u32 v1, v37;
	v37 =	vshll.u32 v60, $0x4;
	v38 =	vld.idx.msk [tilespmem:v39+s19+$0x0], $0xffff  }
0x12a: {  	v63 =	vor.u32 s17, v17;
	v55 =	vor.u32 v1, v37;
	v39 =	vshll.u32 v61, $0x4;
	v35 =	vld.idx.msk [tilespmem:v40+s19+$0x0], $0xffff  }
0x12b: {  	v56 =	vor.u32 s17, v20;
	v40 =	vshll.u32 v62, $0x4;
	v37 =	vld.idx.msk [tilespmem:v47+s19+$0x0], $0xffff;
	v47 =	vor.u32 v1, v39  }
0x12c: {  	v57 =	vor.u32 s17, v24;
	v43 =	vshll.u32 v63, $0x4;
	v39 =	vld.idx.msk [tilespmem:v50+s19+$0x0], $0xffff;
	v50 =	vor.u32 v1, v40  }
0x12d: {  	v60 =	vshll.u32 v56, $0x4;
	v63 =	vor.u32 s17, v28;
	v40 =	vld.idx.msk [tilespmem:v51+s19+$0x0], $0xffff;
	v51 =	vor.u32 v1, v43;
	[tilespmem:v52+s12+$0x0] =	vst.idx.msk $0xffff, v41  }
0x12e: {  	s31 =	smulhi.u32 $0x51EB851F, s5;
	v58 =	vor.u32 s17, v30;
	v61 =	vshll.u32 v57, $0x4;
	v52 =	vor.u32 v1, v60;
	[tilespmem:v53+s12+$0x0] =	vst.idx.msk $0xffff, v42  }
0x12f: {  	v59 =	vshll.u32 v63, $0x4;
	v62 =	vor.u32 s17, v22;
	v43 =	vor.u32 v1, v61;
	[tilespmem:v55+s12+$0x0] =	vst.idx.msk $0xffff, v44  }
0x130: {  	s11 =	sshrl.u32 s31, $0x3;
	v57 =	vshll.u32 v62, $0x4;
	v62 =	vor.u32 s17, v26;
	v41 =	vor.u32 v1, v49;
	[tilespmem:v47+s12+$0x0] =	vst.idx.msk $0xffff, v45  }
0x131: {  	s13 =	smul.u32 $0x19, s11;
	v60 =	vor.u32 s17, v29;
	v61 =	vshll.u32 v58, $0x4;
	v42 =	vor.u32 v1, v57;
	[tilespmem:v50+s12+$0x0] =	vst.idx.msk $0xffff, v54  }
0x132: {  	v63 =	vshll.u32 v60, $0x4;
	v44 =	vor.u32 v1, v59;
	v45 =	vor.u32 v1, v61;
	[tilespmem:v51+s12+$0x0] =	vst.idx.msk $0xffff, v46  }
0x133: {  	s13 =	ssub.s32 s5, s13;
	s5 =	simm.s32 $0x10;
	v47 =	vor.u32 s17, v13;
	v46 =	vor.u32 v1, v63;
	[tilespmem:v52+s12+$0x0] =	vst.idx.msk $0xffff, v48;
	v48 =	vshll.u32 v62, $0x4  }
.LBB2_9:
0x134: {  	p1 =	sne.s32 s5, $0x70;
	v49 =	vor.u32 s17, v7;
	[tilespmem:v43+s12+$0x0] =	vst.idx.msk $0xffff, v38;
	v38 =	vor.u32 v1, v48;
	v43 =	vshll.u32 v47, $0x4;
	s17 =	smov.u32 s5;
	s5 =	sadd.s32 $0x10, s5  }
0x135: {  	[tilespmem:v41+s12+$0x0] =	vst.idx.msk $0xffff, v34;
	v34 =	vor.u32 v1, v43;
	v41 =	vshll.u32 v49, $0x4  }
0x136: {  	[tilespmem:v42+s12+$0x0] =	vst.idx.msk $0xffff, v36;
	v36 =	vor.u32 v1, v41  }
0x137: {  	[tilespmem:v44+s12+$0x0] =	vst.idx.msk $0xffff, v40  }
0x138: {  	v40 =	vor.u32 s17, v14;
	[tilespmem:v45+s12+$0x0] =	vst.idx.msk $0xffff, v39  }
0x139: {  	v41 =	vor.u32 s17, v16;
	v39 =	vor.u32 s17, v2;
	[tilespmem:v46+s12+$0x0] =	vst.idx.msk $0xffff, v37  }
0x13a: {  	v37 =	vor.u32 v3, v39;
	v42 =	vxor.u32 $0x8, v39;
	[tilespmem:v38+s12+$0x0] =	vst.idx.msk $0xffff, v35  }
0x13b: {  	v35 =	vor.u32 s17, v5;
	v38 =	vor.u32 v3, v42;
	v42 =	vshll.u32 v42, $0x4;
	[tilespmem:v34+s12+$0x0] =	vst.idx.msk $0xffff, v18  }
0x13c: {  	v34 =	vor.u32 s17, v9;
	[tilespmem:v36+s12+$0x0] =	vst.idx.msk $0xffff, v11  }
0x13d: {  	v43 =	vor.u32 s17, v23;
	v36 =	vor.u32 s17, v10;
	v11 =	vld.idx.msk [tilespmem:v40+s19+$0x0], $0xffff  }
0x13e: {  	v44 =	vor.u32 s17, v21;
	v45 =	vor.u32 s17, v25;
	v40 =	vor.u32 s17, v15;
	v18 =	vld.idx.msk [tilespmem:v41+s19+$0x0], $0xffff  }
0x13f: {  	v46 =	vor.u32 s17, v19;
	v39 =	vshll.u32 v39, $0x4;
	v41 =	vld.idx.msk [tilespmem:v37+s19+$0x0], $0xffff;
	v37 =	vor.u32 s17, v4  }
0x140: {  	v48 =	vor.u32 v1, v39;
	v47 =	vld.idx.msk [tilespmem:v35+s19+$0x0], $0xffff;
	v35 =	vshll.u32 v37, $0x4  }
0x141: {  	v49 =	vld.idx.msk [tilespmem:v34+s19+$0x0], $0xffff;
	v50 =	vor.u32 v1, v35  }
0x142: {  	v35 =	vor.u32 s17, v27;
	v34 =	vld.idx.msk [tilespmem:v38+s19+$0x0], $0xffff  }
0x143: {  	v52 =	vor.u32 s17, v32;
	v39 =	vor.u32 s17, v33;
	v37 =	vor.u32 s17, v31;
	v51 =	vld.idx.msk [tilespmem:v36+s19+$0x0], $0xffff  }
0x144: {  	v36 =	vld.idx.msk [tilespmem:v43+s19+$0x0], $0xffff  }
0x145: {  	v53 =	vld.idx.msk [tilespmem:v44+s19+$0x0], $0xffff  }
0x146: {  	v38 =	vld.idx.msk [tilespmem:v45+s19+$0x0], $0xffff  }
0x147: {  	v43 =	vor.u32 s17, v6;
	v35 =	vld.idx.msk [tilespmem:v35+s19+$0x0], $0xffff  }
0x148: {  	v44 =	vor.u32 s17, v8;
	v45 =	vld.idx.msk [tilespmem:v40+s19+$0x0], $0xffff;
	v40 =	vshll.u32 v43, $0x4  }
0x149: {  	v43 =	vor.u32 s17, v12;
	v46 =	vld.idx.msk [tilespmem:v46+s19+$0x0], $0xffff;
	v54 =	vor.u32 v1, v40;
	v40 =	vshll.u32 v44, $0x4  }
0x14a: {  	v44 =	vor.u32 s17, v17;
	v37 =	vld.idx.msk [tilespmem:v37+s19+$0x0], $0xffff;
	v55 =	vor.u32 v1, v40;
	v40 =	vshll.u32 v43, $0x4  }
0x14b: {  	v43 =	vor.u32 s17, v20;
	v44 =	vshll.u32 v44, $0x4;
	v39 =	vld.idx.msk [tilespmem:v39+s19+$0x0], $0xffff;
	v56 =	vor.u32 v1, v40  }
0x14c: {  	v57 =	vor.u32 s17, v24;
	v43 =	vshll.u32 v43, $0x4;
	v40 =	vld.idx.msk [tilespmem:v52+s19+$0x0], $0xffff;
	v52 =	vor.u32 v1, v44  }
0x14d: {  	[tilespmem:v48+s12+$0x0] =	vst.idx.msk $0xffff, v41;
	v48 =	vor.u32 v1, v43;
	v41 =	vshll.u32 v57, $0x4  }
0x14e: {  	v44 =	vor.u32 s17, v22;
	[tilespmem:v50+s12+$0x0] =	vst.idx.msk $0xffff, v47;
	v43 =	vor.u32 v1, v41  }
.Ltmp8:
0x14f: {  	v47 =	vor.u32 s17, v28;
	v41 =	vor.u32 v1, v42;
	v42 =	vshll.u32 v44, $0x4;
	[tilespmem:v54+s12+$0x0] =	vst.idx.msk $0xffff, v49;
	(pc) =	sbr.rel @p1 .LBB2_9-.Ltmp8, $4  }
0x150: {  	v49 =	vor.u32 s17, v30;
	v42 =	vor.u32 v1, v42;
	v44 =	vshll.u32 v47, $0x4;
	[tilespmem:v55+s12+$0x0] =	vst.idx.msk $0xffff, v51  }
0x151: {  	v47 =	vor.u32 s17, v29;
	v44 =	vor.u32 v1, v44;
	[tilespmem:v56+s12+$0x0] =	vst.idx.msk $0xffff, v45;
	v45 =	vshll.u32 v49, $0x4  }
0x152: {  	v49 =	vor.u32 s17, v26;
	[tilespmem:v52+s12+$0x0] =	vst.idx.msk $0xffff, v46;
	v45 =	vor.u32 v1, v45;
	v46 =	vshll.u32 v47, $0x4  }
0x153: {  	v47 =	vor.u32 s17, v13;
	[tilespmem:v48+s12+$0x0] =	vst.idx.msk $0xffff, v53;
	v46 =	vor.u32 v1, v46;
	v48 =	vshll.u32 v49, $0x4  }
0x154: {  	_ = 	snop  }
0x155: {  	p1 =	sgt.u32 s10, $0x4F  }
0x156: {  	s5 =	sadd.s32 @!p1 $0xA, s16  }
0x157: {  	s31 =	sand.u32 @!p1 $0xFFFF, s5  }
0x158: {  	[tilespmem:v43+s12+$0x0] =	vst.idx.msk $0xffff, v38;
	s31 =	smul.u32 @!p1 $0x47AF, s31  }
0x159: {  	v2 =	vor.u32 s17, v7;
	v3 =	vor.u32 v1, v48;
	v4 =	vshll.u32 v47, $0x4;
	[tilespmem:v41+s12+$0x0] =	vst.idx.msk $0xffff, v34  }
0x15a: {  	v4 =	vor.u32 v1, v4;
	v2 =	vshll.u32 v2, $0x4;
	[tilespmem:v42+s12+$0x0] =	vst.idx.msk $0xffff, v36;
	s17 =	sshrl.u32 @!p1 s31, $0x10  }
0x15b: {  	v1 =	vor.u32 v1, v2;
	[tilespmem:v44+s12+$0x0] =	vst.idx.msk $0xffff, v40;
	s31 =	ssub.s32 @!p1 s5, s17  }
0x15c: {  	s13 =	sshll.u32 s13, $0x10;
	s11 =	smul.u32 $0x190000, s11;
	[tilespmem:v45+s12+$0x0] =	vst.idx.msk $0xffff, v39;
	s31 =	sand.u32 @!p1 $0xFFFE, s31  }
0x15d: {  	s13 =	sor.u32 s14, s13;
	[tilespmem:v46+s12+$0x0] =	vst.idx.msk $0xffff, v37;
	s31 =	sshrl.u32 @!p1 s31, $0x1  }
0x15e: {  	s11 =	sadd.s32 s11, s13;
	[tilespmem:v3+s12+$0x0] =	vst.idx.msk $0xffff, v35;
	s13 =	sadd.s32 @!p1 s17, s31  }
0x15f: {  	s11 =	sshrl.u32 s11, $0x3;
	[tilespmem:v4+s12+$0x0] =	vst.idx.msk $0xffff, v18;
	s13 =	sshrl.u32 @!p1 s13, $0x4  }
0x160: {  	s11 =	sadd.s32 s6, s11;
	[tilespmem:v1+s12+$0x0] =	vst.idx.msk $0xffff, v11;
	s17 =	smul.u32 @!p1 $0x19, s13  }
0x161: {  	[hbm4b:s11+s3] =	stream.linear.scatter [tilespmem:s12], [sflag:$0xB], $0x800, $0x38;
	[tilespmem:$0x8080] =	vst v63  }
0x162: {  	s5 =	ssub.s32 @!p1 s5, s17  }
0x163: {  	s5 =	sshll.u32 @!p1 s5, $0x5  }
0x164: {  	s5 =	sand.u32 @!p1 $0xFFE0, s5  }
0x165: {  	s5 =	sor.u32 @!p1 s5, s4  }
0x166: {  	s11 =	smul.u32 @!p1 $0x187000, s13;
	s5 =	smin.u32 @!p1 s5, $0x30D  }
0x167: {  	s5 =	sshll.u32 @!p1 s5, $0xA  }
0x168: {  	s5 =	sadd.s32 @!p1 s11, s5  }
0x169: {  	s13 =	simm.s32 @!p1 $0xC3800;
	s5 =	sshrl.u32 @!p1 s5, $0x3  }
0x16a: {  	s17 =	simm.s32 @!p1 $0x1000;
	s11 =	simm.s32 @!p1 $0x400;
	s5 =	sadd.s32 @!p1 s2, s5  }
0x16b: {  	[tilespmem:s17], [sflag:$0x3] =	stream.strided.gather @!p1 [hbm4b:s5+s11], $0x800, s13, s11, $0x38;
	[tilespmem:$0x8080] =	vst v63  }
.LBB2_11:
0x16c: {  	s5 =	sor.u32 $0x3, s16  }
0x16d: {  	p1 =	sgt.u32 s5, $0x289  }
.Ltmp9:
0x16e: {  	_ = 	snop;
	(pc) =	sbr.rel @p1 .LBB2_15-.Ltmp9, $1  }
0x16f: {  	_ =	sdelay $0x3  }
0x170: {  	s11 =	simm.s32 $0x4  }
0x171: {  	_ =	swait.ge [sflag:s11], $0x800  }
0x172: {  	[sflag:s11] =	ssyncset.done $0x0  }
0x173: {  	[sflag:s11] =	ssyncadd.s32 $0xFFFFF800;
	s11 =	simm.s32 @!p0 $0xC  }
0x174: {  	_ =	swait.ge @!p0 [sflag:s11], $0x800  }
0x175: {  	[sflag:s11] =	ssyncset.done @!p0 $0x0  }
0x176: {  	[sflag:s11] =	ssyncadd.s32 @!p0 $0xFFFFF800  }
0x177: {  	v1 =	vld [tilespmem:$0x8000];
	_ =	sdelay $0x4  }
0x178: {  	v2 =	vand.u32 $0xF, v1;
	v3 =	vshll.u32 v1, $0x7;
	v4 =	vadd.s32 $0x1, v1  }
0x179: {  	v6 =	vadd.s32 $0x2, v1;
	v7 =	vadd.s32 $0x3, v1;
	v11 =	vadd.s32 $0x4, v1  }
0x17a: {  	v13 =	vadd.s32 $0xE, v1;
	v17 =	vadd.s32 $0x5, v1;
	v20 =	vadd.s32 $0x6, v1  }
0x17b: {  	v22 =	vadd.s32 $0x9, v1;
	v24 =	vadd.s32 $0x7, v1;
	v26 =	vadd.s32 $0xD, v1  }
0x17c: {  	v31 =	vadd.s32 $0xA, v1;
	v33 =	vadd.s32 $0xB, v1;
	v4 =	vand.u32 $0xF, v4  }
0x17d: {  	s17 =	simm.s32 $0x0;
	v6 =	vand.u32 $0xF, v6;
	v8 =	vand.u32 $0xF, v7;
	v7 =	vadd.s32 $0xFFFFFFFF, v1  }
0x17e: {  	v12 =	vand.u32 $0xF, v11;
	v13 =	vand.u32 $0xF, v13;
	v35 =	vor.u32 s17, v2  }
0x17f: {  	v17 =	vand.u32 $0xF, v17;
	v16 =	vor.u32 v3, v13;
	v25 =	vor.u32 v3, v35  }
0x180: {  	v20 =	vand.u32 $0xF, v20;
	v5 =	vor.u32 v3, v4;
	v18 =	vor.u32 s17, v16  }
0x181: {  	v22 =	vand.u32 $0xF, v22;
	v9 =	vor.u32 v3, v6;
	v27 =	vor.u32 s17, v5  }
0x182: {  	v24 =	vand.u32 $0xF, v24;
	v37 =	vxor.u32 $0x8, v35;
	v28 =	vor.u32 s17, v9  }
0x183: {  	v26 =	vand.u32 $0xF, v26;
	v10 =	vor.u32 v3, v8;
	v29 =	vor.u32 v3, v37  }
0x184: {  	v7 =	vand.u32 $0xF, v7;
	v23 =	vor.u32 v3, v22;
	v30 =	vor.u32 s17, v10;
	v41 =	vld.idx.msk [tilespmem:v25+s20+$0x0], $0xffff  }
0x185: {  	v15 =	vor.u32 v3, v12;
	v21 =	vor.u32 v3, v20;
	v32 =	vor.u32 s17, v23;
	v18 =	vld.idx.msk [tilespmem:v18+s20+$0x0], $0xffff  }
0x186: {  	v19 =	vor.u32 v3, v17;
	v58 =	vor.u32 s17, v4;
	v38 =	vor.u32 s17, v21;
	v42 =	vld.idx.msk [tilespmem:v27+s20+$0x0], $0xffff  }
0x187: {  	v59 =	vshll.u32 v35, $0x4;
	v14 =	vor.u32 v3, v7;
	v43 =	vor.u32 s17, v15;
	v44 =	vld.idx.msk [tilespmem:v28+s20+$0x0], $0xffff  }
0x188: {  	v60 =	vor.u32 s17, v6;
	v46 =	vor.u32 s17, v19;
	v11 =	vor.u32 s17, v14;
	v34 =	vld.idx.msk [tilespmem:v29+s20+$0x0], $0xffff  }
0x189: {  	v25 =	vor.u32 v3, v24;
	v28 =	vand.u32 $0xF, v31;
	v31 =	vadd.s32 $0xC, v1;
	v45 =	vld.idx.msk [tilespmem:v30+s20+$0x0], $0xffff  }
0x18a: {  	v27 =	vor.u32 v3, v26;
	v39 =	vor.u32 s17, v25;
	v36 =	vld.idx.msk [tilespmem:v32+s20+$0x0], $0xffff;
	v29 =	vand.u32 $0xF, v31  }
0x18b: {  	v30 =	vand.u32 $0xF, v33;
	v48 =	vld.idx.msk [tilespmem:v38+s20+$0x0], $0xffff;
	v40 =	vor.u32 s17, v27;
	v31 =	vor.u32 v3, v29  }
0x18c: {  	v61 =	vor.u32 s17, v8;
	v54 =	vld.idx.msk [tilespmem:v43+s20+$0x0], $0xffff;
	v33 =	vor.u32 v3, v30;
	v47 =	vor.u32 s17, v31  }
0x18d: {  	v49 =	vshll.u32 v37, $0x4;
	v46 =	vld.idx.msk [tilespmem:v46+s20+$0x0], $0xffff;
	v32 =	vor.u32 v3, v28;
	v50 =	vor.u32 s17, v33  }
0x18e: {  	v37 =	vshll.u32 v58, $0x4;
	v52 =	vor.u32 v1, v59;
	v11 =	vld.idx.msk [tilespmem:v11+s20+$0x0], $0xffff;
	v51 =	vor.u32 s17, v32  }
0x18f: {  	v62 =	vor.u32 s17, v12;
	v53 =	vor.u32 v1, v37;
	v37 =	vshll.u32 v60, $0x4;
	v38 =	vld.idx.msk [tilespmem:v39+s20+$0x0], $0xffff  }
0x190: {  	v63 =	vor.u32 s17, v17;
	v55 =	vor.u32 v1, v37;
	v39 =	vshll.u32 v61, $0x4;
	v35 =	vld.idx.msk [tilespmem:v40+s20+$0x0], $0xffff  }
0x191: {  	v56 =	vor.u32 s17, v20;
	v40 =	vshll.u32 v62, $0x4;
	v37 =	vld.idx.msk [tilespmem:v47+s20+$0x0], $0xffff;
	v47 =	vor.u32 v1, v39  }
0x192: {  	v57 =	vor.u32 s17, v24;
	v43 =	vshll.u32 v63, $0x4;
	v39 =	vld.idx.msk [tilespmem:v50+s20+$0x0], $0xffff;
	v50 =	vor.u32 v1, v40  }
0x193: {  	v60 =	vshll.u32 v56, $0x4;
	v63 =	vor.u32 s17, v28;
	v40 =	vld.idx.msk [tilespmem:v51+s20+$0x0], $0xffff;
	v51 =	vor.u32 v1, v43;
	[tilespmem:v52+s15+$0x0] =	vst.idx.msk $0xffff, v41  }
0x194: {  	s31 =	smulhi.u32 $0x51EB851F, s5;
	v58 =	vor.u32 s17, v30;
	v61 =	vshll.u32 v57, $0x4;
	v52 =	vor.u32 v1, v60;
	[tilespmem:v53+s15+$0x0] =	vst.idx.msk $0xffff, v42  }
0x195: {  	v59 =	vshll.u32 v63, $0x4;
	v62 =	vor.u32 s17, v22;
	v43 =	vor.u32 v1, v61;
	[tilespmem:v55+s15+$0x0] =	vst.idx.msk $0xffff, v44  }
0x196: {  	s11 =	sshrl.u32 s31, $0x3;
	v57 =	vshll.u32 v62, $0x4;
	v62 =	vor.u32 s17, v26;
	v41 =	vor.u32 v1, v49;
	[tilespmem:v47+s15+$0x0] =	vst.idx.msk $0xffff, v45  }
0x197: {  	s13 =	smul.u32 $0x19, s11;
	v60 =	vor.u32 s17, v29;
	v61 =	vshll.u32 v58, $0x4;
	v42 =	vor.u32 v1, v57;
	[tilespmem:v50+s15+$0x0] =	vst.idx.msk $0xffff, v54  }
0x198: {  	v63 =	vshll.u32 v60, $0x4;
	v44 =	vor.u32 v1, v59;
	v45 =	vor.u32 v1, v61;
	[tilespmem:v51+s15+$0x0] =	vst.idx.msk $0xffff, v46  }
0x199: {  	s13 =	ssub.s32 s5, s13;
	s5 =	simm.s32 $0x10;
	v47 =	vor.u32 s17, v13;
	v46 =	vor.u32 v1, v63;
	[tilespmem:v52+s15+$0x0] =	vst.idx.msk $0xffff, v48;
	v48 =	vshll.u32 v62, $0x4  }
.LBB2_13:
0x19a: {  	p1 =	sne.s32 s5, $0x70;
	v49 =	vor.u32 s17, v7;
	[tilespmem:v43+s15+$0x0] =	vst.idx.msk $0xffff, v38;
	v38 =	vor.u32 v1, v48;
	v43 =	vshll.u32 v47, $0x4;
	s17 =	smov.u32 s5;
	s5 =	sadd.s32 $0x10, s5  }
0x19b: {  	[tilespmem:v41+s15+$0x0] =	vst.idx.msk $0xffff, v34;
	v34 =	vor.u32 v1, v43;
	v41 =	vshll.u32 v49, $0x4  }
0x19c: {  	[tilespmem:v42+s15+$0x0] =	vst.idx.msk $0xffff, v36;
	v36 =	vor.u32 v1, v41  }
0x19d: {  	[tilespmem:v44+s15+$0x0] =	vst.idx.msk $0xffff, v40  }
0x19e: {  	v40 =	vor.u32 s17, v14;
	[tilespmem:v45+s15+$0x0] =	vst.idx.msk $0xffff, v39  }
0x19f: {  	v41 =	vor.u32 s17, v16;
	v39 =	vor.u32 s17, v2;
	[tilespmem:v46+s15+$0x0] =	vst.idx.msk $0xffff, v37  }
0x1a0: {  	v37 =	vor.u32 v3, v39;
	v42 =	vxor.u32 $0x8, v39;
	[tilespmem:v38+s15+$0x0] =	vst.idx.msk $0xffff, v35  }
0x1a1: {  	v35 =	vor.u32 s17, v5;
	v38 =	vor.u32 v3, v42;
	v42 =	vshll.u32 v42, $0x4;
	[tilespmem:v34+s15+$0x0] =	vst.idx.msk $0xffff, v18  }
0x1a2: {  	v34 =	vor.u32 s17, v9;
	[tilespmem:v36+s15+$0x0] =	vst.idx.msk $0xffff, v11  }
0x1a3: {  	v43 =	vor.u32 s17, v23;
	v36 =	vor.u32 s17, v10;
	v11 =	vld.idx.msk [tilespmem:v40+s20+$0x0], $0xffff  }
0x1a4: {  	v44 =	vor.u32 s17, v21;
	v45 =	vor.u32 s17, v25;
	v40 =	vor.u32 s17, v15;
	v18 =	vld.idx.msk [tilespmem:v41+s20+$0x0], $0xffff  }
0x1a5: {  	v46 =	vor.u32 s17, v19;
	v39 =	vshll.u32 v39, $0x4;
	v41 =	vld.idx.msk [tilespmem:v37+s20+$0x0], $0xffff;
	v37 =	vor.u32 s17, v4  }
0x1a6: {  	v48 =	vor.u32 v1, v39;
	v47 =	vld.idx.msk [tilespmem:v35+s20+$0x0], $0xffff;
	v35 =	vshll.u32 v37, $0x4  }
0x1a7: {  	v49 =	vld.idx.msk [tilespmem:v34+s20+$0x0], $0xffff;
	v50 =	vor.u32 v1, v35  }
0x1a8: {  	v35 =	vor.u32 s17, v27;
	v34 =	vld.idx.msk [tilespmem:v38+s20+$0x0], $0xffff  }
0x1a9: {  	v52 =	vor.u32 s17, v32;
	v39 =	vor.u32 s17, v33;
	v37 =	vor.u32 s17, v31;
	v51 =	vld.idx.msk [tilespmem:v36+s20+$0x0], $0xffff  }
0x1aa: {  	v36 =	vld.idx.msk [tilespmem:v43+s20+$0x0], $0xffff  }
0x1ab: {  	v53 =	vld.idx.msk [tilespmem:v44+s20+$0x0], $0xffff  }
0x1ac: {  	v38 =	vld.idx.msk [tilespmem:v45+s20+$0x0], $0xffff  }
0x1ad: {  	v43 =	vor.u32 s17, v6;
	v35 =	vld.idx.msk [tilespmem:v35+s20+$0x0], $0xffff  }
0x1ae: {  	v44 =	vor.u32 s17, v8;
	v45 =	vld.idx.msk [tilespmem:v40+s20+$0x0], $0xffff;
	v40 =	vshll.u32 v43, $0x4  }
0x1af: {  	v43 =	vor.u32 s17, v12;
	v46 =	vld.idx.msk [tilespmem:v46+s20+$0x0], $0xffff;
	v54 =	vor.u32 v1, v40;
	v40 =	vshll.u32 v44, $0x4  }
0x1b0: {  	v44 =	vor.u32 s17, v17;
	v37 =	vld.idx.msk [tilespmem:v37+s20+$0x0], $0xffff;
	v55 =	vor.u32 v1, v40;
	v40 =	vshll.u32 v43, $0x4  }
0x1b1: {  	v43 =	vor.u32 s17, v20;
	v44 =	vshll.u32 v44, $0x4;
	v39 =	vld.idx.msk [tilespmem:v39+s20+$0x0], $0xffff;
	v56 =	vor.u32 v1, v40  }
0x1b2: {  	v57 =	vor.u32 s17, v24;
	v43 =	vshll.u32 v43, $0x4;
	v40 =	vld.idx.msk [tilespmem:v52+s20+$0x0], $0xffff;
	v52 =	vor.u32 v1, v44  }
0x1b3: {  	[tilespmem:v48+s15+$0x0] =	vst.idx.msk $0xffff, v41;
	v48 =	vor.u32 v1, v43;
	v41 =	vshll.u32 v57, $0x4  }
0x1b4: {  	v44 =	vor.u32 s17, v22;
	[tilespmem:v50+s15+$0x0] =	vst.idx.msk $0xffff, v47;
	v43 =	vor.u32 v1, v41  }
.Ltmp10:
0x1b5: {  	v47 =	vor.u32 s17, v28;
	v41 =	vor.u32 v1, v42;
	v42 =	vshll.u32 v44, $0x4;
	[tilespmem:v54+s15+$0x0] =	vst.idx.msk $0xffff, v49;
	(pc) =	sbr.rel @p1 .LBB2_13-.Ltmp10, $4  }
0x1b6: {  	v49 =	vor.u32 s17, v30;
	v42 =	vor.u32 v1, v42;
	v44 =	vshll.u32 v47, $0x4;
	[tilespmem:v55+s15+$0x0] =	vst.idx.msk $0xffff, v51  }
0x1b7: {  	v47 =	vor.u32 s17, v29;
	v44 =	vor.u32 v1, v44;
	[tilespmem:v56+s15+$0x0] =	vst.idx.msk $0xffff, v45;
	v45 =	vshll.u32 v49, $0x4  }
0x1b8: {  	v49 =	vor.u32 s17, v26;
	[tilespmem:v52+s15+$0x0] =	vst.idx.msk $0xffff, v46;
	v45 =	vor.u32 v1, v45;
	v46 =	vshll.u32 v47, $0x4  }
0x1b9: {  	v47 =	vor.u32 s17, v13;
	[tilespmem:v48+s15+$0x0] =	vst.idx.msk $0xffff, v53;
	v46 =	vor.u32 v1, v46;
	v48 =	vshll.u32 v49, $0x4  }
0x1ba: {  	_ = 	snop  }
0x1bb: {  	p1 =	sgt.u32 s10, $0x4F  }
0x1bc: {  	s5 =	sadd.s32 @!p1 $0xB, s16  }
0x1bd: {  	s31 =	sand.u32 @!p1 $0xFFFF, s5  }
0x1be: {  	[tilespmem:v43+s15+$0x0] =	vst.idx.msk $0xffff, v38;
	s31 =	smul.u32 @!p1 $0x47AF, s31  }
0x1bf: {  	v2 =	vor.u32 s17, v7;
	v3 =	vor.u32 v1, v48;
	v4 =	vshll.u32 v47, $0x4;
	[tilespmem:v41+s15+$0x0] =	vst.idx.msk $0xffff, v34  }
0x1c0: {  	v4 =	vor.u32 v1, v4;
	v2 =	vshll.u32 v2, $0x4;
	[tilespmem:v42+s15+$0x0] =	vst.idx.msk $0xffff, v36;
	s17 =	sshrl.u32 @!p1 s31, $0x10  }
0x1c1: {  	v1 =	vor.u32 v1, v2;
	[tilespmem:v44+s15+$0x0] =	vst.idx.msk $0xffff, v40;
	s31 =	ssub.s32 @!p1 s5, s17  }
0x1c2: {  	s13 =	sshll.u32 s13, $0x10;
	s11 =	smul.u32 $0x190000, s11;
	[tilespmem:v45+s15+$0x0] =	vst.idx.msk $0xffff, v39;
	s31 =	sand.u32 @!p1 $0xFFFE, s31  }
0x1c3: {  	s13 =	sor.u32 s14, s13;
	[tilespmem:v46+s15+$0x0] =	vst.idx.msk $0xffff, v37;
	s31 =	sshrl.u32 @!p1 s31, $0x1  }
0x1c4: {  	s11 =	sadd.s32 s11, s13;
	[tilespmem:v3+s15+$0x0] =	vst.idx.msk $0xffff, v35;
	s13 =	sadd.s32 @!p1 s17, s31  }
0x1c5: {  	s11 =	sshrl.u32 s11, $0x3;
	[tilespmem:v4+s15+$0x0] =	vst.idx.msk $0xffff, v18;
	s13 =	sshrl.u32 @!p1 s13, $0x4  }
0x1c6: {  	s11 =	sadd.s32 s6, s11;
	[tilespmem:v1+s15+$0x0] =	vst.idx.msk $0xffff, v11;
	s17 =	smul.u32 @!p1 $0x19, s13  }
0x1c7: {  	[hbm4b:s11+s3] =	stream.linear.scatter [tilespmem:s15], [sflag:$0xC], $0x800, $0x38;
	[tilespmem:$0x8080] =	vst v63  }
0x1c8: {  	s5 =	ssub.s32 @!p1 s5, s17  }
0x1c9: {  	s5 =	sshll.u32 @!p1 s5, $0x5  }
0x1ca: {  	s5 =	sand.u32 @!p1 $0xFFE0, s5  }
0x1cb: {  	s5 =	sor.u32 @!p1 s5, s4  }
0x1cc: {  	s11 =	smul.u32 @!p1 $0x187000, s13;
	s5 =	smin.u32 @!p1 s5, $0x30D  }
0x1cd: {  	s5 =	sshll.u32 @!p1 s5, $0xA  }
0x1ce: {  	s5 =	sadd.s32 @!p1 s11, s5  }
0x1cf: {  	s13 =	simm.s32 @!p1 $0xC3800;
	s5 =	sshrl.u32 @!p1 s5, $0x3  }
0x1d0: {  	s17 =	simm.s32 @!p1 $0x1800;
	s11 =	simm.s32 @!p1 $0x400;
	s5 =	sadd.s32 @!p1 s2, s5  }
0x1d1: {  	[tilespmem:s17], [sflag:$0x4] =	stream.strided.gather @!p1 [hbm4b:s5+s11], $0x800, s13, s11, $0x38;
	[tilespmem:$0x8080] =	vst v63  }
.LBB2_15:
0x1d2: {  	s5 =	sor.u32 $0x4, s16  }
0x1d3: {  	p1 =	sgt.u32 s5, $0x289  }
.Ltmp11:
0x1d4: {  	_ = 	snop;
	(pc) =	sbr.rel @p1 .LBB2_19-.Ltmp11, $1  }
0x1d5: {  	_ =	sdelay $0x3  }
0x1d6: {  	s11 =	simm.s32 $0x5  }
0x1d7: {  	_ =	swait.ge [sflag:s11], $0x800  }
0x1d8: {  	[sflag:s11] =	ssyncset.done $0x0  }
0x1d9: {  	[sflag:s11] =	ssyncadd.s32 $0xFFFFF800;
	s11 =	simm.s32 @!p0 $0xD  }
0x1da: {  	_ =	swait.ge @!p0 [sflag:s11], $0x800  }
0x1db: {  	[sflag:s11] =	ssyncset.done @!p0 $0x0  }
0x1dc: {  	[sflag:s11] =	ssyncadd.s32 @!p0 $0xFFFFF800  }
0x1dd: {  	v1 =	vld [tilespmem:$0x8000];
	_ =	sdelay $0x4  }
0x1de: {  	v2 =	vand.u32 $0xF, v1;
	v3 =	vshll.u32 v1, $0x7;
	v4 =	vadd.s32 $0x1, v1  }
0x1df: {  	v6 =	vadd.s32 $0x2, v1;
	v7 =	vadd.s32 $0x3, v1;
	v11 =	vadd.s32 $0x4, v1  }
0x1e0: {  	v13 =	vadd.s32 $0xE, v1;
	v17 =	vadd.s32 $0x5, v1;
	v20 =	vadd.s32 $0x6, v1  }
0x1e1: {  	v22 =	vadd.s32 $0x9, v1;
	v24 =	vadd.s32 $0x7, v1;
	v26 =	vadd.s32 $0xD, v1  }
0x1e2: {  	v31 =	vadd.s32 $0xA, v1;
	v33 =	vadd.s32 $0xB, v1;
	v4 =	vand.u32 $0xF, v4  }
0x1e3: {  	s17 =	simm.s32 $0x0;
	v6 =	vand.u32 $0xF, v6;
	v8 =	vand.u32 $0xF, v7;
	v7 =	vadd.s32 $0xFFFFFFFF, v1  }
0x1e4: {  	v12 =	vand.u32 $0xF, v11;
	v13 =	vand.u32 $0xF, v13;
	v35 =	vor.u32 s17, v2  }
0x1e5: {  	v17 =	vand.u32 $0xF, v17;
	v16 =	vor.u32 v3, v13;
	v25 =	vor.u32 v3, v35  }
0x1e6: {  	v20 =	vand.u32 $0xF, v20;
	v5 =	vor.u32 v3, v4;
	v18 =	vor.u32 s17, v16  }
0x1e7: {  	v22 =	vand.u32 $0xF, v22;
	v9 =	vor.u32 v3, v6;
	v27 =	vor.u32 s17, v5  }
0x1e8: {  	v24 =	vand.u32 $0xF, v24;
	v37 =	vxor.u32 $0x8, v35;
	v28 =	vor.u32 s17, v9  }
0x1e9: {  	v26 =	vand.u32 $0xF, v26;
	v10 =	vor.u32 v3, v8;
	v29 =	vor.u32 v3, v37  }
0x1ea: {  	v7 =	vand.u32 $0xF, v7;
	v23 =	vor.u32 v3, v22;
	v30 =	vor.u32 s17, v10;
	v41 =	vld.idx.msk [tilespmem:v25+s21+$0x0], $0xffff  }
0x1eb: {  	v15 =	vor.u32 v3, v12;
	v21 =	vor.u32 v3, v20;
	v32 =	vor.u32 s17, v23;
	v18 =	vld.idx.msk [tilespmem:v18+s21+$0x0], $0xffff  }
0x1ec: {  	v19 =	vor.u32 v3, v17;
	v58 =	vor.u32 s17, v4;
	v38 =	vor.u32 s17, v21;
	v42 =	vld.idx.msk [tilespmem:v27+s21+$0x0], $0xffff  }
0x1ed: {  	v59 =	vshll.u32 v35, $0x4;
	v14 =	vor.u32 v3, v7;
	v43 =	vor.u32 s17, v15;
	v44 =	vld.idx.msk [tilespmem:v28+s21+$0x0], $0xffff  }
0x1ee: {  	v60 =	vor.u32 s17, v6;
	v46 =	vor.u32 s17, v19;
	v11 =	vor.u32 s17, v14;
	v34 =	vld.idx.msk [tilespmem:v29+s21+$0x0], $0xffff  }
0x1ef: {  	v25 =	vor.u32 v3, v24;
	v28 =	vand.u32 $0xF, v31;
	v31 =	vadd.s32 $0xC, v1;
	v45 =	vld.idx.msk [tilespmem:v30+s21+$0x0], $0xffff  }
0x1f0: {  	v27 =	vor.u32 v3, v26;
	v39 =	vor.u32 s17, v25;
	v36 =	vld.idx.msk [tilespmem:v32+s21+$0x0], $0xffff;
	v29 =	vand.u32 $0xF, v31  }
0x1f1: {  	v30 =	vand.u32 $0xF, v33;
	v48 =	vld.idx.msk [tilespmem:v38+s21+$0x0], $0xffff;
	v40 =	vor.u32 s17, v27;
	v31 =	vor.u32 v3, v29  }
0x1f2: {  	v61 =	vor.u32 s17, v8;
	v54 =	vld.idx.msk [tilespmem:v43+s21+$0x0], $0xffff;
	v33 =	vor.u32 v3, v30;
	v47 =	vor.u32 s17, v31  }
0x1f3: {  	v49 =	vshll.u32 v37, $0x4;
	v46 =	vld.idx.msk [tilespmem:v46+s21+$0x0], $0xffff;
	v32 =	vor.u32 v3, v28;
	v50 =	vor.u32 s17, v33  }
0x1f4: {  	v37 =	vshll.u32 v58, $0x4;
	v52 =	vor.u32 v1, v59;
	v11 =	vld.idx.msk [tilespmem:v11+s21+$0x0], $0xffff;
	v51 =	vor.u32 s17, v32  }
0x1f5: {  	v62 =	vor.u32 s17, v12;
	v53 =	vor.u32 v1, v37;
	v37 =	vshll.u32 v60, $0x4;
	v38 =	vld.idx.msk [tilespmem:v39+s21+$0x0], $0xffff  }
0x1f6: {  	v63 =	vor.u32 s17, v17;
	v55 =	vor.u32 v1, v37;
	v39 =	vshll.u32 v61, $0x4;
	v35 =	vld.idx.msk [tilespmem:v40+s21+$0x0], $0xffff  }
0x1f7: {  	v56 =	vor.u32 s17, v20;
	v40 =	vshll.u32 v62, $0x4;
	v37 =	vld.idx.msk [tilespmem:v47+s21+$0x0], $0xffff;
	v47 =	vor.u32 v1, v39  }
0x1f8: {  	v57 =	vor.u32 s17, v24;
	v43 =	vshll.u32 v63, $0x4;
	v39 =	vld.idx.msk [tilespmem:v50+s21+$0x0], $0xffff;
	v50 =	vor.u32 v1, v40  }
0x1f9: {  	v60 =	vshll.u32 v56, $0x4;
	v63 =	vor.u32 s17, v28;
	v40 =	vld.idx.msk [tilespmem:v51+s21+$0x0], $0xffff;
	v51 =	vor.u32 v1, v43;
	[tilespmem:v52+s30+$0x0] =	vst.idx.msk $0xffff, v41  }
0x1fa: {  	s31 =	smulhi.u32 $0x51EB851F, s5;
	v58 =	vor.u32 s17, v30;
	v61 =	vshll.u32 v57, $0x4;
	v52 =	vor.u32 v1, v60;
	[tilespmem:v53+s30+$0x0] =	vst.idx.msk $0xffff, v42  }
0x1fb: {  	v59 =	vshll.u32 v63, $0x4;
	v62 =	vor.u32 s17, v22;
	v43 =	vor.u32 v1, v61;
	[tilespmem:v55+s30+$0x0] =	vst.idx.msk $0xffff, v44  }
0x1fc: {  	s11 =	sshrl.u32 s31, $0x3;
	v57 =	vshll.u32 v62, $0x4;
	v62 =	vor.u32 s17, v26;
	v41 =	vor.u32 v1, v49;
	[tilespmem:v47+s30+$0x0] =	vst.idx.msk $0xffff, v45  }
0x1fd: {  	s13 =	smul.u32 $0x19, s11;
	v60 =	vor.u32 s17, v29;
	v61 =	vshll.u32 v58, $0x4;
	v42 =	vor.u32 v1, v57;
	[tilespmem:v50+s30+$0x0] =	vst.idx.msk $0xffff, v54  }
0x1fe: {  	v63 =	vshll.u32 v60, $0x4;
	v44 =	vor.u32 v1, v59;
	v45 =	vor.u32 v1, v61;
	[tilespmem:v51+s30+$0x0] =	vst.idx.msk $0xffff, v46  }
0x1ff: {  	s13 =	ssub.s32 s5, s13;
	s5 =	simm.s32 $0x10;
	v47 =	vor.u32 s17, v13;
	v46 =	vor.u32 v1, v63;
	[tilespmem:v52+s30+$0x0] =	vst.idx.msk $0xffff, v48;
	v48 =	vshll.u32 v62, $0x4  }
.LBB2_17:
0x200: {  	p1 =	sne.s32 s5, $0x70;
	v49 =	vor.u32 s17, v7;
	[tilespmem:v43+s30+$0x0] =	vst.idx.msk $0xffff, v38;
	v38 =	vor.u32 v1, v48;
	v43 =	vshll.u32 v47, $0x4;
	s17 =	smov.u32 s5;
	s5 =	sadd.s32 $0x10, s5  }
0x201: {  	[tilespmem:v41+s30+$0x0] =	vst.idx.msk $0xffff, v34;
	v34 =	vor.u32 v1, v43;
	v41 =	vshll.u32 v49, $0x4  }
0x202: {  	[tilespmem:v42+s30+$0x0] =	vst.idx.msk $0xffff, v36;
	v36 =	vor.u32 v1, v41  }
0x203: {  	[tilespmem:v44+s30+$0x0] =	vst.idx.msk $0xffff, v40  }
0x204: {  	v40 =	vor.u32 s17, v14;
	[tilespmem:v45+s30+$0x0] =	vst.idx.msk $0xffff, v39  }
0x205: {  	v41 =	vor.u32 s17, v16;
	v39 =	vor.u32 s17, v2;
	[tilespmem:v46+s30+$0x0] =	vst.idx.msk $0xffff, v37  }
0x206: {  	v37 =	vor.u32 v3, v39;
	v42 =	vxor.u32 $0x8, v39;
	[tilespmem:v38+s30+$0x0] =	vst.idx.msk $0xffff, v35  }
0x207: {  	v35 =	vor.u32 s17, v5;
	v38 =	vor.u32 v3, v42;
	v42 =	vshll.u32 v42, $0x4;
	[tilespmem:v34+s30+$0x0] =	vst.idx.msk $0xffff, v18  }
0x208: {  	v34 =	vor.u32 s17, v9;
	[tilespmem:v36+s30+$0x0] =	vst.idx.msk $0xffff, v11  }
0x209: {  	v43 =	vor.u32 s17, v23;
	v36 =	vor.u32 s17, v10;
	v11 =	vld.idx.msk [tilespmem:v40+s21+$0x0], $0xffff  }
0x20a: {  	v44 =	vor.u32 s17, v21;
	v45 =	vor.u32 s17, v25;
	v40 =	vor.u32 s17, v15;
	v18 =	vld.idx.msk [tilespmem:v41+s21+$0x0], $0xffff  }
0x20b: {  	v46 =	vor.u32 s17, v19;
	v39 =	vshll.u32 v39, $0x4;
	v41 =	vld.idx.msk [tilespmem:v37+s21+$0x0], $0xffff;
	v37 =	vor.u32 s17, v4  }
0x20c: {  	v48 =	vor.u32 v1, v39;
	v47 =	vld.idx.msk [tilespmem:v35+s21+$0x0], $0xffff;
	v35 =	vshll.u32 v37, $0x4  }
0x20d: {  	v49 =	vld.idx.msk [tilespmem:v34+s21+$0x0], $0xffff;
	v50 =	vor.u32 v1, v35  }
0x20e: {  	v35 =	vor.u32 s17, v27;
	v34 =	vld.idx.msk [tilespmem:v38+s21+$0x0], $0xffff  }
0x20f: {  	v52 =	vor.u32 s17, v32;
	v39 =	vor.u32 s17, v33;
	v37 =	vor.u32 s17, v31;
	v51 =	vld.idx.msk [tilespmem:v36+s21+$0x0], $0xffff  }
0x210: {  	v36 =	vld.idx.msk [tilespmem:v43+s21+$0x0], $0xffff  }
0x211: {  	v53 =	vld.idx.msk [tilespmem:v44+s21+$0x0], $0xffff  }
0x212: {  	v38 =	vld.idx.msk [tilespmem:v45+s21+$0x0], $0xffff  }
0x213: {  	v43 =	vor.u32 s17, v6;
	v35 =	vld.idx.msk [tilespmem:v35+s21+$0x0], $0xffff  }
0x214: {  	v44 =	vor.u32 s17, v8;
	v45 =	vld.idx.msk [tilespmem:v40+s21+$0x0], $0xffff;
	v40 =	vshll.u32 v43, $0x4  }
0x215: {  	v43 =	vor.u32 s17, v12;
	v46 =	vld.idx.msk [tilespmem:v46+s21+$0x0], $0xffff;
	v54 =	vor.u32 v1, v40;
	v40 =	vshll.u32 v44, $0x4  }
0x216: {  	v44 =	vor.u32 s17, v17;
	v37 =	vld.idx.msk [tilespmem:v37+s21+$0x0], $0xffff;
	v55 =	vor.u32 v1, v40;
	v40 =	vshll.u32 v43, $0x4  }
0x217: {  	v43 =	vor.u32 s17, v20;
	v44 =	vshll.u32 v44, $0x4;
	v39 =	vld.idx.msk [tilespmem:v39+s21+$0x0], $0xffff;
	v56 =	vor.u32 v1, v40  }
0x218: {  	v57 =	vor.u32 s17, v24;
	v43 =	vshll.u32 v43, $0x4;
	v40 =	vld.idx.msk [tilespmem:v52+s21+$0x0], $0xffff;
	v52 =	vor.u32 v1, v44  }
0x219: {  	[tilespmem:v48+s30+$0x0] =	vst.idx.msk $0xffff, v41;
	v48 =	vor.u32 v1, v43;
	v41 =	vshll.u32 v57, $0x4  }
0x21a: {  	v44 =	vor.u32 s17, v22;
	[tilespmem:v50+s30+$0x0] =	vst.idx.msk $0xffff, v47;
	v43 =	vor.u32 v1, v41  }
.Ltmp12:
0x21b: {  	v47 =	vor.u32 s17, v28;
	v41 =	vor.u32 v1, v42;
	v42 =	vshll.u32 v44, $0x4;
	[tilespmem:v54+s30+$0x0] =	vst.idx.msk $0xffff, v49;
	(pc) =	sbr.rel @p1 .LBB2_17-.Ltmp12, $4  }
0x21c: {  	v49 =	vor.u32 s17, v30;
	v42 =	vor.u32 v1, v42;
	v44 =	vshll.u32 v47, $0x4;
	[tilespmem:v55+s30+$0x0] =	vst.idx.msk $0xffff, v51  }
0x21d: {  	v47 =	vor.u32 s17, v29;
	v44 =	vor.u32 v1, v44;
	[tilespmem:v56+s30+$0x0] =	vst.idx.msk $0xffff, v45;
	v45 =	vshll.u32 v49, $0x4  }
0x21e: {  	v49 =	vor.u32 s17, v26;
	[tilespmem:v52+s30+$0x0] =	vst.idx.msk $0xffff, v46;
	v45 =	vor.u32 v1, v45;
	v46 =	vshll.u32 v47, $0x4  }
0x21f: {  	v47 =	vor.u32 s17, v13;
	[tilespmem:v48+s30+$0x0] =	vst.idx.msk $0xffff, v53;
	v46 =	vor.u32 v1, v46;
	v48 =	vshll.u32 v49, $0x4  }
0x220: {  	_ = 	snop  }
0x221: {  	p1 =	sgt.u32 s10, $0x4F  }
0x222: {  	s5 =	sadd.s32 @!p1 $0xC, s16  }
0x223: {  	s31 =	sand.u32 @!p1 $0xFFFF, s5  }
0x224: {  	[tilespmem:v43+s30+$0x0] =	vst.idx.msk $0xffff, v38;
	s31 =	smul.u32 @!p1 $0x47AF, s31  }
0x225: {  	v2 =	vor.u32 s17, v7;
	v3 =	vor.u32 v1, v48;
	v4 =	vshll.u32 v47, $0x4;
	[tilespmem:v41+s30+$0x0] =	vst.idx.msk $0xffff, v34  }
0x226: {  	v4 =	vor.u32 v1, v4;
	v2 =	vshll.u32 v2, $0x4;
	[tilespmem:v42+s30+$0x0] =	vst.idx.msk $0xffff, v36;
	s17 =	sshrl.u32 @!p1 s31, $0x10  }
0x227: {  	v1 =	vor.u32 v1, v2;
	[tilespmem:v44+s30+$0x0] =	vst.idx.msk $0xffff, v40;
	s31 =	ssub.s32 @!p1 s5, s17  }
0x228: {  	s13 =	sshll.u32 s13, $0x10;
	s11 =	smul.u32 $0x190000, s11;
	[tilespmem:v45+s30+$0x0] =	vst.idx.msk $0xffff, v39;
	s31 =	sand.u32 @!p1 $0xFFFE, s31  }
0x229: {  	s13 =	sor.u32 s14, s13;
	[tilespmem:v46+s30+$0x0] =	vst.idx.msk $0xffff, v37;
	s31 =	sshrl.u32 @!p1 s31, $0x1  }
0x22a: {  	s11 =	sadd.s32 s11, s13;
	[tilespmem:v3+s30+$0x0] =	vst.idx.msk $0xffff, v35;
	s13 =	sadd.s32 @!p1 s17, s31  }
0x22b: {  	s11 =	sshrl.u32 s11, $0x3;
	[tilespmem:v4+s30+$0x0] =	vst.idx.msk $0xffff, v18;
	s13 =	sshrl.u32 @!p1 s13, $0x4  }
0x22c: {  	s11 =	sadd.s32 s6, s11;
	[tilespmem:v1+s30+$0x0] =	vst.idx.msk $0xffff, v11;
	s17 =	smul.u32 @!p1 $0x19, s13  }
0x22d: {  	[hbm4b:s11+s3] =	stream.linear.scatter [tilespmem:s30], [sflag:$0xD], $0x800, $0x38;
	[tilespmem:$0x8080] =	vst v63  }
0x22e: {  	s5 =	ssub.s32 @!p1 s5, s17  }
0x22f: {  	s5 =	sshll.u32 @!p1 s5, $0x5  }
0x230: {  	s5 =	sand.u32 @!p1 $0xFFE0, s5  }
0x231: {  	s5 =	sor.u32 @!p1 s5, s4  }
0x232: {  	s11 =	smul.u32 @!p1 $0x187000, s13;
	s5 =	smin.u32 @!p1 s5, $0x30D  }
0x233: {  	s5 =	sshll.u32 @!p1 s5, $0xA  }
0x234: {  	s5 =	sadd.s32 @!p1 s11, s5  }
0x235: {  	s13 =	simm.s32 @!p1 $0xC3800;
	s5 =	sshrl.u32 @!p1 s5, $0x3  }
0x236: {  	s17 =	simm.s32 @!p1 $0x2000;
	s11 =	simm.s32 @!p1 $0x400;
	s5 =	sadd.s32 @!p1 s2, s5  }
0x237: {  	[tilespmem:s17], [sflag:$0x5] =	stream.strided.gather @!p1 [hbm4b:s5+s11], $0x800, s13, s11, $0x38;
	[tilespmem:$0x8080] =	vst v63  }
.LBB2_19:
0x238: {  	s5 =	sor.u32 $0x5, s16  }
0x239: {  	p1 =	sgt.u32 s5, $0x289  }
.Ltmp13:
0x23a: {  	_ = 	snop;
	(pc) =	sbr.rel @p1 .LBB2_23-.Ltmp13, $1  }
0x23b: {  	_ =	sdelay $0x3  }
0x23c: {  	s11 =	simm.s32 $0x6  }
0x23d: {  	_ =	swait.ge [sflag:s11], $0x800  }
0x23e: {  	[sflag:s11] =	ssyncset.done $0x0  }
0x23f: {  	[sflag:s11] =	ssyncadd.s32 $0xFFFFF800;
	s11 =	simm.s32 @!p0 $0xE  }
0x240: {  	_ =	swait.ge @!p0 [sflag:s11], $0x800  }
0x241: {  	[sflag:s11] =	ssyncset.done @!p0 $0x0  }
0x242: {  	[sflag:s11] =	ssyncadd.s32 @!p0 $0xFFFFF800  }
0x243: {  	v1 =	vld [tilespmem:$0x8000];
	_ =	sdelay $0x4  }
0x244: {  	v2 =	vand.u32 $0xF, v1;
	v3 =	vshll.u32 v1, $0x7;
	v4 =	vadd.s32 $0x1, v1  }
0x245: {  	v6 =	vadd.s32 $0x2, v1;
	v7 =	vadd.s32 $0x3, v1;
	v11 =	vadd.s32 $0x4, v1  }
0x246: {  	v13 =	vadd.s32 $0xE, v1;
	v17 =	vadd.s32 $0x5, v1;
	v20 =	vadd.s32 $0x6, v1  }
0x247: {  	v22 =	vadd.s32 $0x9, v1;
	v24 =	vadd.s32 $0x7, v1;
	v26 =	vadd.s32 $0xD, v1  }
0x248: {  	v31 =	vadd.s32 $0xA, v1;
	v33 =	vadd.s32 $0xB, v1;
	v4 =	vand.u32 $0xF, v4  }
0x249: {  	s17 =	simm.s32 $0x0;
	v6 =	vand.u32 $0xF, v6;
	v8 =	vand.u32 $0xF, v7;
	v7 =	vadd.s32 $0xFFFFFFFF, v1  }
0x24a: {  	v12 =	vand.u32 $0xF, v11;
	v13 =	vand.u32 $0xF, v13;
	v35 =	vor.u32 s17, v2  }
0x24b: {  	v17 =	vand.u32 $0xF, v17;
	v16 =	vor.u32 v3, v13;
	v25 =	vor.u32 v3, v35  }
0x24c: {  	v20 =	vand.u32 $0xF, v20;
	v5 =	vor.u32 v3, v4;
	v18 =	vor.u32 s17, v16  }
0x24d: {  	v22 =	vand.u32 $0xF, v22;
	v9 =	vor.u32 v3, v6;
	v27 =	vor.u32 s17, v5  }
0x24e: {  	v24 =	vand.u32 $0xF, v24;
	v37 =	vxor.u32 $0x8, v35;
	v28 =	vor.u32 s17, v9  }
0x24f: {  	v26 =	vand.u32 $0xF, v26;
	v10 =	vor.u32 v3, v8;
	v29 =	vor.u32 v3, v37  }
0x250: {  	v7 =	vand.u32 $0xF, v7;
	v23 =	vor.u32 v3, v22;
	v30 =	vor.u32 s17, v10;
	v41 =	vld.idx.msk [tilespmem:v25+s22+$0x0], $0xffff  }
0x251: {  	v15 =	vor.u32 v3, v12;
	v21 =	vor.u32 v3, v20;
	v32 =	vor.u32 s17, v23;
	v18 =	vld.idx.msk [tilespmem:v18+s22+$0x0], $0xffff  }
0x252: {  	v19 =	vor.u32 v3, v17;
	v58 =	vor.u32 s17, v4;
	v38 =	vor.u32 s17, v21;
	v42 =	vld.idx.msk [tilespmem:v27+s22+$0x0], $0xffff  }
0x253: {  	v59 =	vshll.u32 v35, $0x4;
	v14 =	vor.u32 v3, v7;
	v43 =	vor.u32 s17, v15;
	v44 =	vld.idx.msk [tilespmem:v28+s22+$0x0], $0xffff  }
0x254: {  	v60 =	vor.u32 s17, v6;
	v46 =	vor.u32 s17, v19;
	v11 =	vor.u32 s17, v14;
	v34 =	vld.idx.msk [tilespmem:v29+s22+$0x0], $0xffff  }
0x255: {  	v25 =	vor.u32 v3, v24;
	v28 =	vand.u32 $0xF, v31;
	v31 =	vadd.s32 $0xC, v1;
	v45 =	vld.idx.msk [tilespmem:v30+s22+$0x0], $0xffff  }
0x256: {  	v27 =	vor.u32 v3, v26;
	v39 =	vor.u32 s17, v25;
	v36 =	vld.idx.msk [tilespmem:v32+s22+$0x0], $0xffff;
	v29 =	vand.u32 $0xF, v31  }
0x257: {  	v30 =	vand.u32 $0xF, v33;
	v48 =	vld.idx.msk [tilespmem:v38+s22+$0x0], $0xffff;
	v40 =	vor.u32 s17, v27;
	v31 =	vor.u32 v3, v29  }
0x258: {  	v61 =	vor.u32 s17, v8;
	v54 =	vld.idx.msk [tilespmem:v43+s22+$0x0], $0xffff;
	v33 =	vor.u32 v3, v30;
	v47 =	vor.u32 s17, v31  }
0x259: {  	v49 =	vshll.u32 v37, $0x4;
	v46 =	vld.idx.msk [tilespmem:v46+s22+$0x0], $0xffff;
	v32 =	vor.u32 v3, v28;
	v50 =	vor.u32 s17, v33  }
0x25a: {  	v37 =	vshll.u32 v58, $0x4;
	v52 =	vor.u32 v1, v59;
	v11 =	vld.idx.msk [tilespmem:v11+s22+$0x0], $0xffff;
	v51 =	vor.u32 s17, v32  }
0x25b: {  	v62 =	vor.u32 s17, v12;
	v53 =	vor.u32 v1, v37;
	v37 =	vshll.u32 v60, $0x4;
	v38 =	vld.idx.msk [tilespmem:v39+s22+$0x0], $0xffff  }
0x25c: {  	v63 =	vor.u32 s17, v17;
	v55 =	vor.u32 v1, v37;
	v39 =	vshll.u32 v61, $0x4;
	v35 =	vld.idx.msk [tilespmem:v40+s22+$0x0], $0xffff  }
0x25d: {  	v56 =	vor.u32 s17, v20;
	v40 =	vshll.u32 v62, $0x4;
	v37 =	vld.idx.msk [tilespmem:v47+s22+$0x0], $0xffff;
	v47 =	vor.u32 v1, v39  }
0x25e: {  	v57 =	vor.u32 s17, v24;
	v43 =	vshll.u32 v63, $0x4;
	v39 =	vld.idx.msk [tilespmem:v50+s22+$0x0], $0xffff;
	v50 =	vor.u32 v1, v40  }
0x25f: {  	v60 =	vshll.u32 v56, $0x4;
	v63 =	vor.u32 s17, v28;
	v40 =	vld.idx.msk [tilespmem:v51+s22+$0x0], $0xffff;
	v51 =	vor.u32 v1, v43;
	[tilespmem:v52+s1+$0x0] =	vst.idx.msk $0xffff, v41  }
0x260: {  	s31 =	smulhi.u32 $0x51EB851F, s5;
	v58 =	vor.u32 s17, v30;
	v61 =	vshll.u32 v57, $0x4;
	v52 =	vor.u32 v1, v60;
	[tilespmem:v53+s1+$0x0] =	vst.idx.msk $0xffff, v42  }
0x261: {  	v59 =	vshll.u32 v63, $0x4;
	v62 =	vor.u32 s17, v22;
	v43 =	vor.u32 v1, v61;
	[tilespmem:v55+s1+$0x0] =	vst.idx.msk $0xffff, v44  }
0x262: {  	s11 =	sshrl.u32 s31, $0x3;
	v57 =	vshll.u32 v62, $0x4;
	v62 =	vor.u32 s17, v26;
	v41 =	vor.u32 v1, v49;
	[tilespmem:v47+s1+$0x0] =	vst.idx.msk $0xffff, v45  }
0x263: {  	s13 =	smul.u32 $0x19, s11;
	v60 =	vor.u32 s17, v29;
	v61 =	vshll.u32 v58, $0x4;
	v42 =	vor.u32 v1, v57;
	[tilespmem:v50+s1+$0x0] =	vst.idx.msk $0xffff, v54  }
0x264: {  	v63 =	vshll.u32 v60, $0x4;
	v44 =	vor.u32 v1, v59;
	v45 =	vor.u32 v1, v61;
	[tilespmem:v51+s1+$0x0] =	vst.idx.msk $0xffff, v46  }
0x265: {  	s13 =	ssub.s32 s5, s13;
	s5 =	simm.s32 $0x10;
	v47 =	vor.u32 s17, v13;
	v46 =	vor.u32 v1, v63;
	[tilespmem:v52+s1+$0x0] =	vst.idx.msk $0xffff, v48;
	v48 =	vshll.u32 v62, $0x4  }
.LBB2_21:
0x266: {  	p1 =	sne.s32 s5, $0x70;
	v49 =	vor.u32 s17, v7;
	[tilespmem:v43+s1+$0x0] =	vst.idx.msk $0xffff, v38;
	v38 =	vor.u32 v1, v48;
	v43 =	vshll.u32 v47, $0x4;
	s17 =	smov.u32 s5;
	s5 =	sadd.s32 $0x10, s5  }
0x267: {  	[tilespmem:v41+s1+$0x0] =	vst.idx.msk $0xffff, v34;
	v34 =	vor.u32 v1, v43;
	v41 =	vshll.u32 v49, $0x4  }
0x268: {  	[tilespmem:v42+s1+$0x0] =	vst.idx.msk $0xffff, v36;
	v36 =	vor.u32 v1, v41  }
0x269: {  	[tilespmem:v44+s1+$0x0] =	vst.idx.msk $0xffff, v40  }
0x26a: {  	v40 =	vor.u32 s17, v14;
	[tilespmem:v45+s1+$0x0] =	vst.idx.msk $0xffff, v39  }
0x26b: {  	v41 =	vor.u32 s17, v16;
	v39 =	vor.u32 s17, v2;
	[tilespmem:v46+s1+$0x0] =	vst.idx.msk $0xffff, v37  }
0x26c: {  	v37 =	vor.u32 v3, v39;
	v42 =	vxor.u32 $0x8, v39;
	[tilespmem:v38+s1+$0x0] =	vst.idx.msk $0xffff, v35  }
0x26d: {  	v35 =	vor.u32 s17, v5;
	v38 =	vor.u32 v3, v42;
	v42 =	vshll.u32 v42, $0x4;
	[tilespmem:v34+s1+$0x0] =	vst.idx.msk $0xffff, v18  }
0x26e: {  	v34 =	vor.u32 s17, v9;
	[tilespmem:v36+s1+$0x0] =	vst.idx.msk $0xffff, v11  }
0x26f: {  	v43 =	vor.u32 s17, v23;
	v36 =	vor.u32 s17, v10;
	v11 =	vld.idx.msk [tilespmem:v40+s22+$0x0], $0xffff  }
0x270: {  	v44 =	vor.u32 s17, v21;
	v45 =	vor.u32 s17, v25;
	v40 =	vor.u32 s17, v15;
	v18 =	vld.idx.msk [tilespmem:v41+s22+$0x0], $0xffff  }
0x271: {  	v46 =	vor.u32 s17, v19;
	v39 =	vshll.u32 v39, $0x4;
	v41 =	vld.idx.msk [tilespmem:v37+s22+$0x0], $0xffff;
	v37 =	vor.u32 s17, v4  }
0x272: {  	v48 =	vor.u32 v1, v39;
	v47 =	vld.idx.msk [tilespmem:v35+s22+$0x0], $0xffff;
	v35 =	vshll.u32 v37, $0x4  }
0x273: {  	v49 =	vld.idx.msk [tilespmem:v34+s22+$0x0], $0xffff;
	v50 =	vor.u32 v1, v35  }
0x274: {  	v35 =	vor.u32 s17, v27;
	v34 =	vld.idx.msk [tilespmem:v38+s22+$0x0], $0xffff  }
0x275: {  	v52 =	vor.u32 s17, v32;
	v39 =	vor.u32 s17, v33;
	v37 =	vor.u32 s17, v31;
	v51 =	vld.idx.msk [tilespmem:v36+s22+$0x0], $0xffff  }
0x276: {  	v36 =	vld.idx.msk [tilespmem:v43+s22+$0x0], $0xffff  }
0x277: {  	v53 =	vld.idx.msk [tilespmem:v44+s22+$0x0], $0xffff  }
0x278: {  	v38 =	vld.idx.msk [tilespmem:v45+s22+$0x0], $0xffff  }
0x279: {  	v43 =	vor.u32 s17, v6;
	v35 =	vld.idx.msk [tilespmem:v35+s22+$0x0], $0xffff  }
0x27a: {  	v44 =	vor.u32 s17, v8;
	v45 =	vld.idx.msk [tilespmem:v40+s22+$0x0], $0xffff;
	v40 =	vshll.u32 v43, $0x4  }
0x27b: {  	v43 =	vor.u32 s17, v12;
	v46 =	vld.idx.msk [tilespmem:v46+s22+$0x0], $0xffff;
	v54 =	vor.u32 v1, v40;
	v40 =	vshll.u32 v44, $0x4  }
0x27c: {  	v44 =	vor.u32 s17, v17;
	v37 =	vld.idx.msk [tilespmem:v37+s22+$0x0], $0xffff;
	v55 =	vor.u32 v1, v40;
	v40 =	vshll.u32 v43, $0x4  }
0x27d: {  	v43 =	vor.u32 s17, v20;
	v44 =	vshll.u32 v44, $0x4;
	v39 =	vld.idx.msk [tilespmem:v39+s22+$0x0], $0xffff;
	v56 =	vor.u32 v1, v40  }
0x27e: {  	v57 =	vor.u32 s17, v24;
	v43 =	vshll.u32 v43, $0x4;
	v40 =	vld.idx.msk [tilespmem:v52+s22+$0x0], $0xffff;
	v52 =	vor.u32 v1, v44  }
0x27f: {  	[tilespmem:v48+s1+$0x0] =	vst.idx.msk $0xffff, v41;
	v48 =	vor.u32 v1, v43;
	v41 =	vshll.u32 v57, $0x4  }
0x280: {  	v44 =	vor.u32 s17, v22;
	[tilespmem:v50+s1+$0x0] =	vst.idx.msk $0xffff, v47;
	v43 =	vor.u32 v1, v41  }
.Ltmp14:
0x281: {  	v47 =	vor.u32 s17, v28;
	v41 =	vor.u32 v1, v42;
	v42 =	vshll.u32 v44, $0x4;
	[tilespmem:v54+s1+$0x0] =	vst.idx.msk $0xffff, v49;
	(pc) =	sbr.rel @p1 .LBB2_21-.Ltmp14, $4  }
0x282: {  	v49 =	vor.u32 s17, v30;
	v42 =	vor.u32 v1, v42;
	v44 =	vshll.u32 v47, $0x4;
	[tilespmem:v55+s1+$0x0] =	vst.idx.msk $0xffff, v51  }
0x283: {  	v47 =	vor.u32 s17, v29;
	v44 =	vor.u32 v1, v44;
	[tilespmem:v56+s1+$0x0] =	vst.idx.msk $0xffff, v45;
	v45 =	vshll.u32 v49, $0x4  }
0x284: {  	v49 =	vor.u32 s17, v26;
	[tilespmem:v52+s1+$0x0] =	vst.idx.msk $0xffff, v46;
	v45 =	vor.u32 v1, v45;
	v46 =	vshll.u32 v47, $0x4  }
0x285: {  	v47 =	vor.u32 s17, v13;
	[tilespmem:v48+s1+$0x0] =	vst.idx.msk $0xffff, v53;
	v46 =	vor.u32 v1, v46;
	v48 =	vshll.u32 v49, $0x4  }
0x286: {  	_ = 	snop  }
0x287: {  	p1 =	sgt.u32 s10, $0x4F  }
0x288: {  	s5 =	sadd.s32 @!p1 $0xD, s16  }
0x289: {  	s31 =	sand.u32 @!p1 $0xFFFF, s5  }
0x28a: {  	[tilespmem:v43+s1+$0x0] =	vst.idx.msk $0xffff, v38;
	s31 =	smul.u32 @!p1 $0x47AF, s31  }
0x28b: {  	v2 =	vor.u32 s17, v7;
	v3 =	vor.u32 v1, v48;
	v4 =	vshll.u32 v47, $0x4;
	[tilespmem:v41+s1+$0x0] =	vst.idx.msk $0xffff, v34  }
0x28c: {  	v4 =	vor.u32 v1, v4;
	v2 =	vshll.u32 v2, $0x4;
	[tilespmem:v42+s1+$0x0] =	vst.idx.msk $0xffff, v36;
	s17 =	sshrl.u32 @!p1 s31, $0x10  }
0x28d: {  	v1 =	vor.u32 v1, v2;
	[tilespmem:v44+s1+$0x0] =	vst.idx.msk $0xffff, v40;
	s31 =	ssub.s32 @!p1 s5, s17  }
0x28e: {  	s13 =	sshll.u32 s13, $0x10;
	s11 =	smul.u32 $0x190000, s11;
	[tilespmem:v45+s1+$0x0] =	vst.idx.msk $0xffff, v39;
	s31 =	sand.u32 @!p1 $0xFFFE, s31  }
0x28f: {  	s13 =	sor.u32 s14, s13;
	[tilespmem:v46+s1+$0x0] =	vst.idx.msk $0xffff, v37;
	s31 =	sshrl.u32 @!p1 s31, $0x1  }
0x290: {  	s11 =	sadd.s32 s11, s13;
	[tilespmem:v3+s1+$0x0] =	vst.idx.msk $0xffff, v35;
	s13 =	sadd.s32 @!p1 s17, s31  }
0x291: {  	s11 =	sshrl.u32 s11, $0x3;
	[tilespmem:v4+s1+$0x0] =	vst.idx.msk $0xffff, v18;
	s13 =	sshrl.u32 @!p1 s13, $0x4  }
0x292: {  	s11 =	sadd.s32 s6, s11;
	[tilespmem:v1+s1+$0x0] =	vst.idx.msk $0xffff, v11;
	s17 =	smul.u32 @!p1 $0x19, s13  }
0x293: {  	[hbm4b:s11+s3] =	stream.linear.scatter [tilespmem:s1], [sflag:$0xE], $0x800, $0x38;
	[tilespmem:$0x8080] =	vst v63  }
0x294: {  	s5 =	ssub.s32 @!p1 s5, s17  }
0x295: {  	s5 =	sshll.u32 @!p1 s5, $0x5  }
0x296: {  	s5 =	sand.u32 @!p1 $0xFFE0, s5  }
0x297: {  	s5 =	sor.u32 @!p1 s5, s4  }
0x298: {  	s11 =	smul.u32 @!p1 $0x187000, s13;
	s5 =	smin.u32 @!p1 s5, $0x30D  }
0x299: {  	s5 =	sshll.u32 @!p1 s5, $0xA  }
0x29a: {  	s5 =	sadd.s32 @!p1 s11, s5  }
0x29b: {  	s13 =	simm.s32 @!p1 $0xC3800;
	s5 =	sshrl.u32 @!p1 s5, $0x3  }
0x29c: {  	s17 =	simm.s32 @!p1 $0x2800;
	s11 =	simm.s32 @!p1 $0x400;
	s5 =	sadd.s32 @!p1 s2, s5  }
0x29d: {  	[tilespmem:s17], [sflag:$0x6] =	stream.strided.gather @!p1 [hbm4b:s5+s11], $0x800, s13, s11, $0x38;
	[tilespmem:$0x8080] =	vst v63  }
.LBB2_23:
0x29e: {  	s5 =	sor.u32 $0x6, s16  }
0x29f: {  	p1 =	sgt.u32 s5, $0x289  }
.Ltmp15:
0x2a0: {  	_ = 	snop;
	(pc) =	sbr.rel @p1 .LBB2_27-.Ltmp15, $1  }
0x2a1: {  	_ =	sdelay $0x3  }
0x2a2: {  	_ =	swait.ge [sflag:s0], $0x800  }
0x2a3: {  	[sflag:s0] =	ssyncset.done $0x0  }
0x2a4: {  	s11 =	simm.s32 @!p0 $0xF;
	[sflag:s0] =	ssyncadd.s32 $0xFFFFF800  }
0x2a5: {  	_ =	swait.ge @!p0 [sflag:s11], $0x800  }
0x2a6: {  	[sflag:s11] =	ssyncset.done @!p0 $0x0  }
0x2a7: {  	[sflag:s11] =	ssyncadd.s32 @!p0 $0xFFFFF800  }
0x2a8: {  	v1 =	vld [tilespmem:$0x8000];
	_ =	sdelay $0x4  }
0x2a9: {  	v2 =	vand.u32 $0xF, v1;
	v3 =	vshll.u32 v1, $0x7;
	v4 =	vadd.s32 $0x1, v1  }
0x2aa: {  	v6 =	vadd.s32 $0x2, v1;
	v7 =	vadd.s32 $0x3, v1;
	v11 =	vadd.s32 $0x4, v1  }
0x2ab: {  	v13 =	vadd.s32 $0xE, v1;
	v17 =	vadd.s32 $0x5, v1;
	v20 =	vadd.s32 $0x6, v1  }
0x2ac: {  	v22 =	vadd.s32 $0x9, v1;
	v24 =	vadd.s32 $0x7, v1;
	v26 =	vadd.s32 $0xD, v1  }
0x2ad: {  	v31 =	vadd.s32 $0xA, v1;
	v33 =	vadd.s32 $0xB, v1;
	v4 =	vand.u32 $0xF, v4  }
0x2ae: {  	s17 =	simm.s32 $0x0;
	v6 =	vand.u32 $0xF, v6;
	v8 =	vand.u32 $0xF, v7;
	v7 =	vadd.s32 $0xFFFFFFFF, v1  }
0x2af: {  	v12 =	vand.u32 $0xF, v11;
	v13 =	vand.u32 $0xF, v13;
	v35 =	vor.u32 s17, v2  }
0x2b0: {  	v17 =	vand.u32 $0xF, v17;
	v16 =	vor.u32 v3, v13;
	v25 =	vor.u32 v3, v35  }
0x2b1: {  	v20 =	vand.u32 $0xF, v20;
	v5 =	vor.u32 v3, v4;
	v18 =	vor.u32 s17, v16  }
0x2b2: {  	v22 =	vand.u32 $0xF, v22;
	v9 =	vor.u32 v3, v6;
	v27 =	vor.u32 s17, v5  }
0x2b3: {  	v24 =	vand.u32 $0xF, v24;
	v37 =	vxor.u32 $0x8, v35;
	v28 =	vor.u32 s17, v9  }
0x2b4: {  	v26 =	vand.u32 $0xF, v26;
	v10 =	vor.u32 v3, v8;
	v29 =	vor.u32 v3, v37  }
0x2b5: {  	v7 =	vand.u32 $0xF, v7;
	v23 =	vor.u32 v3, v22;
	v30 =	vor.u32 s17, v10;
	v41 =	vld.idx.msk [tilespmem:v25+s23+$0x0], $0xffff  }
0x2b6: {  	v15 =	vor.u32 v3, v12;
	v21 =	vor.u32 v3, v20;
	v32 =	vor.u32 s17, v23;
	v18 =	vld.idx.msk [tilespmem:v18+s23+$0x0], $0xffff  }
0x2b7: {  	v19 =	vor.u32 v3, v17;
	v58 =	vor.u32 s17, v4;
	v38 =	vor.u32 s17, v21;
	v42 =	vld.idx.msk [tilespmem:v27+s23+$0x0], $0xffff  }
0x2b8: {  	v59 =	vshll.u32 v35, $0x4;
	v14 =	vor.u32 v3, v7;
	v43 =	vor.u32 s17, v15;
	v44 =	vld.idx.msk [tilespmem:v28+s23+$0x0], $0xffff  }
0x2b9: {  	v60 =	vor.u32 s17, v6;
	v46 =	vor.u32 s17, v19;
	v11 =	vor.u32 s17, v14;
	v34 =	vld.idx.msk [tilespmem:v29+s23+$0x0], $0xffff  }
0x2ba: {  	v25 =	vor.u32 v3, v24;
	v28 =	vand.u32 $0xF, v31;
	v31 =	vadd.s32 $0xC, v1;
	v45 =	vld.idx.msk [tilespmem:v30+s23+$0x0], $0xffff  }
0x2bb: {  	v27 =	vor.u32 v3, v26;
	v39 =	vor.u32 s17, v25;
	v36 =	vld.idx.msk [tilespmem:v32+s23+$0x0], $0xffff;
	v29 =	vand.u32 $0xF, v31  }
0x2bc: {  	v30 =	vand.u32 $0xF, v33;
	v48 =	vld.idx.msk [tilespmem:v38+s23+$0x0], $0xffff;
	v40 =	vor.u32 s17, v27;
	v31 =	vor.u32 v3, v29  }
0x2bd: {  	v61 =	vor.u32 s17, v8;
	v54 =	vld.idx.msk [tilespmem:v43+s23+$0x0], $0xffff;
	v33 =	vor.u32 v3, v30;
	v47 =	vor.u32 s17, v31  }
0x2be: {  	v49 =	vshll.u32 v37, $0x4;
	v46 =	vld.idx.msk [tilespmem:v46+s23+$0x0], $0xffff;
	v32 =	vor.u32 v3, v28;
	v50 =	vor.u32 s17, v33  }
0x2bf: {  	v37 =	vshll.u32 v58, $0x4;
	v52 =	vor.u32 v1, v59;
	v11 =	vld.idx.msk [tilespmem:v11+s23+$0x0], $0xffff;
	v51 =	vor.u32 s17, v32  }
0x2c0: {  	v62 =	vor.u32 s17, v12;
	v53 =	vor.u32 v1, v37;
	v37 =	vshll.u32 v60, $0x4;
	v38 =	vld.idx.msk [tilespmem:v39+s23+$0x0], $0xffff  }
0x2c1: {  	v63 =	vor.u32 s17, v17;
	v55 =	vor.u32 v1, v37;
	v39 =	vshll.u32 v61, $0x4;
	v35 =	vld.idx.msk [tilespmem:v40+s23+$0x0], $0xffff  }
0x2c2: {  	v56 =	vor.u32 s17, v20;
	v40 =	vshll.u32 v62, $0x4;
	v37 =	vld.idx.msk [tilespmem:v47+s23+$0x0], $0xffff;
	v47 =	vor.u32 v1, v39  }
0x2c3: {  	v57 =	vor.u32 s17, v24;
	v43 =	vshll.u32 v63, $0x4;
	v39 =	vld.idx.msk [tilespmem:v50+s23+$0x0], $0xffff;
	v50 =	vor.u32 v1, v40  }
0x2c4: {  	v60 =	vshll.u32 v56, $0x4;
	v63 =	vor.u32 s17, v28;
	v40 =	vld.idx.msk [tilespmem:v51+s23+$0x0], $0xffff;
	v51 =	vor.u32 v1, v43;
	[tilespmem:v52+s7+$0x0] =	vst.idx.msk $0xffff, v41  }
0x2c5: {  	s31 =	smulhi.u32 $0x51EB851F, s5;
	v58 =	vor.u32 s17, v30;
	v61 =	vshll.u32 v57, $0x4;
	v52 =	vor.u32 v1, v60;
	[tilespmem:v53+s7+$0x0] =	vst.idx.msk $0xffff, v42  }
0x2c6: {  	v59 =	vshll.u32 v63, $0x4;
	v62 =	vor.u32 s17, v22;
	v43 =	vor.u32 v1, v61;
	[tilespmem:v55+s7+$0x0] =	vst.idx.msk $0xffff, v44  }
0x2c7: {  	s11 =	sshrl.u32 s31, $0x3;
	v57 =	vshll.u32 v62, $0x4;
	v62 =	vor.u32 s17, v26;
	v41 =	vor.u32 v1, v49;
	[tilespmem:v47+s7+$0x0] =	vst.idx.msk $0xffff, v45  }
0x2c8: {  	s13 =	smul.u32 $0x19, s11;
	v60 =	vor.u32 s17, v29;
	v61 =	vshll.u32 v58, $0x4;
	v42 =	vor.u32 v1, v57;
	[tilespmem:v50+s7+$0x0] =	vst.idx.msk $0xffff, v54  }
0x2c9: {  	v63 =	vshll.u32 v60, $0x4;
	v44 =	vor.u32 v1, v59;
	v45 =	vor.u32 v1, v61;
	[tilespmem:v51+s7+$0x0] =	vst.idx.msk $0xffff, v46  }
0x2ca: {  	s13 =	ssub.s32 s5, s13;
	s5 =	simm.s32 $0x10;
	v47 =	vor.u32 s17, v13;
	v46 =	vor.u32 v1, v63;
	[tilespmem:v52+s7+$0x0] =	vst.idx.msk $0xffff, v48;
	v48 =	vshll.u32 v62, $0x4  }
.LBB2_25:
0x2cb: {  	p1 =	sne.s32 s5, $0x70;
	v49 =	vor.u32 s17, v7;
	[tilespmem:v43+s7+$0x0] =	vst.idx.msk $0xffff, v38;
	v38 =	vor.u32 v1, v48;
	v43 =	vshll.u32 v47, $0x4;
	s17 =	smov.u32 s5;
	s5 =	sadd.s32 $0x10, s5  }
0x2cc: {  	[tilespmem:v41+s7+$0x0] =	vst.idx.msk $0xffff, v34;
	v34 =	vor.u32 v1, v43;
	v41 =	vshll.u32 v49, $0x4  }
0x2cd: {  	[tilespmem:v42+s7+$0x0] =	vst.idx.msk $0xffff, v36;
	v36 =	vor.u32 v1, v41  }
0x2ce: {  	[tilespmem:v44+s7+$0x0] =	vst.idx.msk $0xffff, v40  }
0x2cf: {  	v40 =	vor.u32 s17, v14;
	[tilespmem:v45+s7+$0x0] =	vst.idx.msk $0xffff, v39  }
0x2d0: {  	v41 =	vor.u32 s17, v16;
	v39 =	vor.u32 s17, v2;
	[tilespmem:v46+s7+$0x0] =	vst.idx.msk $0xffff, v37  }
0x2d1: {  	v37 =	vor.u32 v3, v39;
	v42 =	vxor.u32 $0x8, v39;
	[tilespmem:v38+s7+$0x0] =	vst.idx.msk $0xffff, v35  }
0x2d2: {  	v35 =	vor.u32 s17, v5;
	v38 =	vor.u32 v3, v42;
	v42 =	vshll.u32 v42, $0x4;
	[tilespmem:v34+s7+$0x0] =	vst.idx.msk $0xffff, v18  }
0x2d3: {  	v34 =	vor.u32 s17, v9;
	[tilespmem:v36+s7+$0x0] =	vst.idx.msk $0xffff, v11  }
0x2d4: {  	v43 =	vor.u32 s17, v23;
	v36 =	vor.u32 s17, v10;
	v11 =	vld.idx.msk [tilespmem:v40+s23+$0x0], $0xffff  }
0x2d5: {  	v44 =	vor.u32 s17, v21;
	v45 =	vor.u32 s17, v25;
	v40 =	vor.u32 s17, v15;
	v18 =	vld.idx.msk [tilespmem:v41+s23+$0x0], $0xffff  }
0x2d6: {  	v46 =	vor.u32 s17, v19;
	v39 =	vshll.u32 v39, $0x4;
	v41 =	vld.idx.msk [tilespmem:v37+s23+$0x0], $0xffff;
	v37 =	vor.u32 s17, v4  }
0x2d7: {  	v48 =	vor.u32 v1, v39;
	v47 =	vld.idx.msk [tilespmem:v35+s23+$0x0], $0xffff;
	v35 =	vshll.u32 v37, $0x4  }
0x2d8: {  	v49 =	vld.idx.msk [tilespmem:v34+s23+$0x0], $0xffff;
	v50 =	vor.u32 v1, v35  }
0x2d9: {  	v35 =	vor.u32 s17, v27;
	v34 =	vld.idx.msk [tilespmem:v38+s23+$0x0], $0xffff  }
0x2da: {  	v52 =	vor.u32 s17, v32;
	v39 =	vor.u32 s17, v33;
	v37 =	vor.u32 s17, v31;
	v51 =	vld.idx.msk [tilespmem:v36+s23+$0x0], $0xffff  }
0x2db: {  	v36 =	vld.idx.msk [tilespmem:v43+s23+$0x0], $0xffff  }
0x2dc: {  	v53 =	vld.idx.msk [tilespmem:v44+s23+$0x0], $0xffff  }
0x2dd: {  	v38 =	vld.idx.msk [tilespmem:v45+s23+$0x0], $0xffff  }
0x2de: {  	v43 =	vor.u32 s17, v6;
	v35 =	vld.idx.msk [tilespmem:v35+s23+$0x0], $0xffff  }
0x2df: {  	v44 =	vor.u32 s17, v8;
	v45 =	vld.idx.msk [tilespmem:v40+s23+$0x0], $0xffff;
	v40 =	vshll.u32 v43, $0x4  }
0x2e0: {  	v43 =	vor.u32 s17, v12;
	v46 =	vld.idx.msk [tilespmem:v46+s23+$0x0], $0xffff;
	v54 =	vor.u32 v1, v40;
	v40 =	vshll.u32 v44, $0x4  }
0x2e1: {  	v44 =	vor.u32 s17, v17;
	v37 =	vld.idx.msk [tilespmem:v37+s23+$0x0], $0xffff;
	v55 =	vor.u32 v1, v40;
	v40 =	vshll.u32 v43, $0x4  }
0x2e2: {  	v43 =	vor.u32 s17, v20;
	v44 =	vshll.u32 v44, $0x4;
	v39 =	vld.idx.msk [tilespmem:v39+s23+$0x0], $0xffff;
	v56 =	vor.u32 v1, v40  }
0x2e3: {  	v57 =	vor.u32 s17, v24;
	v43 =	vshll.u32 v43, $0x4;
	v40 =	vld.idx.msk [tilespmem:v52+s23+$0x0], $0xffff;
	v52 =	vor.u32 v1, v44  }
0x2e4: {  	[tilespmem:v48+s7+$0x0] =	vst.idx.msk $0xffff, v41;
	v48 =	vor.u32 v1, v43;
	v41 =	vshll.u32 v57, $0x4  }
0x2e5: {  	v44 =	vor.u32 s17, v22;
	[tilespmem:v50+s7+$0x0] =	vst.idx.msk $0xffff, v47;
	v43 =	vor.u32 v1, v41  }
.Ltmp16:
0x2e6: {  	v47 =	vor.u32 s17, v28;
	v41 =	vor.u32 v1, v42;
	v42 =	vshll.u32 v44, $0x4;
	[tilespmem:v54+s7+$0x0] =	vst.idx.msk $0xffff, v49;
	(pc) =	sbr.rel @p1 .LBB2_25-.Ltmp16, $4  }
0x2e7: {  	v49 =	vor.u32 s17, v30;
	v42 =	vor.u32 v1, v42;
	v44 =	vshll.u32 v47, $0x4;
	[tilespmem:v55+s7+$0x0] =	vst.idx.msk $0xffff, v51  }
0x2e8: {  	v47 =	vor.u32 s17, v29;
	v44 =	vor.u32 v1, v44;
	[tilespmem:v56+s7+$0x0] =	vst.idx.msk $0xffff, v45;
	v45 =	vshll.u32 v49, $0x4  }
0x2e9: {  	v49 =	vor.u32 s17, v26;
	[tilespmem:v52+s7+$0x0] =	vst.idx.msk $0xffff, v46;
	v45 =	vor.u32 v1, v45;
	v46 =	vshll.u32 v47, $0x4  }
0x2ea: {  	v47 =	vor.u32 s17, v13;
	[tilespmem:v48+s7+$0x0] =	vst.idx.msk $0xffff, v53;
	v46 =	vor.u32 v1, v46;
	v48 =	vshll.u32 v49, $0x4  }
0x2eb: {  	_ = 	snop  }
0x2ec: {  	p1 =	sgt.u32 s10, $0x4F  }
0x2ed: {  	s5 =	sadd.s32 @!p1 $0xE, s16  }
0x2ee: {  	s31 =	sand.u32 @!p1 $0xFFFF, s5  }
0x2ef: {  	[tilespmem:v43+s7+$0x0] =	vst.idx.msk $0xffff, v38;
	s31 =	smul.u32 @!p1 $0x47AF, s31  }
0x2f0: {  	v2 =	vor.u32 s17, v7;
	v3 =	vor.u32 v1, v48;
	v4 =	vshll.u32 v47, $0x4;
	[tilespmem:v41+s7+$0x0] =	vst.idx.msk $0xffff, v34  }
0x2f1: {  	v4 =	vor.u32 v1, v4;
	v2 =	vshll.u32 v2, $0x4;
	[tilespmem:v42+s7+$0x0] =	vst.idx.msk $0xffff, v36;
	s17 =	sshrl.u32 @!p1 s31, $0x10  }
0x2f2: {  	v1 =	vor.u32 v1, v2;
	[tilespmem:v44+s7+$0x0] =	vst.idx.msk $0xffff, v40;
	s31 =	ssub.s32 @!p1 s5, s17  }
0x2f3: {  	s13 =	sshll.u32 s13, $0x10;
	s11 =	smul.u32 $0x190000, s11;
	[tilespmem:v45+s7+$0x0] =	vst.idx.msk $0xffff, v39;
	s31 =	sand.u32 @!p1 $0xFFFE, s31  }
0x2f4: {  	s13 =	sor.u32 s14, s13;
	[tilespmem:v46+s7+$0x0] =	vst.idx.msk $0xffff, v37;
	s31 =	sshrl.u32 @!p1 s31, $0x1  }
0x2f5: {  	s11 =	sadd.s32 s11, s13;
	[tilespmem:v3+s7+$0x0] =	vst.idx.msk $0xffff, v35;
	s13 =	sadd.s32 @!p1 s17, s31  }
0x2f6: {  	s11 =	sshrl.u32 s11, $0x3;
	[tilespmem:v4+s7+$0x0] =	vst.idx.msk $0xffff, v18;
	s13 =	sshrl.u32 @!p1 s13, $0x4  }
0x2f7: {  	s11 =	sadd.s32 s6, s11;
	[tilespmem:v1+s7+$0x0] =	vst.idx.msk $0xffff, v11;
	s17 =	smul.u32 @!p1 $0x19, s13  }
0x2f8: {  	[hbm4b:s11+s3] =	stream.linear.scatter [tilespmem:s7], [sflag:$0xF], $0x800, $0x38;
	[tilespmem:$0x8080] =	vst v63  }
0x2f9: {  	s5 =	ssub.s32 @!p1 s5, s17  }
0x2fa: {  	s5 =	sshll.u32 @!p1 s5, $0x5  }
0x2fb: {  	s5 =	sand.u32 @!p1 $0xFFE0, s5  }
0x2fc: {  	s5 =	sor.u32 @!p1 s5, s4  }
0x2fd: {  	s11 =	smul.u32 @!p1 $0x187000, s13;
	s5 =	smin.u32 @!p1 s5, $0x30D  }
0x2fe: {  	s5 =	sshll.u32 @!p1 s5, $0xA  }
0x2ff: {  	s5 =	sadd.s32 @!p1 s11, s5  }
0x300: {  	s13 =	simm.s32 @!p1 $0xC3800;
	s5 =	sshrl.u32 @!p1 s5, $0x3  }
0x301: {  	s17 =	simm.s32 @!p1 $0x3000;
	s11 =	simm.s32 @!p1 $0x400;
	s5 =	sadd.s32 @!p1 s2, s5  }
0x302: {  	[tilespmem:s17], [sflag:$0x7] =	stream.strided.gather @!p1 [hbm4b:s5+s11], $0x800, s13, s11, $0x38;
	[tilespmem:$0x8080] =	vst v63  }
.LBB2_27:
0x303: {  	s5 =	sor.u32 $0x7, s16  }
0x304: {  	p1 =	sgt.u32 s5, $0x289  }
.Ltmp17:
0x305: {  	_ = 	snop;
	(pc) =	sbr.rel @p1 .LBB2_31-.Ltmp17, $1  }
0x306: {  	_ =	sdelay $0x3  }
0x307: {  	_ =	swait.ge [sflag:s8], $0x800  }
0x308: {  	[sflag:s8] =	ssyncset.done $0x0  }
0x309: {  	s11 =	simm.s32 @!p0 $0x10;
	[sflag:s8] =	ssyncadd.s32 $0xFFFFF800  }
0x30a: {  	_ =	swait.ge @!p0 [sflag:s11], $0x800  }
0x30b: {  	[sflag:s11] =	ssyncset.done @!p0 $0x0  }
0x30c: {  	[sflag:s11] =	ssyncadd.s32 @!p0 $0xFFFFF800  }
0x30d: {  	v1 =	vld [tilespmem:$0x8000];
	_ =	sdelay $0x4  }
0x30e: {  	v2 =	vand.u32 $0xF, v1;
	v3 =	vshll.u32 v1, $0x7;
	v4 =	vadd.s32 $0x1, v1  }
0x30f: {  	v6 =	vadd.s32 $0x2, v1;
	v7 =	vadd.s32 $0x3, v1;
	v11 =	vadd.s32 $0x4, v1  }
0x310: {  	v13 =	vadd.s32 $0xE, v1;
	v17 =	vadd.s32 $0x5, v1;
	v20 =	vadd.s32 $0x6, v1  }
0x311: {  	v22 =	vadd.s32 $0x9, v1;
	v24 =	vadd.s32 $0x7, v1;
	v26 =	vadd.s32 $0xD, v1  }
0x312: {  	v31 =	vadd.s32 $0xA, v1;
	v33 =	vadd.s32 $0xB, v1;
	v4 =	vand.u32 $0xF, v4  }
0x313: {  	s17 =	simm.s32 $0x0;
	v6 =	vand.u32 $0xF, v6;
	v8 =	vand.u32 $0xF, v7;
	v7 =	vadd.s32 $0xFFFFFFFF, v1  }
0x314: {  	v12 =	vand.u32 $0xF, v11;
	v13 =	vand.u32 $0xF, v13;
	v35 =	vor.u32 s17, v2  }
0x315: {  	v17 =	vand.u32 $0xF, v17;
	v16 =	vor.u32 v3, v13;
	v25 =	vor.u32 v3, v35  }
0x316: {  	v20 =	vand.u32 $0xF, v20;
	v5 =	vor.u32 v3, v4;
	v18 =	vor.u32 s17, v16  }
0x317: {  	v22 =	vand.u32 $0xF, v22;
	v9 =	vor.u32 v3, v6;
	v27 =	vor.u32 s17, v5  }
0x318: {  	v24 =	vand.u32 $0xF, v24;
	v37 =	vxor.u32 $0x8, v35;
	v28 =	vor.u32 s17, v9  }
0x319: {  	v26 =	vand.u32 $0xF, v26;
	v10 =	vor.u32 v3, v8;
	v29 =	vor.u32 v3, v37  }
0x31a: {  	v7 =	vand.u32 $0xF, v7;
	v23 =	vor.u32 v3, v22;
	v30 =	vor.u32 s17, v10;
	v41 =	vld.idx.msk [tilespmem:v25+s24+$0x0], $0xffff  }
0x31b: {  	v15 =	vor.u32 v3, v12;
	v21 =	vor.u32 v3, v20;
	v32 =	vor.u32 s17, v23;
	v18 =	vld.idx.msk [tilespmem:v18+s24+$0x0], $0xffff  }
0x31c: {  	v19 =	vor.u32 v3, v17;
	v58 =	vor.u32 s17, v4;
	v38 =	vor.u32 s17, v21;
	v42 =	vld.idx.msk [tilespmem:v27+s24+$0x0], $0xffff  }
0x31d: {  	v59 =	vshll.u32 v35, $0x4;
	v14 =	vor.u32 v3, v7;
	v43 =	vor.u32 s17, v15;
	v44 =	vld.idx.msk [tilespmem:v28+s24+$0x0], $0xffff  }
0x31e: {  	v60 =	vor.u32 s17, v6;
	v46 =	vor.u32 s17, v19;
	v11 =	vor.u32 s17, v14;
	v34 =	vld.idx.msk [tilespmem:v29+s24+$0x0], $0xffff  }
0x31f: {  	v25 =	vor.u32 v3, v24;
	v28 =	vand.u32 $0xF, v31;
	v31 =	vadd.s32 $0xC, v1;
	v45 =	vld.idx.msk [tilespmem:v30+s24+$0x0], $0xffff  }
0x320: {  	v27 =	vor.u32 v3, v26;
	v39 =	vor.u32 s17, v25;
	v36 =	vld.idx.msk [tilespmem:v32+s24+$0x0], $0xffff;
	v29 =	vand.u32 $0xF, v31  }
0x321: {  	v30 =	vand.u32 $0xF, v33;
	v48 =	vld.idx.msk [tilespmem:v38+s24+$0x0], $0xffff;
	v40 =	vor.u32 s17, v27;
	v31 =	vor.u32 v3, v29  }
0x322: {  	v61 =	vor.u32 s17, v8;
	v54 =	vld.idx.msk [tilespmem:v43+s24+$0x0], $0xffff;
	v33 =	vor.u32 v3, v30;
	v47 =	vor.u32 s17, v31  }
0x323: {  	v49 =	vshll.u32 v37, $0x4;
	v46 =	vld.idx.msk [tilespmem:v46+s24+$0x0], $0xffff;
	v32 =	vor.u32 v3, v28;
	v50 =	vor.u32 s17, v33  }
0x324: {  	v37 =	vshll.u32 v58, $0x4;
	v52 =	vor.u32 v1, v59;
	v11 =	vld.idx.msk [tilespmem:v11+s24+$0x0], $0xffff;
	v51 =	vor.u32 s17, v32  }
0x325: {  	v62 =	vor.u32 s17, v12;
	v53 =	vor.u32 v1, v37;
	v37 =	vshll.u32 v60, $0x4;
	v38 =	vld.idx.msk [tilespmem:v39+s24+$0x0], $0xffff  }
0x326: {  	v63 =	vor.u32 s17, v17;
	v55 =	vor.u32 v1, v37;
	v39 =	vshll.u32 v61, $0x4;
	v35 =	vld.idx.msk [tilespmem:v40+s24+$0x0], $0xffff  }
0x327: {  	v56 =	vor.u32 s17, v20;
	v40 =	vshll.u32 v62, $0x4;
	v37 =	vld.idx.msk [tilespmem:v47+s24+$0x0], $0xffff;
	v47 =	vor.u32 v1, v39  }
0x328: {  	v57 =	vor.u32 s17, v24;
	v43 =	vshll.u32 v63, $0x4;
	v39 =	vld.idx.msk [tilespmem:v50+s24+$0x0], $0xffff;
	v50 =	vor.u32 v1, v40  }
0x329: {  	v60 =	vshll.u32 v56, $0x4;
	v63 =	vor.u32 s17, v28;
	v40 =	vld.idx.msk [tilespmem:v51+s24+$0x0], $0xffff;
	v51 =	vor.u32 v1, v43;
	[tilespmem:v52+s9+$0x0] =	vst.idx.msk $0xffff, v41  }
0x32a: {  	s31 =	smulhi.u32 $0x51EB851F, s5;
	v58 =	vor.u32 s17, v30;
	v61 =	vshll.u32 v57, $0x4;
	v52 =	vor.u32 v1, v60;
	[tilespmem:v53+s9+$0x0] =	vst.idx.msk $0xffff, v42  }
0x32b: {  	v59 =	vshll.u32 v63, $0x4;
	v62 =	vor.u32 s17, v22;
	v43 =	vor.u32 v1, v61;
	[tilespmem:v55+s9+$0x0] =	vst.idx.msk $0xffff, v44  }
0x32c: {  	s11 =	sshrl.u32 s31, $0x3;
	v57 =	vshll.u32 v62, $0x4;
	v62 =	vor.u32 s17, v26;
	v41 =	vor.u32 v1, v49;
	[tilespmem:v47+s9+$0x0] =	vst.idx.msk $0xffff, v45  }
0x32d: {  	s13 =	smul.u32 $0x19, s11;
	v60 =	vor.u32 s17, v29;
	v61 =	vshll.u32 v58, $0x4;
	v42 =	vor.u32 v1, v57;
	[tilespmem:v50+s9+$0x0] =	vst.idx.msk $0xffff, v54  }
0x32e: {  	v63 =	vshll.u32 v60, $0x4;
	v44 =	vor.u32 v1, v59;
	v45 =	vor.u32 v1, v61;
	[tilespmem:v51+s9+$0x0] =	vst.idx.msk $0xffff, v46  }
0x32f: {  	s13 =	ssub.s32 s5, s13;
	s5 =	simm.s32 $0x10;
	v47 =	vor.u32 s17, v13;
	v46 =	vor.u32 v1, v63;
	[tilespmem:v52+s9+$0x0] =	vst.idx.msk $0xffff, v48;
	v48 =	vshll.u32 v62, $0x4  }
.LBB2_29:
0x330: {  	p0 =	sne.s32 s5, $0x70;
	v49 =	vor.u32 s17, v7;
	[tilespmem:v43+s9+$0x0] =	vst.idx.msk $0xffff, v38;
	v38 =	vor.u32 v1, v48;
	v43 =	vshll.u32 v47, $0x4;
	s17 =	smov.u32 s5;
	s5 =	sadd.s32 $0x10, s5  }
0x331: {  	[tilespmem:v41+s9+$0x0] =	vst.idx.msk $0xffff, v34;
	v34 =	vor.u32 v1, v43;
	v41 =	vshll.u32 v49, $0x4  }
0x332: {  	[tilespmem:v42+s9+$0x0] =	vst.idx.msk $0xffff, v36;
	v36 =	vor.u32 v1, v41  }
0x333: {  	[tilespmem:v44+s9+$0x0] =	vst.idx.msk $0xffff, v40  }
0x334: {  	v40 =	vor.u32 s17, v14;
	[tilespmem:v45+s9+$0x0] =	vst.idx.msk $0xffff, v39  }
0x335: {  	v41 =	vor.u32 s17, v16;
	v39 =	vor.u32 s17, v2;
	[tilespmem:v46+s9+$0x0] =	vst.idx.msk $0xffff, v37  }
0x336: {  	v37 =	vor.u32 v3, v39;
	v42 =	vxor.u32 $0x8, v39;
	[tilespmem:v38+s9+$0x0] =	vst.idx.msk $0xffff, v35  }
0x337: {  	v35 =	vor.u32 s17, v5;
	v38 =	vor.u32 v3, v42;
	v42 =	vshll.u32 v42, $0x4;
	[tilespmem:v34+s9+$0x0] =	vst.idx.msk $0xffff, v18  }
0x338: {  	v34 =	vor.u32 s17, v9;
	[tilespmem:v36+s9+$0x0] =	vst.idx.msk $0xffff, v11  }
0x339: {  	v43 =	vor.u32 s17, v23;
	v36 =	vor.u32 s17, v10;
	v11 =	vld.idx.msk [tilespmem:v40+s24+$0x0], $0xffff  }
0x33a: {  	v44 =	vor.u32 s17, v21;
	v45 =	vor.u32 s17, v25;
	v40 =	vor.u32 s17, v15;
	v18 =	vld.idx.msk [tilespmem:v41+s24+$0x0], $0xffff  }
0x33b: {  	v46 =	vor.u32 s17, v19;
	v39 =	vshll.u32 v39, $0x4;
	v41 =	vld.idx.msk [tilespmem:v37+s24+$0x0], $0xffff;
	v37 =	vor.u32 s17, v4  }
0x33c: {  	v48 =	vor.u32 v1, v39;
	v47 =	vld.idx.msk [tilespmem:v35+s24+$0x0], $0xffff;
	v35 =	vshll.u32 v37, $0x4  }
0x33d: {  	v49 =	vld.idx.msk [tilespmem:v34+s24+$0x0], $0xffff;
	v50 =	vor.u32 v1, v35  }
0x33e: {  	v35 =	vor.u32 s17, v27;
	v34 =	vld.idx.msk [tilespmem:v38+s24+$0x0], $0xffff  }
0x33f: {  	v52 =	vor.u32 s17, v32;
	v39 =	vor.u32 s17, v33;
	v37 =	vor.u32 s17, v31;
	v51 =	vld.idx.msk [tilespmem:v36+s24+$0x0], $0xffff  }
0x340: {  	v36 =	vld.idx.msk [tilespmem:v43+s24+$0x0], $0xffff  }
0x341: {  	v53 =	vld.idx.msk [tilespmem:v44+s24+$0x0], $0xffff  }
0x342: {  	v38 =	vld.idx.msk [tilespmem:v45+s24+$0x0], $0xffff  }
0x343: {  	v43 =	vor.u32 s17, v6;
	v35 =	vld.idx.msk [tilespmem:v35+s24+$0x0], $0xffff  }
0x344: {  	v44 =	vor.u32 s17, v8;
	v45 =	vld.idx.msk [tilespmem:v40+s24+$0x0], $0xffff;
	v40 =	vshll.u32 v43, $0x4  }
0x345: {  	v43 =	vor.u32 s17, v12;
	v46 =	vld.idx.msk [tilespmem:v46+s24+$0x0], $0xffff;
	v54 =	vor.u32 v1, v40;
	v40 =	vshll.u32 v44, $0x4  }
0x346: {  	v44 =	vor.u32 s17, v17;
	v37 =	vld.idx.msk [tilespmem:v37+s24+$0x0], $0xffff;
	v55 =	vor.u32 v1, v40;
	v40 =	vshll.u32 v43, $0x4  }
0x347: {  	v43 =	vor.u32 s17, v20;
	v44 =	vshll.u32 v44, $0x4;
	v39 =	vld.idx.msk [tilespmem:v39+s24+$0x0], $0xffff;
	v56 =	vor.u32 v1, v40  }
0x348: {  	v57 =	vor.u32 s17, v24;
	v43 =	vshll.u32 v43, $0x4;
	v40 =	vld.idx.msk [tilespmem:v52+s24+$0x0], $0xffff;
	v52 =	vor.u32 v1, v44  }
0x349: {  	[tilespmem:v48+s9+$0x0] =	vst.idx.msk $0xffff, v41;
	v48 =	vor.u32 v1, v43;
	v41 =	vshll.u32 v57, $0x4  }
0x34a: {  	v44 =	vor.u32 s17, v22;
	[tilespmem:v50+s9+$0x0] =	vst.idx.msk $0xffff, v47;
	v43 =	vor.u32 v1, v41  }
.Ltmp18:
0x34b: {  	v47 =	vor.u32 s17, v28;
	v41 =	vor.u32 v1, v42;
	v42 =	vshll.u32 v44, $0x4;
	[tilespmem:v54+s9+$0x0] =	vst.idx.msk $0xffff, v49;
	(pc) =	sbr.rel @p0 .LBB2_29-.Ltmp18, $4  }
0x34c: {  	v49 =	vor.u32 s17, v30;
	v42 =	vor.u32 v1, v42;
	v44 =	vshll.u32 v47, $0x4;
	[tilespmem:v55+s9+$0x0] =	vst.idx.msk $0xffff, v51  }
0x34d: {  	v47 =	vor.u32 s17, v29;
	v44 =	vor.u32 v1, v44;
	[tilespmem:v56+s9+$0x0] =	vst.idx.msk $0xffff, v45;
	v45 =	vshll.u32 v49, $0x4  }
0x34e: {  	v49 =	vor.u32 s17, v26;
	[tilespmem:v52+s9+$0x0] =	vst.idx.msk $0xffff, v46;
	v45 =	vor.u32 v1, v45;
	v46 =	vshll.u32 v47, $0x4  }
0x34f: {  	v47 =	vor.u32 s17, v13;
	[tilespmem:v48+s9+$0x0] =	vst.idx.msk $0xffff, v53;
	v46 =	vor.u32 v1, v46;
	v48 =	vshll.u32 v49, $0x4  }
0x350: {  	_ = 	snop  }
0x351: {  	p0 =	sgt.u32 s10, $0x4F  }
0x352: {  	s5 =	sadd.s32 @!p0 $0xF, s16  }
0x353: {  	s16 =	sand.u32 @!p0 $0xFFFF, s5  }
0x354: {  	[tilespmem:v43+s9+$0x0] =	vst.idx.msk $0xffff, v38;
	s16 =	smul.u32 @!p0 $0x47AF, s16  }
0x355: {  	v2 =	vor.u32 s17, v7;
	v3 =	vor.u32 v1, v48;
	v4 =	vshll.u32 v47, $0x4;
	[tilespmem:v41+s9+$0x0] =	vst.idx.msk $0xffff, v34  }
0x356: {  	v4 =	vor.u32 v1, v4;
	v2 =	vshll.u32 v2, $0x4;
	[tilespmem:v42+s9+$0x0] =	vst.idx.msk $0xffff, v36;
	s16 =	sshrl.u32 @!p0 s16, $0x10  }
0x357: {  	v1 =	vor.u32 v1, v2;
	[tilespmem:v44+s9+$0x0] =	vst.idx.msk $0xffff, v40;
	s17 =	ssub.s32 @!p0 s5, s16  }
0x358: {  	s13 =	sshll.u32 s13, $0x10;
	s11 =	smul.u32 $0x190000, s11;
	[tilespmem:v45+s9+$0x0] =	vst.idx.msk $0xffff, v39;
	s17 =	sand.u32 @!p0 $0xFFFE, s17  }
0x359: {  	s13 =	sor.u32 s14, s13;
	[tilespmem:v46+s9+$0x0] =	vst.idx.msk $0xffff, v37;
	s17 =	sshrl.u32 @!p0 s17, $0x1  }
0x35a: {  	s11 =	sadd.s32 s11, s13;
	[tilespmem:v3+s9+$0x0] =	vst.idx.msk $0xffff, v35;
	s13 =	sadd.s32 @!p0 s16, s17  }
0x35b: {  	s11 =	sshrl.u32 s11, $0x3;
	[tilespmem:v4+s9+$0x0] =	vst.idx.msk $0xffff, v18;
	s13 =	sshrl.u32 @!p0 s13, $0x4  }
0x35c: {  	s11 =	sadd.s32 s6, s11;
	[tilespmem:v1+s9+$0x0] =	vst.idx.msk $0xffff, v11;
	s16 =	smul.u32 @!p0 $0x19, s13  }
0x35d: {  	[hbm4b:s11+s3] =	stream.linear.scatter [tilespmem:s9], [sflag:$0x10], $0x800, $0x38;
	[tilespmem:$0x8080] =	vst v63  }
0x35e: {  	s5 =	ssub.s32 @!p0 s5, s16  }
0x35f: {  	s5 =	sshll.u32 @!p0 s5, $0x5  }
0x360: {  	s5 =	sand.u32 @!p0 $0xFFE0, s5  }
0x361: {  	s5 =	sor.u32 @!p0 s5, s4  }
0x362: {  	s11 =	smul.u32 @!p0 $0x187000, s13;
	s5 =	smin.u32 @!p0 s5, $0x30D  }
.Ltmp19:
0x363: {  	s5 =	sshll.u32 @!p0 s5, $0xA;
	(pc) =	sbr.rel .LBB2_31-.Ltmp19, $4  }
0x364: {  	s5 =	sadd.s32 @!p0 s11, s5  }
0x365: {  	s13 =	simm.s32 @!p0 $0xC3800;
	s5 =	sshrl.u32 @!p0 s5, $0x3  }
0x366: {  	s16 =	simm.s32 @!p0 $0x3800;
	s11 =	simm.s32 @!p0 $0x400;
	s5 =	sadd.s32 @!p0 s2, s5  }
0x367: {  	[tilespmem:s16], [sflag:$0x8] =	stream.strided.gather @!p0 [hbm4b:s5+s11], $0x800, s13, s11, $0x38;
	[tilespmem:$0x8080] =	vst v63  }
.LBB2_33:
0x368: {  	_ =	sfence.sel $0x180000  }
0x369: {  	[bflag:$0x0] =	sbarrier.arrive $0xFFFF  }
0x36a: {  	_ =	strace $0x90000047  }
0x36b: {  	s0 =	stileid.u32;
	[bflag:$0x2] =	sbarrier.arrive $0xFFFF  }
0x36c: {  	p0 =	sne.s32 s0, $0x0;
	s0 =	rddreg [dreg:$0x2]  }
0x36d: {  	s0 =	sadd.s32 @!p0 $0x100000, s0  }
0x36e: {  	[sflag:s0] =	ssyncadd.tile.s32 @!p0 $0x1;
	_ =	shalt  }
.Lfunc_end2:
_tile_overlayer_lowered:
.L_overlay_start_2:
0x36f: {  	(tag) =	ssettag $0x2  }
0x370: {  	s0 =	rddreg [dreg:$0x0];
	s2 =	stileid.u32  }
0x371: {  	s1 =	rddreg [dreg:$0x1];
	p0 =	sne.s32 s2, $0x0  }
0x372: {  	s3 =	rddreg [dreg:$0x2];
	[bflag:$0x3] =	sbarrier.arrive $0xFFFF;
	s2 =	simm.s32 @!p0 $0x1C11  }
0x373: {  	[timem:s3], [sflag:s2] =	dma.local @!p0 [hbm:s0], s1  }
0x374: {  	s0 =	simm.s32 @!p0 $0x11  }
0x375: {  	_ =	swait.ge @!p0 [sflag:s0], s1  }
0x376: {  	s1 =	ssub.s32 @!p0 $0x0, s1;
	[sflag:s0] =	ssyncset.done @!p0 $0x0  }
0x377: {  	[sflag:s0] =	ssyncadd.s32 @!p0 s1  }
0x378: {  	[bflag:$0x3] =	sbarrier.arrive $0xFFFF  }
0x379: {  	_ =	shalt  }

// kernel: kernel.7.cloned.1.call-start
scs
__scs_entry_jumppad:
0x0: {  	(pc) =	sbr.rel $0x88, $3  }
0x1: {  	(tag) =	ssettag $0x0;
	lr =	simm.s32 $0x1  }
0x2: {  	[smem:$0x3F9F] =	sst lr;
	_ =	strace $0xD0000000  }
0x3: {  	_ = 	snop  }
0x4: {  	_ = 	snop  }
0x5: {  	_ = 	snop  }
0x6: {  	_ = 	snop  }
0x7: {  	_ = 	snop  }
__scs_overlays_trampoline_lowered:
0x8: {  	[smem:$0x3FAE] =	sst s0  }
0x9: {  	[smem:$0x3FAF] =	sst s1  }
0xa: {  	[smem:$0x3FB0] =	sst s2  }
0xb: {  	[smem:$0x3FB1] =	sst s3  }
0xc: {  	[smem:$0x3FB2] =	sst s4  }
0xd: {  	[smem:$0x3FB3] =	sst s5  }
0xe: {  	[smem:$0x3FB4] =	sst s6  }
0xf: {  	[smem:$0x3FB5] =	sst s7  }
0x10: {  	[smem:$0x3FB6] =	sst s8  }
0x11: {  	[smem:$0x3FB7] =	sst s9;
	s0 =	simm.s32 @!p0 $0x0  }
0x12: {  	s1 =	sld [smem:$0x3F9D];
	s0 =	simm.s32 @p0 $0x1  }
0x13: {  	[smem:$0x3FB8] =	sst s0;
	s0 =	simm.s32 @!p1 $0x0  }
0x14: {  	s2 =	sld [smem:$0x3F9C];
	s0 =	simm.s32 @p1 $0x1  }
0x15: {  	[smem:$0x3FB9] =	sst s0;
	s0 =	simm.s32 @!p2 $0x0  }
0x16: {  	s3 =	sld [smem:$0x3FDB];
	s0 =	simm.s32 @p2 $0x1  }
0x17: {  	s4 =	simm.s32 $0x1BF5;
	[smem:$0x3FBB] =	sst s0  }
0x18: {  	s0 =	sld [smem:$0x3F9E];
	_ =	swait.ge [sflag:s4], $0x0  }
0x19: {  	s7 =	sld [smem:$0x3F9F]  }
0x1a: {  	s8 =	sadd.s32 $0xFFFFE003, lr  }
0x1b: {  	s9 =	sadd.s32 $0xFFFFFEF7, lr;
	s5 =	simm.s32 $0xFFFFFFFF;
	p2 =	slt.u32 s8, $0xFFFFF086  }
0x1c: {  	p1 =	slt.u32 s9, $0xF7A;
	s5 =	simm.s32 @!p2 $0x0  }
0x1d: {  	s5 =	simm.s32 @p1 $0x1;
	p0 =	seq.s32 s7, s2  }
0x1e: {  	s7 =	smul.u32 @!p0 $0xF7A, s2;
	p2 =	seq.s32 @!p0 s5, $0x0  }
0x1f: {  	s9 =	smul.u32 $0xF7A, s1;
	s8 =	simm.s32 @!p0 $0x1BF5;
	p2 =	por !p2, p0  }
0x20: {  	[sflag:s8] =	ssyncset.s32 @!p0 $0xFFFFF086;
	s6 =	sadd.s32 @!p0 s3, s7;
	s7 =	simm.s32 @!p0 $0x108  }
0x21: {  	s3 =	sadd.s32 s3, s9;
	s6 =	sadd.s32 @!p0 $0x88, s6;
	s7 =	simm.s32 @p2 $0x1082  }
0x22: {  	[simem:s7], [sflag:s8] =	dma.local @!p0 [hbm:s6], $0xF7A  }
0x23: {  	s9 =	sor.u32 $0xD0000000, s2;
	s6 =	simm.s32 $0x108;
	_ =	swait.ge @!p0 [sflag:s8], $0x0  }
0x24: {  	s3 =	sadd.s32 $0x88, s3;
	s6 =	simm.s32 @!p1 $0x1082;
	[sflag:s4] =	ssyncset.s32 $0xFFFFF086  }
0x25: {  	[simem:s6], [sflag:s4] =	dma.local [hbm:s3], $0xF7A  }
0x26: {  	[smem:$0x3F9F] =	sst s1;
	(tag) =	ssettag s2;
	_ =	strace s9  }
0x27: {  	s1 =	sld [smem:$0x3FAF]  }
0x28: {  	s2 =	sld [smem:$0x3FB0]  }
0x29: {  	s4 =	sld [smem:$0x3FB2]  }
0x2a: {  	p0 =	seq.s32 s5, $0x0;
	s5 =	sld [smem:$0x3FB3]  }
0x2b: {  	s6 =	sld [smem:$0x3FB4]  }
0x2c: {  	s7 =	sld [smem:$0x3FB5]  }
0x2d: {  	s3 =	simm.s32 $0x108;
	s8 =	sld [smem:$0x3FB6]  }
0x2e: {  	s3 =	simm.s32 @!p0 $0x1082;
	s9 =	sld [smem:$0x3FB7]  }
0x2f: {  	lr =	sadd.s32 s0, s3;
	s0 =	sld [smem:$0x3FAE]  }
0x30: {  	s3 =	sld [smem:$0x3FB1]  }
0x31: {  	[smem:$0x3FBA] =	sst s10  }
0x32: {  	s10 =	sld [smem:$0x3FB8];
	_ =	sdelay $0x3  }
0x33: {  	p0 =	seq.s32 s10, $0x1;
	s10 =	sld [smem:$0x3FBA];
	_ =	sdelay $0x3  }
0x34: {  	[smem:$0x3FBA] =	sst s10  }
0x35: {  	s10 =	sld [smem:$0x3FB9];
	_ =	sdelay $0x3  }
0x36: {  	p1 =	seq.s32 s10, $0x1;
	s10 =	sld [smem:$0x3FBA];
	_ =	sdelay $0x3  }
0x37: {  	[smem:$0x3FBA] =	sst s10  }
0x38: {  	s10 =	sld [smem:$0x3FBB]  }
0x39: {  	_ = 	snop;
	(pc) =	sbr.ind lr, $3  }
0x3a: {  	_ = 	snop  }
0x3b: {  	_ = 	snop  }
0x3c: {  	p2 =	seq.s32 s10, $0x1;
	s10 =	sld [smem:$0x3FBA]  }
0x3d: {  	_ =	shalt  }
0x3e: {  	_ =	shalt  }
0x3f: {  	_ =	shalt  }
0x40: {  	_ =	shalt  }
0x41: {  	_ =	shalt  }
0x42: {  	_ =	shalt  }
0x43: {  	_ =	shalt  }
0x44: {  	_ =	shalt  }
0x45: {  	_ =	shalt  }
0x46: {  	_ =	shalt  }
0x47: {  	_ =	shalt  }
0x48: {  	_ =	shalt  }
0x49: {  	_ =	shalt  }
0x4a: {  	_ =	shalt  }
0x4b: {  	_ =	shalt  }
0x4c: {  	_ =	shalt  }
0x4d: {  	_ =	shalt  }
0x4e: {  	_ =	shalt  }
0x4f: {  	_ =	shalt  }
0x50: {  	_ =	shalt  }
0x51: {  	_ =	shalt  }
0x52: {  	_ =	shalt  }
0x53: {  	_ =	shalt  }
0x54: {  	_ =	shalt  }
0x55: {  	_ =	shalt  }
0x56: {  	_ =	shalt  }
0x57: {  	_ =	shalt  }
0x58: {  	_ =	shalt  }
0x59: {  	_ =	shalt  }
0x5a: {  	_ =	shalt  }
0x5b: {  	_ =	shalt  }
0x5c: {  	_ =	shalt  }
0x5d: {  	_ =	shalt  }
0x5e: {  	_ =	shalt  }
0x5f: {  	_ =	shalt  }
0x60: {  	_ =	shalt  }
0x61: {  	_ =	shalt  }
0x62: {  	_ =	shalt  }
0x63: {  	_ =	shalt  }
0x64: {  	_ =	shalt  }
0x65: {  	_ =	shalt  }
0x66: {  	_ =	shalt  }
0x67: {  	_ =	shalt  }
0x68: {  	_ =	shalt  }
0x69: {  	_ =	shalt  }
0x6a: {  	_ =	shalt  }
0x6b: {  	_ =	shalt  }
0x6c: {  	_ =	shalt  }
0x6d: {  	_ =	shalt  }
0x6e: {  	_ =	shalt  }
0x6f: {  	_ =	shalt  }
0x70: {  	_ =	shalt  }
0x71: {  	_ =	shalt  }
0x72: {  	_ =	shalt  }
0x73: {  	_ =	shalt  }
0x74: {  	_ =	shalt  }
0x75: {  	_ =	shalt  }
0x76: {  	_ =	shalt  }
0x77: {  	_ =	shalt  }
0x78: {  	_ =	shalt  }
0x79: {  	_ =	shalt  }
0x7a: {  	_ =	shalt  }
0x7b: {  	_ =	shalt  }
0x7c: {  	_ =	shalt  }
0x7d: {  	_ =	shalt  }
0x7e: {  	_ =	shalt  }
0x7f: {  	_ =	shalt  }
0x80: {  	_ =	shalt  }
0x81: {  	_ =	shalt  }
0x82: {  	_ =	shalt  }
0x83: {  	_ =	shalt  }
0x84: {  	_ =	shalt  }
0x85: {  	_ =	shalt  }
0x86: {  	_ =	shalt  }
0x87: {  	_ =	shalt  }
.Lfunc_end0:
.L_simem_size_0:
called_computation.1_lowered:
.L_overlay_start_0:
0x88: {  	s2 =	sld [smem:$0x3FD9]  }
0x89: {  	s3 =	sld [smem:$0x3FFE];
	_ =	sdelay $0x1  }
0x8a: {  	s1 =	srdreg.scid  }
0x8b: {  	s0 =	sand.u32 $0x1, s1  }
0x8c: {  	s17 =	sshll.u32 s0, $0xA;
	s2 =	sadd.s32 s3, s2  }
0x8d: {  	s2 =	sadd.s32 s2, s17  }
0x8e: {  	[smem:$0x3FC6] =	sst s2  }
0x8f: {  	_ = 	snop  }
0x90: {  	s2 =	sld [smem:$0x3FD0];
	(tm) =	ssettm $0x1  }
0x91: {  	s18 =	sld [smem:$0x3FFB];
	_ =	sdelay $0x3  }
0x92: {  	_ =	strace s18  }
0x93: {  	s3 =	sld [smem:$0x3FFC];
	_ =	sdelay $0x3  }
0x94: {  	_ =	strace s3  }
0x95: {  	s3 =	sld [smem:$0x3FFD];
	_ =	sdelay $0x3  }
0x96: {  	_ =	strace s3  }
0x97: {  	_ =	strace $0x8FFFFFFF  }
0x98: {  	s19 =	sld [smem:$0x3FDB];
	_ =	sdelay $0x1  }
0x99: {  	s4 =	simm.s32 $_scs_section_size  }
0x9a: {  	s5 =	simm.s32 $_size__tile_overlayer_lowered;
	s6 =	simm.s32 $_tile_overlayer_lowered  }
0x9b: {  	s22 =	simm.s32 $0x1BFF;
	s21 =	sshll.u32 s6, $0x1;
	s3 =	sadd.s32 s4, s19  }
0x9c: {  	s7 =	simm.s32 $0x0;
	s20 =	sshll.u32 s5, $0x1;
	s5 =	sadd.s32 s21, s3  }
0x9d: {  	[timem:s7], [sflag:s22] =	dma.local [hbm:s5], s20  }
0x9e: {  	_ =	swait.ge [sflag:s22], s20  }
0x9f: {  	s4 =	ssub.s32 $0x0, s20;
	[sflag:s22] =	ssyncset.done $0x0  }
0xa0: {  	[sflag:s22] =	ssyncadd.s32 s4;
	_ =	sdelay $0x1  }
0xa1: {  	s23 =	simm.s32 $0x1B8B  }
0xa2: {  	_ =	swait.ge [sflag:s23], $0x1  }
0xa3: {  	[sflag:s23] =	ssyncset.done $0x0  }
0xa4: {  	s25 =	simm.s32 $0x1B8E;
	s24 =	sld [smem:$0x3FFE];
	[sflag:s23] =	ssyncadd.s32 $0xFFFFFFFF  }
0xa5: {  	s26 =	simm.s32 $execute0_lowered;
	[smem:$0x3FD2] =	sst s25  }
0xa6: {  	s5 =	sshll.u32 s26, $0x1;
	_ =	strace $0x80000049;
	[dreg:$0x1] =	wrdreg $0xFFFFFFFF  }
0xa7: {  	s28 =	simm.s32 $_size_execute0_lowered;
	s3 =	sadd.s32 s3, s5;
	[dreg:$0x0] =	wrdreg $0x0  }
0xa8: {  	s5 =	sshll.u32 s28, $0x1;
	[dreg:$0x2] =	wrdreg s3  }
0xa9: {  	[dreg:$0x3] =	wrdreg s5  }
0xaa: {  	[dreg:$0x4] =	wrdreg $0xC0  }
0xab: {  	_ =	task [dreg:s7], $0x5FFFF  }
0xac: {  	[dreg:$0x1] =	wrdreg $0xFFFFFFFF  }
0xad: {  	[dreg:$0x0] =	wrdreg $0x60  }
0xae: {  	[dreg:$0x2] =	wrdreg s24  }
0xaf: {  	[dreg:$0x3] =	wrdreg s2  }
0xb0: {  	[dreg:$0x4] =	wrdreg $0x9  }
0xb1: {  	_ =	task.clear_ibuf [dreg:s7], $0x5FFFF;
	_ =	strace $0x90000049  }
0xb2: {  	s29 =	simm.s32 $0x9;
	_ =	strace $0x8000004B  }
0xb3: {  	_ =	swait.ge [sflag:s29], $0x1  }
0xb4: {  	[sflag:s29] =	ssyncadd.s32 $0xFFFFFFFF  }
0xb5: {  	_ =	strace $0x9000004B  }
0xb6: {  	_ =	sfence  }
0xb7: {  	s30 =	sld [smem:$0x0];
	_ =	sdelay $0x2  }
0xb8: {  	s31 =	sshll.u32 s1, $0xD;
	s1 =	sshrl.u32 s1, $0x2  }
0xb9: {  	s3 =	sand.u32 $0x4000, s31;
	s1 =	sadd.s32 s1, s30  }
0xba: {  	s0 =	sor.u32 s3, s0;
	s1 =	sshll.u32 s1, $0x11  }
0xbb: {  	s0 =	sor.u32 s1, s0  }
0xbc: {  	s0 =	sadd.s32 $0x8F2B, s0  }
0xbd: {  	[sflag:s0] =	ssyncadd.remote.s32 $0x1  }
0xbe: {  	_ =	sfence.sel $0xFFFF  }
0xbf: {  	[dreg:$0x0] =	wrdreg $0xFFFFFFFF;
	(pc) =	sbr.abs _section_cstart, $3  }
0xc0: {  	[dreg:$0x1] =	wrdreg $0xFFFFFFFF  }
0xc1: {  	_ =	task.clear_ibuf [dreg:s7], $0x2FFFF;
	_ =	strace $0x9FFFFFFF  }
0xc2: {  	(tm) =	ssettm $0x7FFFFFFF  }
0xc3: {  	_ =	shalt  }
tec
execute0_lowered:
.L_overlay_start_1:
0x0: {  	(tag) =	ssettag $0x1  }
0x1: {  	s0 =	rddreg [dreg:$0x0]  }
0x2: {  	s1 =	rddreg [dreg:$0x1];
	s3 =	srdreg.scid  }
0x3: {  	s4 =	stileid.u32;
	s2 =	simm.s32 $0x0;
	s28 =	simm.s32 $0x1A00  }
0x4: {  	s29 =	simm.s32 $0x2;
	s30 =	simm.s32 $0x1380;
	s31 =	simm.s32 $0x8200  }
0x5: {  	s3 =	sand.u32 $0x1, s3;
	s4 =	sshll.u32 s4, $0x1;
	[smem:$0x7FF] =	sst s2  }
0x6: {  	s7 =	sadd.s32 $0x514C00, s0;
	s26 =	sadd.s32 $0x514A00, s0;
	s5 =	sor.u32 s3, s4  }
0x7: {  	_ =	strace $0x8000004A;
	s3 =	ssub.s32 $0x2, s3;
	s6 =	smul.u32 $0x680, s5  }
0x8: {  	[dreg:$0x3] =	wrdreg s26;
	s15 =	smul.u32 $0x3400, s5;
	s8 =	sshrl.u32 s3, $0x1  }
0x9: {  	s4 =	sadd.s32 $0xA00, s0;
	s5 =	smul.u32 $0x6800, s5;
	s0 =	ssub.s32 s3, s8  }
0xa: {  	s9 =	sadd.s32 s7, s6;
	s10 =	sadd.s32 $0x680, s15;
	s12 =	sadd.s32 $0xD00, s15  }
0xb: {  	s14 =	sadd.s32 $0x1380, s15;
	s5 =	sadd.s32 s1, s5;
	s17 =	sadd.s32 $0x1A00, s15  }
0xc: {  	s20 =	sadd.s32 $0x2080, s15;
	s23 =	sadd.s32 $0x2700, s15;
	s18 =	sadd.s32 $0x2D80, s15  }
0xd: {  	[dreg:$0x4] =	wrdreg s9;
	s11 =	sshrl.u32 s10, $0x3;
	s13 =	sshrl.u32 s12, $0x3  }
0xe: {  	[dreg:$0x7] =	wrdreg s5;
	s16 =	sshrl.u32 s14, $0x3;
	s3 =	sshll.u32 s10, $0x1  }
0xf: {  	s19 =	sshrl.u32 s17, $0x3;
	s21 =	sshll.u32 s12, $0x1;
	s22 =	sshll.u32 s14, $0x1  }
0x10: {  	s24 =	sshrl.u32 s23, $0x3;
	s5 =	sshll.u32 s17, $0x1;
	s17 =	sshrl.u32 s18, $0x3  }
0x11: {  	s25 =	sshll.u32 s20, $0x1;
	s26 =	sshll.u32 s18, $0x1;
	s6 =	sadd.s32 s7, s11  }
0x12: {  	s9 =	sadd.s32 s7, s16;
	s10 =	sadd.s32 s1, s3;
	s11 =	sadd.s32 s7, s19  }
0x13: {  	s12 =	sadd.s32 s1, s21;
	s14 =	sadd.s32 s1, s22;
	s15 =	sadd.s32 s7, s24  }
0x14: {  	s16 =	sadd.s32 s1, s5;
	s17 =	sadd.s32 s7, s17;
	s3 =	sshll.u32 s23, $0x1  }
0x15: {  	s18 =	sadd.s32 s1, s25;
	s21 =	smax.u32 s0, $0x1;
	s23 =	simm.s32 $0x7  }
0x16: {  	s24 =	simm.s32 $0x680;
	s25 =	simm.s32 $0x1;
	s0 =	simm.s32 $0x3  }
0x17: {  	s22 =	simm.s32 $0x4;
	s5 =	simm.s32 $0x0;
	[dreg:$0x5] =	wrdreg s6  }
0x18: {  	s6 =	sadd.s32 s7, s13;
	s13 =	sshrl.u32 s20, $0x3;
	s19 =	sadd.s32 s1, s3  }
0x19: {  	s20 =	sadd.s32 s1, s26;
	s26 =	simm.s32 $0xD00;
	s1 =	simm.s32 $0x5  }
0x1a: {  	s3 =	simm.s32 $0x6;
	[dreg:$0x6] =	wrdreg s6;
	s13 =	sadd.s32 s7, s13  }
.LBB2_1:
0x1b: {  	s6 =	rddreg [dreg:$0x3];
	s7 =	simm.s32 $0xEA00  }
0x1c: {  	[tilespmem:s7], [sflag:$0x7] =	stream.linear.gather [hbm4b:s6+s2], $0x680, $0x38;
	[tilespmem:$0xF080] =	vst v63  }
0x1d: {  	_ =	swait.ge [sflag:s23], $0x680  }
0x1e: {  	[sflag:s23] =	ssyncset.done $0x0  }
0x1f: {  	s7 =	rddreg [dreg:$0x4];
	[sflag:s23] =	ssyncadd.s32 $0xFFFFF980  }
0x20: {  	[tilespmem:s2], [sflag:$0x1] =	stream.linear.gather [hbm4b:s7+s2], $0x680, $0x38;
	[tilespmem:$0xF080] =	vst v63  }
0x21: {  	s8 =	rddreg [dreg:$0x5]  }
0x22: {  	[tilespmem:s24], [sflag:$0x2] =	stream.linear.gather [hbm4b:s8+s2], $0x680, $0x38;
	[tilespmem:$0xF080] =	vst v63  }
0x23: {  	_ =	swait.ge [sflag:s25], $0x680  }
0x24: {  	[sflag:s25] =	ssyncset.done $0x0  }
0x25: {  	s6 =	simm.s32 $0x0;
	[sflag:s25] =	ssyncadd.s32 $0xFFFFF980  }
0x26: {  	v0 =	vld [tilespmem:s6+$0x0]  }
0x27: {  	s7 =	simm.s32 $0x40;
	v1 =	vld [tilespmem:s6+$0xEA00]  }
.LBB2_2:
0x28: {  	p0 =	sne.s32 s7, $0x19C0  }
.Ltmp0:
0x29: {  	_ = 	snop;
	(pc) =	sbr.rel @p0 .LBB2_2-.Ltmp0, $4  }
0x2a: {  	_ = 	snop  }
0x2b: {  	s8 =	sshra.s32 s7, $0x2  }
0x2c: {  	s7 =	sadd.s32 $0x40, s7;
	v2 =	vadd.s32 v0, v1;
	v0 =	vld [tilespmem:s8+$0x0]  }
0x2d: {  	v1 =	vld [tilespmem:s8+$0xEA00];
	[tilespmem:s6+$0xD00] =	vst v2;
	s6 =	smov.u32 s8  }
0x2e: {  	_ =	sdelay $0x3  }
0x2f: {  	v0 =	vadd.s32 v0, v1  }
0x30: {  	[tilespmem:s6+$0xD00] =	vst v0  }
0x31: {  	[tilespmem:s28], [sflag:$0x3] =	stream.indirect.gather [hbm4b:s4+s24], $0x10, s26, s24, $0xb8;
	[tilespmem:$0xF080] =	vst v63  }
0x32: {  	s8 =	simm.s32 $0x0;
	s7 =	rddreg [dreg:$0x6]  }
0x33: {  	[tilespmem:s8], [sflag:$0x1] =	stream.linear.gather [hbm4b:s7+s8], $0x680, $0x38;
	[tilespmem:$0xF080] =	vst v63  }
0x34: {  	_ =	swait.ge [sflag:s29], $0x680  }
0x35: {  	[sflag:s29] =	ssyncset.done $0x0  }
0x36: {  	s6 =	simm.s32 $0x0;
	[sflag:s29] =	ssyncadd.s32 $0xFFFFF980  }
0x37: {  	v0 =	vld [tilespmem:s6+$0x680]  }
0x38: {  	s7 =	simm.s32 $0x40;
	v1 =	vld [tilespmem:s6+$0xEA00]  }
.LBB2_4:
0x39: {  	p0 =	sne.s32 s7, $0x19C0  }
.Ltmp1:
0x3a: {  	_ = 	snop;
	(pc) =	sbr.rel @p0 .LBB2_4-.Ltmp1, $4  }
0x3b: {  	_ = 	snop  }
0x3c: {  	s8 =	sshra.s32 s7, $0x2  }
0x3d: {  	s7 =	sadd.s32 $0x40, s7;
	v2 =	vadd.s32 v0, v1;
	v0 =	vld [tilespmem:s8+$0x680]  }
0x3e: {  	v1 =	vld [tilespmem:s8+$0xEA00];
	[tilespmem:s6+$0x1380] =	vst v2;
	s6 =	smov.u32 s8  }
0x3f: {  	_ =	sdelay $0x3  }
0x40: {  	v0 =	vadd.s32 v0, v1  }
0x41: {  	[tilespmem:s6+$0x1380] =	vst v0  }
0x42: {  	[tilespmem:s31], [sflag:$0x4] =	stream.indirect.gather [hbm4b:s4+s24], $0x10, s30, s24, $0xb8;
	[tilespmem:$0xF080] =	vst v63  }
0x43: {  	_ =	swait.ge [sflag:s0], $0x6800  }
0x44: {  	[sflag:s0] =	ssyncset.done $0x0  }
0x45: {  	s8 =	simm.s32 $0x0;
	s7 =	rddreg [dreg:$0x7];
	[sflag:s0] =	ssyncadd.s32 $0xFFFF9800  }
0x46: {  	[hbm4b:s7+s8] =	stream.linear.scatter [tilespmem:s28], [sflag:$0x5], $0x6800, $0x38;
	[tilespmem:$0xF080] =	vst v63  }
0x47: {  	_ = 	snop  }
0x48: {  	[tilespmem:s24], [sflag:$0x2] =	stream.linear.gather [hbm4b:s9+s8], $0x680, $0x38;
	[tilespmem:$0xF080] =	vst v63  }
0x49: {  	_ =	swait.ge [sflag:s25], $0x680  }
0x4a: {  	[sflag:s25] =	ssyncset.done $0x0  }
0x4b: {  	[sflag:s25] =	ssyncadd.s32 $0xFFFFF980  }
0x4c: {  	_ =	swait.ge [sflag:s1], $0x6800  }
0x4d: {  	[sflag:s1] =	ssyncset.done $0x0  }
0x4e: {  	s6 =	simm.s32 $0x0;
	[sflag:s1] =	ssyncadd.s32 $0xFFFF9800  }
0x4f: {  	v0 =	vld [tilespmem:s6+$0x0]  }
0x50: {  	s7 =	simm.s32 $0x40;
	v1 =	vld [tilespmem:s6+$0xEA00]  }
.LBB2_6:
0x51: {  	p0 =	sne.s32 s7, $0x19C0  }
.Ltmp2:
0x52: {  	_ = 	snop;
	(pc) =	sbr.rel @p0 .LBB2_6-.Ltmp2, $4  }
0x53: {  	_ = 	snop  }
0x54: {  	s8 =	sshra.s32 s7, $0x2  }
0x55: {  	s7 =	sadd.s32 $0x40, s7;
	v2 =	vadd.s32 v0, v1;
	v0 =	vld [tilespmem:s8+$0x0]  }
0x56: {  	v1 =	vld [tilespmem:s8+$0xEA00];
	[tilespmem:s6+$0xD00] =	vst v2;
	s6 =	smov.u32 s8  }
0x57: {  	_ =	sdelay $0x3  }
0x58: {  	v0 =	vadd.s32 v0, v1  }
0x59: {  	[tilespmem:s6+$0xD00] =	vst v0  }
0x5a: {  	[tilespmem:s28], [sflag:$0x3] =	stream.indirect.gather [hbm4b:s4+s24], $0x10, s26, s24, $0xb8;
	[tilespmem:$0xF080] =	vst v63  }
0x5b: {  	_ =	swait.ge [sflag:s22], $0x6800  }
0x5c: {  	[sflag:s22] =	ssyncset.done $0x0  }
0x5d: {  	s8 =	simm.s32 $0x0;
	[sflag:s22] =	ssyncadd.s32 $0xFFFF9800  }
0x5e: {  	[hbm4b:s10+s8] =	stream.linear.scatter [tilespmem:s31], [sflag:$0x6], $0x6800, $0x38;
	[tilespmem:$0xF080] =	vst v63  }
0x5f: {  	_ = 	snop  }
0x60: {  	[tilespmem:s8], [sflag:$0x1] =	stream.linear.gather [hbm4b:s11+s8], $0x680, $0x38;
	[tilespmem:$0xF080] =	vst v63  }
0x61: {  	_ =	swait.ge [sflag:s29], $0x680  }
0x62: {  	[sflag:s29] =	ssyncset.done $0x0  }
0x63: {  	[sflag:s29] =	ssyncadd.s32 $0xFFFFF980  }
0x64: {  	_ =	swait.ge [sflag:s3], $0x6800  }
0x65: {  	[sflag:s3] =	ssyncset.done $0x0  }
0x66: {  	s6 =	simm.s32 $0x0;
	[sflag:s3] =	ssyncadd.s32 $0xFFFF9800  }
0x67: {  	v0 =	vld [tilespmem:s6+$0x680]  }
0x68: {  	s7 =	simm.s32 $0x40;
	v1 =	vld [tilespmem:s6+$0xEA00]  }
.LBB2_8:
0x69: {  	p0 =	sne.s32 s7, $0x19C0  }
.Ltmp3:
0x6a: {  	_ = 	snop;
	(pc) =	sbr.rel @p0 .LBB2_8-.Ltmp3, $4  }
0x6b: {  	_ = 	snop  }
0x6c: {  	s8 =	sshra.s32 s7, $0x2  }
0x6d: {  	s7 =	sadd.s32 $0x40, s7;
	v2 =	vadd.s32 v0, v1;
	v0 =	vld [tilespmem:s8+$0x680]  }
0x6e: {  	v1 =	vld [tilespmem:s8+$0xEA00];
	[tilespmem:s6+$0x1380] =	vst v2;
	s6 =	smov.u32 s8  }
0x6f: {  	_ =	sdelay $0x3  }
0x70: {  	v0 =	vadd.s32 v0, v1  }
0x71: {  	[tilespmem:s6+$0x1380] =	vst v0  }
0x72: {  	[tilespmem:s31], [sflag:$0x4] =	stream.indirect.gather [hbm4b:s4+s24], $0x10, s30, s24, $0xb8;
	[tilespmem:$0xF080] =	vst v63  }
0x73: {  	_ =	swait.ge [sflag:s0], $0x6800  }
0x74: {  	[sflag:s0] =	ssyncset.done $0x0  }
0x75: {  	s8 =	simm.s32 $0x0;
	[sflag:s0] =	ssyncadd.s32 $0xFFFF9800  }
0x76: {  	[hbm4b:s12+s8] =	stream.linear.scatter [tilespmem:s28], [sflag:$0x5], $0x6800, $0x38;
	[tilespmem:$0xF080] =	vst v63  }
0x77: {  	_ = 	snop  }
0x78: {  	[tilespmem:s24], [sflag:$0x2] =	stream.linear.gather [hbm4b:s13+s8], $0x680, $0x38;
	[tilespmem:$0xF080] =	vst v63  }
0x79: {  	_ =	swait.ge [sflag:s25], $0x680  }
0x7a: {  	[sflag:s25] =	ssyncset.done $0x0  }
0x7b: {  	[sflag:s25] =	ssyncadd.s32 $0xFFFFF980  }
0x7c: {  	_ =	swait.ge [sflag:s1], $0x6800  }
0x7d: {  	[sflag:s1] =	ssyncset.done $0x0  }
0x7e: {  	s6 =	simm.s32 $0x0;
	[sflag:s1] =	ssyncadd.s32 $0xFFFF9800  }
0x7f: {  	v0 =	vld [tilespmem:s6+$0x0]  }
0x80: {  	s7 =	simm.s32 $0x40;
	v1 =	vld [tilespmem:s6+$0xEA00]  }
.LBB2_10:
0x81: {  	p0 =	sne.s32 s7, $0x19C0  }
.Ltmp4:
0x82: {  	_ = 	snop;
	(pc) =	sbr.rel @p0 .LBB2_10-.Ltmp4, $4  }
0x83: {  	_ = 	snop  }
0x84: {  	s8 =	sshra.s32 s7, $0x2  }
0x85: {  	s7 =	sadd.s32 $0x40, s7;
	v2 =	vadd.s32 v0, v1;
	v0 =	vld [tilespmem:s8+$0x0]  }
0x86: {  	v1 =	vld [tilespmem:s8+$0xEA00];
	[tilespmem:s6+$0xD00] =	vst v2;
	s6 =	smov.u32 s8  }
0x87: {  	_ =	sdelay $0x3  }
0x88: {  	v0 =	vadd.s32 v0, v1  }
0x89: {  	[tilespmem:s6+$0xD00] =	vst v0  }
0x8a: {  	[tilespmem:s28], [sflag:$0x3] =	stream.indirect.gather [hbm4b:s4+s24], $0x10, s26, s24, $0xb8;
	[tilespmem:$0xF080] =	vst v63  }
0x8b: {  	_ =	swait.ge [sflag:s22], $0x6800  }
0x8c: {  	[sflag:s22] =	ssyncset.done $0x0  }
0x8d: {  	s8 =	simm.s32 $0x0;
	[sflag:s22] =	ssyncadd.s32 $0xFFFF9800  }
0x8e: {  	[hbm4b:s14+s8] =	stream.linear.scatter [tilespmem:s31], [sflag:$0x6], $0x6800, $0x38;
	[tilespmem:$0xF080] =	vst v63  }
0x8f: {  	_ = 	snop  }
0x90: {  	[tilespmem:s8], [sflag:$0x1] =	stream.linear.gather [hbm4b:s15+s8], $0x680, $0x38;
	[tilespmem:$0xF080] =	vst v63  }
0x91: {  	_ =	swait.ge [sflag:s29], $0x680  }
0x92: {  	[sflag:s29] =	ssyncset.done $0x0  }
0x93: {  	[sflag:s29] =	ssyncadd.s32 $0xFFFFF980  }
0x94: {  	_ =	swait.ge [sflag:s3], $0x6800  }
0x95: {  	[sflag:s3] =	ssyncset.done $0x0  }
0x96: {  	s6 =	simm.s32 $0x0;
	[sflag:s3] =	ssyncadd.s32 $0xFFFF9800  }
0x97: {  	v0 =	vld [tilespmem:s6+$0x680]  }
0x98: {  	s7 =	simm.s32 $0x40;
	v1 =	vld [tilespmem:s6+$0xEA00]  }
.LBB2_12:
0x99: {  	p0 =	sne.s32 s7, $0x19C0  }
.Ltmp5:
0x9a: {  	_ = 	snop;
	(pc) =	sbr.rel @p0 .LBB2_12-.Ltmp5, $4  }
0x9b: {  	_ = 	snop  }
0x9c: {  	s8 =	sshra.s32 s7, $0x2  }
0x9d: {  	s7 =	sadd.s32 $0x40, s7;
	v2 =	vadd.s32 v0, v1;
	v0 =	vld [tilespmem:s8+$0x680]  }
0x9e: {  	v1 =	vld [tilespmem:s8+$0xEA00];
	[tilespmem:s6+$0x1380] =	vst v2;
	s6 =	smov.u32 s8  }
0x9f: {  	_ =	sdelay $0x3  }
0xa0: {  	v0 =	vadd.s32 v0, v1  }
0xa1: {  	[tilespmem:s6+$0x1380] =	vst v0  }
0xa2: {  	[tilespmem:s31], [sflag:$0x4] =	stream.indirect.gather [hbm4b:s4+s24], $0x10, s30, s24, $0xb8;
	[tilespmem:$0xF080] =	vst v63  }
0xa3: {  	_ =	swait.ge [sflag:s0], $0x6800  }
0xa4: {  	[sflag:s0] =	ssyncset.done $0x0  }
0xa5: {  	s8 =	simm.s32 $0x0;
	[sflag:s0] =	ssyncadd.s32 $0xFFFF9800  }
0xa6: {  	[hbm4b:s16+s8] =	stream.linear.scatter [tilespmem:s28], [sflag:$0x5], $0x6800, $0x38;
	[tilespmem:$0xF080] =	vst v63  }
0xa7: {  	_ = 	snop  }
0xa8: {  	[tilespmem:s24], [sflag:$0x2] =	stream.linear.gather [hbm4b:s17+s8], $0x680, $0x38;
	[tilespmem:$0xF080] =	vst v63  }
0xa9: {  	_ =	swait.ge [sflag:s25], $0x680  }
0xaa: {  	[sflag:s25] =	ssyncset.done $0x0  }
0xab: {  	[sflag:s25] =	ssyncadd.s32 $0xFFFFF980  }
0xac: {  	_ =	swait.ge [sflag:s1], $0x6800  }
0xad: {  	[sflag:s1] =	ssyncset.done $0x0  }
0xae: {  	s6 =	simm.s32 $0x0;
	[sflag:s1] =	ssyncadd.s32 $0xFFFF9800  }
0xaf: {  	v0 =	vld [tilespmem:s6+$0x0]  }
0xb0: {  	s7 =	simm.s32 $0x40;
	v1 =	vld [tilespmem:s6+$0xEA00]  }
.LBB2_14:
0xb1: {  	p0 =	sne.s32 s7, $0x19C0  }
.Ltmp6:
0xb2: {  	_ = 	snop;
	(pc) =	sbr.rel @p0 .LBB2_14-.Ltmp6, $4  }
0xb3: {  	_ = 	snop  }
0xb4: {  	s8 =	sshra.s32 s7, $0x2  }
0xb5: {  	s7 =	sadd.s32 $0x40, s7;
	v2 =	vadd.s32 v0, v1;
	v0 =	vld [tilespmem:s8+$0x0]  }
0xb6: {  	v1 =	vld [tilespmem:s8+$0xEA00];
	[tilespmem:s6+$0xD00] =	vst v2;
	s6 =	smov.u32 s8  }
0xb7: {  	_ =	sdelay $0x3  }
0xb8: {  	v0 =	vadd.s32 v0, v1  }
0xb9: {  	[tilespmem:s6+$0xD00] =	vst v0  }
0xba: {  	[tilespmem:s28], [sflag:$0x3] =	stream.indirect.gather [hbm4b:s4+s24], $0x10, s26, s24, $0xb8;
	[tilespmem:$0xF080] =	vst v63  }
0xbb: {  	_ =	swait.ge [sflag:s22], $0x6800  }
0xbc: {  	[sflag:s22] =	ssyncset.done $0x0  }
0xbd: {  	s8 =	simm.s32 $0x0;
	[sflag:s22] =	ssyncadd.s32 $0xFFFF9800  }
0xbe: {  	[hbm4b:s18+s8] =	stream.linear.scatter [tilespmem:s31], [sflag:$0x6], $0x6800, $0x38;
	[tilespmem:$0xF080] =	vst v63  }
0xbf: {  	_ =	swait.ge [sflag:s29], $0x680  }
0xc0: {  	[sflag:s29] =	ssyncset.done $0x0  }
0xc1: {  	[sflag:s29] =	ssyncadd.s32 $0xFFFFF980  }
0xc2: {  	_ =	swait.ge [sflag:s3], $0x6800  }
0xc3: {  	[sflag:s3] =	ssyncset.done $0x0  }
0xc4: {  	s6 =	simm.s32 $0x0;
	[sflag:s3] =	ssyncadd.s32 $0xFFFF9800  }
0xc5: {  	v0 =	vld [tilespmem:s6+$0x680]  }
0xc6: {  	s7 =	simm.s32 $0x40;
	v1 =	vld [tilespmem:s6+$0xEA00]  }
.LBB2_16:
0xc7: {  	p0 =	sne.s32 s7, $0x19C0  }
.Ltmp7:
0xc8: {  	_ = 	snop;
	(pc) =	sbr.rel @p0 .LBB2_16-.Ltmp7, $4  }
0xc9: {  	_ = 	snop  }
0xca: {  	s8 =	sshra.s32 s7, $0x2  }
0xcb: {  	s7 =	sadd.s32 $0x40, s7;
	v2 =	vadd.s32 v0, v1;
	v0 =	vld [tilespmem:s8+$0x680]  }
0xcc: {  	v1 =	vld [tilespmem:s8+$0xEA00];
	[tilespmem:s6+$0x1380] =	vst v2;
	s6 =	smov.u32 s8  }
0xcd: {  	_ =	sdelay $0x3  }
0xce: {  	v0 =	vadd.s32 v0, v1  }
0xcf: {  	[tilespmem:s6+$0x1380] =	vst v0  }
0xd0: {  	[tilespmem:s31], [sflag:$0x4] =	stream.indirect.gather [hbm4b:s4+s24], $0x10, s30, s24, $0xb8;
	[tilespmem:$0xF080] =	vst v63  }
0xd1: {  	_ =	swait.ge [sflag:s0], $0x6800  }
0xd2: {  	[sflag:s0] =	ssyncset.done $0x0  }
0xd3: {  	[sflag:s0] =	ssyncadd.s32 $0xFFFF9800  }
0xd4: {  	[hbm4b:s19+s2] =	stream.linear.scatter [tilespmem:s28], [sflag:$0x5], $0x6800, $0x38;
	[tilespmem:$0xF080] =	vst v63  }
0xd5: {  	_ =	swait.ge [sflag:s22], $0x6800  }
0xd6: {  	[sflag:s22] =	ssyncset.done $0x0  }
0xd7: {  	s5 =	sadd.s32 $0x1, s5;
	[sflag:s22] =	ssyncadd.s32 $0xFFFF9800  }
0xd8: {  	[hbm4b:s20+s2] =	stream.linear.scatter [tilespmem:s31], [sflag:$0x6], $0x6800, $0x38;
	[tilespmem:$0xF080] =	vst v63  }
0xd9: {  	p0 =	sne.s32 s5, s21;
	_ =	swait.ge [sflag:s1], $0x6800  }
.Ltmp8:
0xda: {  	[sflag:s1] =	ssyncset.done $0x0;
	(pc) =	sbr.rel @p0 .LBB2_1-.Ltmp8, $4  }
0xdb: {  	[sflag:s1] =	ssyncadd.s32 $0xFFFF9800  }
0xdc: {  	_ =	swait.ge [sflag:s3], $0x6800  }
0xdd: {  	[sflag:s3] =	ssyncset.done $0x0  }
0xde: {  	[sflag:s3] =	ssyncadd.s32 $0xFFFF9800  }
0xdf: {  	_ =	sfence.sel $0x180000  }
0xe0: {  	[bflag:$0x0] =	sbarrier.arrive $0xFFFF  }
0xe1: {  	_ =	strace $0x9000004A  }
0xe2: {  	s0 =	stileid.u32;
	[bflag:$0x2] =	sbarrier.arrive $0xFFFF  }
0xe3: {  	p0 =	sne.s32 s0, $0x0;
	s0 =	rddreg [dreg:$0x2]  }
0xe4: {  	s0 =	sadd.s32 @!p0 $0x100000, s0  }
0xe5: {  	[sflag:s0] =	ssyncadd.tile.s32 @!p0 $0x1;
	_ =	shalt  }
.Lfunc_end2:
_tile_overlayer_lowered:
.L_overlay_start_2:
0xe6: {  	(tag) =	ssettag $0x2  }
0xe7: {  	s0 =	rddreg [dreg:$0x0];
	s2 =	stileid.u32  }
0xe8: {  	s1 =	rddreg [dreg:$0x1];
	p0 =	sne.s32 s2, $0x0  }
0xe9: {  	s3 =	rddreg [dreg:$0x2];
	[bflag:$0x3] =	sbarrier.arrive $0xFFFF;
	s2 =	simm.s32 @!p0 $0x1C07  }
0xea: {  	[timem:s3], [sflag:s2] =	dma.local @!p0 [hbm:s0], s1  }
0xeb: {  	s0 =	simm.s32 @!p0 $0x7  }
0xec: {  	_ =	swait.ge @!p0 [sflag:s0], s1  }
0xed: {  	s1 =	ssub.s32 @!p0 $0x0, s1;
	[sflag:s0] =	ssyncset.done @!p0 $0x0  }
0xee: {  	[sflag:s0] =	ssyncadd.s32 @!p0 s1  }
0xef: {  	[bflag:$0x3] =	sbarrier.arrive $0xFFFF  }
0xf0: {  	_ =	shalt  }

</sc_bundles>
